<compile_context>
chip_gen: v7x
topology: tpu7x:2x2x1
jax: 0.10.2.dev20260603
libtpu: 0.0.44.dev20260713+nightly
codegen_flags: <defaults>
</compile_context>

<pallas_src>
import functools

import jax
import jax.numpy as jnp
from jax import lax
from jax.experimental import pallas as pl
from jax.experimental.pallas import tpu as pltpu, tpu_sc as plsc

B, S, D = 1, 2048, 768
E, F, K = 64, 384, 8
T = B * S
TM = 512
NT = T * K // TM + E
NTP = 256
NS = NT * TM
CH = 256
A = T * K
NW = 32
APW = A // NW
GC = 128
NCH = APW // GC
HD = D // 2
DW = HD

_mesh = plsc.VectorSubcoreMesh(core_axis_name="c", subcore_axis_name="s")


def _wid():
    return lax.axis_index("s") * 2 + lax.axis_index("c")


def _pack16(lo_bf16, hi_bf16):
    lo = jax.lax.bitcast_convert_type(lo_bf16, jnp.int16).astype(jnp.int32)
    hi = jax.lax.bitcast_convert_type(hi_bf16, jnp.int16).astype(jnp.int32)
    return (lo & 0xFFFF) | (hi << 16)


def _unpack16(v):
    lo_f = jax.lax.bitcast_convert_type(v << 16, jnp.float32)
    hi_f = jax.lax.bitcast_convert_type(v & jnp.int32(-65536), jnp.float32)
    return lo_f, hi_f



def _router_meta_kernel(x_ref, wg_ref, scores_ref, pos_ref, gid_ref, nt_ref,
                        xi_ref, m_ref, r_ref):
    xf = x_ref[...]
    xi_ref[...] = _pack16(xf[:, :HD].astype(jnp.bfloat16),
                          xf[:, HD:].astype(jnp.bfloat16))
    logits = jax.lax.dot_general(
        xf, wg_ref[...], (((1,), (1,)), ((), ())),
        preferred_element_type=jnp.float32)
    mx = jnp.max(logits, axis=-1, keepdims=True)
    ex = jnp.exp(logits - mx)
    probs = ex / jnp.sum(ex, axis=-1, keepdims=True)

    lane = jax.lax.broadcasted_iota(jnp.int32, (T, E), 1)
    cur = probs
    sel_any = jnp.zeros((T, E), dtype=jnp.float32)
    eidx_cols = []
    score_cols = []
    for _ in range(K):
        m = jnp.max(cur, axis=-1, keepdims=True)
        is_max = cur == m
        first = jnp.min(jnp.where(is_max, lane, E), axis=-1, keepdims=True)
        sel = lane == first
        eidx_cols.append(first)
        score_cols.append(
            jnp.sum(jnp.where(sel, probs, 0.0), axis=-1, keepdims=True))
        sel_any = jnp.where(sel, 1.0, sel_any)
        cur = jnp.where(sel, -jnp.inf, cur)
    eidx = jnp.concatenate(eidx_cols, axis=1)
    sc = jnp.concatenate(score_cols, axis=1)
    scores_ref[...] = sc / jnp.sum(sc, axis=1, keepdims=True)

    m_ref[...] = sel_any
    row = jax.lax.broadcasted_iota(jnp.int32, (CH, CH), 0)
    col = jax.lax.broadcasted_iota(jnp.int32, (CH, CH), 1)
    tril_s = jnp.where(col < row, 1.0, 0.0)

    def body(k, base):
        mc = m_ref[pl.ds(k * CH, CH), :]
        rc = jax.lax.dot_general(
            tril_s, mc, (((1,), (0,)), ((), ())),
            preferred_element_type=jnp.float32) + base
        r_ref[pl.ds(k * CH, CH), :] = rc
        return base + jnp.sum(mc, axis=0, keepdims=True)

    counts = jax.lax.fori_loop(0, T // CH, body, jnp.zeros((1, E), jnp.float32))

    tcnt = jnp.ceil(counts / TM)
    er = jax.lax.broadcasted_iota(jnp.int32, (E, E), 0)
    ec = jax.lax.broadcasted_iota(jnp.int32, (E, E), 1)
    upper_s = jnp.where(er < ec, 1.0, 0.0)
    ts_row = jax.lax.dot_general(
        tcnt, upper_s, (((1,), (0,)), ((), ())),
        preferred_element_type=jnp.float32)
    nt_ref[...] = jnp.sum(tcnt, axis=1, keepdims=True).astype(jnp.int32)

    lower_s = jnp.where(er > ec, 1.0, 0.0)
    ts_col = jax.lax.dot_general(
        lower_s, tcnt, (((1,), (1,)), ((), ())),
        preferred_element_type=jnp.float32)
    ti = jax.lax.broadcasted_iota(jnp.int32, (E, NTP), 1)
    cmp = jnp.where(ti >= ts_col.astype(jnp.int32), 1.0, 0.0)
    gid = jax.lax.dot_general(
        jnp.ones((1, E), jnp.float32), cmp, (((1,), (0,)), ((), ())),
        preferred_element_type=jnp.float32) - 1.0
    gid_ref[...] = jnp.clip(gid, 0.0, E - 1).astype(jnp.int32)

    rmat = r_ref[...]
    base_row = ts_row * TM
    for k in range(K):
        sel = lane == eidx[:, k:k + 1]
        posk = jnp.sum(jnp.where(sel, base_row + rmat, 0.0),
                       axis=1, keepdims=True)
        pos_ref[:, k:k + 1] = posk.astype(jnp.int32)


def _router_meta(x, Wg):
    return pl.pallas_call(
        _router_meta_kernel,
        out_shape=(
            jax.ShapeDtypeStruct((T, K), jnp.float32),
            jax.ShapeDtypeStruct((T, K), jnp.int32),
            jax.ShapeDtypeStruct((1, NTP), jnp.int32),
            jax.ShapeDtypeStruct((1, 1), jnp.int32),
            jax.ShapeDtypeStruct((T, DW), jnp.int32),
        ),
        scratch_shapes=[
            pltpu.VMEM((T, E), jnp.float32),
            pltpu.VMEM((T, E), jnp.float32),
        ],
    )(x, Wg)



@functools.partial(
    pl.kernel, mesh=_mesh,
    out_type=jax.ShapeDtypeStruct((NS, DW), jnp.int32),
    scratch_types=[
        pltpu.VMEM((NCH, GC), jnp.int32),
        pltpu.VMEM((APW,), jnp.int32),
        pltpu.VMEM((2, GC, DW), jnp.int32),
        pltpu.SemaphoreType.DMA,
        pltpu.SemaphoreType.DMA,
    ],
)
def _sc_dispatch(pos_hbm, x_hbm, xs_hbm, pos_v, tik_v, buf, gsem, ssem):
    base = _wid() * APW
    for c in range(NCH):
        pltpu.sync_copy(pos_hbm.at[pl.ds(base + c * GC, GC)], pos_v.at[c])
    for q in range(APW // 16):
        v = lax.broadcasted_iota(jnp.int32, (16,), 0)
        tik_v[pl.ds(q * 16, 16)] = (v + (base + q * 16)) >> 3

    def gather(c):
        return pltpu.async_copy(
            x_hbm.at[tik_v.at[pl.ds(c * GC, GC)]], buf.at[c % 2], gsem)

    def scatter(c):
        return pltpu.async_copy(
            buf.at[c % 2], xs_hbm.at[pos_v.at[c]], ssem)

    gather(0)
    for c in range(NCH):
        pltpu.make_async_copy(
            x_hbm.at[tik_v.at[pl.ds(c * GC, GC)]], buf.at[c % 2], gsem).wait()
        scatter(c)
        if c + 1 < NCH:
            if c >= 1:
                pltpu.make_async_copy(
                    buf.at[(c - 1) % 2], xs_hbm.at[pos_v.at[c - 1]],
                    ssem).wait()
            gather(c + 1)
    for c in range(NCH - 2, NCH):
        pltpu.make_async_copy(
            buf.at[c % 2], xs_hbm.at[pos_v.at[c]], ssem).wait()



def _ffn_kernel(gid_ref, nt_ref, xs_ref, w1_ref, w3_ref, w2_ref, ys_ref):
    i = pl.program_id(0)

    @pl.when(i < nt_ref[0])
    def _():
        lo_f, hi_f = _unpack16(xs_ref[...])
        xlo = lo_f.astype(jnp.bfloat16)
        xhi = hi_f.astype(jnp.bfloat16)

        def dot2(w_ref):
            return (jax.lax.dot_general(
                        xlo, w_ref[0, :HD, :].astype(jnp.bfloat16),
                        (((1,), (0,)), ((), ())),
                        preferred_element_type=jnp.float32)
                    + jax.lax.dot_general(
                        xhi, w_ref[0, HD:, :].astype(jnp.bfloat16),
                        (((1,), (0,)), ((), ())),
                        preferred_element_type=jnp.float32))

        h1 = dot2(w1_ref)
        h3 = dot2(w3_ref)
        h = (h1 * jax.lax.logistic(h1) * h3).astype(jnp.bfloat16)
        y = jax.lax.dot_general(
            h, w2_ref[0].astype(jnp.bfloat16), (((1,), (0,)), ((), ())),
            preferred_element_type=jnp.float32)
        ys_ref[...] = _pack16(y[:, :HD].astype(jnp.bfloat16),
                              y[:, HD:].astype(jnp.bfloat16))


def _grouped_ffn(xs, W1b, W3b, W2b, gid, nt):
    grid_spec = pltpu.PrefetchScalarGridSpec(
        num_scalar_prefetch=2,
        grid=(NT,),
        in_specs=[
            pl.BlockSpec((TM, DW), lambda i, g, n: (i, 0)),
            pl.BlockSpec((1, D, F), lambda i, g, n: (g[i], 0, 0)),
            pl.BlockSpec((1, D, F), lambda i, g, n: (g[i], 0, 0)),
            pl.BlockSpec((1, F, D), lambda i, g, n: (g[i], 0, 0)),
        ],
        out_specs=pl.BlockSpec((TM, DW), lambda i, g, n: (i, 0)),
    )
    return pl.pallas_call(
        _ffn_kernel,
        grid_spec=grid_spec,
        out_shape=jax.ShapeDtypeStruct((NS, DW), jnp.int32),
        compiler_params=pltpu.CompilerParams(
            dimension_semantics=("arbitrary",),
        ),
    )(gid, nt, xs, W1b, W3b, W2b)



@functools.partial(
    pl.kernel, mesh=_mesh,
    out_type=jax.ShapeDtypeStruct((A, DW), jnp.int32),
    scratch_types=[
        pltpu.VMEM((APW,), jnp.int32),
        pltpu.VMEM((2, GC, DW), jnp.int32),
        pltpu.SemaphoreType.DMA,
        pltpu.SemaphoreType.DMA,
    ],
)
def _sc_gather_back(pos_hbm, ys_hbm, yg_hbm, pos_v, buf, gsem, wsem):
    base = _wid() * APW
    pltpu.sync_copy(pos_hbm.at[pl.ds(base, APW)], pos_v)

    def gather(c):
        return pltpu.async_copy(
            ys_hbm.at[pos_v.at[pl.ds(c * GC, GC)]], buf.at[c % 2], gsem)

    def wout(c):
        return pltpu.async_copy(
            buf.at[c % 2], yg_hbm.at[pl.ds(base + c * GC, GC)], wsem)

    gather(0)
    for c in range(NCH):
        pltpu.make_async_copy(
            ys_hbm.at[pos_v.at[pl.ds(c * GC, GC)]], buf.at[c % 2], gsem).wait()
        wout(c)
        if c + 1 < NCH:
            if c >= 1:
                pltpu.make_async_copy(
                    buf.at[(c - 1) % 2],
                    yg_hbm.at[pl.ds(base + (c - 1) * GC, GC)], wsem).wait()
            gather(c + 1)
    for c in range(NCH - 2, NCH):
        pltpu.make_async_copy(
            buf.at[c % 2], yg_hbm.at[pl.ds(base + c * GC, GC)], wsem).wait()



def _combine_kernel(yg_ref, sc_ref, out_ref):
    lo_f, hi_f = _unpack16(yg_ref[:, 0:DW])
    acc_lo = sc_ref[:, 0:1] * lo_f
    acc_hi = sc_ref[:, 0:1] * hi_f
    for k in range(1, K):
        lo_f, hi_f = _unpack16(yg_ref[:, k * DW:(k + 1) * DW])
        acc_lo = acc_lo + sc_ref[:, k:k + 1] * lo_f
        acc_hi = acc_hi + sc_ref[:, k:k + 1] * hi_f
    out_ref[:, :HD] = acc_lo
    out_ref[:, HD:] = acc_hi


def _combine(yg, scores):
    CB = 256
    return pl.pallas_call(
        _combine_kernel,
        grid=(T // CB,),
        in_specs=[
            pl.BlockSpec((CB, K * DW), lambda i: (i, 0)),
            pl.BlockSpec((CB, K), lambda i: (i, 0)),
        ],
        out_specs=pl.BlockSpec((CB, D), lambda i: (i, 0)),
        out_shape=jax.ShapeDtypeStruct((T, D), jnp.float32),
    )(yg, scores)


def kernel(hidden_states, Wg, W1, W3, W2):
    old_shape = hidden_states.shape
    x = hidden_states.reshape(-1, old_shape[-1])

    scores, pos, gid, nt, xi = _router_meta(x, Wg)
    gid = gid.reshape(NTP)
    nt = nt.reshape(1)
    pos_flat = pos.reshape(A)

    xs = _sc_dispatch(pos_flat, xi)
    ys = _grouped_ffn(xs, W1, W3, W2, gid, nt)
    yg = _sc_gather_back(pos_flat, ys)
    out = _combine(yg.reshape(T, K * DW), scores)
    return out.reshape(old_shape)

# --- scband reference (transcript-rebuilt; emitter-appended) ---
"""Pipeline reference for scband-mo-elayer-34007551050241 (READ-ONLY COPY).

The authoritative reference and input builder live on the scoring server;
editing this copy changes nothing except your own understanding.
"""

import jax, jax.numpy as jnp
import numpy as np

B, S, D = 1, 2048, 768
E, F, K = 64, 384, 8


def setup_inputs(seed: int = 0) -> dict:
    key = jax.random.key(seed)
    k0, k1, k2, k3, k4 = jax.random.split(key, 5)
    hidden_states = jax.random.normal(k0, (B, S, D), dtype=jnp.float32)
    # Router gate weight (nn.Linear(dim, num_experts, bias=False) layout: [E, D])
    Wg = jax.random.normal(k1, (E, D), dtype=jnp.float32) * 0.02
    # Grouped SwiGLU expert weights
    W1 = jax.random.normal(k2, (E, D, F), dtype=jnp.float32) * 0.02  # gate proj
    W3 = jax.random.normal(k3, (E, D, F), dtype=jnp.float32) * 0.02  # up proj
    W2 = jax.random.normal(k4, (E, F, D), dtype=jnp.float32) * 0.02  # down proj
    return {"hidden_states": hidden_states, "Wg": Wg, "W1": W1, "W3": W3, "W2": W2}


def reference(hidden_states, Wg, W1, W3, W2):
    old_shape = hidden_states.shape
    x = hidden_states.reshape(-1, old_shape[-1])  # [T, D]
    T = x.shape[0]
    # ---- TopKRouter ----
    logits = x @ Wg.T                              # [T, E]
    probs = jax.nn.softmax(logits, axis=-1)       # softmax over all experts
    scores, expert_indices = jax.lax.top_k(probs, K)  # [T, K]
    # renormalize_probabilities=True
    scores = scores / jnp.sum(scores, axis=-1, keepdims=True)
    # ---- dispatch/combine as dense combine-weight matrix (NoCommunicationHandler) ----
    combine = jnp.zeros((T, E), dtype=x.dtype).at[
        jnp.arange(T)[:, None], expert_indices
    ].add(scores)                                  # [T, E]
    # ---- GroupedSwiGLU experts ----
    h1 = jnp.einsum('td,edf->etf', x, W1)          # [E, T, F]
    h3 = jnp.einsum('td,edf->etf', x, W3)          # [E, T, F]
    h = jax.nn.silu(h1) * h3                       # SwiGLU activation
    y = jnp.einsum('etf,efd->etd', h, W2)          # [E, T, D]
    # weighted combine over selected experts
    out = jnp.einsum('te,etd->td', combine, y)     # [T, D]
    return out.reshape(old_shape)

if __name__ == "__main__":
    import jax
    _d = setup_inputs()
    print(jax.jit(kernel)(*tuple(_d.values())))

</pallas_src>

<mosaic_0001>
#map = affine_map<(d0, d1) -> (0)>
#map1 = affine_map<(d0, d1) -> (0, 0)>
module attributes {stable_mosaic.version = 14 : i64} {
  func.func @_sc_dispatch(%arg0: i32, %arg1: i32, %arg2: memref<16384xi32, #tpu.memory_space<hbm>>, %arg3: memref<2048x384xi32, #tpu.memory_space<hbm>>, %arg4: memref<49152x384xi32, #tpu.memory_space<hbm>>, %arg5: memref<4x128xi32, #tpu.memory_space<vmem>>, %arg6: memref<512xi32, #tpu.memory_space<vmem>>, %arg7: memref<2x128x384xi32, #tpu.memory_space<vmem>>, %arg8: memref<!tpu.dma_semaphore, #tpu.memory_space<semaphore_mem>>, %arg9: memref<!tpu.dma_semaphore, #tpu.memory_space<semaphore_mem>>) attributes {dimension_semantics = [#tpu.dimension_semantics<core_parallel>, #tpu.dimension_semantics<subcore_parallel>], iteration_bounds = array<i64: 2, 16>, scalar_prefetch = 0 : i64, scratch_operands = 5 : i64, tpu.core_type = #tpu.core_type<sc_vector_subcore>, window_params = [{transform_indices = #map}, {transform_indices = #map1}, {transform_indices = #map1}]} {
    %mul3A = arith.constant 2 : i32
    %mul3A_0 = arith.muli %arg1, %mul3A : i32
    %add3A = arith.addi %mul3A_0, %arg0 : i32
    %mul3A_1 = arith.constant 512 : i32
    %mul3A_2 = arith.muli %add3A, %mul3A_1 : i32
    %add3A_3 = arith.constant 0 : i32
    %add3A_4 = arith.addi %mul3A_2, %add3A_3 : i32
    %run_scoped3A = arith.constant 0 : i32
    "tpu.region"() ({
      %run_scoped3A_569 = tpu.sem_alloc : memref<!tpu.dma_semaphore, #tpu.memory_space<semaphore_mem>>
      %dma_start3A_570 = arith.constant 0 : i32
      %dma_start3A_571 = tpu.memref_slice %arg5[%run_scoped3A, %dma_start3A_570] : memref<4x128xi32, #tpu.memory_space<vmem>> -> memref<1x128xi32, #tpu.memory_space<vmem>>
      %dma_start3A_572 = tpu.memref_squeeze %dma_start3A_571 : memref<1x128xi32, #tpu.memory_space<vmem>> -> memref<128xi32, #tpu.memory_space<vmem>>
      %dma_start3A_573 = tpu.memref_slice %arg2[%add3A_4] : memref<16384xi32, #tpu.memory_space<hbm>> -> memref<128xi32, #tpu.memory_space<hbm>>
      %dma_start3A_574 = arith.constant 0 : i32
      %dma_start3A_575 = tpu.memref_slice %arg5[%run_scoped3A, %dma_start3A_574] : memref<4x128xi32, #tpu.memory_space<vmem>> -> memref<1x128xi32, #tpu.memory_space<vmem>>
      %dma_start3A_576 = tpu.memref_squeeze %dma_start3A_575 : memref<1x128xi32, #tpu.memory_space<vmem>> -> memref<128xi32, #tpu.memory_space<vmem>>
      %dma_start3A_577 = tpu.memref_slice %arg2[%add3A_4] : memref<16384xi32, #tpu.memory_space<hbm>> -> memref<128xi32, #tpu.memory_space<hbm>>
      tpu.enqueue_dma source(%dma_start3A_577 : memref<128xi32, #tpu.memory_space<hbm>>) target(%dma_start3A_576 : memref<128xi32, #tpu.memory_space<vmem>>) target_semaphore(%run_scoped3A_569 : memref<!tpu.dma_semaphore, #tpu.memory_space<semaphore_mem>>)
      %dma_wait3A_578 = arith.constant 0 : i32
      %dma_wait3A_579 = tpu.memref_slice %arg5[%run_scoped3A, %dma_wait3A_578] : memref<4x128xi32, #tpu.memory_space<vmem>> -> memref<1x128xi32, #tpu.memory_space<vmem>>
      %dma_wait3A_580 = tpu.memref_squeeze %dma_wait3A_579 : memref<1x128xi32, #tpu.memory_space<vmem>> -> memref<128xi32, #tpu.memory_space<vmem>>
      %dma_wait3A_581 = tpu.memref_slice %arg2[%add3A_4] : memref<16384xi32, #tpu.memory_space<hbm>> -> memref<128xi32, #tpu.memory_space<hbm>>
      %dma_wait3A_582 = arith.constant 0 : i32
      %dma_wait3A_583 = tpu.memref_slice %arg5[%run_scoped3A, %dma_wait3A_582] : memref<4x128xi32, #tpu.memory_space<vmem>> -> memref<1x128xi32, #tpu.memory_space<vmem>>
      %dma_wait3A_584 = tpu.memref_squeeze %dma_wait3A_583 : memref<1x128xi32, #tpu.memory_space<vmem>> -> memref<128xi32, #tpu.memory_space<vmem>>
      %dma_wait3A_585 = tpu.memref_slice %arg2[%add3A_4] : memref<16384xi32, #tpu.memory_space<hbm>> -> memref<128xi32, #tpu.memory_space<hbm>>
      tpu.wait_dma2 semaphore(%run_scoped3A_569 : memref<!tpu.dma_semaphore, #tpu.memory_space<semaphore_mem>>) src(%dma_wait3A_585 : memref<128xi32, #tpu.memory_space<hbm>>) dst(%dma_wait3A_584 : memref<128xi32, #tpu.memory_space<vmem>>)
      tpu.yield
    }) : () -> ()
    %add3A_5 = arith.constant 128 : i32
    %add3A_6 = arith.addi %mul3A_2, %add3A_5 : i32
    %run_scoped3A_7 = arith.constant 1 : i32
    "tpu.region"() ({
      %run_scoped3A_569 = tpu.sem_alloc : memref<!tpu.dma_semaphore, #tpu.memory_space<semaphore_mem>>
      %dma_start3A_570 = arith.constant 0 : i32
      %dma_start3A_571 = tpu.memref_slice %arg5[%run_scoped3A_7, %dma_start3A_570] : memref<4x128xi32, #tpu.memory_space<vmem>> -> memref<1x128xi32, #tpu.memory_space<vmem>>
      %dma_start3A_572 = tpu.memref_squeeze %dma_start3A_571 : memref<1x128xi32, #tpu.memory_space<vmem>> -> memref<128xi32, #tpu.memory_space<vmem>>
      %dma_start3A_573 = tpu.memref_slice %arg2[%add3A_6] : memref<16384xi32, #tpu.memory_space<hbm>> -> memref<128xi32, #tpu.memory_space<hbm>>
      %dma_start3A_574 = arith.constant 0 : i32
      %dma_start3A_575 = tpu.memref_slice %arg5[%run_scoped3A_7, %dma_start3A_574] : memref<4x128xi32, #tpu.memory_space<vmem>> -> memref<1x128xi32, #tpu.memory_space<vmem>>
      %dma_start3A_576 = tpu.memref_squeeze %dma_start3A_575 : memref<1x128xi32, #tpu.memory_space<vmem>> -> memref<128xi32, #tpu.memory_space<vmem>>
      %dma_start3A_577 = tpu.memref_slice %arg2[%add3A_6] : memref<16384xi32, #tpu.memory_space<hbm>> -> memref<128xi32, #tpu.memory_space<hbm>>
      tpu.enqueue_dma source(%dma_start3A_577 : memref<128xi32, #tpu.memory_space<hbm>>) target(%dma_start3A_576 : memref<128xi32, #tpu.memory_space<vmem>>) target_semaphore(%run_scoped3A_569 : memref<!tpu.dma_semaphore, #tpu.memory_space<semaphore_mem>>)
      %dma_wait3A_578 = arith.constant 0 : i32
      %dma_wait3A_579 = tpu.memref_slice %arg5[%run_scoped3A_7, %dma_wait3A_578] : memref<4x128xi32, #tpu.memory_space<vmem>> -> memref<1x128xi32, #tpu.memory_space<vmem>>
      %dma_wait3A_580 = tpu.memref_squeeze %dma_wait3A_579 : memref<1x128xi32, #tpu.memory_space<vmem>> -> memref<128xi32, #tpu.memory_space<vmem>>
      %dma_wait3A_581 = tpu.memref_slice %arg2[%add3A_6] : memref<16384xi32, #tpu.memory_space<hbm>> -> memref<128xi32, #tpu.memory_space<hbm>>
      %dma_wait3A_582 = arith.constant 0 : i32
      %dma_wait3A_583 = tpu.memref_slice %arg5[%run_scoped3A_7, %dma_wait3A_582] : memref<4x128xi32, #tpu.memory_space<vmem>> -> memref<1x128xi32, #tpu.memory_space<vmem>>
      %dma_wait3A_584 = tpu.memref_squeeze %dma_wait3A_583 : memref<1x128xi32, #tpu.memory_space<vmem>> -> memref<128xi32, #tpu.memory_space<vmem>>
      %dma_wait3A_585 = tpu.memref_slice %arg2[%add3A_6] : memref<16384xi32, #tpu.memory_space<hbm>> -> memref<128xi32, #tpu.memory_space<hbm>>
      tpu.wait_dma2 semaphore(%run_scoped3A_569 : memref<!tpu.dma_semaphore, #tpu.memory_space<semaphore_mem>>) src(%dma_wait3A_585 : memref<128xi32, #tpu.memory_space<hbm>>) dst(%dma_wait3A_584 : memref<128xi32, #tpu.memory_space<vmem>>)
      tpu.yield
    }) : () -> ()
    %add3A_8 = arith.constant 256 : i32
    %add3A_9 = arith.addi %mul3A_2, %add3A_8 : i32
    %run_scoped3A_10 = arith.constant 2 : i32
    "tpu.region"() ({
      %run_scoped3A_569 = tpu.sem_alloc : memref<!tpu.dma_semaphore, #tpu.memory_space<semaphore_mem>>
      %dma_start3A_570 = arith.constant 0 : i32
      %dma_start3A_571 = tpu.memref_slice %arg5[%run_scoped3A_10, %dma_start3A_570] : memref<4x128xi32, #tpu.memory_space<vmem>> -> memref<1x128xi32, #tpu.memory_space<vmem>>
      %dma_start3A_572 = tpu.memref_squeeze %dma_start3A_571 : memref<1x128xi32, #tpu.memory_space<vmem>> -> memref<128xi32, #tpu.memory_space<vmem>>
      %dma_start3A_573 = tpu.memref_slice %arg2[%add3A_9] : memref<16384xi32, #tpu.memory_space<hbm>> -> memref<128xi32, #tpu.memory_space<hbm>>
      %dma_start3A_574 = arith.constant 0 : i32
      %dma_start3A_575 = tpu.memref_slice %arg5[%run_scoped3A_10, %dma_start3A_574] : memref<4x128xi32, #tpu.memory_space<vmem>> -> memref<1x128xi32, #tpu.memory_space<vmem>>
      %dma_start3A_576 = tpu.memref_squeeze %dma_start3A_575 : memref<1x128xi32, #tpu.memory_space<vmem>> -> memref<128xi32, #tpu.memory_space<vmem>>
      %dma_start3A_577 = tpu.memref_slice %arg2[%add3A_9] : memref<16384xi32, #tpu.memory_space<hbm>> -> memref<128xi32, #tpu.memory_space<hbm>>
      tpu.enqueue_dma source(%dma_start3A_577 : memref<128xi32, #tpu.memory_space<hbm>>) target(%dma_start3A_576 : memref<128xi32, #tpu.memory_space<vmem>>) target_semaphore(%run_scoped3A_569 : memref<!tpu.dma_semaphore, #tpu.memory_space<semaphore_mem>>)
      %dma_wait3A_578 = arith.constant 0 : i32
      %dma_wait3A_579 = tpu.memref_slice %arg5[%run_scoped3A_10, %dma_wait3A_578] : memref<4x128xi32, #tpu.memory_space<vmem>> -> memref<1x128xi32, #tpu.memory_space<vmem>>
      %dma_wait3A_580 = tpu.memref_squeeze %dma_wait3A_579 : memref<1x128xi32, #tpu.memory_space<vmem>> -> memref<128xi32, #tpu.memory_space<vmem>>
      %dma_wait3A_581 = tpu.memref_slice %arg2[%add3A_9] : memref<16384xi32, #tpu.memory_space<hbm>> -> memref<128xi32, #tpu.memory_space<hbm>>
      %dma_wait3A_582 = arith.constant 0 : i32
      %dma_wait3A_583 = tpu.memref_slice %arg5[%run_scoped3A_10, %dma_wait3A_582] : memref<4x128xi32, #tpu.memory_space<vmem>> -> memref<1x128xi32, #tpu.memory_space<vmem>>
      %dma_wait3A_584 = tpu.memref_squeeze %dma_wait3A_583 : memref<1x128xi32, #tpu.memory_space<vmem>> -> memref<128xi32, #tpu.memory_space<vmem>>
      %dma_wait3A_585 = tpu.memref_slice %arg2[%add3A_9] : memref<16384xi32, #tpu.memory_space<hbm>> -> memref<128xi32, #tpu.memory_space<hbm>>
      tpu.wait_dma2 semaphore(%run_scoped3A_569 : memref<!tpu.dma_semaphore, #tpu.memory_space<semaphore_mem>>) src(%dma_wait3A_585 : memref<128xi32, #tpu.memory_space<hbm>>) dst(%dma_wait3A_584 : memref<128xi32, #tpu.memory_space<vmem>>)
      tpu.yield
    }) : () -> ()
    %add3A_11 = arith.constant 384 : i32
    %add3A_12 = arith.addi %mul3A_2, %add3A_11 : i32
    %run_scoped3A_13 = arith.constant 3 : i32
    "tpu.region"() ({
      %run_scoped3A_569 = tpu.sem_alloc : memref<!tpu.dma_semaphore, #tpu.memory_space<semaphore_mem>>
      %dma_start3A_570 = arith.constant 0 : i32
      %dma_start3A_571 = tpu.memref_slice %arg5[%run_scoped3A_13, %dma_start3A_570] : memref<4x128xi32, #tpu.memory_space<vmem>> -> memref<1x128xi32, #tpu.memory_space<vmem>>
      %dma_start3A_572 = tpu.memref_squeeze %dma_start3A_571 : memref<1x128xi32, #tpu.memory_space<vmem>> -> memref<128xi32, #tpu.memory_space<vmem>>
      %dma_start3A_573 = tpu.memref_slice %arg2[%add3A_12] : memref<16384xi32, #tpu.memory_space<hbm>> -> memref<128xi32, #tpu.memory_space<hbm>>
      %dma_start3A_574 = arith.constant 0 : i32
      %dma_start3A_575 = tpu.memref_slice %arg5[%run_scoped3A_13, %dma_start3A_574] : memref<4x128xi32, #tpu.memory_space<vmem>> -> memref<1x128xi32, #tpu.memory_space<vmem>>
      %dma_start3A_576 = tpu.memref_squeeze %dma_start3A_575 : memref<1x128xi32, #tpu.memory_space<vmem>> -> memref<128xi32, #tpu.memory_space<vmem>>
      %dma_start3A_577 = tpu.memref_slice %arg2[%add3A_12] : memref<16384xi32, #tpu.memory_space<hbm>> -> memref<128xi32, #tpu.memory_space<hbm>>
      tpu.enqueue_dma source(%dma_start3A_577 : memref<128xi32, #tpu.memory_space<hbm>>) target(%dma_start3A_576 : memref<128xi32, #tpu.memory_space<vmem>>) target_semaphore(%run_scoped3A_569 : memref<!tpu.dma_semaphore, #tpu.memory_space<semaphore_mem>>)
      %dma_wait3A_578 = arith.constant 0 : i32
      %dma_wait3A_579 = tpu.memref_slice %arg5[%run_scoped3A_13, %dma_wait3A_578] : memref<4x128xi32, #tpu.memory_space<vmem>> -> memref<1x128xi32, #tpu.memory_space<vmem>>
      %dma_wait3A_580 = tpu.memref_squeeze %dma_wait3A_579 : memref<1x128xi32, #tpu.memory_space<vmem>> -> memref<128xi32, #tpu.memory_space<vmem>>
      %dma_wait3A_581 = tpu.memref_slice %arg2[%add3A_12] : memref<16384xi32, #tpu.memory_space<hbm>> -> memref<128xi32, #tpu.memory_space<hbm>>
      %dma_wait3A_582 = arith.constant 0 : i32
      %dma_wait3A_583 = tpu.memref_slice %arg5[%run_scoped3A_13, %dma_wait3A_582] : memref<4x128xi32, #tpu.memory_space<vmem>> -> memref<1x128xi32, #tpu.memory_space<vmem>>
      %dma_wait3A_584 = tpu.memref_squeeze %dma_wait3A_583 : memref<1x128xi32, #tpu.memory_space<vmem>> -> memref<128xi32, #tpu.memory_space<vmem>>
      %dma_wait3A_585 = tpu.memref_slice %arg2[%add3A_12] : memref<16384xi32, #tpu.memory_space<hbm>> -> memref<128xi32, #tpu.memory_space<hbm>>
      tpu.wait_dma2 semaphore(%run_scoped3A_569 : memref<!tpu.dma_semaphore, #tpu.memory_space<semaphore_mem>>) src(%dma_wait3A_585 : memref<128xi32, #tpu.memory_space<hbm>>) dst(%dma_wait3A_584 : memref<128xi32, #tpu.memory_space<vmem>>)
      tpu.yield
    }) : () -> ()
    %iota3A = tpu.iota {dimensions = array<i32: 0>} : vector<16xi32>
    %add3A_14 = arith.constant 0 : i32
    %add3A_15 = arith.addi %mul3A_2, %add3A_14 : i32
    %add3A_16 = vector.broadcast %add3A_15 : i32 to vector<16xi32>
    %add3A_17 = arith.addi %iota3A, %add3A_16 : vector<16xi32>
    %shift_right_arithmetic3A = arith.constant 3 : i32
    %shift_right_arithmetic3A_18 = vector.broadcast %shift_right_arithmetic3A : i32 to vector<16xi32>
    %shift_right_arithmetic3A_19 = arith.shrsi %add3A_17, %shift_right_arithmetic3A_18 : vector<16xi32>
    %swap3A = arith.constant 0 : index
    %swap3A_20 = tpu.vector_load %arg6[%swap3A] {strides = array<i32>} : memref<512xi32, #tpu.memory_space<vmem>>, vector<16xi32>,
    %swap3A_21 = vector.shape_cast %swap3A_20 : vector<16xi32> to vector<16xi32>
    %swap3A_22 = vector.shape_cast %shift_right_arithmetic3A_19 : vector<16xi32> to vector<16xi32>
    tpu.vector_store %arg6[%swap3A], %swap3A_22 {strides = array<i32>} : memref<512xi32, #tpu.memory_space<vmem>>, vector<16xi32>,
    %iota3A_23 = tpu.iota {dimensions = array<i32: 0>} : vector<16xi32>
    %add3A_24 = arith.constant 16 : i32
    %add3A_25 = arith.addi %mul3A_2, %add3A_24 : i32
    %add3A_26 = vector.broadcast %add3A_25 : i32 to vector<16xi32>
    %add3A_27 = arith.addi %iota3A_23, %add3A_26 : vector<16xi32>
    %shift_right_arithmetic3A_28 = arith.constant 3 : i32
    %shift_right_arithmetic3A_29 = vector.broadcast %shift_right_arithmetic3A_28 : i32 to vector<16xi32>
    %shift_right_arithmetic3A_30 = arith.shrsi %add3A_27, %shift_right_arithmetic3A_29 : vector<16xi32>
    %swap3A_31 = arith.constant 16 : index
    %swap3A_32 = tpu.vector_load %arg6[%swap3A_31] {strides = array<i32>} : memref<512xi32, #tpu.memory_space<vmem>>, vector<16xi32>,
    %swap3A_33 = vector.shape_cast %swap3A_32 : vector<16xi32> to vector<16xi32>
    %swap3A_34 = vector.shape_cast %shift_right_arithmetic3A_30 : vector<16xi32> to vector<16xi32>
    tpu.vector_store %arg6[%swap3A_31], %swap3A_34 {strides = array<i32>} : memref<512xi32, #tpu.memory_space<vmem>>, vector<16xi32>,
    %iota3A_35 = tpu.iota {dimensions = array<i32: 0>} : vector<16xi32>
    %add3A_36 = arith.constant 32 : i32
    %add3A_37 = arith.addi %mul3A_2, %add3A_36 : i32
    %add3A_38 = vector.broadcast %add3A_37 : i32 to vector<16xi32>
    %add3A_39 = arith.addi %iota3A_35, %add3A_38 : vector<16xi32>
    %shift_right_arithmetic3A_40 = arith.constant 3 : i32
    %shift_right_arithmetic3A_41 = vector.broadcast %shift_right_arithmetic3A_40 : i32 to vector<16xi32>
    %shift_right_arithmetic3A_42 = arith.shrsi %add3A_39, %shift_right_arithmetic3A_41 : vector<16xi32>
    %swap3A_43 = arith.constant 32 : index
    %swap3A_44 = tpu.vector_load %arg6[%swap3A_43] {strides = array<i32>} : memref<512xi32, #tpu.memory_space<vmem>>, vector<16xi32>,
    %swap3A_45 = vector.shape_cast %swap3A_44 : vector<16xi32> to vector<16xi32>
    %swap3A_46 = vector.shape_cast %shift_right_arithmetic3A_42 : vector<16xi32> to vector<16xi32>
    tpu.vector_store %arg6[%swap3A_43], %swap3A_46 {strides = array<i32>} : memref<512xi32, #tpu.memory_space<vmem>>, vector<16xi32>,
    %iota3A_47 = tpu.iota {dimensions = array<i32: 0>} : vector<16xi32>
    %add3A_48 = arith.constant 48 : i32
    %add3A_49 = arith.addi %mul3A_2, %add3A_48 : i32
    %add3A_50 = vector.broadcast %add3A_49 : i32 to vector<16xi32>
    %add3A_51 = arith.addi %iota3A_47, %add3A_50 : vector<16xi32>
    %shift_right_arithmetic3A_52 = arith.constant 3 : i32
    %shift_right_arithmetic3A_53 = vector.broadcast %shift_right_arithmetic3A_52 : i32 to vector<16xi32>
    %shift_right_arithmetic3A_54 = arith.shrsi %add3A_51, %shift_right_arithmetic3A_53 : vector<16xi32>
    %swap3A_55 = arith.constant 48 : index
    %swap3A_56 = tpu.vector_load %arg6[%swap3A_55] {strides = array<i32>} : memref<512xi32, #tpu.memory_space<vmem>>, vector<16xi32>,
    %swap3A_57 = vector.shape_cast %swap3A_56 : vector<16xi32> to vector<16xi32>
    %swap3A_58 = vector.shape_cast %shift_right_arithmetic3A_54 : vector<16xi32> to vector<16xi32>
    tpu.vector_store %arg6[%swap3A_55], %swap3A_58 {strides = array<i32>} : memref<512xi32, #tpu.memory_space<vmem>>, vector<16xi32>,
    %iota3A_59 = tpu.iota {dimensions = array<i32: 0>} : vector<16xi32>
    %add3A_60 = arith.constant 64 : i32
    %add3A_61 = arith.addi %mul3A_2, %add3A_60 : i32
    %add3A_62 = vector.broadcast %add3A_61 : i32 to vector<16xi32>
    %add3A_63 = arith.addi %iota3A_59, %add3A_62 : vector<16xi32>
    %shift_right_arithmetic3A_64 = arith.constant 3 : i32
    %shift_right_arithmetic3A_65 = vector.broadcast %shift_right_arithmetic3A_64 : i32 to vector<16xi32>
    %shift_right_arithmetic3A_66 = arith.shrsi %add3A_63, %shift_right_arithmetic3A_65 : vector<16xi32>
    %swap3A_67 = arith.constant 64 : index
    %swap3A_68 = tpu.vector_load %arg6[%swap3A_67] {strides = array<i32>} : memref<512xi32, #tpu.memory_space<vmem>>, vector<16xi32>,
    %swap3A_69 = vector.shape_cast %swap3A_68 : vector<16xi32> to vector<16xi32>
    %swap3A_70 = vector.shape_cast %shift_right_arithmetic3A_66 : vector<16xi32> to vector<16xi32>
    tpu.vector_store %arg6[%swap3A_67], %swap3A_70 {strides = array<i32>} : memref<512xi32, #tpu.memory_space<vmem>>, vector<16xi32>,
    %iota3A_71 = tpu.iota {dimensions = array<i32: 0>} : vector<16xi32>
    %add3A_72 = arith.constant 80 : i32
    %add3A_73 = arith.addi %mul3A_2, %add3A_72 : i32
    %add3A_74 = vector.broadcast %add3A_73 : i32 to vector<16xi32>
    %add3A_75 = arith.addi %iota3A_71, %add3A_74 : vector<16xi32>
    %shift_right_arithmetic3A_76 = arith.constant 3 : i32
    %shift_right_arithmetic3A_77 = vector.broadcast %shift_right_arithmetic3A_76 : i32 to vector<16xi32>
    %shift_right_arithmetic3A_78 = arith.shrsi %add3A_75, %shift_right_arithmetic3A_77 : vector<16xi32>
    %swap3A_79 = arith.constant 80 : index
    %swap3A_80 = tpu.vector_load %arg6[%swap3A_79] {strides = array<i32>} : memref<512xi32, #tpu.memory_space<vmem>>, vector<16xi32>,
    %swap3A_81 = vector.shape_cast %swap3A_80 : vector<16xi32> to vector<16xi32>
    %swap3A_82 = vector.shape_cast %shift_right_arithmetic3A_78 : vector<16xi32> to vector<16xi32>
    tpu.vector_store %arg6[%swap3A_79], %swap3A_82 {strides = array<i32>} : memref<512xi32, #tpu.memory_space<vmem>>, vector<16xi32>,
    %iota3A_83 = tpu.iota {dimensions = array<i32: 0>} : vector<16xi32>
    %add3A_84 = arith.constant 96 : i32
    %add3A_85 = arith.addi %mul3A_2, %add3A_84 : i32
    %add3A_86 = vector.broadcast %add3A_85 : i32 to vector<16xi32>
    %add3A_87 = arith.addi %iota3A_83, %add3A_86 : vector<16xi32>
    %shift_right_arithmetic3A_88 = arith.constant 3 : i32
    %shift_right_arithmetic3A_89 = vector.broadcast %shift_right_arithmetic3A_88 : i32 to vector<16xi32>
    %shift_right_arithmetic3A_90 = arith.shrsi %add3A_87, %shift_right_arithmetic3A_89 : vector<16xi32>
    %swap3A_91 = arith.constant 96 : index
    %swap3A_92 = tpu.vector_load %arg6[%swap3A_91] {strides = array<i32>} : memref<512xi32, #tpu.memory_space<vmem>>, vector<16xi32>,
    %swap3A_93 = vector.shape_cast %swap3A_92 : vector<16xi32> to vector<16xi32>
    %swap3A_94 = vector.shape_cast %shift_right_arithmetic3A_90 : vector<16xi32> to vector<16xi32>
    tpu.vector_store %arg6[%swap3A_91], %swap3A_94 {strides = array<i32>} : memref<512xi32, #tpu.memory_space<vmem>>, vector<16xi32>,
    %iota3A_95 = tpu.iota {dimensions = array<i32: 0>} : vector<16xi32>
    %add3A_96 = arith.constant 112 : i32
    %add3A_97 = arith.addi %mul3A_2, %add3A_96 : i32
    %add3A_98 = vector.broadcast %add3A_97 : i32 to vector<16xi32>
    %add3A_99 = arith.addi %iota3A_95, %add3A_98 : vector<16xi32>
    %shift_right_arithmetic3A_100 = arith.constant 3 : i32
    %shift_right_arithmetic3A_101 = vector.broadcast %shift_right_arithmetic3A_100 : i32 to vector<16xi32>
    %shift_right_arithmetic3A_102 = arith.shrsi %add3A_99, %shift_right_arithmetic3A_101 : vector<16xi32>
    %swap3A_103 = arith.constant 112 : index
    %swap3A_104 = tpu.vector_load %arg6[%swap3A_103] {strides = array<i32>} : memref<512xi32, #tpu.memory_space<vmem>>, vector<16xi32>,
    %swap3A_105 = vector.shape_cast %swap3A_104 : vector<16xi32> to vector<16xi32>
    %swap3A_106 = vector.shape_cast %shift_right_arithmetic3A_102 : vector<16xi32> to vector<16xi32>
    tpu.vector_store %arg6[%swap3A_103], %swap3A_106 {strides = array<i32>} : memref<512xi32, #tpu.memory_space<vmem>>, vector<16xi32>,
    %iota3A_107 = tpu.iota {dimensions = array<i32: 0>} : vector<16xi32>
    %add3A_108 = arith.constant 128 : i32
    %add3A_109 = arith.addi %mul3A_2, %add3A_108 : i32
    %add3A_110 = vector.broadcast %add3A_109 : i32 to vector<16xi32>
    %add3A_111 = arith.addi %iota3A_107, %add3A_110 : vector<16xi32>
    %shift_right_arithmetic3A_112 = arith.constant 3 : i32
    %shift_right_arithmetic3A_113 = vector.broadcast %shift_right_arithmetic3A_112 : i32 to vector<16xi32>
    %shift_right_arithmetic3A_114 = arith.shrsi %add3A_111, %shift_right_arithmetic3A_113 : vector<16xi32>
    %swap3A_115 = arith.constant 128 : index
    %swap3A_116 = tpu.vector_load %arg6[%swap3A_115] {strides = array<i32>} : memref<512xi32, #tpu.memory_space<vmem>>, vector<16xi32>,
    %swap3A_117 = vector.shape_cast %swap3A_116 : vector<16xi32> to vector<16xi32>
    %swap3A_118 = vector.shape_cast %shift_right_arithmetic3A_114 : vector<16xi32> to vector<16xi32>
    tpu.vector_store %arg6[%swap3A_115], %swap3A_118 {strides = array<i32>} : memref<512xi32, #tpu.memory_space<vmem>>, vector<16xi32>,
    %iota3A_119 = tpu.iota {dimensions = array<i32: 0>} : vector<16xi32>
    %add3A_120 = arith.constant 144 : i32
    %add3A_121 = arith.addi %mul3A_2, %add3A_120 : i32
    %add3A_122 = vector.broadcast %add3A_121 : i32 to vector<16xi32>
    %add3A_123 = arith.addi %iota3A_119, %add3A_122 : vector<16xi32>
    %shift_right_arithmetic3A_124 = arith.constant 3 : i32
    %shift_right_arithmetic3A_125 = vector.broadcast %shift_right_arithmetic3A_124 : i32 to vector<16xi32>
    %shift_right_arithmetic3A_126 = arith.shrsi %add3A_123, %shift_right_arithmetic3A_125 : vector<16xi32>
    %swap3A_127 = arith.constant 144 : index
    %swap3A_128 = tpu.vector_load %arg6[%swap3A_127] {strides = array<i32>} : memref<512xi32, #tpu.memory_space<vmem>>, vector<16xi32>,
    %swap3A_129 = vector.shape_cast %swap3A_128 : vector<16xi32> to vector<16xi32>
    %swap3A_130 = vector.shape_cast %shift_right_arithmetic3A_126 : vector<16xi32> to vector<16xi32>
    tpu.vector_store %arg6[%swap3A_127], %swap3A_130 {strides = array<i32>} : memref<512xi32, #tpu.memory_space<vmem>>, vector<16xi32>,
    %iota3A_131 = tpu.iota {dimensions = array<i32: 0>} : vector<16xi32>
    %add3A_132 = arith.constant 160 : i32
    %add3A_133 = arith.addi %mul3A_2, %add3A_132 : i32
    %add3A_134 = vector.broadcast %add3A_133 : i32 to vector<16xi32>
    %add3A_135 = arith.addi %iota3A_131, %add3A_134 : vector<16xi32>
    %shift_right_arithmetic3A_136 = arith.constant 3 : i32
    %shift_right_arithmetic3A_137 = vector.broadcast %shift_right_arithmetic3A_136 : i32 to vector<16xi32>
    %shift_right_arithmetic3A_138 = arith.shrsi %add3A_135, %shift_right_arithmetic3A_137 : vector<16xi32>
    %swap3A_139 = arith.constant 160 : index
    %swap3A_140 = tpu.vector_load %arg6[%swap3A_139] {strides = array<i32>} : memref<512xi32, #tpu.memory_space<vmem>>, vector<16xi32>,
    %swap3A_141 = vector.shape_cast %swap3A_140 : vector<16xi32> to vector<16xi32>
    %swap3A_142 = vector.shape_cast %shift_right_arithmetic3A_138 : vector<16xi32> to vector<16xi32>
    tpu.vector_store %arg6[%swap3A_139], %swap3A_142 {strides = array<i32>} : memref<512xi32, #tpu.memory_space<vmem>>, vector<16xi32>,
    %iota3A_143 = tpu.iota {dimensions = array<i32: 0>} : vector<16xi32>
    %add3A_144 = arith.constant 176 : i32
    %add3A_145 = arith.addi %mul3A_2, %add3A_144 : i32
    %add3A_146 = vector.broadcast %add3A_145 : i32 to vector<16xi32>
    %add3A_147 = arith.addi %iota3A_143, %add3A_146 : vector<16xi32>
    %shift_right_arithmetic3A_148 = arith.constant 3 : i32
    %shift_right_arithmetic3A_149 = vector.broadcast %shift_right_arithmetic3A_148 : i32 to vector<16xi32>
    %shift_right_arithmetic3A_150 = arith.shrsi %add3A_147, %shift_right_arithmetic3A_149 : vector<16xi32>
    %swap3A_151 = arith.constant 176 : index
    %swap3A_152 = tpu.vector_load %arg6[%swap3A_151] {strides = array<i32>} : memref<512xi32, #tpu.memory_space<vmem>>, vector<16xi32>,
    %swap3A_153 = vector.shape_cast %swap3A_152 : vector<16xi32> to vector<16xi32>
    %swap3A_154 = vector.shape_cast %shift_right_arithmetic3A_150 : vector<16xi32> to vector<16xi32>
    tpu.vector_store %arg6[%swap3A_151], %swap3A_154 {strides = array<i32>} : memref<512xi32, #tpu.memory_space<vmem>>, vector<16xi32>,
    %iota3A_155 = tpu.iota {dimensions = array<i32: 0>} : vector<16xi32>
    %add3A_156 = arith.constant 192 : i32
    %add3A_157 = arith.addi %mul3A_2, %add3A_156 : i32
    %add3A_158 = vector.broadcast %add3A_157 : i32 to vector<16xi32>
    %add3A_159 = arith.addi %iota3A_155, %add3A_158 : vector<16xi32>
    %shift_right_arithmetic3A_160 = arith.constant 3 : i32
    %shift_right_arithmetic3A_161 = vector.broadcast %shift_right_arithmetic3A_160 : i32 to vector<16xi32>
    %shift_right_arithmetic3A_162 = arith.shrsi %add3A_159, %shift_right_arithmetic3A_161 : vector<16xi32>
    %swap3A_163 = arith.constant 192 : index
    %swap3A_164 = tpu.vector_load %arg6[%swap3A_163] {strides = array<i32>} : memref<512xi32, #tpu.memory_space<vmem>>, vector<16xi32>,
    %swap3A_165 = vector.shape_cast %swap3A_164 : vector<16xi32> to vector<16xi32>
    %swap3A_166 = vector.shape_cast %shift_right_arithmetic3A_162 : vector<16xi32> to vector<16xi32>
    tpu.vector_store %arg6[%swap3A_163], %swap3A_166 {strides = array<i32>} : memref<512xi32, #tpu.memory_space<vmem>>, vector<16xi32>,
    %iota3A_167 = tpu.iota {dimensions = array<i32: 0>} : vector<16xi32>
    %add3A_168 = arith.constant 208 : i32
    %add3A_169 = arith.addi %mul3A_2, %add3A_168 : i32
    %add3A_170 = vector.broadcast %add3A_169 : i32 to vector<16xi32>
    %add3A_171 = arith.addi %iota3A_167, %add3A_170 : vector<16xi32>
    %shift_right_arithmetic3A_172 = arith.constant 3 : i32
    %shift_right_arithmetic3A_173 = vector.broadcast %shift_right_arithmetic3A_172 : i32 to vector<16xi32>
    %shift_right_arithmetic3A_174 = arith.shrsi %add3A_171, %shift_right_arithmetic3A_173 : vector<16xi32>
    %swap3A_175 = arith.constant 208 : index
    %swap3A_176 = tpu.vector_load %arg6[%swap3A_175] {strides = array<i32>} : memref<512xi32, #tpu.memory_space<vmem>>, vector<16xi32>,
    %swap3A_177 = vector.shape_cast %swap3A_176 : vector<16xi32> to vector<16xi32>
    %swap3A_178 = vector.shape_cast %shift_right_arithmetic3A_174 : vector<16xi32> to vector<16xi32>
    tpu.vector_store %arg6[%swap3A_175], %swap3A_178 {strides = array<i32>} : memref<512xi32, #tpu.memory_space<vmem>>, vector<16xi32>,
    %iota3A_179 = tpu.iota {dimensions = array<i32: 0>} : vector<16xi32>
    %add3A_180 = arith.constant 224 : i32
    %add3A_181 = arith.addi %mul3A_2, %add3A_180 : i32
    %add3A_182 = vector.broadcast %add3A_181 : i32 to vector<16xi32>
    %add3A_183 = arith.addi %iota3A_179, %add3A_182 : vector<16xi32>
    %shift_right_arithmetic3A_184 = arith.constant 3 : i32
    %shift_right_arithmetic3A_185 = vector.broadcast %shift_right_arithmetic3A_184 : i32 to vector<16xi32>
    %shift_right_arithmetic3A_186 = arith.shrsi %add3A_183, %shift_right_arithmetic3A_185 : vector<16xi32>
    %swap3A_187 = arith.constant 224 : index
    %swap3A_188 = tpu.vector_load %arg6[%swap3A_187] {strides = array<i32>} : memref<512xi32, #tpu.memory_space<vmem>>, vector<16xi32>,
    %swap3A_189 = vector.shape_cast %swap3A_188 : vector<16xi32> to vector<16xi32>
    %swap3A_190 = vector.shape_cast %shift_right_arithmetic3A_186 : vector<16xi32> to vector<16xi32>
    tpu.vector_store %arg6[%swap3A_187], %swap3A_190 {strides = array<i32>} : memref<512xi32, #tpu.memory_space<vmem>>, vector<16xi32>,
    %iota3A_191 = tpu.iota {dimensions = array<i32: 0>} : vector<16xi32>
    %add3A_192 = arith.constant 240 : i32
    %add3A_193 = arith.addi %mul3A_2, %add3A_192 : i32
    %add3A_194 = vector.broadcast %add3A_193 : i32 to vector<16xi32>
    %add3A_195 = arith.addi %iota3A_191, %add3A_194 : vector<16xi32>
    %shift_right_arithmetic3A_196 = arith.constant 3 : i32
    %shift_right_arithmetic3A_197 = vector.broadcast %shift_right_arithmetic3A_196 : i32 to vector<16xi32>
    %shift_right_arithmetic3A_198 = arith.shrsi %add3A_195, %shift_right_arithmetic3A_197 : vector<16xi32>
    %swap3A_199 = arith.constant 240 : index
    %swap3A_200 = tpu.vector_load %arg6[%swap3A_199] {strides = array<i32>} : memref<512xi32, #tpu.memory_space<vmem>>, vector<16xi32>,
    %swap3A_201 = vector.shape_cast %swap3A_200 : vector<16xi32> to vector<16xi32>
    %swap3A_202 = vector.shape_cast %shift_right_arithmetic3A_198 : vector<16xi32> to vector<16xi32>
    tpu.vector_store %arg6[%swap3A_199], %swap3A_202 {strides = array<i32>} : memref<512xi32, #tpu.memory_space<vmem>>, vector<16xi32>,
    %iota3A_203 = tpu.iota {dimensions = array<i32: 0>} : vector<16xi32>
    %add3A_204 = arith.constant 256 : i32
    %add3A_205 = arith.addi %mul3A_2, %add3A_204 : i32
    %add3A_206 = vector.broadcast %add3A_205 : i32 to vector<16xi32>
    %add3A_207 = arith.addi %iota3A_203, %add3A_206 : vector<16xi32>
    %shift_right_arithmetic3A_208 = arith.constant 3 : i32
    %shift_right_arithmetic3A_209 = vector.broadcast %shift_right_arithmetic3A_208 : i32 to vector<16xi32>
    %shift_right_arithmetic3A_210 = arith.shrsi %add3A_207, %shift_right_arithmetic3A_209 : vector<16xi32>
    %swap3A_211 = arith.constant 256 : index
    %swap3A_212 = tpu.vector_load %arg6[%swap3A_211] {strides = array<i32>} : memref<512xi32, #tpu.memory_space<vmem>>, vector<16xi32>,
    %swap3A_213 = vector.shape_cast %swap3A_212 : vector<16xi32> to vector<16xi32>
    %swap3A_214 = vector.shape_cast %shift_right_arithmetic3A_210 : vector<16xi32> to vector<16xi32>
    tpu.vector_store %arg6[%swap3A_211], %swap3A_214 {strides = array<i32>} : memref<512xi32, #tpu.memory_space<vmem>>, vector<16xi32>,
    %iota3A_215 = tpu.iota {dimensions = array<i32: 0>} : vector<16xi32>
    %add3A_216 = arith.constant 272 : i32
    %add3A_217 = arith.addi %mul3A_2, %add3A_216 : i32
    %add3A_218 = vector.broadcast %add3A_217 : i32 to vector<16xi32>
    %add3A_219 = arith.addi %iota3A_215, %add3A_218 : vector<16xi32>
    %shift_right_arithmetic3A_220 = arith.constant 3 : i32
    %shift_right_arithmetic3A_221 = vector.broadcast %shift_right_arithmetic3A_220 : i32 to vector<16xi32>
    %shift_right_arithmetic3A_222 = arith.shrsi %add3A_219, %shift_right_arithmetic3A_221 : vector<16xi32>
    %swap3A_223 = arith.constant 272 : index
    %swap3A_224 = tpu.vector_load %arg6[%swap3A_223] {strides = array<i32>} : memref<512xi32, #tpu.memory_space<vmem>>, vector<16xi32>,
    %swap3A_225 = vector.shape_cast %swap3A_224 : vector<16xi32> to vector<16xi32>
    %swap3A_226 = vector.shape_cast %shift_right_arithmetic3A_222 : vector<16xi32> to vector<16xi32>
    tpu.vector_store %arg6[%swap3A_223], %swap3A_226 {strides = array<i32>} : memref<512xi32, #tpu.memory_space<vmem>>, vector<16xi32>,
    %iota3A_227 = tpu.iota {dimensions = array<i32: 0>} : vector<16xi32>
    %add3A_228 = arith.constant 288 : i32
    %add3A_229 = arith.addi %mul3A_2, %add3A_228 : i32
    %add3A_230 = vector.broadcast %add3A_229 : i32 to vector<16xi32>
    %add3A_231 = arith.addi %iota3A_227, %add3A_230 : vector<16xi32>
    %shift_right_arithmetic3A_232 = arith.constant 3 : i32
    %shift_right_arithmetic3A_233 = vector.broadcast %shift_right_arithmetic3A_232 : i32 to vector<16xi32>
    %shift_right_arithmetic3A_234 = arith.shrsi %add3A_231, %shift_right_arithmetic3A_233 : vector<16xi32>
    %swap3A_235 = arith.constant 288 : index
    %swap3A_236 = tpu.vector_load %arg6[%swap3A_235] {strides = array<i32>} : memref<512xi32, #tpu.memory_space<vmem>>, vector<16xi32>,
    %swap3A_237 = vector.shape_cast %swap3A_236 : vector<16xi32> to vector<16xi32>
    %swap3A_238 = vector.shape_cast %shift_right_arithmetic3A_234 : vector<16xi32> to vector<16xi32>
    tpu.vector_store %arg6[%swap3A_235], %swap3A_238 {strides = array<i32>} : memref<512xi32, #tpu.memory_space<vmem>>, vector<16xi32>,
    %iota3A_239 = tpu.iota {dimensions = array<i32: 0>} : vector<16xi32>
    %add3A_240 = arith.constant 304 : i32
    %add3A_241 = arith.addi %mul3A_2, %add3A_240 : i32
    %add3A_242 = vector.broadcast %add3A_241 : i32 to vector<16xi32>
    %add3A_243 = arith.addi %iota3A_239, %add3A_242 : vector<16xi32>
    %shift_right_arithmetic3A_244 = arith.constant 3 : i32
    %shift_right_arithmetic3A_245 = vector.broadcast %shift_right_arithmetic3A_244 : i32 to vector<16xi32>
    %shift_right_arithmetic3A_246 = arith.shrsi %add3A_243, %shift_right_arithmetic3A_245 : vector<16xi32>
    %swap3A_247 = arith.constant 304 : index
    %swap3A_248 = tpu.vector_load %arg6[%swap3A_247] {strides = array<i32>} : memref<512xi32, #tpu.memory_space<vmem>>, vector<16xi32>,
    %swap3A_249 = vector.shape_cast %swap3A_248 : vector<16xi32> to vector<16xi32>
    %swap3A_250 = vector.shape_cast %shift_right_arithmetic3A_246 : vector<16xi32> to vector<16xi32>
    tpu.vector_store %arg6[%swap3A_247], %swap3A_250 {strides = array<i32>} : memref<512xi32, #tpu.memory_space<vmem>>, vector<16xi32>,
    %iota3A_251 = tpu.iota {dimensions = array<i32: 0>} : vector<16xi32>
    %add3A_252 = arith.constant 320 : i32
    %add3A_253 = arith.addi %mul3A_2, %add3A_252 : i32
    %add3A_254 = vector.broadcast %add3A_253 : i32 to vector<16xi32>
    %add3A_255 = arith.addi %iota3A_251, %add3A_254 : vector<16xi32>
    %shift_right_arithmetic3A_256 = arith.constant 3 : i32
    %shift_right_arithmetic3A_257 = vector.broadcast %shift_right_arithmetic3A_256 : i32 to vector<16xi32>
    %shift_right_arithmetic3A_258 = arith.shrsi %add3A_255, %shift_right_arithmetic3A_257 : vector<16xi32>
    %swap3A_259 = arith.constant 320 : index
    %swap3A_260 = tpu.vector_load %arg6[%swap3A_259] {strides = array<i32>} : memref<512xi32, #tpu.memory_space<vmem>>, vector<16xi32>,
    %swap3A_261 = vector.shape_cast %swap3A_260 : vector<16xi32> to vector<16xi32>
    %swap3A_262 = vector.shape_cast %shift_right_arithmetic3A_258 : vector<16xi32> to vector<16xi32>
    tpu.vector_store %arg6[%swap3A_259], %swap3A_262 {strides = array<i32>} : memref<512xi32, #tpu.memory_space<vmem>>, vector<16xi32>,
    %iota3A_263 = tpu.iota {dimensions = array<i32: 0>} : vector<16xi32>
    %add3A_264 = arith.constant 336 : i32
    %add3A_265 = arith.addi %mul3A_2, %add3A_264 : i32
    %add3A_266 = vector.broadcast %add3A_265 : i32 to vector<16xi32>
    %add3A_267 = arith.addi %iota3A_263, %add3A_266 : vector<16xi32>
    %shift_right_arithmetic3A_268 = arith.constant 3 : i32
    %shift_right_arithmetic3A_269 = vector.broadcast %shift_right_arithmetic3A_268 : i32 to vector<16xi32>
    %shift_right_arithmetic3A_270 = arith.shrsi %add3A_267, %shift_right_arithmetic3A_269 : vector<16xi32>
    %swap3A_271 = arith.constant 336 : index
    %swap3A_272 = tpu.vector_load %arg6[%swap3A_271] {strides = array<i32>} : memref<512xi32, #tpu.memory_space<vmem>>, vector<16xi32>,
    %swap3A_273 = vector.shape_cast %swap3A_272 : vector<16xi32> to vector<16xi32>
    %swap3A_274 = vector.shape_cast %shift_right_arithmetic3A_270 : vector<16xi32> to vector<16xi32>
    tpu.vector_store %arg6[%swap3A_271], %swap3A_274 {strides = array<i32>} : memref<512xi32, #tpu.memory_space<vmem>>, vector<16xi32>,
    %iota3A_275 = tpu.iota {dimensions = array<i32: 0>} : vector<16xi32>
    %add3A_276 = arith.constant 352 : i32
    %add3A_277 = arith.addi %mul3A_2, %add3A_276 : i32
    %add3A_278 = vector.broadcast %add3A_277 : i32 to vector<16xi32>
    %add3A_279 = arith.addi %iota3A_275, %add3A_278 : vector<16xi32>
    %shift_right_arithmetic3A_280 = arith.constant 3 : i32
    %shift_right_arithmetic3A_281 = vector.broadcast %shift_right_arithmetic3A_280 : i32 to vector<16xi32>
    %shift_right_arithmetic3A_282 = arith.shrsi %add3A_279, %shift_right_arithmetic3A_281 : vector<16xi32>
    %swap3A_283 = arith.constant 352 : index
    %swap3A_284 = tpu.vector_load %arg6[%swap3A_283] {strides = array<i32>} : memref<512xi32, #tpu.memory_space<vmem>>, vector<16xi32>,
    %swap3A_285 = vector.shape_cast %swap3A_284 : vector<16xi32> to vector<16xi32>
    %swap3A_286 = vector.shape_cast %shift_right_arithmetic3A_282 : vector<16xi32> to vector<16xi32>
    tpu.vector_store %arg6[%swap3A_283], %swap3A_286 {strides = array<i32>} : memref<512xi32, #tpu.memory_space<vmem>>, vector<16xi32>,
    %iota3A_287 = tpu.iota {dimensions = array<i32: 0>} : vector<16xi32>
    %add3A_288 = arith.constant 368 : i32
    %add3A_289 = arith.addi %mul3A_2, %add3A_288 : i32
    %add3A_290 = vector.broadcast %add3A_289 : i32 to vector<16xi32>
    %add3A_291 = arith.addi %iota3A_287, %add3A_290 : vector<16xi32>
    %shift_right_arithmetic3A_292 = arith.constant 3 : i32
    %shift_right_arithmetic3A_293 = vector.broadcast %shift_right_arithmetic3A_292 : i32 to vector<16xi32>
    %shift_right_arithmetic3A_294 = arith.shrsi %add3A_291, %shift_right_arithmetic3A_293 : vector<16xi32>
    %swap3A_295 = arith.constant 368 : index
    %swap3A_296 = tpu.vector_load %arg6[%swap3A_295] {strides = array<i32>} : memref<512xi32, #tpu.memory_space<vmem>>, vector<16xi32>,
    %swap3A_297 = vector.shape_cast %swap3A_296 : vector<16xi32> to vector<16xi32>
    %swap3A_298 = vector.shape_cast %shift_right_arithmetic3A_294 : vector<16xi32> to vector<16xi32>
    tpu.vector_store %arg6[%swap3A_295], %swap3A_298 {strides = array<i32>} : memref<512xi32, #tpu.memory_space<vmem>>, vector<16xi32>,
    %iota3A_299 = tpu.iota {dimensions = array<i32: 0>} : vector<16xi32>
    %add3A_300 = arith.constant 384 : i32
    %add3A_301 = arith.addi %mul3A_2, %add3A_300 : i32
    %add3A_302 = vector.broadcast %add3A_301 : i32 to vector<16xi32>
    %add3A_303 = arith.addi %iota3A_299, %add3A_302 : vector<16xi32>
    %shift_right_arithmetic3A_304 = arith.constant 3 : i32
    %shift_right_arithmetic3A_305 = vector.broadcast %shift_right_arithmetic3A_304 : i32 to vector<16xi32>
    %shift_right_arithmetic3A_306 = arith.shrsi %add3A_303, %shift_right_arithmetic3A_305 : vector<16xi32>
    %swap3A_307 = arith.constant 384 : index
    %swap3A_308 = tpu.vector_load %arg6[%swap3A_307] {strides = array<i32>} : memref<512xi32, #tpu.memory_space<vmem>>, vector<16xi32>,
    %swap3A_309 = vector.shape_cast %swap3A_308 : vector<16xi32> to vector<16xi32>
    %swap3A_310 = vector.shape_cast %shift_right_arithmetic3A_306 : vector<16xi32> to vector<16xi32>
    tpu.vector_store %arg6[%swap3A_307], %swap3A_310 {strides = array<i32>} : memref<512xi32, #tpu.memory_space<vmem>>, vector<16xi32>,
    %iota3A_311 = tpu.iota {dimensions = array<i32: 0>} : vector<16xi32>
    %add3A_312 = arith.constant 400 : i32
    %add3A_313 = arith.addi %mul3A_2, %add3A_312 : i32
    %add3A_314 = vector.broadcast %add3A_313 : i32 to vector<16xi32>
    %add3A_315 = arith.addi %iota3A_311, %add3A_314 : vector<16xi32>
    %shift_right_arithmetic3A_316 = arith.constant 3 : i32
    %shift_right_arithmetic3A_317 = vector.broadcast %shift_right_arithmetic3A_316 : i32 to vector<16xi32>
    %shift_right_arithmetic3A_318 = arith.shrsi %add3A_315, %shift_right_arithmetic3A_317 : vector<16xi32>
    %swap3A_319 = arith.constant 400 : index
    %swap3A_320 = tpu.vector_load %arg6[%swap3A_319] {strides = array<i32>} : memref<512xi32, #tpu.memory_space<vmem>>, vector<16xi32>,
    %swap3A_321 = vector.shape_cast %swap3A_320 : vector<16xi32> to vector<16xi32>
    %swap3A_322 = vector.shape_cast %shift_right_arithmetic3A_318 : vector<16xi32> to vector<16xi32>
    tpu.vector_store %arg6[%swap3A_319], %swap3A_322 {strides = array<i32>} : memref<512xi32, #tpu.memory_space<vmem>>, vector<16xi32>,
    %iota3A_323 = tpu.iota {dimensions = array<i32: 0>} : vector<16xi32>
    %add3A_324 = arith.constant 416 : i32
    %add3A_325 = arith.addi %mul3A_2, %add3A_324 : i32
    %add3A_326 = vector.broadcast %add3A_325 : i32 to vector<16xi32>
    %add3A_327 = arith.addi %iota3A_323, %add3A_326 : vector<16xi32>
    %shift_right_arithmetic3A_328 = arith.constant 3 : i32
    %shift_right_arithmetic3A_329 = vector.broadcast %shift_right_arithmetic3A_328 : i32 to vector<16xi32>
    %shift_right_arithmetic3A_330 = arith.shrsi %add3A_327, %shift_right_arithmetic3A_329 : vector<16xi32>
    %swap3A_331 = arith.constant 416 : index
    %swap3A_332 = tpu.vector_load %arg6[%swap3A_331] {strides = array<i32>} : memref<512xi32, #tpu.memory_space<vmem>>, vector<16xi32>,
    %swap3A_333 = vector.shape_cast %swap3A_332 : vector<16xi32> to vector<16xi32>
    %swap3A_334 = vector.shape_cast %shift_right_arithmetic3A_330 : vector<16xi32> to vector<16xi32>
    tpu.vector_store %arg6[%swap3A_331], %swap3A_334 {strides = array<i32>} : memref<512xi32, #tpu.memory_space<vmem>>, vector<16xi32>,
    %iota3A_335 = tpu.iota {dimensions = array<i32: 0>} : vector<16xi32>
    %add3A_336 = arith.constant 432 : i32
    %add3A_337 = arith.addi %mul3A_2, %add3A_336 : i32
    %add3A_338 = vector.broadcast %add3A_337 : i32 to vector<16xi32>
    %add3A_339 = arith.addi %iota3A_335, %add3A_338 : vector<16xi32>
    %shift_right_arithmetic3A_340 = arith.constant 3 : i32
    %shift_right_arithmetic3A_341 = vector.broadcast %shift_right_arithmetic3A_340 : i32 to vector<16xi32>
    %shift_right_arithmetic3A_342 = arith.shrsi %add3A_339, %shift_right_arithmetic3A_341 : vector<16xi32>
    %swap3A_343 = arith.constant 432 : index
    %swap3A_344 = tpu.vector_load %arg6[%swap3A_343] {strides = array<i32>} : memref<512xi32, #tpu.memory_space<vmem>>, vector<16xi32>,
    %swap3A_345 = vector.shape_cast %swap3A_344 : vector<16xi32> to vector<16xi32>
    %swap3A_346 = vector.shape_cast %shift_right_arithmetic3A_342 : vector<16xi32> to vector<16xi32>
    tpu.vector_store %arg6[%swap3A_343], %swap3A_346 {strides = array<i32>} : memref<512xi32, #tpu.memory_space<vmem>>, vector<16xi32>,
    %iota3A_347 = tpu.iota {dimensions = array<i32: 0>} : vector<16xi32>
    %add3A_348 = arith.constant 448 : i32
    %add3A_349 = arith.addi %mul3A_2, %add3A_348 : i32
    %add3A_350 = vector.broadcast %add3A_349 : i32 to vector<16xi32>
    %add3A_351 = arith.addi %iota3A_347, %add3A_350 : vector<16xi32>
    %shift_right_arithmetic3A_352 = arith.constant 3 : i32
    %shift_right_arithmetic3A_353 = vector.broadcast %shift_right_arithmetic3A_352 : i32 to vector<16xi32>
    %shift_right_arithmetic3A_354 = arith.shrsi %add3A_351, %shift_right_arithmetic3A_353 : vector<16xi32>
    %swap3A_355 = arith.constant 448 : index
    %swap3A_356 = tpu.vector_load %arg6[%swap3A_355] {strides = array<i32>} : memref<512xi32, #tpu.memory_space<vmem>>, vector<16xi32>,
    %swap3A_357 = vector.shape_cast %swap3A_356 : vector<16xi32> to vector<16xi32>
    %swap3A_358 = vector.shape_cast %shift_right_arithmetic3A_354 : vector<16xi32> to vector<16xi32>
    tpu.vector_store %arg6[%swap3A_355], %swap3A_358 {strides = array<i32>} : memref<512xi32, #tpu.memory_space<vmem>>, vector<16xi32>,
    %iota3A_359 = tpu.iota {dimensions = array<i32: 0>} : vector<16xi32>
    %add3A_360 = arith.constant 464 : i32
    %add3A_361 = arith.addi %mul3A_2, %add3A_360 : i32
    %add3A_362 = vector.broadcast %add3A_361 : i32 to vector<16xi32>
    %add3A_363 = arith.addi %iota3A_359, %add3A_362 : vector<16xi32>
    %shift_right_arithmetic3A_364 = arith.constant 3 : i32
    %shift_right_arithmetic3A_365 = vector.broadcast %shift_right_arithmetic3A_364 : i32 to vector<16xi32>
    %shift_right_arithmetic3A_366 = arith.shrsi %add3A_363, %shift_right_arithmetic3A_365 : vector<16xi32>
    %swap3A_367 = arith.constant 464 : index
    %swap3A_368 = tpu.vector_load %arg6[%swap3A_367] {strides = array<i32>} : memref<512xi32, #tpu.memory_space<vmem>>, vector<16xi32>,
    %swap3A_369 = vector.shape_cast %swap3A_368 : vector<16xi32> to vector<16xi32>
    %swap3A_370 = vector.shape_cast %shift_right_arithmetic3A_366 : vector<16xi32> to vector<16xi32>
    tpu.vector_store %arg6[%swap3A_367], %swap3A_370 {strides = array<i32>} : memref<512xi32, #tpu.memory_space<vmem>>, vector<16xi32>,
    %iota3A_371 = tpu.iota {dimensions = array<i32: 0>} : vector<16xi32>
    %add3A_372 = arith.constant 480 : i32
    %add3A_373 = arith.addi %mul3A_2, %add3A_372 : i32
    %add3A_374 = vector.broadcast %add3A_373 : i32 to vector<16xi32>
    %add3A_375 = arith.addi %iota3A_371, %add3A_374 : vector<16xi32>
    %shift_right_arithmetic3A_376 = arith.constant 3 : i32
    %shift_right_arithmetic3A_377 = vector.broadcast %shift_right_arithmetic3A_376 : i32 to vector<16xi32>
    %shift_right_arithmetic3A_378 = arith.shrsi %add3A_375, %shift_right_arithmetic3A_377 : vector<16xi32>
    %swap3A_379 = arith.constant 480 : index
    %swap3A_380 = tpu.vector_load %arg6[%swap3A_379] {strides = array<i32>} : memref<512xi32, #tpu.memory_space<vmem>>, vector<16xi32>,
    %swap3A_381 = vector.shape_cast %swap3A_380 : vector<16xi32> to vector<16xi32>
    %swap3A_382 = vector.shape_cast %shift_right_arithmetic3A_378 : vector<16xi32> to vector<16xi32>
    tpu.vector_store %arg6[%swap3A_379], %swap3A_382 {strides = array<i32>} : memref<512xi32, #tpu.memory_space<vmem>>, vector<16xi32>,
    %iota3A_383 = tpu.iota {dimensions = array<i32: 0>} : vector<16xi32>
    %add3A_384 = arith.constant 496 : i32
    %add3A_385 = arith.addi %mul3A_2, %add3A_384 : i32
    %add3A_386 = vector.broadcast %add3A_385 : i32 to vector<16xi32>
    %add3A_387 = arith.addi %iota3A_383, %add3A_386 : vector<16xi32>
    %shift_right_arithmetic3A_388 = arith.constant 3 : i32
    %shift_right_arithmetic3A_389 = vector.broadcast %shift_right_arithmetic3A_388 : i32 to vector<16xi32>
    %shift_right_arithmetic3A_390 = arith.shrsi %add3A_387, %shift_right_arithmetic3A_389 : vector<16xi32>
    %swap3A_391 = arith.constant 496 : index
    %swap3A_392 = tpu.vector_load %arg6[%swap3A_391] {strides = array<i32>} : memref<512xi32, #tpu.memory_space<vmem>>, vector<16xi32>,
    %swap3A_393 = vector.shape_cast %swap3A_392 : vector<16xi32> to vector<16xi32>
    %swap3A_394 = vector.shape_cast %shift_right_arithmetic3A_390 : vector<16xi32> to vector<16xi32>
    tpu.vector_store %arg6[%swap3A_391], %swap3A_394 {strides = array<i32>} : memref<512xi32, #tpu.memory_space<vmem>>, vector<16xi32>,
    %dma_start3A = arith.constant 0 : i32
    %dma_start3A_395 = arith.constant 0 : i32
    %dma_start3A_396 = arith.constant 0 : i32
    %dma_start3A_397 = tpu.memref_slice %arg7[%dma_start3A, %dma_start3A_395, %dma_start3A_396] : memref<2x128x384xi32, #tpu.memory_space<vmem>> -> memref<1x128x384xi32, #tpu.memory_space<vmem>>
    %dma_start3A_398 = tpu.memref_squeeze %dma_start3A_397 : memref<1x128x384xi32, #tpu.memory_space<vmem>> -> memref<128x384xi32, #tpu.memory_space<vmem>>
    %dma_start3A_399 = arith.constant 0 : i32
    %dma_start3A_400 = tpu.memref_slice %arg6[%dma_start3A_399] : memref<512xi32, #tpu.memory_space<vmem>> -> memref<128xi32, #tpu.memory_space<vmem>>
    %dma_start3A_401 = arith.constant 0 : i32
    %dma_start3A_402 = arith.constant 0 : i32
    %dma_start3A_403 = tpu.memref_slice %arg3[%dma_start3A_401, %dma_start3A_402] : memref<2048x384xi32, #tpu.memory_space<hbm>> -> memref<2048x384xi32, #tpu.memory_space<hbm>>
    tpu.enqueue_indirect_dma source(%dma_start3A_403 : memref<2048x384xi32, #tpu.memory_space<hbm>>) target(%dma_start3A_398 : memref<128x384xi32, #tpu.memory_space<vmem>>) offsets(%dma_start3A_400 : memref<128xi32, #tpu.memory_space<vmem>>) semaphore(%arg8 : memref<!tpu.dma_semaphore, #tpu.memory_space<semaphore_mem>>)
    %dma_wait3A = arith.constant 0 : i32
    %dma_wait3A_404 = arith.constant 0 : i32
    %dma_wait3A_405 = arith.constant 0 : i32
    %dma_wait3A_406 = tpu.memref_slice %arg7[%dma_wait3A, %dma_wait3A_404, %dma_wait3A_405] : memref<2x128x384xi32, #tpu.memory_space<vmem>> -> memref<1x128x384xi32, #tpu.memory_space<vmem>>
    %dma_wait3A_407 = tpu.memref_squeeze %dma_wait3A_406 : memref<1x128x384xi32, #tpu.memory_space<vmem>> -> memref<128x384xi32, #tpu.memory_space<vmem>>
    %dma_wait3A_408 = arith.constant 0 : i32
    %dma_wait3A_409 = tpu.memref_slice %arg6[%dma_wait3A_408] : memref<512xi32, #tpu.memory_space<vmem>> -> memref<128xi32, #tpu.memory_space<vmem>>
    %dma_wait3A_410 = arith.constant 0 : i32
    %dma_wait3A_411 = arith.constant 0 : i32
    %dma_wait3A_412 = tpu.memref_slice %arg3[%dma_wait3A_410, %dma_wait3A_411] : memref<2048x384xi32, #tpu.memory_space<hbm>> -> memref<2048x384xi32, #tpu.memory_space<hbm>>
    tpu.wait_indirect_dma semaphore(%arg8 : memref<!tpu.dma_semaphore, #tpu.memory_space<semaphore_mem>>) src(%dma_wait3A_412 : memref<2048x384xi32, #tpu.memory_space<hbm>>) dst(%dma_wait3A_407 : memref<128x384xi32, #tpu.memory_space<vmem>>)
    %dma_start3A_413 = arith.constant 0 : i32
    %dma_start3A_414 = arith.constant 0 : i32
    %dma_start3A_415 = arith.constant 0 : i32
    %dma_start3A_416 = arith.constant 0 : i32
    %dma_start3A_417 = tpu.memref_slice %arg7[%dma_start3A_413, %dma_start3A_415, %dma_start3A_416] : memref<2x128x384xi32, #tpu.memory_space<vmem>> -> memref<1x128x384xi32, #tpu.memory_space<vmem>>
    %dma_start3A_418 = tpu.memref_squeeze %dma_start3A_417 : memref<1x128x384xi32, #tpu.memory_space<vmem>> -> memref<128x384xi32, #tpu.memory_space<vmem>>
    %dma_start3A_419 = arith.constant 0 : i32
    %dma_start3A_420 = tpu.memref_slice %arg5[%dma_start3A_414, %dma_start3A_419] : memref<4x128xi32, #tpu.memory_space<vmem>> -> memref<1x128xi32, #tpu.memory_space<vmem>>
    %dma_start3A_421 = tpu.memref_squeeze %dma_start3A_420 : memref<1x128xi32, #tpu.memory_space<vmem>> -> memref<128xi32, #tpu.memory_space<vmem>>
    %dma_start3A_422 = arith.constant 0 : i32
    %dma_start3A_423 = arith.constant 0 : i32
    %dma_start3A_424 = tpu.memref_slice %arg4[%dma_start3A_422, %dma_start3A_423] : memref<49152x384xi32, #tpu.memory_space<hbm>> -> memref<49152x384xi32, #tpu.memory_space<hbm>>
    tpu.enqueue_indirect_dma source(%dma_start3A_418 : memref<128x384xi32, #tpu.memory_space<vmem>>) target(%dma_start3A_424 : memref<49152x384xi32, #tpu.memory_space<hbm>>) offsets(%dma_start3A_421 : memref<128xi32, #tpu.memory_space<vmem>>) semaphore(%arg9 : memref<!tpu.dma_semaphore, #tpu.memory_space<semaphore_mem>>)
    %dma_start3A_425 = arith.constant 1 : i32
    %dma_start3A_426 = arith.constant 0 : i32
    %dma_start3A_427 = arith.constant 0 : i32
    %dma_start3A_428 = tpu.memref_slice %arg7[%dma_start3A_425, %dma_start3A_426, %dma_start3A_427] : memref<2x128x384xi32, #tpu.memory_space<vmem>> -> memref<1x128x384xi32, #tpu.memory_space<vmem>>
    %dma_start3A_429 = tpu.memref_squeeze %dma_start3A_428 : memref<1x128x384xi32, #tpu.memory_space<vmem>> -> memref<128x384xi32, #tpu.memory_space<vmem>>
    %dma_start3A_430 = arith.constant 128 : i32
    %dma_start3A_431 = tpu.memref_slice %arg6[%dma_start3A_430] : memref<512xi32, #tpu.memory_space<vmem>> -> memref<128xi32, #tpu.memory_space<vmem>>
    %dma_start3A_432 = arith.constant 0 : i32
    %dma_start3A_433 = arith.constant 0 : i32
    %dma_start3A_434 = tpu.memref_slice %arg3[%dma_start3A_432, %dma_start3A_433] : memref<2048x384xi32, #tpu.memory_space<hbm>> -> memref<2048x384xi32, #tpu.memory_space<hbm>>
    tpu.enqueue_indirect_dma source(%dma_start3A_434 : memref<2048x384xi32, #tpu.memory_space<hbm>>) target(%dma_start3A_429 : memref<128x384xi32, #tpu.memory_space<vmem>>) offsets(%dma_start3A_431 : memref<128xi32, #tpu.memory_space<vmem>>) semaphore(%arg8 : memref<!tpu.dma_semaphore, #tpu.memory_space<semaphore_mem>>)
    %dma_wait3A_435 = arith.constant 1 : i32
    %dma_wait3A_436 = arith.constant 0 : i32
    %dma_wait3A_437 = arith.constant 0 : i32
    %dma_wait3A_438 = tpu.memref_slice %arg7[%dma_wait3A_435, %dma_wait3A_436, %dma_wait3A_437] : memref<2x128x384xi32, #tpu.memory_space<vmem>> -> memref<1x128x384xi32, #tpu.memory_space<vmem>>
    %dma_wait3A_439 = tpu.memref_squeeze %dma_wait3A_438 : memref<1x128x384xi32, #tpu.memory_space<vmem>> -> memref<128x384xi32, #tpu.memory_space<vmem>>
    %dma_wait3A_440 = arith.constant 128 : i32
    %dma_wait3A_441 = tpu.memref_slice %arg6[%dma_wait3A_440] : memref<512xi32, #tpu.memory_space<vmem>> -> memref<128xi32, #tpu.memory_space<vmem>>
    %dma_wait3A_442 = arith.constant 0 : i32
    %dma_wait3A_443 = arith.constant 0 : i32
    %dma_wait3A_444 = tpu.memref_slice %arg3[%dma_wait3A_442, %dma_wait3A_443] : memref<2048x384xi32, #tpu.memory_space<hbm>> -> memref<2048x384xi32, #tpu.memory_space<hbm>>
    tpu.wait_indirect_dma semaphore(%arg8 : memref<!tpu.dma_semaphore, #tpu.memory_space<semaphore_mem>>) src(%dma_wait3A_444 : memref<2048x384xi32, #tpu.memory_space<hbm>>) dst(%dma_wait3A_439 : memref<128x384xi32, #tpu.memory_space<vmem>>)
    %dma_start3A_445 = arith.constant 1 : i32
    %dma_start3A_446 = arith.constant 1 : i32
    %dma_start3A_447 = arith.constant 0 : i32
    %dma_start3A_448 = arith.constant 0 : i32
    %dma_start3A_449 = tpu.memref_slice %arg7[%dma_start3A_445, %dma_start3A_447, %dma_start3A_448] : memref<2x128x384xi32, #tpu.memory_space<vmem>> -> memref<1x128x384xi32, #tpu.memory_space<vmem>>
    %dma_start3A_450 = tpu.memref_squeeze %dma_start3A_449 : memref<1x128x384xi32, #tpu.memory_space<vmem>> -> memref<128x384xi32, #tpu.memory_space<vmem>>
    %dma_start3A_451 = arith.constant 0 : i32
    %dma_start3A_452 = tpu.memref_slice %arg5[%dma_start3A_446, %dma_start3A_451] : memref<4x128xi32, #tpu.memory_space<vmem>> -> memref<1x128xi32, #tpu.memory_space<vmem>>
    %dma_start3A_453 = tpu.memref_squeeze %dma_start3A_452 : memref<1x128xi32, #tpu.memory_space<vmem>> -> memref<128xi32, #tpu.memory_space<vmem>>
    %dma_start3A_454 = arith.constant 0 : i32
    %dma_start3A_455 = arith.constant 0 : i32
    %dma_start3A_456 = tpu.memref_slice %arg4[%dma_start3A_454, %dma_start3A_455] : memref<49152x384xi32, #tpu.memory_space<hbm>> -> memref<49152x384xi32, #tpu.memory_space<hbm>>
    tpu.enqueue_indirect_dma source(%dma_start3A_450 : memref<128x384xi32, #tpu.memory_space<vmem>>) target(%dma_start3A_456 : memref<49152x384xi32, #tpu.memory_space<hbm>>) offsets(%dma_start3A_453 : memref<128xi32, #tpu.memory_space<vmem>>) semaphore(%arg9 : memref<!tpu.dma_semaphore, #tpu.memory_space<semaphore_mem>>)
    %dma_wait3A_457 = arith.constant 0 : i32
    %dma_wait3A_458 = arith.constant 0 : i32
    %dma_wait3A_459 = arith.constant 0 : i32
    %dma_wait3A_460 = arith.constant 0 : i32
    %dma_wait3A_461 = tpu.memref_slice %arg7[%dma_wait3A_457, %dma_wait3A_459, %dma_wait3A_460] : memref<2x128x384xi32, #tpu.memory_space<vmem>> -> memref<1x128x384xi32, #tpu.memory_space<vmem>>
    %dma_wait3A_462 = tpu.memref_squeeze %dma_wait3A_461 : memref<1x128x384xi32, #tpu.memory_space<vmem>> -> memref<128x384xi32, #tpu.memory_space<vmem>>
    %dma_wait3A_463 = arith.constant 0 : i32
    %dma_wait3A_464 = tpu.memref_slice %arg5[%dma_wait3A_458, %dma_wait3A_463] : memref<4x128xi32, #tpu.memory_space<vmem>> -> memref<1x128xi32, #tpu.memory_space<vmem>>
    %dma_wait3A_465 = tpu.memref_squeeze %dma_wait3A_464 : memref<1x128xi32, #tpu.memory_space<vmem>> -> memref<128xi32, #tpu.memory_space<vmem>>
    %dma_wait3A_466 = arith.constant 0 : i32
    %dma_wait3A_467 = arith.constant 0 : i32
    %dma_wait3A_468 = tpu.memref_slice %arg4[%dma_wait3A_466, %dma_wait3A_467] : memref<49152x384xi32, #tpu.memory_space<hbm>> -> memref<49152x384xi32, #tpu.memory_space<hbm>>
    tpu.wait_indirect_dma semaphore(%arg9 : memref<!tpu.dma_semaphore, #tpu.memory_space<semaphore_mem>>) src(%dma_wait3A_462 : memref<128x384xi32, #tpu.memory_space<vmem>>) dst(%dma_wait3A_468 : memref<49152x384xi32, #tpu.memory_space<hbm>>)
    %dma_start3A_469 = arith.constant 0 : i32
    %dma_start3A_470 = arith.constant 0 : i32
    %dma_start3A_471 = arith.constant 0 : i32
    %dma_start3A_472 = tpu.memref_slice %arg7[%dma_start3A_469, %dma_start3A_470, %dma_start3A_471] : memref<2x128x384xi32, #tpu.memory_space<vmem>> -> memref<1x128x384xi32, #tpu.memory_space<vmem>>
    %dma_start3A_473 = tpu.memref_squeeze %dma_start3A_472 : memref<1x128x384xi32, #tpu.memory_space<vmem>> -> memref<128x384xi32, #tpu.memory_space<vmem>>
    %dma_start3A_474 = arith.constant 256 : i32
    %dma_start3A_475 = tpu.memref_slice %arg6[%dma_start3A_474] : memref<512xi32, #tpu.memory_space<vmem>> -> memref<128xi32, #tpu.memory_space<vmem>>
    %dma_start3A_476 = arith.constant 0 : i32
    %dma_start3A_477 = arith.constant 0 : i32
    %dma_start3A_478 = tpu.memref_slice %arg3[%dma_start3A_476, %dma_start3A_477] : memref<2048x384xi32, #tpu.memory_space<hbm>> -> memref<2048x384xi32, #tpu.memory_space<hbm>>
    tpu.enqueue_indirect_dma source(%dma_start3A_478 : memref<2048x384xi32, #tpu.memory_space<hbm>>) target(%dma_start3A_473 : memref<128x384xi32, #tpu.memory_space<vmem>>) offsets(%dma_start3A_475 : memref<128xi32, #tpu.memory_space<vmem>>) semaphore(%arg8 : memref<!tpu.dma_semaphore, #tpu.memory_space<semaphore_mem>>)
    %dma_wait3A_479 = arith.constant 0 : i32
    %dma_wait3A_480 = arith.constant 0 : i32
    %dma_wait3A_481 = arith.constant 0 : i32
    %dma_wait3A_482 = tpu.memref_slice %arg7[%dma_wait3A_479, %dma_wait3A_480, %dma_wait3A_481] : memref<2x128x384xi32, #tpu.memory_space<vmem>> -> memref<1x128x384xi32, #tpu.memory_space<vmem>>
    %dma_wait3A_483 = tpu.memref_squeeze %dma_wait3A_482 : memref<1x128x384xi32, #tpu.memory_space<vmem>> -> memref<128x384xi32, #tpu.memory_space<vmem>>
    %dma_wait3A_484 = arith.constant 256 : i32
    %dma_wait3A_485 = tpu.memref_slice %arg6[%dma_wait3A_484] : memref<512xi32, #tpu.memory_space<vmem>> -> memref<128xi32, #tpu.memory_space<vmem>>
    %dma_wait3A_486 = arith.constant 0 : i32
    %dma_wait3A_487 = arith.constant 0 : i32
    %dma_wait3A_488 = tpu.memref_slice %arg3[%dma_wait3A_486, %dma_wait3A_487] : memref<2048x384xi32, #tpu.memory_space<hbm>> -> memref<2048x384xi32, #tpu.memory_space<hbm>>
    tpu.wait_indirect_dma semaphore(%arg8 : memref<!tpu.dma_semaphore, #tpu.memory_space<semaphore_mem>>) src(%dma_wait3A_488 : memref<2048x384xi32, #tpu.memory_space<hbm>>) dst(%dma_wait3A_483 : memref<128x384xi32, #tpu.memory_space<vmem>>)
    %dma_start3A_489 = arith.constant 0 : i32
    %dma_start3A_490 = arith.constant 2 : i32
    %dma_start3A_491 = arith.constant 0 : i32
    %dma_start3A_492 = arith.constant 0 : i32
    %dma_start3A_493 = tpu.memref_slice %arg7[%dma_start3A_489, %dma_start3A_491, %dma_start3A_492] : memref<2x128x384xi32, #tpu.memory_space<vmem>> -> memref<1x128x384xi32, #tpu.memory_space<vmem>>
    %dma_start3A_494 = tpu.memref_squeeze %dma_start3A_493 : memref<1x128x384xi32, #tpu.memory_space<vmem>> -> memref<128x384xi32, #tpu.memory_space<vmem>>
    %dma_start3A_495 = arith.constant 0 : i32
    %dma_start3A_496 = tpu.memref_slice %arg5[%dma_start3A_490, %dma_start3A_495] : memref<4x128xi32, #tpu.memory_space<vmem>> -> memref<1x128xi32, #tpu.memory_space<vmem>>
    %dma_start3A_497 = tpu.memref_squeeze %dma_start3A_496 : memref<1x128xi32, #tpu.memory_space<vmem>> -> memref<128xi32, #tpu.memory_space<vmem>>
    %dma_start3A_498 = arith.constant 0 : i32
    %dma_start3A_499 = arith.constant 0 : i32
    %dma_start3A_500 = tpu.memref_slice %arg4[%dma_start3A_498, %dma_start3A_499] : memref<49152x384xi32, #tpu.memory_space<hbm>> -> memref<49152x384xi32, #tpu.memory_space<hbm>>
    tpu.enqueue_indirect_dma source(%dma_start3A_494 : memref<128x384xi32, #tpu.memory_space<vmem>>) target(%dma_start3A_500 : memref<49152x384xi32, #tpu.memory_space<hbm>>) offsets(%dma_start3A_497 : memref<128xi32, #tpu.memory_space<vmem>>) semaphore(%arg9 : memref<!tpu.dma_semaphore, #tpu.memory_space<semaphore_mem>>)
    %dma_wait3A_501 = arith.constant 1 : i32
    %dma_wait3A_502 = arith.constant 1 : i32
    %dma_wait3A_503 = arith.constant 0 : i32
    %dma_wait3A_504 = arith.constant 0 : i32
    %dma_wait3A_505 = tpu.memref_slice %arg7[%dma_wait3A_501, %dma_wait3A_503, %dma_wait3A_504] : memref<2x128x384xi32, #tpu.memory_space<vmem>> -> memref<1x128x384xi32, #tpu.memory_space<vmem>>
    %dma_wait3A_506 = tpu.memref_squeeze %dma_wait3A_505 : memref<1x128x384xi32, #tpu.memory_space<vmem>> -> memref<128x384xi32, #tpu.memory_space<vmem>>
    %dma_wait3A_507 = arith.constant 0 : i32
    %dma_wait3A_508 = tpu.memref_slice %arg5[%dma_wait3A_502, %dma_wait3A_507] : memref<4x128xi32, #tpu.memory_space<vmem>> -> memref<1x128xi32, #tpu.memory_space<vmem>>
    %dma_wait3A_509 = tpu.memref_squeeze %dma_wait3A_508 : memref<1x128xi32, #tpu.memory_space<vmem>> -> memref<128xi32, #tpu.memory_space<vmem>>
    %dma_wait3A_510 = arith.constant 0 : i32
    %dma_wait3A_511 = arith.constant 0 : i32
    %dma_wait3A_512 = tpu.memref_slice %arg4[%dma_wait3A_510, %dma_wait3A_511] : memref<49152x384xi32, #tpu.memory_space<hbm>> -> memref<49152x384xi32, #tpu.memory_space<hbm>>
    tpu.wait_indirect_dma semaphore(%arg9 : memref<!tpu.dma_semaphore, #tpu.memory_space<semaphore_mem>>) src(%dma_wait3A_506 : memref<128x384xi32, #tpu.memory_space<vmem>>) dst(%dma_wait3A_512 : memref<49152x384xi32, #tpu.memory_space<hbm>>)
    %dma_start3A_513 = arith.constant 1 : i32
    %dma_start3A_514 = arith.constant 0 : i32
    %dma_start3A_515 = arith.constant 0 : i32
    %dma_start3A_516 = tpu.memref_slice %arg7[%dma_start3A_513, %dma_start3A_514, %dma_start3A_515] : memref<2x128x384xi32, #tpu.memory_space<vmem>> -> memref<1x128x384xi32, #tpu.memory_space<vmem>>
    %dma_start3A_517 = tpu.memref_squeeze %dma_start3A_516 : memref<1x128x384xi32, #tpu.memory_space<vmem>> -> memref<128x384xi32, #tpu.memory_space<vmem>>
    %dma_start3A_518 = arith.constant 384 : i32
    %dma_start3A_519 = tpu.memref_slice %arg6[%dma_start3A_518] : memref<512xi32, #tpu.memory_space<vmem>> -> memref<128xi32, #tpu.memory_space<vmem>>
    %dma_start3A_520 = arith.constant 0 : i32
    %dma_start3A_521 = arith.constant 0 : i32
    %dma_start3A_522 = tpu.memref_slice %arg3[%dma_start3A_520, %dma_start3A_521] : memref<2048x384xi32, #tpu.memory_space<hbm>> -> memref<2048x384xi32, #tpu.memory_space<hbm>>
    tpu.enqueue_indirect_dma source(%dma_start3A_522 : memref<2048x384xi32, #tpu.memory_space<hbm>>) target(%dma_start3A_517 : memref<128x384xi32, #tpu.memory_space<vmem>>) offsets(%dma_start3A_519 : memref<128xi32, #tpu.memory_space<vmem>>) semaphore(%arg8 : memref<!tpu.dma_semaphore, #tpu.memory_space<semaphore_mem>>)
    %dma_wait3A_523 = arith.constant 1 : i32
    %dma_wait3A_524 = arith.constant 0 : i32
    %dma_wait3A_525 = arith.constant 0 : i32
    %dma_wait3A_526 = tpu.memref_slice %arg7[%dma_wait3A_523, %dma_wait3A_524, %dma_wait3A_525] : memref<2x128x384xi32, #tpu.memory_space<vmem>> -> memref<1x128x384xi32, #tpu.memory_space<vmem>>
    %dma_wait3A_527 = tpu.memref_squeeze %dma_wait3A_526 : memref<1x128x384xi32, #tpu.memory_space<vmem>> -> memref<128x384xi32, #tpu.memory_space<vmem>>
    %dma_wait3A_528 = arith.constant 384 : i32
    %dma_wait3A_529 = tpu.memref_slice %arg6[%dma_wait3A_528] : memref<512xi32, #tpu.memory_space<vmem>> -> memref<128xi32, #tpu.memory_space<vmem>>
    %dma_wait3A_530 = arith.constant 0 : i32
    %dma_wait3A_531 = arith.constant 0 : i32
    %dma_wait3A_532 = tpu.memref_slice %arg3[%dma_wait3A_530, %dma_wait3A_531] : memref<2048x384xi32, #tpu.memory_space<hbm>> -> memref<2048x384xi32, #tpu.memory_space<hbm>>
    tpu.wait_indirect_dma semaphore(%arg8 : memref<!tpu.dma_semaphore, #tpu.memory_space<semaphore_mem>>) src(%dma_wait3A_532 : memref<2048x384xi32, #tpu.memory_space<hbm>>) dst(%dma_wait3A_527 : memref<128x384xi32, #tpu.memory_space<vmem>>)
    %dma_start3A_533 = arith.constant 1 : i32
    %dma_start3A_534 = arith.constant 3 : i32
    %dma_start3A_535 = arith.constant 0 : i32
    %dma_start3A_536 = arith.constant 0 : i32
    %dma_start3A_537 = tpu.memref_slice %arg7[%dma_start3A_533, %dma_start3A_535, %dma_start3A_536] : memref<2x128x384xi32, #tpu.memory_space<vmem>> -> memref<1x128x384xi32, #tpu.memory_space<vmem>>
    %dma_start3A_538 = tpu.memref_squeeze %dma_start3A_537 : memref<1x128x384xi32, #tpu.memory_space<vmem>> -> memref<128x384xi32, #tpu.memory_space<vmem>>
    %dma_start3A_539 = arith.constant 0 : i32
    %dma_start3A_540 = tpu.memref_slice %arg5[%dma_start3A_534, %dma_start3A_539] : memref<4x128xi32, #tpu.memory_space<vmem>> -> memref<1x128xi32, #tpu.memory_space<vmem>>
    %dma_start3A_541 = tpu.memref_squeeze %dma_start3A_540 : memref<1x128xi32, #tpu.memory_space<vmem>> -> memref<128xi32, #tpu.memory_space<vmem>>
    %dma_start3A_542 = arith.constant 0 : i32
    %dma_start3A_543 = arith.constant 0 : i32
    %dma_start3A_544 = tpu.memref_slice %arg4[%dma_start3A_542, %dma_start3A_543] : memref<49152x384xi32, #tpu.memory_space<hbm>> -> memref<49152x384xi32, #tpu.memory_space<hbm>>
    tpu.enqueue_indirect_dma source(%dma_start3A_538 : memref<128x384xi32, #tpu.memory_space<vmem>>) target(%dma_start3A_544 : memref<49152x384xi32, #tpu.memory_space<hbm>>) offsets(%dma_start3A_541 : memref<128xi32, #tpu.memory_space<vmem>>) semaphore(%arg9 : memref<!tpu.dma_semaphore, #tpu.memory_space<semaphore_mem>>)
    %dma_wait3A_545 = arith.constant 0 : i32
    %dma_wait3A_546 = arith.constant 2 : i32
    %dma_wait3A_547 = arith.constant 0 : i32
    %dma_wait3A_548 = arith.constant 0 : i32
    %dma_wait3A_549 = tpu.memref_slice %arg7[%dma_wait3A_545, %dma_wait3A_547, %dma_wait3A_548] : memref<2x128x384xi32, #tpu.memory_space<vmem>> -> memref<1x128x384xi32, #tpu.memory_space<vmem>>
    %dma_wait3A_550 = tpu.memref_squeeze %dma_wait3A_549 : memref<1x128x384xi32, #tpu.memory_space<vmem>> -> memref<128x384xi32, #tpu.memory_space<vmem>>
    %dma_wait3A_551 = arith.constant 0 : i32
    %dma_wait3A_552 = tpu.memref_slice %arg5[%dma_wait3A_546, %dma_wait3A_551] : memref<4x128xi32, #tpu.memory_space<vmem>> -> memref<1x128xi32, #tpu.memory_space<vmem>>
    %dma_wait3A_553 = tpu.memref_squeeze %dma_wait3A_552 : memref<1x128xi32, #tpu.memory_space<vmem>> -> memref<128xi32, #tpu.memory_space<vmem>>
    %dma_wait3A_554 = arith.constant 0 : i32
    %dma_wait3A_555 = arith.constant 0 : i32
    %dma_wait3A_556 = tpu.memref_slice %arg4[%dma_wait3A_554, %dma_wait3A_555] : memref<49152x384xi32, #tpu.memory_space<hbm>> -> memref<49152x384xi32, #tpu.memory_space<hbm>>
    tpu.wait_indirect_dma semaphore(%arg9 : memref<!tpu.dma_semaphore, #tpu.memory_space<semaphore_mem>>) src(%dma_wait3A_550 : memref<128x384xi32, #tpu.memory_space<vmem>>) dst(%dma_wait3A_556 : memref<49152x384xi32, #tpu.memory_space<hbm>>)
    %dma_wait3A_557 = arith.constant 1 : i32
    %dma_wait3A_558 = arith.constant 3 : i32
    %dma_wait3A_559 = arith.constant 0 : i32
    %dma_wait3A_560 = arith.constant 0 : i32
    %dma_wait3A_561 = tpu.memref_slice %arg7[%dma_wait3A_557, %dma_wait3A_559, %dma_wait3A_560] : memref<2x128x384xi32, #tpu.memory_space<vmem>> -> memref<1x128x384xi32, #tpu.memory_space<vmem>>
    %dma_wait3A_562 = tpu.memref_squeeze %dma_wait3A_561 : memref<1x128x384xi32, #tpu.memory_space<vmem>> -> memref<128x384xi32, #tpu.memory_space<vmem>>
    %dma_wait3A_563 = arith.constant 0 : i32
    %dma_wait3A_564 = tpu.memref_slice %arg5[%dma_wait3A_558, %dma_wait3A_563] : memref<4x128xi32, #tpu.memory_space<vmem>> -> memref<1x128xi32, #tpu.memory_space<vmem>>
    %dma_wait3A_565 = tpu.memref_squeeze %dma_wait3A_564 : memref<1x128xi32, #tpu.memory_space<vmem>> -> memref<128xi32, #tpu.memory_space<vmem>>
    %dma_wait3A_566 = arith.constant 0 : i32
    %dma_wait3A_567 = arith.constant 0 : i32
    %dma_wait3A_568 = tpu.memref_slice %arg4[%dma_wait3A_566, %dma_wait3A_567] : memref<49152x384xi32, #tpu.memory_space<hbm>> -> memref<49152x384xi32, #tpu.memory_space<hbm>>
    tpu.wait_indirect_dma semaphore(%arg9 : memref<!tpu.dma_semaphore, #tpu.memory_space<semaphore_mem>>) src(%dma_wait3A_562 : memref<128x384xi32, #tpu.memory_space<vmem>>) dst(%dma_wait3A_568 : memref<49152x384xi32, #tpu.memory_space<hbm>>)
    return
  }
}

#map = affine_map<(d0, d1) -> (0)>
#map1 = affine_map<(d0, d1) -> (0, 0)>
module attributes {stable_mosaic.version = 14 : i64} {
  func.func @_sc_gather_back(%arg0: i32, %arg1: i32, %arg2: memref<16384xi32, #tpu.memory_space<hbm>>, %arg3: memref<49152x384xi32, #tpu.memory_space<hbm>>, %arg4: memref<16384x384xi32, #tpu.memory_space<hbm>>, %arg5: memref<512xi32, #tpu.memory_space<vmem>>, %arg6: memref<2x128x384xi32, #tpu.memory_space<vmem>>, %arg7: memref<!tpu.dma_semaphore, #tpu.memory_space<semaphore_mem>>, %arg8: memref<!tpu.dma_semaphore, #tpu.memory_space<semaphore_mem>>) attributes {dimension_semantics = [#tpu.dimension_semantics<core_parallel>, #tpu.dimension_semantics<subcore_parallel>], iteration_bounds = array<i64: 2, 16>, scalar_prefetch = 0 : i64, scratch_operands = 4 : i64, tpu.core_type = #tpu.core_type<sc_vector_subcore>, window_params = [{transform_indices = #map}, {transform_indices = #map1}, {transform_indices = #map1}]} {
    %mul3A = arith.constant 2 : i32
    %mul3A_0 = arith.muli %arg1, %mul3A : i32
    %add3A = arith.addi %mul3A_0, %arg0 : i32
    %mul3A_1 = arith.constant 512 : i32
    %mul3A_2 = arith.muli %add3A, %mul3A_1 : i32
    "tpu.region"() ({
      %run_scoped3A = tpu.sem_alloc : memref<!tpu.dma_semaphore, #tpu.memory_space<semaphore_mem>>
      %dma_start3A_201 = tpu.memref_slice %arg2[%mul3A_2] : memref<16384xi32, #tpu.memory_space<hbm>> -> memref<512xi32, #tpu.memory_space<hbm>>
      %dma_start3A_202 = tpu.memref_slice %arg2[%mul3A_2] : memref<16384xi32, #tpu.memory_space<hbm>> -> memref<512xi32, #tpu.memory_space<hbm>>
      tpu.enqueue_dma source(%dma_start3A_202 : memref<512xi32, #tpu.memory_space<hbm>>) target(%arg5 : memref<512xi32, #tpu.memory_space<vmem>>) target_semaphore(%run_scoped3A : memref<!tpu.dma_semaphore, #tpu.memory_space<semaphore_mem>>)
      %dma_wait3A_203 = tpu.memref_slice %arg2[%mul3A_2] : memref<16384xi32, #tpu.memory_space<hbm>> -> memref<512xi32, #tpu.memory_space<hbm>>
      %dma_wait3A_204 = tpu.memref_slice %arg2[%mul3A_2] : memref<16384xi32, #tpu.memory_space<hbm>> -> memref<512xi32, #tpu.memory_space<hbm>>
      tpu.wait_dma2 semaphore(%run_scoped3A : memref<!tpu.dma_semaphore, #tpu.memory_space<semaphore_mem>>) src(%dma_wait3A_204 : memref<512xi32, #tpu.memory_space<hbm>>) dst(%arg5 : memref<512xi32, #tpu.memory_space<vmem>>)
      tpu.yield
    }) : () -> ()
    %dma_start3A = arith.constant 0 : i32
    %dma_start3A_3 = arith.constant 0 : i32
    %dma_start3A_4 = arith.constant 0 : i32
    %dma_start3A_5 = tpu.memref_slice %arg6[%dma_start3A, %dma_start3A_3, %dma_start3A_4] : memref<2x128x384xi32, #tpu.memory_space<vmem>> -> memref<1x128x384xi32, #tpu.memory_space<vmem>>
    %dma_start3A_6 = tpu.memref_squeeze %dma_start3A_5 : memref<1x128x384xi32, #tpu.memory_space<vmem>> -> memref<128x384xi32, #tpu.memory_space<vmem>>
    %dma_start3A_7 = arith.constant 0 : i32
    %dma_start3A_8 = tpu.memref_slice %arg5[%dma_start3A_7] : memref<512xi32, #tpu.memory_space<vmem>> -> memref<128xi32, #tpu.memory_space<vmem>>
    %dma_start3A_9 = arith.constant 0 : i32
    %dma_start3A_10 = arith.constant 0 : i32
    %dma_start3A_11 = tpu.memref_slice %arg3[%dma_start3A_9, %dma_start3A_10] : memref<49152x384xi32, #tpu.memory_space<hbm>> -> memref<49152x384xi32, #tpu.memory_space<hbm>>
    tpu.enqueue_indirect_dma source(%dma_start3A_11 : memref<49152x384xi32, #tpu.memory_space<hbm>>) target(%dma_start3A_6 : memref<128x384xi32, #tpu.memory_space<vmem>>) offsets(%dma_start3A_8 : memref<128xi32, #tpu.memory_space<vmem>>) semaphore(%arg7 : memref<!tpu.dma_semaphore, #tpu.memory_space<semaphore_mem>>)
    %dma_wait3A = arith.constant 0 : i32
    %dma_wait3A_12 = arith.constant 0 : i32
    %dma_wait3A_13 = arith.constant 0 : i32
    %dma_wait3A_14 = tpu.memref_slice %arg6[%dma_wait3A, %dma_wait3A_12, %dma_wait3A_13] : memref<2x128x384xi32, #tpu.memory_space<vmem>> -> memref<1x128x384xi32, #tpu.memory_space<vmem>>
    %dma_wait3A_15 = tpu.memref_squeeze %dma_wait3A_14 : memref<1x128x384xi32, #tpu.memory_space<vmem>> -> memref<128x384xi32, #tpu.memory_space<vmem>>
    %dma_wait3A_16 = arith.constant 0 : i32
    %dma_wait3A_17 = tpu.memref_slice %arg5[%dma_wait3A_16] : memref<512xi32, #tpu.memory_space<vmem>> -> memref<128xi32, #tpu.memory_space<vmem>>
    %dma_wait3A_18 = arith.constant 0 : i32
    %dma_wait3A_19 = arith.constant 0 : i32
    %dma_wait3A_20 = tpu.memref_slice %arg3[%dma_wait3A_18, %dma_wait3A_19] : memref<49152x384xi32, #tpu.memory_space<hbm>> -> memref<49152x384xi32, #tpu.memory_space<hbm>>
    tpu.wait_indirect_dma semaphore(%arg7 : memref<!tpu.dma_semaphore, #tpu.memory_space<semaphore_mem>>) src(%dma_wait3A_20 : memref<49152x384xi32, #tpu.memory_space<hbm>>) dst(%dma_wait3A_15 : memref<128x384xi32, #tpu.memory_space<vmem>>)
    %add3A_21 = arith.constant 0 : i32
    %add3A_22 = arith.addi %mul3A_2, %add3A_21 : i32
    %dma_start3A_23 = arith.constant 0 : i32
    %dma_start3A_24 = arith.constant 0 : i32
    %dma_start3A_25 = arith.constant 0 : i32
    %dma_start3A_26 = tpu.memref_slice %arg6[%dma_start3A_23, %dma_start3A_24, %dma_start3A_25] : memref<2x128x384xi32, #tpu.memory_space<vmem>> -> memref<1x128x384xi32, #tpu.memory_space<vmem>>
    %dma_start3A_27 = tpu.memref_squeeze %dma_start3A_26 : memref<1x128x384xi32, #tpu.memory_space<vmem>> -> memref<128x384xi32, #tpu.memory_space<vmem>>
    %dma_start3A_28 = arith.constant 0 : i32
    %dma_start3A_29 = tpu.memref_slice %arg4[%add3A_22, %dma_start3A_28] : memref<16384x384xi32, #tpu.memory_space<hbm>> -> memref<128x384xi32, #tpu.memory_space<hbm>>
    %dma_start3A_30 = arith.constant 0 : i32
    %dma_start3A_31 = tpu.memref_slice %arg4[%add3A_22, %dma_start3A_30] : memref<16384x384xi32, #tpu.memory_space<hbm>> -> memref<128x384xi32, #tpu.memory_space<hbm>>
    %dma_start3A_32 = arith.constant 0 : i32
    %dma_start3A_33 = arith.constant 0 : i32
    %dma_start3A_34 = tpu.memref_slice %arg6[%dma_start3A_23, %dma_start3A_32, %dma_start3A_33] : memref<2x128x384xi32, #tpu.memory_space<vmem>> -> memref<1x128x384xi32, #tpu.memory_space<vmem>>
    %dma_start3A_35 = tpu.memref_squeeze %dma_start3A_34 : memref<1x128x384xi32, #tpu.memory_space<vmem>> -> memref<128x384xi32, #tpu.memory_space<vmem>>
    tpu.enqueue_dma source(%dma_start3A_35 : memref<128x384xi32, #tpu.memory_space<vmem>>) target(%dma_start3A_31 : memref<128x384xi32, #tpu.memory_space<hbm>>) target_semaphore(%arg8 : memref<!tpu.dma_semaphore, #tpu.memory_space<semaphore_mem>>)
    %dma_start3A_36 = arith.constant 1 : i32
    %dma_start3A_37 = arith.constant 0 : i32
    %dma_start3A_38 = arith.constant 0 : i32
    %dma_start3A_39 = tpu.memref_slice %arg6[%dma_start3A_36, %dma_start3A_37, %dma_start3A_38] : memref<2x128x384xi32, #tpu.memory_space<vmem>> -> memref<1x128x384xi32, #tpu.memory_space<vmem>>
    %dma_start3A_40 = tpu.memref_squeeze %dma_start3A_39 : memref<1x128x384xi32, #tpu.memory_space<vmem>> -> memref<128x384xi32, #tpu.memory_space<vmem>>
    %dma_start3A_41 = arith.constant 128 : i32
    %dma_start3A_42 = tpu.memref_slice %arg5[%dma_start3A_41] : memref<512xi32, #tpu.memory_space<vmem>> -> memref<128xi32, #tpu.memory_space<vmem>>
    %dma_start3A_43 = arith.constant 0 : i32
    %dma_start3A_44 = arith.constant 0 : i32
    %dma_start3A_45 = tpu.memref_slice %arg3[%dma_start3A_43, %dma_start3A_44] : memref<49152x384xi32, #tpu.memory_space<hbm>> -> memref<49152x384xi32, #tpu.memory_space<hbm>>
    tpu.enqueue_indirect_dma source(%dma_start3A_45 : memref<49152x384xi32, #tpu.memory_space<hbm>>) target(%dma_start3A_40 : memref<128x384xi32, #tpu.memory_space<vmem>>) offsets(%dma_start3A_42 : memref<128xi32, #tpu.memory_space<vmem>>) semaphore(%arg7 : memref<!tpu.dma_semaphore, #tpu.memory_space<semaphore_mem>>)
    %dma_wait3A_46 = arith.constant 1 : i32
    %dma_wait3A_47 = arith.constant 0 : i32
    %dma_wait3A_48 = arith.constant 0 : i32
    %dma_wait3A_49 = tpu.memref_slice %arg6[%dma_wait3A_46, %dma_wait3A_47, %dma_wait3A_48] : memref<2x128x384xi32, #tpu.memory_space<vmem>> -> memref<1x128x384xi32, #tpu.memory_space<vmem>>
    %dma_wait3A_50 = tpu.memref_squeeze %dma_wait3A_49 : memref<1x128x384xi32, #tpu.memory_space<vmem>> -> memref<128x384xi32, #tpu.memory_space<vmem>>
    %dma_wait3A_51 = arith.constant 128 : i32
    %dma_wait3A_52 = tpu.memref_slice %arg5[%dma_wait3A_51] : memref<512xi32, #tpu.memory_space<vmem>> -> memref<128xi32, #tpu.memory_space<vmem>>
    %dma_wait3A_53 = arith.constant 0 : i32
    %dma_wait3A_54 = arith.constant 0 : i32
    %dma_wait3A_55 = tpu.memref_slice %arg3[%dma_wait3A_53, %dma_wait3A_54] : memref<49152x384xi32, #tpu.memory_space<hbm>> -> memref<49152x384xi32, #tpu.memory_space<hbm>>
    tpu.wait_indirect_dma semaphore(%arg7 : memref<!tpu.dma_semaphore, #tpu.memory_space<semaphore_mem>>) src(%dma_wait3A_55 : memref<49152x384xi32, #tpu.memory_space<hbm>>) dst(%dma_wait3A_50 : memref<128x384xi32, #tpu.memory_space<vmem>>)
    %add3A_56 = arith.constant 128 : i32
    %add3A_57 = arith.addi %mul3A_2, %add3A_56 : i32
    %dma_start3A_58 = arith.constant 1 : i32
    %dma_start3A_59 = arith.constant 0 : i32
    %dma_start3A_60 = arith.constant 0 : i32
    %dma_start3A_61 = tpu.memref_slice %arg6[%dma_start3A_58, %dma_start3A_59, %dma_start3A_60] : memref<2x128x384xi32, #tpu.memory_space<vmem>> -> memref<1x128x384xi32, #tpu.memory_space<vmem>>
    %dma_start3A_62 = tpu.memref_squeeze %dma_start3A_61 : memref<1x128x384xi32, #tpu.memory_space<vmem>> -> memref<128x384xi32, #tpu.memory_space<vmem>>
    %dma_start3A_63 = arith.constant 0 : i32
    %dma_start3A_64 = tpu.memref_slice %arg4[%add3A_57, %dma_start3A_63] : memref<16384x384xi32, #tpu.memory_space<hbm>> -> memref<128x384xi32, #tpu.memory_space<hbm>>
    %dma_start3A_65 = arith.constant 0 : i32
    %dma_start3A_66 = tpu.memref_slice %arg4[%add3A_57, %dma_start3A_65] : memref<16384x384xi32, #tpu.memory_space<hbm>> -> memref<128x384xi32, #tpu.memory_space<hbm>>
    %dma_start3A_67 = arith.constant 0 : i32
    %dma_start3A_68 = arith.constant 0 : i32
    %dma_start3A_69 = tpu.memref_slice %arg6[%dma_start3A_58, %dma_start3A_67, %dma_start3A_68] : memref<2x128x384xi32, #tpu.memory_space<vmem>> -> memref<1x128x384xi32, #tpu.memory_space<vmem>>
    %dma_start3A_70 = tpu.memref_squeeze %dma_start3A_69 : memref<1x128x384xi32, #tpu.memory_space<vmem>> -> memref<128x384xi32, #tpu.memory_space<vmem>>
    tpu.enqueue_dma source(%dma_start3A_70 : memref<128x384xi32, #tpu.memory_space<vmem>>) target(%dma_start3A_66 : memref<128x384xi32, #tpu.memory_space<hbm>>) target_semaphore(%arg8 : memref<!tpu.dma_semaphore, #tpu.memory_space<semaphore_mem>>)
    %add3A_71 = arith.constant 0 : i32
    %add3A_72 = arith.addi %mul3A_2, %add3A_71 : i32
    %dma_wait3A_73 = arith.constant 0 : i32
    %dma_wait3A_74 = arith.constant 0 : i32
    %dma_wait3A_75 = arith.constant 0 : i32
    %dma_wait3A_76 = tpu.memref_slice %arg6[%dma_wait3A_73, %dma_wait3A_74, %dma_wait3A_75] : memref<2x128x384xi32, #tpu.memory_space<vmem>> -> memref<1x128x384xi32, #tpu.memory_space<vmem>>
    %dma_wait3A_77 = tpu.memref_squeeze %dma_wait3A_76 : memref<1x128x384xi32, #tpu.memory_space<vmem>> -> memref<128x384xi32, #tpu.memory_space<vmem>>
    %dma_wait3A_78 = arith.constant 0 : i32
    %dma_wait3A_79 = tpu.memref_slice %arg4[%add3A_72, %dma_wait3A_78] : memref<16384x384xi32, #tpu.memory_space<hbm>> -> memref<128x384xi32, #tpu.memory_space<hbm>>
    %dma_wait3A_80 = arith.constant 0 : i32
    %dma_wait3A_81 = tpu.memref_slice %arg4[%add3A_72, %dma_wait3A_80] : memref<16384x384xi32, #tpu.memory_space<hbm>> -> memref<128x384xi32, #tpu.memory_space<hbm>>
    %dma_wait3A_82 = arith.constant 0 : i32
    %dma_wait3A_83 = arith.constant 0 : i32
    %dma_wait3A_84 = tpu.memref_slice %arg6[%dma_wait3A_73, %dma_wait3A_82, %dma_wait3A_83] : memref<2x128x384xi32, #tpu.memory_space<vmem>> -> memref<1x128x384xi32, #tpu.memory_space<vmem>>
    %dma_wait3A_85 = tpu.memref_squeeze %dma_wait3A_84 : memref<1x128x384xi32, #tpu.memory_space<vmem>> -> memref<128x384xi32, #tpu.memory_space<vmem>>
    tpu.wait_dma2 semaphore(%arg8 : memref<!tpu.dma_semaphore, #tpu.memory_space<semaphore_mem>>) src(%dma_wait3A_85 : memref<128x384xi32, #tpu.memory_space<vmem>>) dst(%dma_wait3A_81 : memref<128x384xi32, #tpu.memory_space<hbm>>)
    %dma_start3A_86 = arith.constant 0 : i32
    %dma_start3A_87 = arith.constant 0 : i32
    %dma_start3A_88 = arith.constant 0 : i32
    %dma_start3A_89 = tpu.memref_slice %arg6[%dma_start3A_86, %dma_start3A_87, %dma_start3A_88] : memref<2x128x384xi32, #tpu.memory_space<vmem>> -> memref<1x128x384xi32, #tpu.memory_space<vmem>>
    %dma_start3A_90 = tpu.memref_squeeze %dma_start3A_89 : memref<1x128x384xi32, #tpu.memory_space<vmem>> -> memref<128x384xi32, #tpu.memory_space<vmem>>
    %dma_start3A_91 = arith.constant 256 : i32
    %dma_start3A_92 = tpu.memref_slice %arg5[%dma_start3A_91] : memref<512xi32, #tpu.memory_space<vmem>> -> memref<128xi32, #tpu.memory_space<vmem>>
    %dma_start3A_93 = arith.constant 0 : i32
    %dma_start3A_94 = arith.constant 0 : i32
    %dma_start3A_95 = tpu.memref_slice %arg3[%dma_start3A_93, %dma_start3A_94] : memref<49152x384xi32, #tpu.memory_space<hbm>> -> memref<49152x384xi32, #tpu.memory_space<hbm>>
    tpu.enqueue_indirect_dma source(%dma_start3A_95 : memref<49152x384xi32, #tpu.memory_space<hbm>>) target(%dma_start3A_90 : memref<128x384xi32, #tpu.memory_space<vmem>>) offsets(%dma_start3A_92 : memref<128xi32, #tpu.memory_space<vmem>>) semaphore(%arg7 : memref<!tpu.dma_semaphore, #tpu.memory_space<semaphore_mem>>)
    %dma_wait3A_96 = arith.constant 0 : i32
    %dma_wait3A_97 = arith.constant 0 : i32
    %dma_wait3A_98 = arith.constant 0 : i32
    %dma_wait3A_99 = tpu.memref_slice %arg6[%dma_wait3A_96, %dma_wait3A_97, %dma_wait3A_98] : memref<2x128x384xi32, #tpu.memory_space<vmem>> -> memref<1x128x384xi32, #tpu.memory_space<vmem>>
    %dma_wait3A_100 = tpu.memref_squeeze %dma_wait3A_99 : memref<1x128x384xi32, #tpu.memory_space<vmem>> -> memref<128x384xi32, #tpu.memory_space<vmem>>
    %dma_wait3A_101 = arith.constant 256 : i32
    %dma_wait3A_102 = tpu.memref_slice %arg5[%dma_wait3A_101] : memref<512xi32, #tpu.memory_space<vmem>> -> memref<128xi32, #tpu.memory_space<vmem>>
    %dma_wait3A_103 = arith.constant 0 : i32
    %dma_wait3A_104 = arith.constant 0 : i32
    %dma_wait3A_105 = tpu.memref_slice %arg3[%dma_wait3A_103, %dma_wait3A_104] : memref<49152x384xi32, #tpu.memory_space<hbm>> -> memref<49152x384xi32, #tpu.memory_space<hbm>>
    tpu.wait_indirect_dma semaphore(%arg7 : memref<!tpu.dma_semaphore, #tpu.memory_space<semaphore_mem>>) src(%dma_wait3A_105 : memref<49152x384xi32, #tpu.memory_space<hbm>>) dst(%dma_wait3A_100 : memref<128x384xi32, #tpu.memory_space<vmem>>)
    %add3A_106 = arith.constant 256 : i32
    %add3A_107 = arith.addi %mul3A_2, %add3A_106 : i32
    %dma_start3A_108 = arith.constant 0 : i32
    %dma_start3A_109 = arith.constant 0 : i32
    %dma_start3A_110 = arith.constant 0 : i32
    %dma_start3A_111 = tpu.memref_slice %arg6[%dma_start3A_108, %dma_start3A_109, %dma_start3A_110] : memref<2x128x384xi32, #tpu.memory_space<vmem>> -> memref<1x128x384xi32, #tpu.memory_space<vmem>>
    %dma_start3A_112 = tpu.memref_squeeze %dma_start3A_111 : memref<1x128x384xi32, #tpu.memory_space<vmem>> -> memref<128x384xi32, #tpu.memory_space<vmem>>
    %dma_start3A_113 = arith.constant 0 : i32
    %dma_start3A_114 = tpu.memref_slice %arg4[%add3A_107, %dma_start3A_113] : memref<16384x384xi32, #tpu.memory_space<hbm>> -> memref<128x384xi32, #tpu.memory_space<hbm>>
    %dma_start3A_115 = arith.constant 0 : i32
    %dma_start3A_116 = tpu.memref_slice %arg4[%add3A_107, %dma_start3A_115] : memref<16384x384xi32, #tpu.memory_space<hbm>> -> memref<128x384xi32, #tpu.memory_space<hbm>>
    %dma_start3A_117 = arith.constant 0 : i32
    %dma_start3A_118 = arith.constant 0 : i32
    %dma_start3A_119 = tpu.memref_slice %arg6[%dma_start3A_108, %dma_start3A_117, %dma_start3A_118] : memref<2x128x384xi32, #tpu.memory_space<vmem>> -> memref<1x128x384xi32, #tpu.memory_space<vmem>>
    %dma_start3A_120 = tpu.memref_squeeze %dma_start3A_119 : memref<1x128x384xi32, #tpu.memory_space<vmem>> -> memref<128x384xi32, #tpu.memory_space<vmem>>
    tpu.enqueue_dma source(%dma_start3A_120 : memref<128x384xi32, #tpu.memory_space<vmem>>) target(%dma_start3A_116 : memref<128x384xi32, #tpu.memory_space<hbm>>) target_semaphore(%arg8 : memref<!tpu.dma_semaphore, #tpu.memory_space<semaphore_mem>>)
    %add3A_121 = arith.constant 128 : i32
    %add3A_122 = arith.addi %mul3A_2, %add3A_121 : i32
    %dma_wait3A_123 = arith.constant 1 : i32
    %dma_wait3A_124 = arith.constant 0 : i32
    %dma_wait3A_125 = arith.constant 0 : i32
    %dma_wait3A_126 = tpu.memref_slice %arg6[%dma_wait3A_123, %dma_wait3A_124, %dma_wait3A_125] : memref<2x128x384xi32, #tpu.memory_space<vmem>> -> memref<1x128x384xi32, #tpu.memory_space<vmem>>
    %dma_wait3A_127 = tpu.memref_squeeze %dma_wait3A_126 : memref<1x128x384xi32, #tpu.memory_space<vmem>> -> memref<128x384xi32, #tpu.memory_space<vmem>>
    %dma_wait3A_128 = arith.constant 0 : i32
    %dma_wait3A_129 = tpu.memref_slice %arg4[%add3A_122, %dma_wait3A_128] : memref<16384x384xi32, #tpu.memory_space<hbm>> -> memref<128x384xi32, #tpu.memory_space<hbm>>
    %dma_wait3A_130 = arith.constant 0 : i32
    %dma_wait3A_131 = tpu.memref_slice %arg4[%add3A_122, %dma_wait3A_130] : memref<16384x384xi32, #tpu.memory_space<hbm>> -> memref<128x384xi32, #tpu.memory_space<hbm>>
    %dma_wait3A_132 = arith.constant 0 : i32
    %dma_wait3A_133 = arith.constant 0 : i32
    %dma_wait3A_134 = tpu.memref_slice %arg6[%dma_wait3A_123, %dma_wait3A_132, %dma_wait3A_133] : memref<2x128x384xi32, #tpu.memory_space<vmem>> -> memref<1x128x384xi32, #tpu.memory_space<vmem>>
    %dma_wait3A_135 = tpu.memref_squeeze %dma_wait3A_134 : memref<1x128x384xi32, #tpu.memory_space<vmem>> -> memref<128x384xi32, #tpu.memory_space<vmem>>
    tpu.wait_dma2 semaphore(%arg8 : memref<!tpu.dma_semaphore, #tpu.memory_space<semaphore_mem>>) src(%dma_wait3A_135 : memref<128x384xi32, #tpu.memory_space<vmem>>) dst(%dma_wait3A_131 : memref<128x384xi32, #tpu.memory_space<hbm>>)
    %dma_start3A_136 = arith.constant 1 : i32
    %dma_start3A_137 = arith.constant 0 : i32
    %dma_start3A_138 = arith.constant 0 : i32
    %dma_start3A_139 = tpu.memref_slice %arg6[%dma_start3A_136, %dma_start3A_137, %dma_start3A_138] : memref<2x128x384xi32, #tpu.memory_space<vmem>> -> memref<1x128x384xi32, #tpu.memory_space<vmem>>
    %dma_start3A_140 = tpu.memref_squeeze %dma_start3A_139 : memref<1x128x384xi32, #tpu.memory_space<vmem>> -> memref<128x384xi32, #tpu.memory_space<vmem>>
    %dma_start3A_141 = arith.constant 384 : i32
    %dma_start3A_142 = tpu.memref_slice %arg5[%dma_start3A_141] : memref<512xi32, #tpu.memory_space<vmem>> -> memref<128xi32, #tpu.memory_space<vmem>>
    %dma_start3A_143 = arith.constant 0 : i32
    %dma_start3A_144 = arith.constant 0 : i32
    %dma_start3A_145 = tpu.memref_slice %arg3[%dma_start3A_143, %dma_start3A_144] : memref<49152x384xi32, #tpu.memory_space<hbm>> -> memref<49152x384xi32, #tpu.memory_space<hbm>>
    tpu.enqueue_indirect_dma source(%dma_start3A_145 : memref<49152x384xi32, #tpu.memory_space<hbm>>) target(%dma_start3A_140 : memref<128x384xi32, #tpu.memory_space<vmem>>) offsets(%dma_start3A_142 : memref<128xi32, #tpu.memory_space<vmem>>) semaphore(%arg7 : memref<!tpu.dma_semaphore, #tpu.memory_space<semaphore_mem>>)
    %dma_wait3A_146 = arith.constant 1 : i32
    %dma_wait3A_147 = arith.constant 0 : i32
    %dma_wait3A_148 = arith.constant 0 : i32
    %dma_wait3A_149 = tpu.memref_slice %arg6[%dma_wait3A_146, %dma_wait3A_147, %dma_wait3A_148] : memref<2x128x384xi32, #tpu.memory_space<vmem>> -> memref<1x128x384xi32, #tpu.memory_space<vmem>>
    %dma_wait3A_150 = tpu.memref_squeeze %dma_wait3A_149 : memref<1x128x384xi32, #tpu.memory_space<vmem>> -> memref<128x384xi32, #tpu.memory_space<vmem>>
    %dma_wait3A_151 = arith.constant 384 : i32
    %dma_wait3A_152 = tpu.memref_slice %arg5[%dma_wait3A_151] : memref<512xi32, #tpu.memory_space<vmem>> -> memref<128xi32, #tpu.memory_space<vmem>>
    %dma_wait3A_153 = arith.constant 0 : i32
    %dma_wait3A_154 = arith.constant 0 : i32
    %dma_wait3A_155 = tpu.memref_slice %arg3[%dma_wait3A_153, %dma_wait3A_154] : memref<49152x384xi32, #tpu.memory_space<hbm>> -> memref<49152x384xi32, #tpu.memory_space<hbm>>
    tpu.wait_indirect_dma semaphore(%arg7 : memref<!tpu.dma_semaphore, #tpu.memory_space<semaphore_mem>>) src(%dma_wait3A_155 : memref<49152x384xi32, #tpu.memory_space<hbm>>) dst(%dma_wait3A_150 : memref<128x384xi32, #tpu.memory_space<vmem>>)
    %add3A_156 = arith.constant 384 : i32
    %add3A_157 = arith.addi %mul3A_2, %add3A_156 : i32
    %dma_start3A_158 = arith.constant 1 : i32
    %dma_start3A_159 = arith.constant 0 : i32
    %dma_start3A_160 = arith.constant 0 : i32
    %dma_start3A_161 = tpu.memref_slice %arg6[%dma_start3A_158, %dma_start3A_159, %dma_start3A_160] : memref<2x128x384xi32, #tpu.memory_space<vmem>> -> memref<1x128x384xi32, #tpu.memory_space<vmem>>
    %dma_start3A_162 = tpu.memref_squeeze %dma_start3A_161 : memref<1x128x384xi32, #tpu.memory_space<vmem>> -> memref<128x384xi32, #tpu.memory_space<vmem>>
    %dma_start3A_163 = arith.constant 0 : i32
    %dma_start3A_164 = tpu.memref_slice %arg4[%add3A_157, %dma_start3A_163] : memref<16384x384xi32, #tpu.memory_space<hbm>> -> memref<128x384xi32, #tpu.memory_space<hbm>>
    %dma_start3A_165 = arith.constant 0 : i32
    %dma_start3A_166 = tpu.memref_slice %arg4[%add3A_157, %dma_start3A_165] : memref<16384x384xi32, #tpu.memory_space<hbm>> -> memref<128x384xi32, #tpu.memory_space<hbm>>
    %dma_start3A_167 = arith.constant 0 : i32
    %dma_start3A_168 = arith.constant 0 : i32
    %dma_start3A_169 = tpu.memref_slice %arg6[%dma_start3A_158, %dma_start3A_167, %dma_start3A_168] : memref<2x128x384xi32, #tpu.memory_space<vmem>> -> memref<1x128x384xi32, #tpu.memory_space<vmem>>
    %dma_start3A_170 = tpu.memref_squeeze %dma_start3A_169 : memref<1x128x384xi32, #tpu.memory_space<vmem>> -> memref<128x384xi32, #tpu.memory_space<vmem>>
    tpu.enqueue_dma source(%dma_start3A_170 : memref<128x384xi32, #tpu.memory_space<vmem>>) target(%dma_start3A_166 : memref<128x384xi32, #tpu.memory_space<hbm>>) target_semaphore(%arg8 : memref<!tpu.dma_semaphore, #tpu.memory_space<semaphore_mem>>)
    %add3A_171 = arith.constant 256 : i32
    %add3A_172 = arith.addi %mul3A_2, %add3A_171 : i32
    %dma_wait3A_173 = arith.constant 0 : i32
    %dma_wait3A_174 = arith.constant 0 : i32
    %dma_wait3A_175 = arith.constant 0 : i32
    %dma_wait3A_176 = tpu.memref_slice %arg6[%dma_wait3A_173, %dma_wait3A_174, %dma_wait3A_175] : memref<2x128x384xi32, #tpu.memory_space<vmem>> -> memref<1x128x384xi32, #tpu.memory_space<vmem>>
    %dma_wait3A_177 = tpu.memref_squeeze %dma_wait3A_176 : memref<1x128x384xi32, #tpu.memory_space<vmem>> -> memref<128x384xi32, #tpu.memory_space<vmem>>
    %dma_wait3A_178 = arith.constant 0 : i32
    %dma_wait3A_179 = tpu.memref_slice %arg4[%add3A_172, %dma_wait3A_178] : memref<16384x384xi32, #tpu.memory_space<hbm>> -> memref<128x384xi32, #tpu.memory_space<hbm>>
    %dma_wait3A_180 = arith.constant 0 : i32
    %dma_wait3A_181 = tpu.memref_slice %arg4[%add3A_172, %dma_wait3A_180] : memref<16384x384xi32, #tpu.memory_space<hbm>> -> memref<128x384xi32, #tpu.memory_space<hbm>>
    %dma_wait3A_182 = arith.constant 0 : i32
    %dma_wait3A_183 = arith.constant 0 : i32
    %dma_wait3A_184 = tpu.memref_slice %arg6[%dma_wait3A_173, %dma_wait3A_182, %dma_wait3A_183] : memref<2x128x384xi32, #tpu.memory_space<vmem>> -> memref<1x128x384xi32, #tpu.memory_space<vmem>>
    %dma_wait3A_185 = tpu.memref_squeeze %dma_wait3A_184 : memref<1x128x384xi32, #tpu.memory_space<vmem>> -> memref<128x384xi32, #tpu.memory_space<vmem>>
    tpu.wait_dma2 semaphore(%arg8 : memref<!tpu.dma_semaphore, #tpu.memory_space<semaphore_mem>>) src(%dma_wait3A_185 : memref<128x384xi32, #tpu.memory_space<vmem>>) dst(%dma_wait3A_181 : memref<128x384xi32, #tpu.memory_space<hbm>>)
    %add3A_186 = arith.constant 384 : i32
    %add3A_187 = arith.addi %mul3A_2, %add3A_186 : i32
    %dma_wait3A_188 = arith.constant 1 : i32
    %dma_wait3A_189 = arith.constant 0 : i32
    %dma_wait3A_190 = arith.constant 0 : i32
    %dma_wait3A_191 = tpu.memref_slice %arg6[%dma_wait3A_188, %dma_wait3A_189, %dma_wait3A_190] : memref<2x128x384xi32, #tpu.memory_space<vmem>> -> memref<1x128x384xi32, #tpu.memory_space<vmem>>
    %dma_wait3A_192 = tpu.memref_squeeze %dma_wait3A_191 : memref<1x128x384xi32, #tpu.memory_space<vmem>> -> memref<128x384xi32, #tpu.memory_space<vmem>>
    %dma_wait3A_193 = arith.constant 0 : i32
    %dma_wait3A_194 = tpu.memref_slice %arg4[%add3A_187, %dma_wait3A_193] : memref<16384x384xi32, #tpu.memory_space<hbm>> -> memref<128x384xi32, #tpu.memory_space<hbm>>
    %dma_wait3A_195 = arith.constant 0 : i32
    %dma_wait3A_196 = tpu.memref_slice %arg4[%add3A_187, %dma_wait3A_195] : memref<16384x384xi32, #tpu.memory_space<hbm>> -> memref<128x384xi32, #tpu.memory_space<hbm>>
    %dma_wait3A_197 = arith.constant 0 : i32
    %dma_wait3A_198 = arith.constant 0 : i32
    %dma_wait3A_199 = tpu.memref_slice %arg6[%dma_wait3A_188, %dma_wait3A_197, %dma_wait3A_198] : memref<2x128x384xi32, #tpu.memory_space<vmem>> -> memref<1x128x384xi32, #tpu.memory_space<vmem>>
    %dma_wait3A_200 = tpu.memref_squeeze %dma_wait3A_199 : memref<1x128x384xi32, #tpu.memory_space<vmem>> -> memref<128x384xi32, #tpu.memory_space<vmem>>
    tpu.wait_dma2 semaphore(%arg8 : memref<!tpu.dma_semaphore, #tpu.memory_space<semaphore_mem>>) src(%dma_wait3A_200 : memref<128x384xi32, #tpu.memory_space<vmem>>) dst(%dma_wait3A_196 : memref<128x384xi32, #tpu.memory_space<hbm>>)
    return
  }
}

module attributes {stable_mosaic.version = 14 : i64} {
  func.func @_ffn_kernel(%arg0: i32, %arg1: memref<256xi32, #tpu.memory_space<smem>>, %arg2: memref<1xi32, #tpu.memory_space<smem>>, %arg3: memref<512x384xi32, #tpu.memory_space<vmem>>, %arg4: memref<1x768x384xf32, #tpu.memory_space<vmem>>, %arg5: memref<1x768x384xf32, #tpu.memory_space<vmem>>, %arg6: memref<1x384x768xf32, #tpu.memory_space<vmem>>, %arg7: memref<512x384xi32, #tpu.memory_space<vmem>>) attributes {dimension_semantics = [#tpu.dimension_semantics<arbitrary>], iteration_bounds = array<i64: 96>, scalar_prefetch = 2 : i64, scratch_operands = 0 : i64, tpu.core_type = #tpu.core_type<tc>, window_params = [{transform_indices = @transform_0, window_bounds = array<i64: 512, 384>}, {transform_indices = @transform_1, window_bounds = array<i64: 1, 768, 384>}, {transform_indices = @transform_2, window_bounds = array<i64: 1, 768, 384>}, {transform_indices = @transform_3, window_bounds = array<i64: 1, 384, 768>}, {transform_indices = @transform_4, window_bounds = array<i64: 512, 384>}]} {
    %get3A = arith.constant 0 : index
    %get3A_0 = memref.load %arg2[%get3A] : memref<1xi32, #tpu.memory_space<smem>>
    %lt3A = arith.cmpi slt, %arg0, %get3A_0 : i32
    %convert_element_type3A = arith.extui %lt3A : i1 to i32
    %cond3A = arith.constant 0 : i32
    %cond3A_1 = arith.cmpi ne, %convert_element_type3A, %cond3A : i32
    scf.if %cond3A_1 {
      %get3A_2 = arith.constant 0 : index
      %get3A_3 = arith.constant 0 : index
      %get3A_4 = vector.load %arg3[%get3A_2, %get3A_3] : memref<512x384xi32, #tpu.memory_space<vmem>>, vector<512x384xi32>
      %shift_left3A = arith.constant 16 : i32
      %shift_left3A_5 = vector.broadcast %shift_left3A : i32 to vector<512x384xi32>
      %shift_left3A_6 = arith.shli %get3A_4, %shift_left3A_5 : vector<512x384xi32>
      %bitcast_convert_type3A = tpu.bitcast %shift_left3A_6 : vector<512x384xi32> -> vector<512x384xf32>
      %and3A = arith.constant -65536 : i32
      %and3A_7 = vector.broadcast %and3A : i32 to vector<512x384xi32>
      %and3A_8 = arith.andi %get3A_4, %and3A_7 : vector<512x384xi32>
      %bitcast_convert_type3A_9 = tpu.bitcast %and3A_8 : vector<512x384xi32> -> vector<512x384xf32>
      %convert_element_type3A_10 = arith.truncf %bitcast_convert_type3A : vector<512x384xf32> to vector<512x384xbf16>
      %convert_element_type3A_11 = arith.truncf %bitcast_convert_type3A_9 : vector<512x384xf32> to vector<512x384xbf16>
      %get3A_12 = arith.constant 0 : index
      %get3A_13 = arith.constant 0 : index
      %get3A_14 = arith.constant 0 : index
      %get3A_15 = vector.load %arg4[%get3A_12, %get3A_13, %get3A_14] : memref<1x768x384xf32, #tpu.memory_space<vmem>>, vector<1x384x384xf32>
      %get3A_16 = vector.shape_cast %get3A_15 : vector<1x384x384xf32> to vector<384x384xf32>
      %convert_element_type3A_17 = arith.truncf %get3A_16 : vector<384x384xf32> to vector<384x384xbf16>
      %dot_general3A = arith.constant dense<0.000000e+00> : vector<512x384xf32>
      %dot_general3A_18 = tpu.matmul %convert_element_type3A_10, %convert_element_type3A_17, %dot_general3A {dimension_numbers = #tpu.dot_dimension_numbers<[1], [0], [0], [1], [0, 0, 1, 1], [], []>, transpose_lhs_hint = false} : vector<512x384xbf16>, vector<384x384xbf16>, vector<512x384xf32> -> vector<512x384xf32>
      %get3A_19 = arith.constant 0 : index
      %get3A_20 = arith.constant 384 : index
      %get3A_21 = arith.constant 0 : index
      %get3A_22 = vector.load %arg4[%get3A_19, %get3A_20, %get3A_21] : memref<1x768x384xf32, #tpu.memory_space<vmem>>, vector<1x384x384xf32>
      %get3A_23 = vector.shape_cast %get3A_22 : vector<1x384x384xf32> to vector<384x384xf32>
      %convert_element_type3A_24 = arith.truncf %get3A_23 : vector<384x384xf32> to vector<384x384xbf16>
      %dot_general3A_25 = arith.constant dense<0.000000e+00> : vector<512x384xf32>
      %dot_general3A_26 = tpu.matmul %convert_element_type3A_11, %convert_element_type3A_24, %dot_general3A_25 {dimension_numbers = #tpu.dot_dimension_numbers<[1], [0], [0], [1], [0, 0, 1, 1], [], []>, transpose_lhs_hint = false} : vector<512x384xbf16>, vector<384x384xbf16>, vector<512x384xf32> -> vector<512x384xf32>
      %add3A = arith.addf %dot_general3A_18, %dot_general3A_26 : vector<512x384xf32>
      %get3A_27 = arith.constant 0 : index
      %get3A_28 = arith.constant 0 : index
      %get3A_29 = arith.constant 0 : index
      %get3A_30 = vector.load %arg5[%get3A_27, %get3A_28, %get3A_29] : memref<1x768x384xf32, #tpu.memory_space<vmem>>, vector<1x384x384xf32>
      %get3A_31 = vector.shape_cast %get3A_30 : vector<1x384x384xf32> to vector<384x384xf32>
      %convert_element_type3A_32 = arith.truncf %get3A_31 : vector<384x384xf32> to vector<384x384xbf16>
      %dot_general3A_33 = arith.constant dense<0.000000e+00> : vector<512x384xf32>
      %dot_general3A_34 = tpu.matmul %convert_element_type3A_10, %convert_element_type3A_32, %dot_general3A_33 {dimension_numbers = #tpu.dot_dimension_numbers<[1], [0], [0], [1], [0, 0, 1, 1], [], []>, transpose_lhs_hint = false} : vector<512x384xbf16>, vector<384x384xbf16>, vector<512x384xf32> -> vector<512x384xf32>
      %get3A_35 = arith.constant 0 : index
      %get3A_36 = arith.constant 384 : index
      %get3A_37 = arith.constant 0 : index
      %get3A_38 = vector.load %arg5[%get3A_35, %get3A_36, %get3A_37] : memref<1x768x384xf32, #tpu.memory_space<vmem>>, vector<1x384x384xf32>
      %get3A_39 = vector.shape_cast %get3A_38 : vector<1x384x384xf32> to vector<384x384xf32>
      %convert_element_type3A_40 = arith.truncf %get3A_39 : vector<384x384xf32> to vector<384x384xbf16>
      %dot_general3A_41 = arith.constant dense<0.000000e+00> : vector<512x384xf32>
      %dot_general3A_42 = tpu.matmul %convert_element_type3A_11, %convert_element_type3A_40, %dot_general3A_41 {dimension_numbers = #tpu.dot_dimension_numbers<[1], [0], [0], [1], [0, 0, 1, 1], [], []>, transpose_lhs_hint = false} : vector<512x384xbf16>, vector<384x384xbf16>, vector<512x384xf32> -> vector<512x384xf32>
      %add3A_43 = arith.addf %dot_general3A_34, %dot_general3A_42 : vector<512x384xf32>
      %logistic3A = arith.negf %add3A : vector<512x384xf32>
      %logistic3A_44 = math.exp %logistic3A : vector<512x384xf32>
      %logistic3A_45 = arith.constant 1.000000e+00 : f32
      %logistic3A_46 = vector.broadcast %logistic3A_45 : f32 to vector<512x384xf32>
      %logistic3A_47 = arith.addf %logistic3A_46, %logistic3A_44 : vector<512x384xf32>
      %logistic3A_48 = arith.divf %logistic3A_46, %logistic3A_47 : vector<512x384xf32>
      %mul3A = arith.mulf %add3A, %logistic3A_48 : vector<512x384xf32>
      %mul3A_49 = arith.mulf %mul3A, %add3A_43 : vector<512x384xf32>
      %convert_element_type3A_50 = arith.truncf %mul3A_49 : vector<512x384xf32> to vector<512x384xbf16>
      %get3A_51 = arith.constant 0 : index
      %get3A_52 = arith.constant 0 : index
      %get3A_53 = arith.constant 0 : index
      %get3A_54 = vector.load %arg6[%get3A_51, %get3A_52, %get3A_53] : memref<1x384x768xf32, #tpu.memory_space<vmem>>, vector<1x384x768xf32>
      %get3A_55 = vector.shape_cast %get3A_54 : vector<1x384x768xf32> to vector<384x768xf32>
      %convert_element_type3A_56 = arith.truncf %get3A_55 : vector<384x768xf32> to vector<384x768xbf16>
      %dot_general3A_57 = arith.constant dense<0.000000e+00> : vector<512x768xf32>
      %dot_general3A_58 = tpu.matmul %convert_element_type3A_50, %convert_element_type3A_56, %dot_general3A_57 {dimension_numbers = #tpu.dot_dimension_numbers<[1], [0], [0], [1], [0, 0, 1, 1], [], []>, transpose_lhs_hint = false} : vector<512x384xbf16>, vector<384x768xbf16>, vector<512x768xf32> -> vector<512x768xf32>
      %slice3A = vector.extract_strided_slice %dot_general3A_58 {offsets = [0, 0], sizes = [512, 384], strides = [1, 1]} : vector<512x768xf32> to vector<512x384xf32>
      %convert_element_type3A_59 = arith.truncf %slice3A : vector<512x384xf32> to vector<512x384xbf16>
      %slice3A_60 = vector.extract_strided_slice %dot_general3A_58 {offsets = [0, 384], sizes = [512, 384], strides = [1, 1]} : vector<512x768xf32> to vector<512x384xf32>
      %convert_element_type3A_61 = arith.truncf %slice3A_60 : vector<512x384xf32> to vector<512x384xbf16>
      %bitcast_convert_type3A_62 = tpu.bitcast %convert_element_type3A_59 : vector<512x384xbf16> -> vector<512x384xi16>
      %convert_element_type3A_63 = arith.extsi %bitcast_convert_type3A_62 : vector<512x384xi16> to vector<512x384xi32>
      %bitcast_convert_type3A_64 = tpu.bitcast %convert_element_type3A_61 : vector<512x384xbf16> -> vector<512x384xi16>
      %convert_element_type3A_65 = arith.extsi %bitcast_convert_type3A_64 : vector<512x384xi16> to vector<512x384xi32>
      %and3A_66 = arith.constant 65535 : i32
      %and3A_67 = vector.broadcast %and3A_66 : i32 to vector<512x384xi32>
      %and3A_68 = arith.andi %convert_element_type3A_63, %and3A_67 : vector<512x384xi32>
      %shift_left3A_69 = arith.constant 16 : i32
      %shift_left3A_70 = vector.broadcast %shift_left3A_69 : i32 to vector<512x384xi32>
      %shift_left3A_71 = arith.shli %convert_element_type3A_65, %shift_left3A_70 : vector<512x384xi32>
      %or3A = arith.ori %and3A_68, %shift_left3A_71 : vector<512x384xi32>
      %swap3A = arith.constant 0 : index
      %swap3A_72 = arith.constant 0 : index
      %swap3A_73 = vector.load %arg7[%swap3A, %swap3A_72] : memref<512x384xi32, #tpu.memory_space<vmem>>, vector<512x384xi32>
      tpu.vector_store %arg7[%swap3A, %swap3A_72], %or3A {strides = array<i32>} : memref<512x384xi32, #tpu.memory_space<vmem>>, vector<512x384xi32>,
    } else {
    }
    return
  }
  func.func @transform_0(%arg0: i32, %arg1: memref<256xi32, #tpu.memory_space<smem>>, %arg2: memref<1xi32, #tpu.memory_space<smem>>) -> (i32, i32) {
    %c0_i32 = arith.constant 0 : i32
    %c0_i32_0 = arith.constant 0 : i32
    return %arg0, %c0_i32 : i32, i32
  }
  func.func @transform_1(%arg0: i32, %arg1: memref<256xi32, #tpu.memory_space<smem>>, %arg2: memref<1xi32, #tpu.memory_space<smem>>) -> (i32, i32, i32) {
    %get3A = arith.index_cast %arg0 : i32 to index
    %get3A_0 = memref.load %arg1[%get3A] : memref<256xi32, #tpu.memory_space<smem>>
    %c0_i32 = arith.constant 0 : i32
    %c0_i32_1 = arith.constant 0 : i32
    %c0_i32_2 = arith.constant 0 : i32
    return %get3A_0, %c0_i32, %c0_i32_1 : i32, i32, i32
  }
  func.func @transform_2(%arg0: i32, %arg1: memref<256xi32, #tpu.memory_space<smem>>, %arg2: memref<1xi32, #tpu.memory_space<smem>>) -> (i32, i32, i32) {
    %get3A = arith.index_cast %arg0 : i32 to index
    %get3A_0 = memref.load %arg1[%get3A] : memref<256xi32, #tpu.memory_space<smem>>
    %c0_i32 = arith.constant 0 : i32
    %c0_i32_1 = arith.constant 0 : i32
    %c0_i32_2 = arith.constant 0 : i32
    return %get3A_0, %c0_i32, %c0_i32_1 : i32, i32, i32
  }
  func.func @transform_3(%arg0: i32, %arg1: memref<256xi32, #tpu.memory_space<smem>>, %arg2: memref<1xi32, #tpu.memory_space<smem>>) -> (i32, i32, i32) {
    %get3A = arith.index_cast %arg0 : i32 to index
    %get3A_0 = memref.load %arg1[%get3A] : memref<256xi32, #tpu.memory_space<smem>>
    %c0_i32 = arith.constant 0 : i32
    %c0_i32_1 = arith.constant 0 : i32
    %c0_i32_2 = arith.constant 0 : i32
    return %get3A_0, %c0_i32, %c0_i32_1 : i32, i32, i32
  }
  func.func @transform_4(%arg0: i32, %arg1: memref<256xi32, #tpu.memory_space<smem>>, %arg2: memref<1xi32, #tpu.memory_space<smem>>) -> (i32, i32) {
    %c0_i32 = arith.constant 0 : i32
    %c0_i32_0 = arith.constant 0 : i32
    return %arg0, %c0_i32 : i32, i32
  }
}

module attributes {stable_mosaic.version = 14 : i64} {
  func.func @_router_meta_kernel(%arg0: memref<2048x768xf32, #tpu.memory_space<vmem>>, %arg1: memref<64x768xf32, #tpu.memory_space<vmem>>, %arg2: memref<2048x8xf32, #tpu.memory_space<vmem>>, %arg3: memref<2048x8xi32, #tpu.memory_space<vmem>>, %arg4: memref<1x256xi32, #tpu.memory_space<vmem>>, %arg5: memref<1x1xi32, #tpu.memory_space<vmem>>, %arg6: memref<2048x384xi32, #tpu.memory_space<vmem>>, %arg7: memref<2048x64xf32, #tpu.memory_space<vmem>>, %arg8: memref<2048x64xf32, #tpu.memory_space<vmem>>) attributes {dimension_semantics = [], scalar_prefetch = 0 : i64, scratch_operands = 2 : i64, tpu.core_type = #tpu.core_type<tc>} {
    %get3A = arith.constant 0 : index
    %get3A_0 = arith.constant 0 : index
    %get3A_1 = vector.load %arg0[%get3A, %get3A_0] : memref<2048x768xf32, #tpu.memory_space<vmem>>, vector<2048x768xf32>
    %slice3A = vector.extract_strided_slice %get3A_1 {offsets = [0, 0], sizes = [2048, 384], strides = [1, 1]} : vector<2048x768xf32> to vector<2048x384xf32>
    %convert_element_type3A = arith.truncf %slice3A : vector<2048x384xf32> to vector<2048x384xbf16>
    %slice3A_2 = vector.extract_strided_slice %get3A_1 {offsets = [0, 384], sizes = [2048, 384], strides = [1, 1]} : vector<2048x768xf32> to vector<2048x384xf32>
    %convert_element_type3A_3 = arith.truncf %slice3A_2 : vector<2048x384xf32> to vector<2048x384xbf16>
    %bitcast_convert_type3A = tpu.bitcast %convert_element_type3A : vector<2048x384xbf16> -> vector<2048x384xi16>
    %convert_element_type3A_4 = arith.extsi %bitcast_convert_type3A : vector<2048x384xi16> to vector<2048x384xi32>
    %bitcast_convert_type3A_5 = tpu.bitcast %convert_element_type3A_3 : vector<2048x384xbf16> -> vector<2048x384xi16>
    %convert_element_type3A_6 = arith.extsi %bitcast_convert_type3A_5 : vector<2048x384xi16> to vector<2048x384xi32>
    %and3A = arith.constant 65535 : i32
    %and3A_7 = vector.broadcast %and3A : i32 to vector<2048x384xi32>
    %and3A_8 = arith.andi %convert_element_type3A_4, %and3A_7 : vector<2048x384xi32>
    %shift_left3A = arith.constant 16 : i32
    %shift_left3A_9 = vector.broadcast %shift_left3A : i32 to vector<2048x384xi32>
    %shift_left3A_10 = arith.shli %convert_element_type3A_6, %shift_left3A_9 : vector<2048x384xi32>
    %or3A = arith.ori %and3A_8, %shift_left3A_10 : vector<2048x384xi32>
    %swap3A = arith.constant 0 : index
    %swap3A_11 = arith.constant 0 : index
    %swap3A_12 = vector.load %arg6[%swap3A, %swap3A_11] : memref<2048x384xi32, #tpu.memory_space<vmem>>, vector<2048x384xi32>
    tpu.vector_store %arg6[%swap3A, %swap3A_11], %or3A {strides = array<i32>} : memref<2048x384xi32, #tpu.memory_space<vmem>>, vector<2048x384xi32>,
    %get3A_13 = arith.constant 0 : index
    %get3A_14 = arith.constant 0 : index
    %get3A_15 = vector.load %arg1[%get3A_13, %get3A_14] : memref<64x768xf32, #tpu.memory_space<vmem>>, vector<64x768xf32>
    %dot_general3A = arith.constant dense<0.000000e+00> : vector<2048x64xf32>
    %dot_general3A_16 = tpu.matmul %get3A_1, %get3A_15, %dot_general3A {dimension_numbers = #tpu.dot_dimension_numbers<[1], [1], [0], [0], [0, 0, 1, 0], [], []>, transpose_lhs_hint = false} : vector<2048x768xf32>, vector<64x768xf32>, vector<2048x64xf32> -> vector<2048x64xf32>
    %reduce_max3A = arith.constant dense<0xFF800000> : vector<2048xf32>
    %reduce_max3A_17 = vector.multi_reduction <maximumf>, %dot_general3A_16, %reduce_max3A [1] : vector<2048x64xf32> to vector<2048xf32>
    %broadcast_in_dim3A = vector.shape_cast %reduce_max3A_17 : vector<2048xf32> to vector<2048x1xf32>
    %sub3A = vector.broadcast %broadcast_in_dim3A : vector<2048x1xf32> to vector<2048x64xf32>
    %sub3A_18 = arith.subf %dot_general3A_16, %sub3A : vector<2048x64xf32>
    %exp3A = math.exp %sub3A_18 : vector<2048x64xf32>
    %reduce_sum3A = arith.constant dense<0.000000e+00> : vector<2048xf32>
    %reduce_sum3A_19 = vector.multi_reduction <add>, %exp3A, %reduce_sum3A [1] : vector<2048x64xf32> to vector<2048xf32>
    %broadcast_in_dim3A_20 = vector.shape_cast %reduce_sum3A_19 : vector<2048xf32> to vector<2048x1xf32>
    %div3A = vector.broadcast %broadcast_in_dim3A_20 : vector<2048x1xf32> to vector<2048x64xf32>
    %div3A_21 = arith.divf %exp3A, %div3A : vector<2048x64xf32>
    %iota3A = tpu.iota {dimensions = array<i32: 1>} : vector<2048x64xi32>
    %broadcast_in_dim3A_22 = arith.constant 0.000000e+00 : f32
    %broadcast_in_dim3A_23 = vector.broadcast %broadcast_in_dim3A_22 : f32 to vector<2048x64xf32>
    %reduce_max3A_24 = arith.constant dense<0xFF800000> : vector<2048xf32>
    %reduce_max3A_25 = vector.multi_reduction <maximumf>, %div3A_21, %reduce_max3A_24 [1] : vector<2048x64xf32> to vector<2048xf32>
    %broadcast_in_dim3A_26 = vector.shape_cast %reduce_max3A_25 : vector<2048xf32> to vector<2048x1xf32>
    %eq3A = vector.broadcast %broadcast_in_dim3A_26 : vector<2048x1xf32> to vector<2048x64xf32>
    %eq3A_27 = arith.cmpf oeq, %div3A_21, %eq3A : vector<2048x64xf32>
    %jit3A = arith.constant 64 : i32
    %broadcast_in_dim3A_28 = vector.broadcast %jit3A : i32 to vector<2048x64xi32>
    %select_n3A = arith.select %eq3A_27, %iota3A, %broadcast_in_dim3A_28 : vector<2048x64xi1>, vector<2048x64xi32>
    %reduce_min3A = arith.constant dense<2147483647> : vector<2048xi32>
    %reduce_min3A_29 = vector.multi_reduction <minsi>, %select_n3A, %reduce_min3A [1] : vector<2048x64xi32> to vector<2048xi32>
    %broadcast_in_dim3A_30 = vector.shape_cast %reduce_min3A_29 : vector<2048xi32> to vector<2048x1xi32>
    %eq3A_31 = vector.broadcast %broadcast_in_dim3A_30 : vector<2048x1xi32> to vector<2048x64xi32>
    %eq3A_32 = arith.cmpi eq, %iota3A, %eq3A_31 : vector<2048x64xi32>
    %jit3A_33 = arith.constant 0.000000e+00 : f32
    %broadcast_in_dim3A_34 = vector.broadcast %jit3A_33 : f32 to vector<2048x64xf32>
    %select_n3A_35 = arith.select %eq3A_32, %div3A_21, %broadcast_in_dim3A_34 : vector<2048x64xi1>, vector<2048x64xf32>
    %reduce_sum3A_36 = arith.constant dense<0.000000e+00> : vector<2048xf32>
    %reduce_sum3A_37 = vector.multi_reduction <add>, %select_n3A_35, %reduce_sum3A_36 [1] : vector<2048x64xf32> to vector<2048xf32>
    %broadcast_in_dim3A_38 = vector.shape_cast %reduce_sum3A_37 : vector<2048xf32> to vector<2048x1xf32>
    %jit3A_39 = arith.constant 1.000000e+00 : f32
    %broadcast_in_dim3A_40 = vector.broadcast %jit3A_39 : f32 to vector<2048x64xf32>
    %select_n3A_41 = arith.select %eq3A_32, %broadcast_in_dim3A_40, %broadcast_in_dim3A_23 : vector<2048x64xi1>, vector<2048x64xf32>
    %jit3A_42 = arith.constant 0xFF800000 : f32
    %broadcast_in_dim3A_43 = vector.broadcast %jit3A_42 : f32 to vector<2048x64xf32>
    %select_n3A_44 = arith.select %eq3A_32, %broadcast_in_dim3A_43, %div3A_21 : vector<2048x64xi1>, vector<2048x64xf32>
    %reduce_max3A_45 = arith.constant dense<0xFF800000> : vector<2048xf32>
    %reduce_max3A_46 = vector.multi_reduction <maximumf>, %select_n3A_44, %reduce_max3A_45 [1] : vector<2048x64xf32> to vector<2048xf32>
    %broadcast_in_dim3A_47 = vector.shape_cast %reduce_max3A_46 : vector<2048xf32> to vector<2048x1xf32>
    %eq3A_48 = vector.broadcast %broadcast_in_dim3A_47 : vector<2048x1xf32> to vector<2048x64xf32>
    %eq3A_49 = arith.cmpf oeq, %select_n3A_44, %eq3A_48 : vector<2048x64xf32>
    %jit3A_50 = arith.constant 64 : i32
    %broadcast_in_dim3A_51 = vector.broadcast %jit3A_50 : i32 to vector<2048x64xi32>
    %select_n3A_52 = arith.select %eq3A_49, %iota3A, %broadcast_in_dim3A_51 : vector<2048x64xi1>, vector<2048x64xi32>
    %reduce_min3A_53 = arith.constant dense<2147483647> : vector<2048xi32>
    %reduce_min3A_54 = vector.multi_reduction <minsi>, %select_n3A_52, %reduce_min3A_53 [1] : vector<2048x64xi32> to vector<2048xi32>
    %broadcast_in_dim3A_55 = vector.shape_cast %reduce_min3A_54 : vector<2048xi32> to vector<2048x1xi32>
    %eq3A_56 = vector.broadcast %broadcast_in_dim3A_55 : vector<2048x1xi32> to vector<2048x64xi32>
    %eq3A_57 = arith.cmpi eq, %iota3A, %eq3A_56 : vector<2048x64xi32>
    %jit3A_58 = arith.constant 0.000000e+00 : f32
    %broadcast_in_dim3A_59 = vector.broadcast %jit3A_58 : f32 to vector<2048x64xf32>
    %select_n3A_60 = arith.select %eq3A_57, %div3A_21, %broadcast_in_dim3A_59 : vector<2048x64xi1>, vector<2048x64xf32>
    %reduce_sum3A_61 = arith.constant dense<0.000000e+00> : vector<2048xf32>
    %reduce_sum3A_62 = vector.multi_reduction <add>, %select_n3A_60, %reduce_sum3A_61 [1] : vector<2048x64xf32> to vector<2048xf32>
    %broadcast_in_dim3A_63 = vector.shape_cast %reduce_sum3A_62 : vector<2048xf32> to vector<2048x1xf32>
    %jit3A_64 = arith.constant 1.000000e+00 : f32
    %broadcast_in_dim3A_65 = vector.broadcast %jit3A_64 : f32 to vector<2048x64xf32>
    %select_n3A_66 = arith.select %eq3A_57, %broadcast_in_dim3A_65, %select_n3A_41 : vector<2048x64xi1>, vector<2048x64xf32>
    %jit3A_67 = arith.constant 0xFF800000 : f32
    %broadcast_in_dim3A_68 = vector.broadcast %jit3A_67 : f32 to vector<2048x64xf32>
    %select_n3A_69 = arith.select %eq3A_57, %broadcast_in_dim3A_68, %select_n3A_44 : vector<2048x64xi1>, vector<2048x64xf32>
    %reduce_max3A_70 = arith.constant dense<0xFF800000> : vector<2048xf32>
    %reduce_max3A_71 = vector.multi_reduction <maximumf>, %select_n3A_69, %reduce_max3A_70 [1] : vector<2048x64xf32> to vector<2048xf32>
    %broadcast_in_dim3A_72 = vector.shape_cast %reduce_max3A_71 : vector<2048xf32> to vector<2048x1xf32>
    %eq3A_73 = vector.broadcast %broadcast_in_dim3A_72 : vector<2048x1xf32> to vector<2048x64xf32>
    %eq3A_74 = arith.cmpf oeq, %select_n3A_69, %eq3A_73 : vector<2048x64xf32>
    %jit3A_75 = arith.constant 64 : i32
    %broadcast_in_dim3A_76 = vector.broadcast %jit3A_75 : i32 to vector<2048x64xi32>
    %select_n3A_77 = arith.select %eq3A_74, %iota3A, %broadcast_in_dim3A_76 : vector<2048x64xi1>, vector<2048x64xi32>
    %reduce_min3A_78 = arith.constant dense<2147483647> : vector<2048xi32>
    %reduce_min3A_79 = vector.multi_reduction <minsi>, %select_n3A_77, %reduce_min3A_78 [1] : vector<2048x64xi32> to vector<2048xi32>
    %broadcast_in_dim3A_80 = vector.shape_cast %reduce_min3A_79 : vector<2048xi32> to vector<2048x1xi32>
    %eq3A_81 = vector.broadcast %broadcast_in_dim3A_80 : vector<2048x1xi32> to vector<2048x64xi32>
    %eq3A_82 = arith.cmpi eq, %iota3A, %eq3A_81 : vector<2048x64xi32>
    %jit3A_83 = arith.constant 0.000000e+00 : f32
    %broadcast_in_dim3A_84 = vector.broadcast %jit3A_83 : f32 to vector<2048x64xf32>
    %select_n3A_85 = arith.select %eq3A_82, %div3A_21, %broadcast_in_dim3A_84 : vector<2048x64xi1>, vector<2048x64xf32>
    %reduce_sum3A_86 = arith.constant dense<0.000000e+00> : vector<2048xf32>
    %reduce_sum3A_87 = vector.multi_reduction <add>, %select_n3A_85, %reduce_sum3A_86 [1] : vector<2048x64xf32> to vector<2048xf32>
    %broadcast_in_dim3A_88 = vector.shape_cast %reduce_sum3A_87 : vector<2048xf32> to vector<2048x1xf32>
    %jit3A_89 = arith.constant 1.000000e+00 : f32
    %broadcast_in_dim3A_90 = vector.broadcast %jit3A_89 : f32 to vector<2048x64xf32>
    %select_n3A_91 = arith.select %eq3A_82, %broadcast_in_dim3A_90, %select_n3A_66 : vector<2048x64xi1>, vector<2048x64xf32>
    %jit3A_92 = arith.constant 0xFF800000 : f32
    %broadcast_in_dim3A_93 = vector.broadcast %jit3A_92 : f32 to vector<2048x64xf32>
    %select_n3A_94 = arith.select %eq3A_82, %broadcast_in_dim3A_93, %select_n3A_69 : vector<2048x64xi1>, vector<2048x64xf32>
    %reduce_max3A_95 = arith.constant dense<0xFF800000> : vector<2048xf32>
    %reduce_max3A_96 = vector.multi_reduction <maximumf>, %select_n3A_94, %reduce_max3A_95 [1] : vector<2048x64xf32> to vector<2048xf32>
    %broadcast_in_dim3A_97 = vector.shape_cast %reduce_max3A_96 : vector<2048xf32> to vector<2048x1xf32>
    %eq3A_98 = vector.broadcast %broadcast_in_dim3A_97 : vector<2048x1xf32> to vector<2048x64xf32>
    %eq3A_99 = arith.cmpf oeq, %select_n3A_94, %eq3A_98 : vector<2048x64xf32>
    %jit3A_100 = arith.constant 64 : i32
    %broadcast_in_dim3A_101 = vector.broadcast %jit3A_100 : i32 to vector<2048x64xi32>
    %select_n3A_102 = arith.select %eq3A_99, %iota3A, %broadcast_in_dim3A_101 : vector<2048x64xi1>, vector<2048x64xi32>
    %reduce_min3A_103 = arith.constant dense<2147483647> : vector<2048xi32>
    %reduce_min3A_104 = vector.multi_reduction <minsi>, %select_n3A_102, %reduce_min3A_103 [1] : vector<2048x64xi32> to vector<2048xi32>
    %broadcast_in_dim3A_105 = vector.shape_cast %reduce_min3A_104 : vector<2048xi32> to vector<2048x1xi32>
    %eq3A_106 = vector.broadcast %broadcast_in_dim3A_105 : vector<2048x1xi32> to vector<2048x64xi32>
    %eq3A_107 = arith.cmpi eq, %iota3A, %eq3A_106 : vector<2048x64xi32>
    %jit3A_108 = arith.constant 0.000000e+00 : f32
    %broadcast_in_dim3A_109 = vector.broadcast %jit3A_108 : f32 to vector<2048x64xf32>
    %select_n3A_110 = arith.select %eq3A_107, %div3A_21, %broadcast_in_dim3A_109 : vector<2048x64xi1>, vector<2048x64xf32>
    %reduce_sum3A_111 = arith.constant dense<0.000000e+00> : vector<2048xf32>
    %reduce_sum3A_112 = vector.multi_reduction <add>, %select_n3A_110, %reduce_sum3A_111 [1] : vector<2048x64xf32> to vector<2048xf32>
    %broadcast_in_dim3A_113 = vector.shape_cast %reduce_sum3A_112 : vector<2048xf32> to vector<2048x1xf32>
    %jit3A_114 = arith.constant 1.000000e+00 : f32
    %broadcast_in_dim3A_115 = vector.broadcast %jit3A_114 : f32 to vector<2048x64xf32>
    %select_n3A_116 = arith.select %eq3A_107, %broadcast_in_dim3A_115, %select_n3A_91 : vector<2048x64xi1>, vector<2048x64xf32>
    %jit3A_117 = arith.constant 0xFF800000 : f32
    %broadcast_in_dim3A_118 = vector.broadcast %jit3A_117 : f32 to vector<2048x64xf32>
    %select_n3A_119 = arith.select %eq3A_107, %broadcast_in_dim3A_118, %select_n3A_94 : vector<2048x64xi1>, vector<2048x64xf32>
    %reduce_max3A_120 = arith.constant dense<0xFF800000> : vector<2048xf32>
    %reduce_max3A_121 = vector.multi_reduction <maximumf>, %select_n3A_119, %reduce_max3A_120 [1] : vector<2048x64xf32> to vector<2048xf32>
    %broadcast_in_dim3A_122 = vector.shape_cast %reduce_max3A_121 : vector<2048xf32> to vector<2048x1xf32>
    %eq3A_123 = vector.broadcast %broadcast_in_dim3A_122 : vector<2048x1xf32> to vector<2048x64xf32>
    %eq3A_124 = arith.cmpf oeq, %select_n3A_119, %eq3A_123 : vector<2048x64xf32>
    %jit3A_125 = arith.constant 64 : i32
    %broadcast_in_dim3A_126 = vector.broadcast %jit3A_125 : i32 to vector<2048x64xi32>
    %select_n3A_127 = arith.select %eq3A_124, %iota3A, %broadcast_in_dim3A_126 : vector<2048x64xi1>, vector<2048x64xi32>
    %reduce_min3A_128 = arith.constant dense<2147483647> : vector<2048xi32>
    %reduce_min3A_129 = vector.multi_reduction <minsi>, %select_n3A_127, %reduce_min3A_128 [1] : vector<2048x64xi32> to vector<2048xi32>
    %broadcast_in_dim3A_130 = vector.shape_cast %reduce_min3A_129 : vector<2048xi32> to vector<2048x1xi32>
    %eq3A_131 = vector.broadcast %broadcast_in_dim3A_130 : vector<2048x1xi32> to vector<2048x64xi32>
    %eq3A_132 = arith.cmpi eq, %iota3A, %eq3A_131 : vector<2048x64xi32>
    %jit3A_133 = arith.constant 0.000000e+00 : f32
    %broadcast_in_dim3A_134 = vector.broadcast %jit3A_133 : f32 to vector<2048x64xf32>
    %select_n3A_135 = arith.select %eq3A_132, %div3A_21, %broadcast_in_dim3A_134 : vector<2048x64xi1>, vector<2048x64xf32>
    %reduce_sum3A_136 = arith.constant dense<0.000000e+00> : vector<2048xf32>
    %reduce_sum3A_137 = vector.multi_reduction <add>, %select_n3A_135, %reduce_sum3A_136 [1] : vector<2048x64xf32> to vector<2048xf32>
    %broadcast_in_dim3A_138 = vector.shape_cast %reduce_sum3A_137 : vector<2048xf32> to vector<2048x1xf32>
    %jit3A_139 = arith.constant 1.000000e+00 : f32
    %broadcast_in_dim3A_140 = vector.broadcast %jit3A_139 : f32 to vector<2048x64xf32>
    %select_n3A_141 = arith.select %eq3A_132, %broadcast_in_dim3A_140, %select_n3A_116 : vector<2048x64xi1>, vector<2048x64xf32>
    %jit3A_142 = arith.constant 0xFF800000 : f32
    %broadcast_in_dim3A_143 = vector.broadcast %jit3A_142 : f32 to vector<2048x64xf32>
    %select_n3A_144 = arith.select %eq3A_132, %broadcast_in_dim3A_143, %select_n3A_119 : vector<2048x64xi1>, vector<2048x64xf32>
    %reduce_max3A_145 = arith.constant dense<0xFF800000> : vector<2048xf32>
    %reduce_max3A_146 = vector.multi_reduction <maximumf>, %select_n3A_144, %reduce_max3A_145 [1] : vector<2048x64xf32> to vector<2048xf32>
    %broadcast_in_dim3A_147 = vector.shape_cast %reduce_max3A_146 : vector<2048xf32> to vector<2048x1xf32>
    %eq3A_148 = vector.broadcast %broadcast_in_dim3A_147 : vector<2048x1xf32> to vector<2048x64xf32>
    %eq3A_149 = arith.cmpf oeq, %select_n3A_144, %eq3A_148 : vector<2048x64xf32>
    %jit3A_150 = arith.constant 64 : i32
    %broadcast_in_dim3A_151 = vector.broadcast %jit3A_150 : i32 to vector<2048x64xi32>
    %select_n3A_152 = arith.select %eq3A_149, %iota3A, %broadcast_in_dim3A_151 : vector<2048x64xi1>, vector<2048x64xi32>
    %reduce_min3A_153 = arith.constant dense<2147483647> : vector<2048xi32>
    %reduce_min3A_154 = vector.multi_reduction <minsi>, %select_n3A_152, %reduce_min3A_153 [1] : vector<2048x64xi32> to vector<2048xi32>
    %broadcast_in_dim3A_155 = vector.shape_cast %reduce_min3A_154 : vector<2048xi32> to vector<2048x1xi32>
    %eq3A_156 = vector.broadcast %broadcast_in_dim3A_155 : vector<2048x1xi32> to vector<2048x64xi32>
    %eq3A_157 = arith.cmpi eq, %iota3A, %eq3A_156 : vector<2048x64xi32>
    %jit3A_158 = arith.constant 0.000000e+00 : f32
    %broadcast_in_dim3A_159 = vector.broadcast %jit3A_158 : f32 to vector<2048x64xf32>
    %select_n3A_160 = arith.select %eq3A_157, %div3A_21, %broadcast_in_dim3A_159 : vector<2048x64xi1>, vector<2048x64xf32>
    %reduce_sum3A_161 = arith.constant dense<0.000000e+00> : vector<2048xf32>
    %reduce_sum3A_162 = vector.multi_reduction <add>, %select_n3A_160, %reduce_sum3A_161 [1] : vector<2048x64xf32> to vector<2048xf32>
    %broadcast_in_dim3A_163 = vector.shape_cast %reduce_sum3A_162 : vector<2048xf32> to vector<2048x1xf32>
    %jit3A_164 = arith.constant 1.000000e+00 : f32
    %broadcast_in_dim3A_165 = vector.broadcast %jit3A_164 : f32 to vector<2048x64xf32>
    %select_n3A_166 = arith.select %eq3A_157, %broadcast_in_dim3A_165, %select_n3A_141 : vector<2048x64xi1>, vector<2048x64xf32>
    %jit3A_167 = arith.constant 0xFF800000 : f32
    %broadcast_in_dim3A_168 = vector.broadcast %jit3A_167 : f32 to vector<2048x64xf32>
    %select_n3A_169 = arith.select %eq3A_157, %broadcast_in_dim3A_168, %select_n3A_144 : vector<2048x64xi1>, vector<2048x64xf32>
    %reduce_max3A_170 = arith.constant dense<0xFF800000> : vector<2048xf32>
    %reduce_max3A_171 = vector.multi_reduction <maximumf>, %select_n3A_169, %reduce_max3A_170 [1] : vector<2048x64xf32> to vector<2048xf32>
    %broadcast_in_dim3A_172 = vector.shape_cast %reduce_max3A_171 : vector<2048xf32> to vector<2048x1xf32>
    %eq3A_173 = vector.broadcast %broadcast_in_dim3A_172 : vector<2048x1xf32> to vector<2048x64xf32>
    %eq3A_174 = arith.cmpf oeq, %select_n3A_169, %eq3A_173 : vector<2048x64xf32>
    %jit3A_175 = arith.constant 64 : i32
    %broadcast_in_dim3A_176 = vector.broadcast %jit3A_175 : i32 to vector<2048x64xi32>
    %select_n3A_177 = arith.select %eq3A_174, %iota3A, %broadcast_in_dim3A_176 : vector<2048x64xi1>, vector<2048x64xi32>
    %reduce_min3A_178 = arith.constant dense<2147483647> : vector<2048xi32>
    %reduce_min3A_179 = vector.multi_reduction <minsi>, %select_n3A_177, %reduce_min3A_178 [1] : vector<2048x64xi32> to vector<2048xi32>
    %broadcast_in_dim3A_180 = vector.shape_cast %reduce_min3A_179 : vector<2048xi32> to vector<2048x1xi32>
    %eq3A_181 = vector.broadcast %broadcast_in_dim3A_180 : vector<2048x1xi32> to vector<2048x64xi32>
    %eq3A_182 = arith.cmpi eq, %iota3A, %eq3A_181 : vector<2048x64xi32>
    %jit3A_183 = arith.constant 0.000000e+00 : f32
    %broadcast_in_dim3A_184 = vector.broadcast %jit3A_183 : f32 to vector<2048x64xf32>
    %select_n3A_185 = arith.select %eq3A_182, %div3A_21, %broadcast_in_dim3A_184 : vector<2048x64xi1>, vector<2048x64xf32>
    %reduce_sum3A_186 = arith.constant dense<0.000000e+00> : vector<2048xf32>
    %reduce_sum3A_187 = vector.multi_reduction <add>, %select_n3A_185, %reduce_sum3A_186 [1] : vector<2048x64xf32> to vector<2048xf32>
    %broadcast_in_dim3A_188 = vector.shape_cast %reduce_sum3A_187 : vector<2048xf32> to vector<2048x1xf32>
    %jit3A_189 = arith.constant 1.000000e+00 : f32
    %broadcast_in_dim3A_190 = vector.broadcast %jit3A_189 : f32 to vector<2048x64xf32>
    %select_n3A_191 = arith.select %eq3A_182, %broadcast_in_dim3A_190, %select_n3A_166 : vector<2048x64xi1>, vector<2048x64xf32>
    %jit3A_192 = arith.constant 0xFF800000 : f32
    %broadcast_in_dim3A_193 = vector.broadcast %jit3A_192 : f32 to vector<2048x64xf32>
    %select_n3A_194 = arith.select %eq3A_182, %broadcast_in_dim3A_193, %select_n3A_169 : vector<2048x64xi1>, vector<2048x64xf32>
    %reduce_max3A_195 = arith.constant dense<0xFF800000> : vector<2048xf32>
    %reduce_max3A_196 = vector.multi_reduction <maximumf>, %select_n3A_194, %reduce_max3A_195 [1] : vector<2048x64xf32> to vector<2048xf32>
    %broadcast_in_dim3A_197 = vector.shape_cast %reduce_max3A_196 : vector<2048xf32> to vector<2048x1xf32>
    %eq3A_198 = vector.broadcast %broadcast_in_dim3A_197 : vector<2048x1xf32> to vector<2048x64xf32>
    %eq3A_199 = arith.cmpf oeq, %select_n3A_194, %eq3A_198 : vector<2048x64xf32>
    %jit3A_200 = arith.constant 64 : i32
    %broadcast_in_dim3A_201 = vector.broadcast %jit3A_200 : i32 to vector<2048x64xi32>
    %select_n3A_202 = arith.select %eq3A_199, %iota3A, %broadcast_in_dim3A_201 : vector<2048x64xi1>, vector<2048x64xi32>
    %reduce_min3A_203 = arith.constant dense<2147483647> : vector<2048xi32>
    %reduce_min3A_204 = vector.multi_reduction <minsi>, %select_n3A_202, %reduce_min3A_203 [1] : vector<2048x64xi32> to vector<2048xi32>
    %broadcast_in_dim3A_205 = vector.shape_cast %reduce_min3A_204 : vector<2048xi32> to vector<2048x1xi32>
    %eq3A_206 = vector.broadcast %broadcast_in_dim3A_205 : vector<2048x1xi32> to vector<2048x64xi32>
    %eq3A_207 = arith.cmpi eq, %iota3A, %eq3A_206 : vector<2048x64xi32>
    %jit3A_208 = arith.constant 0.000000e+00 : f32
    %broadcast_in_dim3A_209 = vector.broadcast %jit3A_208 : f32 to vector<2048x64xf32>
    %select_n3A_210 = arith.select %eq3A_207, %div3A_21, %broadcast_in_dim3A_209 : vector<2048x64xi1>, vector<2048x64xf32>
    %reduce_sum3A_211 = arith.constant dense<0.000000e+00> : vector<2048xf32>
    %reduce_sum3A_212 = vector.multi_reduction <add>, %select_n3A_210, %reduce_sum3A_211 [1] : vector<2048x64xf32> to vector<2048xf32>
    %broadcast_in_dim3A_213 = vector.shape_cast %reduce_sum3A_212 : vector<2048xf32> to vector<2048x1xf32>
    %jit3A_214 = arith.constant 1.000000e+00 : f32
    %broadcast_in_dim3A_215 = vector.broadcast %jit3A_214 : f32 to vector<2048x64xf32>
    %select_n3A_216 = arith.select %eq3A_207, %broadcast_in_dim3A_215, %select_n3A_191 : vector<2048x64xi1>, vector<2048x64xf32>
    %concatenate3A = tpu.concatenate %broadcast_in_dim3A_30, %broadcast_in_dim3A_55, %broadcast_in_dim3A_80, %broadcast_in_dim3A_105, %broadcast_in_dim3A_130, %broadcast_in_dim3A_155, %broadcast_in_dim3A_180, %broadcast_in_dim3A_205 in 1 : vector<2048x1xi32>, vector<2048x1xi32>, vector<2048x1xi32>, vector<2048x1xi32>, vector<2048x1xi32>, vector<2048x1xi32>, vector<2048x1xi32>, vector<2048x1xi32> -> vector<2048x8xi32>
    %concatenate3A_217 = tpu.concatenate %broadcast_in_dim3A_38, %broadcast_in_dim3A_63, %broadcast_in_dim3A_88, %broadcast_in_dim3A_113, %broadcast_in_dim3A_138, %broadcast_in_dim3A_163, %broadcast_in_dim3A_188, %broadcast_in_dim3A_213 in 1 : vector<2048x1xf32>, vector<2048x1xf32>, vector<2048x1xf32>, vector<2048x1xf32>, vector<2048x1xf32>, vector<2048x1xf32>, vector<2048x1xf32>, vector<2048x1xf32> -> vector<2048x8xf32>
    %reduce_sum3A_218 = arith.constant dense<0.000000e+00> : vector<2048xf32>
    %reduce_sum3A_219 = vector.multi_reduction <add>, %concatenate3A_217, %reduce_sum3A_218 [1] : vector<2048x8xf32> to vector<2048xf32>
    %broadcast_in_dim3A_220 = vector.shape_cast %reduce_sum3A_219 : vector<2048xf32> to vector<2048x1xf32>
    %div3A_221 = vector.broadcast %broadcast_in_dim3A_220 : vector<2048x1xf32> to vector<2048x8xf32>
    %div3A_222 = arith.divf %concatenate3A_217, %div3A_221 : vector<2048x8xf32>
    %swap3A_223 = arith.constant 0 : index
    %swap3A_224 = arith.constant 0 : index
    %swap3A_225 = vector.load %arg2[%swap3A_223, %swap3A_224] : memref<2048x8xf32, #tpu.memory_space<vmem>>, vector<2048x8xf32>
    tpu.vector_store %arg2[%swap3A_223, %swap3A_224], %div3A_222 {strides = array<i32>} : memref<2048x8xf32, #tpu.memory_space<vmem>>, vector<2048x8xf32>,
    %swap3A_226 = arith.constant 0 : index
    %swap3A_227 = arith.constant 0 : index
    %swap3A_228 = vector.load %arg7[%swap3A_226, %swap3A_227] : memref<2048x64xf32, #tpu.memory_space<vmem>>, vector<2048x64xf32>
    tpu.vector_store %arg7[%swap3A_226, %swap3A_227], %select_n3A_216 {strides = array<i32>} : memref<2048x64xf32, #tpu.memory_space<vmem>>, vector<2048x64xf32>,
    %iota3A_229 = tpu.iota {dimensions = array<i32: 0>} : vector<256x256xi32>
    %iota3A_230 = tpu.iota {dimensions = array<i32: 1>} : vector<256x256xi32>
    %lt3A = arith.cmpi slt, %iota3A_230, %iota3A_229 : vector<256x256xi32>
    %jit3A_231 = arith.constant 1.000000e+00 : f32
    %jit3A_232 = arith.constant 0.000000e+00 : f32
    %broadcast_in_dim3A_233 = vector.broadcast %jit3A_231 : f32 to vector<256x256xf32>
    %broadcast_in_dim3A_234 = vector.broadcast %jit3A_232 : f32 to vector<256x256xf32>
    %select_n3A_235 = arith.select %lt3A, %broadcast_in_dim3A_233, %broadcast_in_dim3A_234 : vector<256x256xi1>, vector<256x256xf32>
    %broadcast_in_dim3A_236 = arith.constant 0.000000e+00 : f32
    %broadcast_in_dim3A_237 = vector.broadcast %broadcast_in_dim3A_236 : f32 to vector<1x64xf32>
    %scan3A = arith.constant 0 : i32
    %scan3A_238 = arith.constant 8 : i32
    %scan3A_239 = arith.addi %scan3A, %scan3A_238 : i32
    %scan3A_240 = arith.constant 1 : i32
    %scan3A_241 = scf.for %scan3A_418 = %scan3A to %scan3A_239 step %scan3A_240 iter_args(%scan3A_419 = %broadcast_in_dim3A_237) -> (vector<1x64xf32>)  : i32 {
      %mul3A_420 = arith.constant 256 : i32
      %mul3A_421 = arith.muli %scan3A_418, %mul3A_420 : i32
      %get3A_422 = arith.index_cast %mul3A_421 : i32 to index
      %get3A_423 = arith.constant 0 : index
      %get3A_424 = vector.load %arg7[%get3A_422, %get3A_423] : memref<2048x64xf32, #tpu.memory_space<vmem>>, vector<256x64xf32>
      %dot_general3A_425 = arith.constant dense<0.000000e+00> : vector<256x64xf32>
      %dot_general3A_426 = tpu.matmul %select_n3A_235, %get3A_424, %dot_general3A_425 {dimension_numbers = #tpu.dot_dimension_numbers<[1], [0], [0], [1], [0, 0, 1, 1], [], []>, transpose_lhs_hint = false} : vector<256x256xf32>, vector<256x64xf32>, vector<256x64xf32> -> vector<256x64xf32>
      %add3A_427 = vector.broadcast %scan3A_419 : vector<1x64xf32> to vector<256x64xf32>
      %add3A_428 = arith.addf %dot_general3A_426, %add3A_427 : vector<256x64xf32>
      %mul3A_429 = arith.constant 256 : i32
      %mul3A_430 = arith.muli %scan3A_418, %mul3A_429 : i32
      %swap3A_431 = arith.index_cast %mul3A_430 : i32 to index
      %swap3A_432 = arith.constant 0 : index
      %swap3A_433 = vector.load %arg8[%swap3A_431, %swap3A_432] : memref<2048x64xf32, #tpu.memory_space<vmem>>, vector<256x64xf32>
      tpu.vector_store %arg8[%swap3A_431, %swap3A_432], %add3A_428 {strides = array<i32>} : memref<2048x64xf32, #tpu.memory_space<vmem>>, vector<256x64xf32>,
      %reduce_sum3A_434 = arith.constant dense<0.000000e+00> : vector<64xf32>
      %reduce_sum3A_435 = vector.multi_reduction <add>, %get3A_424, %reduce_sum3A_434 [0] : vector<256x64xf32> to vector<64xf32>
      %broadcast_in_dim3A_436 = vector.shape_cast %reduce_sum3A_435 : vector<64xf32> to vector<1x64xf32>
      %add3A_437 = arith.addf %scan3A_419, %broadcast_in_dim3A_436 : vector<1x64xf32>
      scf.yield %add3A_437 : vector<1x64xf32>
    }
    %scan3A_242 = arith.constant 8 : i32
    %div3A_243 = arith.constant 5.120000e+02 : f32
    %div3A_244 = vector.broadcast %div3A_243 : f32 to vector<1x64xf32>
    %div3A_245 = arith.divf %scan3A_241, %div3A_244 : vector<1x64xf32>
    %ceil3A = math.ceil %div3A_245 : vector<1x64xf32>
    %iota3A_246 = tpu.iota {dimensions = array<i32: 0>} : vector<64x64xi32>
    %iota3A_247 = tpu.iota {dimensions = array<i32: 1>} : vector<64x64xi32>
    %lt3A_248 = arith.cmpi slt, %iota3A_246, %iota3A_247 : vector<64x64xi32>
    %jit3A_249 = arith.constant 1.000000e+00 : f32
    %jit3A_250 = arith.constant 0.000000e+00 : f32
    %broadcast_in_dim3A_251 = vector.broadcast %jit3A_249 : f32 to vector<64x64xf32>
    %broadcast_in_dim3A_252 = vector.broadcast %jit3A_250 : f32 to vector<64x64xf32>
    %select_n3A_253 = arith.select %lt3A_248, %broadcast_in_dim3A_251, %broadcast_in_dim3A_252 : vector<64x64xi1>, vector<64x64xf32>
    %dot_general3A_254 = arith.constant dense<0.000000e+00> : vector<1x64xf32>
    %dot_general3A_255 = tpu.matmul %ceil3A, %select_n3A_253, %dot_general3A_254 {dimension_numbers = #tpu.dot_dimension_numbers<[1], [0], [0], [1], [0, 0, 1, 1], [], []>, transpose_lhs_hint = false} : vector<1x64xf32>, vector<64x64xf32>, vector<1x64xf32> -> vector<1x64xf32>
    %reduce_sum3A_256 = arith.constant dense<0.000000e+00> : vector<1xf32>
    %reduce_sum3A_257 = vector.multi_reduction <add>, %ceil3A, %reduce_sum3A_256 [1] : vector<1x64xf32> to vector<1xf32>
    %broadcast_in_dim3A_258 = vector.shape_cast %reduce_sum3A_257 : vector<1xf32> to vector<1x1xf32>
    %convert_element_type3A_259 = arith.fptosi %broadcast_in_dim3A_258 : vector<1x1xf32> to vector<1x1xi32>
    %swap3A_260 = arith.constant 0 : index
    %swap3A_261 = arith.constant 0 : index
    %swap3A_262 = vector.load %arg5[%swap3A_260, %swap3A_261] : memref<1x1xi32, #tpu.memory_space<vmem>>, vector<1x1xi32>
    tpu.vector_store %arg5[%swap3A_260, %swap3A_261], %convert_element_type3A_259 {strides = array<i32>} : memref<1x1xi32, #tpu.memory_space<vmem>>, vector<1x1xi32>,
    %gt3A = arith.cmpi sgt, %iota3A_246, %iota3A_247 : vector<64x64xi32>
    %jit3A_263 = arith.constant 1.000000e+00 : f32
    %jit3A_264 = arith.constant 0.000000e+00 : f32
    %broadcast_in_dim3A_265 = vector.broadcast %jit3A_263 : f32 to vector<64x64xf32>
    %broadcast_in_dim3A_266 = vector.broadcast %jit3A_264 : f32 to vector<64x64xf32>
    %select_n3A_267 = arith.select %gt3A, %broadcast_in_dim3A_265, %broadcast_in_dim3A_266 : vector<64x64xi1>, vector<64x64xf32>
    %dot_general3A_268 = arith.constant dense<0.000000e+00> : vector<64x1xf32>
    %dot_general3A_269 = tpu.matmul %select_n3A_267, %ceil3A, %dot_general3A_268 {dimension_numbers = #tpu.dot_dimension_numbers<[1], [1], [0], [0], [0, 0, 1, 0], [], []>, transpose_lhs_hint = false} : vector<64x64xf32>, vector<1x64xf32>, vector<64x1xf32> -> vector<64x1xf32>
    %iota3A_270 = tpu.iota {dimensions = array<i32: 1>} : vector<64x256xi32>
    %convert_element_type3A_271 = arith.fptosi %dot_general3A_269 : vector<64x1xf32> to vector<64x1xi32>
    %ge3A = vector.broadcast %convert_element_type3A_271 : vector<64x1xi32> to vector<64x256xi32>
    %ge3A_272 = arith.cmpi sge, %iota3A_270, %ge3A : vector<64x256xi32>
    %jit3A_273 = arith.constant 1.000000e+00 : f32
    %jit3A_274 = arith.constant 0.000000e+00 : f32
    %broadcast_in_dim3A_275 = vector.broadcast %jit3A_273 : f32 to vector<64x256xf32>
    %broadcast_in_dim3A_276 = vector.broadcast %jit3A_274 : f32 to vector<64x256xf32>
    %select_n3A_277 = arith.select %ge3A_272, %broadcast_in_dim3A_275, %broadcast_in_dim3A_276 : vector<64x256xi1>, vector<64x256xf32>
    %broadcast_in_dim3A_278 = arith.constant 1.000000e+00 : f32
    %broadcast_in_dim3A_279 = vector.broadcast %broadcast_in_dim3A_278 : f32 to vector<1x64xf32>
    %dot_general3A_280 = arith.constant dense<0.000000e+00> : vector<1x256xf32>
    %dot_general3A_281 = tpu.matmul %broadcast_in_dim3A_279, %select_n3A_277, %dot_general3A_280 {dimension_numbers = #tpu.dot_dimension_numbers<[1], [0], [0], [1], [0, 0, 1, 1], [], []>, transpose_lhs_hint = false} : vector<1x64xf32>, vector<64x256xf32>, vector<1x256xf32> -> vector<1x256xf32>
    %sub3A_282 = arith.constant 1.000000e+00 : f32
    %sub3A_283 = vector.broadcast %sub3A_282 : f32 to vector<1x256xf32>
    %sub3A_284 = arith.subf %dot_general3A_281, %sub3A_283 : vector<1x256xf32>
    %jit3A_285 = arith.constant 0.000000e+00 : f32
    %jit3A_286 = arith.constant 63 : i32
    %max3A = vector.broadcast %jit3A_285 : f32 to vector<1x256xf32>
    %max3A_287 = arith.maximumf %max3A, %sub3A_284 : vector<1x256xf32>
    %convert_element_type3A_288 = arith.sitofp %jit3A_286 : i32 to f32
    %min3A = vector.broadcast %convert_element_type3A_288 : f32 to vector<1x256xf32>
    %min3A_289 = arith.minimumf %min3A, %max3A_287 : vector<1x256xf32>
    %convert_element_type3A_290 = arith.fptosi %min3A_289 : vector<1x256xf32> to vector<1x256xi32>
    %swap3A_291 = arith.constant 0 : index
    %swap3A_292 = arith.constant 0 : index
    %swap3A_293 = vector.load %arg4[%swap3A_291, %swap3A_292] : memref<1x256xi32, #tpu.memory_space<vmem>>, vector<1x256xi32>
    tpu.vector_store %arg4[%swap3A_291, %swap3A_292], %convert_element_type3A_290 {strides = array<i32>} : memref<1x256xi32, #tpu.memory_space<vmem>>, vector<1x256xi32>,
    %get3A_294 = arith.constant 0 : index
    %get3A_295 = arith.constant 0 : index
    %get3A_296 = vector.load %arg8[%get3A_294, %get3A_295] : memref<2048x64xf32, #tpu.memory_space<vmem>>, vector<2048x64xf32>
    %mul3A = arith.constant 5.120000e+02 : f32
    %mul3A_297 = vector.broadcast %mul3A : f32 to vector<1x64xf32>
    %mul3A_298 = arith.mulf %dot_general3A_255, %mul3A_297 : vector<1x64xf32>
    %slice3A_299 = vector.extract_strided_slice %concatenate3A {offsets = [0, 0], sizes = [2048, 1], strides = [1, 1]} : vector<2048x8xi32> to vector<2048x1xi32>
    %eq3A_300 = vector.broadcast %slice3A_299 : vector<2048x1xi32> to vector<2048x64xi32>
    %eq3A_301 = arith.cmpi eq, %iota3A, %eq3A_300 : vector<2048x64xi32>
    %add3A = vector.broadcast %mul3A_298 : vector<1x64xf32> to vector<2048x64xf32>
    %add3A_302 = arith.addf %add3A, %get3A_296 : vector<2048x64xf32>
    %jit3A_303 = arith.constant 0.000000e+00 : f32
    %broadcast_in_dim3A_304 = vector.broadcast %jit3A_303 : f32 to vector<2048x64xf32>
    %select_n3A_305 = arith.select %eq3A_301, %add3A_302, %broadcast_in_dim3A_304 : vector<2048x64xi1>, vector<2048x64xf32>
    %reduce_sum3A_306 = arith.constant dense<0.000000e+00> : vector<2048xf32>
    %reduce_sum3A_307 = vector.multi_reduction <add>, %select_n3A_305, %reduce_sum3A_306 [1] : vector<2048x64xf32> to vector<2048xf32>
    %broadcast_in_dim3A_308 = vector.shape_cast %reduce_sum3A_307 : vector<2048xf32> to vector<2048x1xf32>
    %convert_element_type3A_309 = arith.fptosi %broadcast_in_dim3A_308 : vector<2048x1xf32> to vector<2048x1xi32>
    %swap3A_310 = arith.constant 0 : index
    %swap3A_311 = arith.constant 0 : index
    %swap3A_312 = vector.load %arg3[%swap3A_310, %swap3A_311] : memref<2048x8xi32, #tpu.memory_space<vmem>>, vector<2048x1xi32>
    tpu.vector_store %arg3[%swap3A_310, %swap3A_311], %convert_element_type3A_309 {strides = array<i32>} : memref<2048x8xi32, #tpu.memory_space<vmem>>, vector<2048x1xi32>,
    %slice3A_313 = vector.extract_strided_slice %concatenate3A {offsets = [0, 1], sizes = [2048, 1], strides = [1, 1]} : vector<2048x8xi32> to vector<2048x1xi32>
    %eq3A_314 = vector.broadcast %slice3A_313 : vector<2048x1xi32> to vector<2048x64xi32>
    %eq3A_315 = arith.cmpi eq, %iota3A, %eq3A_314 : vector<2048x64xi32>
    %add3A_316 = vector.broadcast %mul3A_298 : vector<1x64xf32> to vector<2048x64xf32>
    %add3A_317 = arith.addf %add3A_316, %get3A_296 : vector<2048x64xf32>
    %jit3A_318 = arith.constant 0.000000e+00 : f32
    %broadcast_in_dim3A_319 = vector.broadcast %jit3A_318 : f32 to vector<2048x64xf32>
    %select_n3A_320 = arith.select %eq3A_315, %add3A_317, %broadcast_in_dim3A_319 : vector<2048x64xi1>, vector<2048x64xf32>
    %reduce_sum3A_321 = arith.constant dense<0.000000e+00> : vector<2048xf32>
    %reduce_sum3A_322 = vector.multi_reduction <add>, %select_n3A_320, %reduce_sum3A_321 [1] : vector<2048x64xf32> to vector<2048xf32>
    %broadcast_in_dim3A_323 = vector.shape_cast %reduce_sum3A_322 : vector<2048xf32> to vector<2048x1xf32>
    %convert_element_type3A_324 = arith.fptosi %broadcast_in_dim3A_323 : vector<2048x1xf32> to vector<2048x1xi32>
    %swap3A_325 = arith.constant 0 : index
    %swap3A_326 = arith.constant 1 : index
    %swap3A_327 = vector.load %arg3[%swap3A_325, %swap3A_326] : memref<2048x8xi32, #tpu.memory_space<vmem>>, vector<2048x1xi32>
    tpu.vector_store %arg3[%swap3A_325, %swap3A_326], %convert_element_type3A_324 {strides = array<i32>} : memref<2048x8xi32, #tpu.memory_space<vmem>>, vector<2048x1xi32>,
    %slice3A_328 = vector.extract_strided_slice %concatenate3A {offsets = [0, 2], sizes = [2048, 1], strides = [1, 1]} : vector<2048x8xi32> to vector<2048x1xi32>
    %eq3A_329 = vector.broadcast %slice3A_328 : vector<2048x1xi32> to vector<2048x64xi32>
    %eq3A_330 = arith.cmpi eq, %iota3A, %eq3A_329 : vector<2048x64xi32>
    %add3A_331 = vector.broadcast %mul3A_298 : vector<1x64xf32> to vector<2048x64xf32>
    %add3A_332 = arith.addf %add3A_331, %get3A_296 : vector<2048x64xf32>
    %jit3A_333 = arith.constant 0.000000e+00 : f32
    %broadcast_in_dim3A_334 = vector.broadcast %jit3A_333 : f32 to vector<2048x64xf32>
    %select_n3A_335 = arith.select %eq3A_330, %add3A_332, %broadcast_in_dim3A_334 : vector<2048x64xi1>, vector<2048x64xf32>
    %reduce_sum3A_336 = arith.constant dense<0.000000e+00> : vector<2048xf32>
    %reduce_sum3A_337 = vector.multi_reduction <add>, %select_n3A_335, %reduce_sum3A_336 [1] : vector<2048x64xf32> to vector<2048xf32>
    %broadcast_in_dim3A_338 = vector.shape_cast %reduce_sum3A_337 : vector<2048xf32> to vector<2048x1xf32>
    %convert_element_type3A_339 = arith.fptosi %broadcast_in_dim3A_338 : vector<2048x1xf32> to vector<2048x1xi32>
    %swap3A_340 = arith.constant 0 : index
    %swap3A_341 = arith.constant 2 : index
    %swap3A_342 = vector.load %arg3[%swap3A_340, %swap3A_341] : memref<2048x8xi32, #tpu.memory_space<vmem>>, vector<2048x1xi32>
    tpu.vector_store %arg3[%swap3A_340, %swap3A_341], %convert_element_type3A_339 {strides = array<i32>} : memref<2048x8xi32, #tpu.memory_space<vmem>>, vector<2048x1xi32>,
    %slice3A_343 = vector.extract_strided_slice %concatenate3A {offsets = [0, 3], sizes = [2048, 1], strides = [1, 1]} : vector<2048x8xi32> to vector<2048x1xi32>
    %eq3A_344 = vector.broadcast %slice3A_343 : vector<2048x1xi32> to vector<2048x64xi32>
    %eq3A_345 = arith.cmpi eq, %iota3A, %eq3A_344 : vector<2048x64xi32>
    %add3A_346 = vector.broadcast %mul3A_298 : vector<1x64xf32> to vector<2048x64xf32>
    %add3A_347 = arith.addf %add3A_346, %get3A_296 : vector<2048x64xf32>
    %jit3A_348 = arith.constant 0.000000e+00 : f32
    %broadcast_in_dim3A_349 = vector.broadcast %jit3A_348 : f32 to vector<2048x64xf32>
    %select_n3A_350 = arith.select %eq3A_345, %add3A_347, %broadcast_in_dim3A_349 : vector<2048x64xi1>, vector<2048x64xf32>
    %reduce_sum3A_351 = arith.constant dense<0.000000e+00> : vector<2048xf32>
    %reduce_sum3A_352 = vector.multi_reduction <add>, %select_n3A_350, %reduce_sum3A_351 [1] : vector<2048x64xf32> to vector<2048xf32>
    %broadcast_in_dim3A_353 = vector.shape_cast %reduce_sum3A_352 : vector<2048xf32> to vector<2048x1xf32>
    %convert_element_type3A_354 = arith.fptosi %broadcast_in_dim3A_353 : vector<2048x1xf32> to vector<2048x1xi32>
    %swap3A_355 = arith.constant 0 : index
    %swap3A_356 = arith.constant 3 : index
    %swap3A_357 = vector.load %arg3[%swap3A_355, %swap3A_356] : memref<2048x8xi32, #tpu.memory_space<vmem>>, vector<2048x1xi32>
    tpu.vector_store %arg3[%swap3A_355, %swap3A_356], %convert_element_type3A_354 {strides = array<i32>} : memref<2048x8xi32, #tpu.memory_space<vmem>>, vector<2048x1xi32>,
    %slice3A_358 = vector.extract_strided_slice %concatenate3A {offsets = [0, 4], sizes = [2048, 1], strides = [1, 1]} : vector<2048x8xi32> to vector<2048x1xi32>
    %eq3A_359 = vector.broadcast %slice3A_358 : vector<2048x1xi32> to vector<2048x64xi32>
    %eq3A_360 = arith.cmpi eq, %iota3A, %eq3A_359 : vector<2048x64xi32>
    %add3A_361 = vector.broadcast %mul3A_298 : vector<1x64xf32> to vector<2048x64xf32>
    %add3A_362 = arith.addf %add3A_361, %get3A_296 : vector<2048x64xf32>
    %jit3A_363 = arith.constant 0.000000e+00 : f32
    %broadcast_in_dim3A_364 = vector.broadcast %jit3A_363 : f32 to vector<2048x64xf32>
    %select_n3A_365 = arith.select %eq3A_360, %add3A_362, %broadcast_in_dim3A_364 : vector<2048x64xi1>, vector<2048x64xf32>
    %reduce_sum3A_366 = arith.constant dense<0.000000e+00> : vector<2048xf32>
    %reduce_sum3A_367 = vector.multi_reduction <add>, %select_n3A_365, %reduce_sum3A_366 [1] : vector<2048x64xf32> to vector<2048xf32>
    %broadcast_in_dim3A_368 = vector.shape_cast %reduce_sum3A_367 : vector<2048xf32> to vector<2048x1xf32>
    %convert_element_type3A_369 = arith.fptosi %broadcast_in_dim3A_368 : vector<2048x1xf32> to vector<2048x1xi32>
    %swap3A_370 = arith.constant 0 : index
    %swap3A_371 = arith.constant 4 : index
    %swap3A_372 = vector.load %arg3[%swap3A_370, %swap3A_371] : memref<2048x8xi32, #tpu.memory_space<vmem>>, vector<2048x1xi32>
    tpu.vector_store %arg3[%swap3A_370, %swap3A_371], %convert_element_type3A_369 {strides = array<i32>} : memref<2048x8xi32, #tpu.memory_space<vmem>>, vector<2048x1xi32>,
    %slice3A_373 = vector.extract_strided_slice %concatenate3A {offsets = [0, 5], sizes = [2048, 1], strides = [1, 1]} : vector<2048x8xi32> to vector<2048x1xi32>
    %eq3A_374 = vector.broadcast %slice3A_373 : vector<2048x1xi32> to vector<2048x64xi32>
    %eq3A_375 = arith.cmpi eq, %iota3A, %eq3A_374 : vector<2048x64xi32>
    %add3A_376 = vector.broadcast %mul3A_298 : vector<1x64xf32> to vector<2048x64xf32>
    %add3A_377 = arith.addf %add3A_376, %get3A_296 : vector<2048x64xf32>
    %jit3A_378 = arith.constant 0.000000e+00 : f32
    %broadcast_in_dim3A_379 = vector.broadcast %jit3A_378 : f32 to vector<2048x64xf32>
    %select_n3A_380 = arith.select %eq3A_375, %add3A_377, %broadcast_in_dim3A_379 : vector<2048x64xi1>, vector<2048x64xf32>
    %reduce_sum3A_381 = arith.constant dense<0.000000e+00> : vector<2048xf32>
    %reduce_sum3A_382 = vector.multi_reduction <add>, %select_n3A_380, %reduce_sum3A_381 [1] : vector<2048x64xf32> to vector<2048xf32>
    %broadcast_in_dim3A_383 = vector.shape_cast %reduce_sum3A_382 : vector<2048xf32> to vector<2048x1xf32>
    %convert_element_type3A_384 = arith.fptosi %broadcast_in_dim3A_383 : vector<2048x1xf32> to vector<2048x1xi32>
    %swap3A_385 = arith.constant 0 : index
    %swap3A_386 = arith.constant 5 : index
    %swap3A_387 = vector.load %arg3[%swap3A_385, %swap3A_386] : memref<2048x8xi32, #tpu.memory_space<vmem>>, vector<2048x1xi32>
    tpu.vector_store %arg3[%swap3A_385, %swap3A_386], %convert_element_type3A_384 {strides = array<i32>} : memref<2048x8xi32, #tpu.memory_space<vmem>>, vector<2048x1xi32>,
    %slice3A_388 = vector.extract_strided_slice %concatenate3A {offsets = [0, 6], sizes = [2048, 1], strides = [1, 1]} : vector<2048x8xi32> to vector<2048x1xi32>
    %eq3A_389 = vector.broadcast %slice3A_388 : vector<2048x1xi32> to vector<2048x64xi32>
    %eq3A_390 = arith.cmpi eq, %iota3A, %eq3A_389 : vector<2048x64xi32>
    %add3A_391 = vector.broadcast %mul3A_298 : vector<1x64xf32> to vector<2048x64xf32>
    %add3A_392 = arith.addf %add3A_391, %get3A_296 : vector<2048x64xf32>
    %jit3A_393 = arith.constant 0.000000e+00 : f32
    %broadcast_in_dim3A_394 = vector.broadcast %jit3A_393 : f32 to vector<2048x64xf32>
    %select_n3A_395 = arith.select %eq3A_390, %add3A_392, %broadcast_in_dim3A_394 : vector<2048x64xi1>, vector<2048x64xf32>
    %reduce_sum3A_396 = arith.constant dense<0.000000e+00> : vector<2048xf32>
    %reduce_sum3A_397 = vector.multi_reduction <add>, %select_n3A_395, %reduce_sum3A_396 [1] : vector<2048x64xf32> to vector<2048xf32>
    %broadcast_in_dim3A_398 = vector.shape_cast %reduce_sum3A_397 : vector<2048xf32> to vector<2048x1xf32>
    %convert_element_type3A_399 = arith.fptosi %broadcast_in_dim3A_398 : vector<2048x1xf32> to vector<2048x1xi32>
    %swap3A_400 = arith.constant 0 : index
    %swap3A_401 = arith.constant 6 : index
    %swap3A_402 = vector.load %arg3[%swap3A_400, %swap3A_401] : memref<2048x8xi32, #tpu.memory_space<vmem>>, vector<2048x1xi32>
    tpu.vector_store %arg3[%swap3A_400, %swap3A_401], %convert_element_type3A_399 {strides = array<i32>} : memref<2048x8xi32, #tpu.memory_space<vmem>>, vector<2048x1xi32>,
    %slice3A_403 = vector.extract_strided_slice %concatenate3A {offsets = [0, 7], sizes = [2048, 1], strides = [1, 1]} : vector<2048x8xi32> to vector<2048x1xi32>
    %eq3A_404 = vector.broadcast %slice3A_403 : vector<2048x1xi32> to vector<2048x64xi32>
    %eq3A_405 = arith.cmpi eq, %iota3A, %eq3A_404 : vector<2048x64xi32>
    %add3A_406 = vector.broadcast %mul3A_298 : vector<1x64xf32> to vector<2048x64xf32>
    %add3A_407 = arith.addf %add3A_406, %get3A_296 : vector<2048x64xf32>
    %jit3A_408 = arith.constant 0.000000e+00 : f32
    %broadcast_in_dim3A_409 = vector.broadcast %jit3A_408 : f32 to vector<2048x64xf32>
    %select_n3A_410 = arith.select %eq3A_405, %add3A_407, %broadcast_in_dim3A_409 : vector<2048x64xi1>, vector<2048x64xf32>
    %reduce_sum3A_411 = arith.constant dense<0.000000e+00> : vector<2048xf32>
    %reduce_sum3A_412 = vector.multi_reduction <add>, %select_n3A_410, %reduce_sum3A_411 [1] : vector<2048x64xf32> to vector<2048xf32>
    %broadcast_in_dim3A_413 = vector.shape_cast %reduce_sum3A_412 : vector<2048xf32> to vector<2048x1xf32>
    %convert_element_type3A_414 = arith.fptosi %broadcast_in_dim3A_413 : vector<2048x1xf32> to vector<2048x1xi32>
    %swap3A_415 = arith.constant 0 : index
    %swap3A_416 = arith.constant 7 : index
    %swap3A_417 = vector.load %arg3[%swap3A_415, %swap3A_416] : memref<2048x8xi32, #tpu.memory_space<vmem>>, vector<2048x1xi32>
    tpu.vector_store %arg3[%swap3A_415, %swap3A_416], %convert_element_type3A_414 {strides = array<i32>} : memref<2048x8xi32, #tpu.memory_space<vmem>>, vector<2048x1xi32>,
    return
  }
}

module attributes {stable_mosaic.version = 14 : i64} {
  func.func @_combine_kernel(%arg0: i32, %arg1: memref<256x3072xi32, #tpu.memory_space<vmem>>, %arg2: memref<256x8xf32, #tpu.memory_space<vmem>>, %arg3: memref<256x768xf32, #tpu.memory_space<vmem>>) attributes {dimension_semantics = [#tpu.dimension_semantics<arbitrary>], iteration_bounds = array<i64: 8>, scalar_prefetch = 0 : i64, scratch_operands = 0 : i64, tpu.core_type = #tpu.core_type<tc>, window_params = [{transform_indices = @transform_0, window_bounds = array<i64: 256, 3072>}, {transform_indices = @transform_1, window_bounds = array<i64: 256, 8>}, {transform_indices = @transform_2, window_bounds = array<i64: 256, 768>}]} {
    %get3A = arith.constant 0 : index
    %get3A_0 = arith.constant 0 : index
    %get3A_1 = vector.load %arg1[%get3A, %get3A_0] : memref<256x3072xi32, #tpu.memory_space<vmem>>, vector<256x384xi32>
    %shift_left3A = arith.constant 16 : i32
    %shift_left3A_2 = vector.broadcast %shift_left3A : i32 to vector<256x384xi32>
    %shift_left3A_3 = arith.shli %get3A_1, %shift_left3A_2 : vector<256x384xi32>
    %bitcast_convert_type3A = tpu.bitcast %shift_left3A_3 : vector<256x384xi32> -> vector<256x384xf32>
    %and3A = arith.constant -65536 : i32
    %and3A_4 = vector.broadcast %and3A : i32 to vector<256x384xi32>
    %and3A_5 = arith.andi %get3A_1, %and3A_4 : vector<256x384xi32>
    %bitcast_convert_type3A_6 = tpu.bitcast %and3A_5 : vector<256x384xi32> -> vector<256x384xf32>
    %get3A_7 = arith.constant 0 : index
    %get3A_8 = arith.constant 0 : index
    %get3A_9 = vector.load %arg2[%get3A_7, %get3A_8] : memref<256x8xf32, #tpu.memory_space<vmem>>, vector<256x1xf32>
    %mul3A = vector.broadcast %get3A_9 : vector<256x1xf32> to vector<256x384xf32>
    %mul3A_10 = arith.mulf %mul3A, %bitcast_convert_type3A : vector<256x384xf32>
    %get3A_11 = arith.constant 0 : index
    %get3A_12 = arith.constant 0 : index
    %get3A_13 = vector.load %arg2[%get3A_11, %get3A_12] : memref<256x8xf32, #tpu.memory_space<vmem>>, vector<256x1xf32>
    %mul3A_14 = vector.broadcast %get3A_13 : vector<256x1xf32> to vector<256x384xf32>
    %mul3A_15 = arith.mulf %mul3A_14, %bitcast_convert_type3A_6 : vector<256x384xf32>
    %get3A_16 = arith.constant 0 : index
    %get3A_17 = arith.constant 384 : index
    %get3A_18 = vector.load %arg1[%get3A_16, %get3A_17] : memref<256x3072xi32, #tpu.memory_space<vmem>>, vector<256x384xi32>
    %shift_left3A_19 = arith.constant 16 : i32
    %shift_left3A_20 = vector.broadcast %shift_left3A_19 : i32 to vector<256x384xi32>
    %shift_left3A_21 = arith.shli %get3A_18, %shift_left3A_20 : vector<256x384xi32>
    %bitcast_convert_type3A_22 = tpu.bitcast %shift_left3A_21 : vector<256x384xi32> -> vector<256x384xf32>
    %and3A_23 = arith.constant -65536 : i32
    %and3A_24 = vector.broadcast %and3A_23 : i32 to vector<256x384xi32>
    %and3A_25 = arith.andi %get3A_18, %and3A_24 : vector<256x384xi32>
    %bitcast_convert_type3A_26 = tpu.bitcast %and3A_25 : vector<256x384xi32> -> vector<256x384xf32>
    %get3A_27 = arith.constant 0 : index
    %get3A_28 = arith.constant 1 : index
    %get3A_29 = vector.load %arg2[%get3A_27, %get3A_28] : memref<256x8xf32, #tpu.memory_space<vmem>>, vector<256x1xf32>
    %mul3A_30 = vector.broadcast %get3A_29 : vector<256x1xf32> to vector<256x384xf32>
    %mul3A_31 = arith.mulf %mul3A_30, %bitcast_convert_type3A_22 : vector<256x384xf32>
    %add3A = arith.addf %mul3A_10, %mul3A_31 : vector<256x384xf32>
    %get3A_32 = arith.constant 0 : index
    %get3A_33 = arith.constant 1 : index
    %get3A_34 = vector.load %arg2[%get3A_32, %get3A_33] : memref<256x8xf32, #tpu.memory_space<vmem>>, vector<256x1xf32>
    %mul3A_35 = vector.broadcast %get3A_34 : vector<256x1xf32> to vector<256x384xf32>
    %mul3A_36 = arith.mulf %mul3A_35, %bitcast_convert_type3A_26 : vector<256x384xf32>
    %add3A_37 = arith.addf %mul3A_15, %mul3A_36 : vector<256x384xf32>
    %get3A_38 = arith.constant 0 : index
    %get3A_39 = arith.constant 768 : index
    %get3A_40 = vector.load %arg1[%get3A_38, %get3A_39] : memref<256x3072xi32, #tpu.memory_space<vmem>>, vector<256x384xi32>
    %shift_left3A_41 = arith.constant 16 : i32
    %shift_left3A_42 = vector.broadcast %shift_left3A_41 : i32 to vector<256x384xi32>
    %shift_left3A_43 = arith.shli %get3A_40, %shift_left3A_42 : vector<256x384xi32>
    %bitcast_convert_type3A_44 = tpu.bitcast %shift_left3A_43 : vector<256x384xi32> -> vector<256x384xf32>
    %and3A_45 = arith.constant -65536 : i32
    %and3A_46 = vector.broadcast %and3A_45 : i32 to vector<256x384xi32>
    %and3A_47 = arith.andi %get3A_40, %and3A_46 : vector<256x384xi32>
    %bitcast_convert_type3A_48 = tpu.bitcast %and3A_47 : vector<256x384xi32> -> vector<256x384xf32>
    %get3A_49 = arith.constant 0 : index
    %get3A_50 = arith.constant 2 : index
    %get3A_51 = vector.load %arg2[%get3A_49, %get3A_50] : memref<256x8xf32, #tpu.memory_space<vmem>>, vector<256x1xf32>
    %mul3A_52 = vector.broadcast %get3A_51 : vector<256x1xf32> to vector<256x384xf32>
    %mul3A_53 = arith.mulf %mul3A_52, %bitcast_convert_type3A_44 : vector<256x384xf32>
    %add3A_54 = arith.addf %add3A, %mul3A_53 : vector<256x384xf32>
    %get3A_55 = arith.constant 0 : index
    %get3A_56 = arith.constant 2 : index
    %get3A_57 = vector.load %arg2[%get3A_55, %get3A_56] : memref<256x8xf32, #tpu.memory_space<vmem>>, vector<256x1xf32>
    %mul3A_58 = vector.broadcast %get3A_57 : vector<256x1xf32> to vector<256x384xf32>
    %mul3A_59 = arith.mulf %mul3A_58, %bitcast_convert_type3A_48 : vector<256x384xf32>
    %add3A_60 = arith.addf %add3A_37, %mul3A_59 : vector<256x384xf32>
    %get3A_61 = arith.constant 0 : index
    %get3A_62 = arith.constant 1152 : index
    %get3A_63 = vector.load %arg1[%get3A_61, %get3A_62] : memref<256x3072xi32, #tpu.memory_space<vmem>>, vector<256x384xi32>
    %shift_left3A_64 = arith.constant 16 : i32
    %shift_left3A_65 = vector.broadcast %shift_left3A_64 : i32 to vector<256x384xi32>
    %shift_left3A_66 = arith.shli %get3A_63, %shift_left3A_65 : vector<256x384xi32>
    %bitcast_convert_type3A_67 = tpu.bitcast %shift_left3A_66 : vector<256x384xi32> -> vector<256x384xf32>
    %and3A_68 = arith.constant -65536 : i32
    %and3A_69 = vector.broadcast %and3A_68 : i32 to vector<256x384xi32>
    %and3A_70 = arith.andi %get3A_63, %and3A_69 : vector<256x384xi32>
    %bitcast_convert_type3A_71 = tpu.bitcast %and3A_70 : vector<256x384xi32> -> vector<256x384xf32>
    %get3A_72 = arith.constant 0 : index
    %get3A_73 = arith.constant 3 : index
    %get3A_74 = vector.load %arg2[%get3A_72, %get3A_73] : memref<256x8xf32, #tpu.memory_space<vmem>>, vector<256x1xf32>
    %mul3A_75 = vector.broadcast %get3A_74 : vector<256x1xf32> to vector<256x384xf32>
    %mul3A_76 = arith.mulf %mul3A_75, %bitcast_convert_type3A_67 : vector<256x384xf32>
    %add3A_77 = arith.addf %add3A_54, %mul3A_76 : vector<256x384xf32>
    %get3A_78 = arith.constant 0 : index
    %get3A_79 = arith.constant 3 : index
    %get3A_80 = vector.load %arg2[%get3A_78, %get3A_79] : memref<256x8xf32, #tpu.memory_space<vmem>>, vector<256x1xf32>
    %mul3A_81 = vector.broadcast %get3A_80 : vector<256x1xf32> to vector<256x384xf32>
    %mul3A_82 = arith.mulf %mul3A_81, %bitcast_convert_type3A_71 : vector<256x384xf32>
    %add3A_83 = arith.addf %add3A_60, %mul3A_82 : vector<256x384xf32>
    %get3A_84 = arith.constant 0 : index
    %get3A_85 = arith.constant 1536 : index
    %get3A_86 = vector.load %arg1[%get3A_84, %get3A_85] : memref<256x3072xi32, #tpu.memory_space<vmem>>, vector<256x384xi32>
    %shift_left3A_87 = arith.constant 16 : i32
    %shift_left3A_88 = vector.broadcast %shift_left3A_87 : i32 to vector<256x384xi32>
    %shift_left3A_89 = arith.shli %get3A_86, %shift_left3A_88 : vector<256x384xi32>
    %bitcast_convert_type3A_90 = tpu.bitcast %shift_left3A_89 : vector<256x384xi32> -> vector<256x384xf32>
    %and3A_91 = arith.constant -65536 : i32
    %and3A_92 = vector.broadcast %and3A_91 : i32 to vector<256x384xi32>
    %and3A_93 = arith.andi %get3A_86, %and3A_92 : vector<256x384xi32>
    %bitcast_convert_type3A_94 = tpu.bitcast %and3A_93 : vector<256x384xi32> -> vector<256x384xf32>
    %get3A_95 = arith.constant 0 : index
    %get3A_96 = arith.constant 4 : index
    %get3A_97 = vector.load %arg2[%get3A_95, %get3A_96] : memref<256x8xf32, #tpu.memory_space<vmem>>, vector<256x1xf32>
    %mul3A_98 = vector.broadcast %get3A_97 : vector<256x1xf32> to vector<256x384xf32>
    %mul3A_99 = arith.mulf %mul3A_98, %bitcast_convert_type3A_90 : vector<256x384xf32>
    %add3A_100 = arith.addf %add3A_77, %mul3A_99 : vector<256x384xf32>
    %get3A_101 = arith.constant 0 : index
    %get3A_102 = arith.constant 4 : index
    %get3A_103 = vector.load %arg2[%get3A_101, %get3A_102] : memref<256x8xf32, #tpu.memory_space<vmem>>, vector<256x1xf32>
    %mul3A_104 = vector.broadcast %get3A_103 : vector<256x1xf32> to vector<256x384xf32>
    %mul3A_105 = arith.mulf %mul3A_104, %bitcast_convert_type3A_94 : vector<256x384xf32>
    %add3A_106 = arith.addf %add3A_83, %mul3A_105 : vector<256x384xf32>
    %get3A_107 = arith.constant 0 : index
    %get3A_108 = arith.constant 1920 : index
    %get3A_109 = vector.load %arg1[%get3A_107, %get3A_108] : memref<256x3072xi32, #tpu.memory_space<vmem>>, vector<256x384xi32>
    %shift_left3A_110 = arith.constant 16 : i32
    %shift_left3A_111 = vector.broadcast %shift_left3A_110 : i32 to vector<256x384xi32>
    %shift_left3A_112 = arith.shli %get3A_109, %shift_left3A_111 : vector<256x384xi32>
    %bitcast_convert_type3A_113 = tpu.bitcast %shift_left3A_112 : vector<256x384xi32> -> vector<256x384xf32>
    %and3A_114 = arith.constant -65536 : i32
    %and3A_115 = vector.broadcast %and3A_114 : i32 to vector<256x384xi32>
    %and3A_116 = arith.andi %get3A_109, %and3A_115 : vector<256x384xi32>
    %bitcast_convert_type3A_117 = tpu.bitcast %and3A_116 : vector<256x384xi32> -> vector<256x384xf32>
    %get3A_118 = arith.constant 0 : index
    %get3A_119 = arith.constant 5 : index
    %get3A_120 = vector.load %arg2[%get3A_118, %get3A_119] : memref<256x8xf32, #tpu.memory_space<vmem>>, vector<256x1xf32>
    %mul3A_121 = vector.broadcast %get3A_120 : vector<256x1xf32> to vector<256x384xf32>
    %mul3A_122 = arith.mulf %mul3A_121, %bitcast_convert_type3A_113 : vector<256x384xf32>
    %add3A_123 = arith.addf %add3A_100, %mul3A_122 : vector<256x384xf32>
    %get3A_124 = arith.constant 0 : index
    %get3A_125 = arith.constant 5 : index
    %get3A_126 = vector.load %arg2[%get3A_124, %get3A_125] : memref<256x8xf32, #tpu.memory_space<vmem>>, vector<256x1xf32>
    %mul3A_127 = vector.broadcast %get3A_126 : vector<256x1xf32> to vector<256x384xf32>
    %mul3A_128 = arith.mulf %mul3A_127, %bitcast_convert_type3A_117 : vector<256x384xf32>
    %add3A_129 = arith.addf %add3A_106, %mul3A_128 : vector<256x384xf32>
    %get3A_130 = arith.constant 0 : index
    %get3A_131 = arith.constant 2304 : index
    %get3A_132 = vector.load %arg1[%get3A_130, %get3A_131] : memref<256x3072xi32, #tpu.memory_space<vmem>>, vector<256x384xi32>
    %shift_left3A_133 = arith.constant 16 : i32
    %shift_left3A_134 = vector.broadcast %shift_left3A_133 : i32 to vector<256x384xi32>
    %shift_left3A_135 = arith.shli %get3A_132, %shift_left3A_134 : vector<256x384xi32>
    %bitcast_convert_type3A_136 = tpu.bitcast %shift_left3A_135 : vector<256x384xi32> -> vector<256x384xf32>
    %and3A_137 = arith.constant -65536 : i32
    %and3A_138 = vector.broadcast %and3A_137 : i32 to vector<256x384xi32>
    %and3A_139 = arith.andi %get3A_132, %and3A_138 : vector<256x384xi32>
    %bitcast_convert_type3A_140 = tpu.bitcast %and3A_139 : vector<256x384xi32> -> vector<256x384xf32>
    %get3A_141 = arith.constant 0 : index
    %get3A_142 = arith.constant 6 : index
    %get3A_143 = vector.load %arg2[%get3A_141, %get3A_142] : memref<256x8xf32, #tpu.memory_space<vmem>>, vector<256x1xf32>
    %mul3A_144 = vector.broadcast %get3A_143 : vector<256x1xf32> to vector<256x384xf32>
    %mul3A_145 = arith.mulf %mul3A_144, %bitcast_convert_type3A_136 : vector<256x384xf32>
    %add3A_146 = arith.addf %add3A_123, %mul3A_145 : vector<256x384xf32>
    %get3A_147 = arith.constant 0 : index
    %get3A_148 = arith.constant 6 : index
    %get3A_149 = vector.load %arg2[%get3A_147, %get3A_148] : memref<256x8xf32, #tpu.memory_space<vmem>>, vector<256x1xf32>
    %mul3A_150 = vector.broadcast %get3A_149 : vector<256x1xf32> to vector<256x384xf32>
    %mul3A_151 = arith.mulf %mul3A_150, %bitcast_convert_type3A_140 : vector<256x384xf32>
    %add3A_152 = arith.addf %add3A_129, %mul3A_151 : vector<256x384xf32>
    %get3A_153 = arith.constant 0 : index
    %get3A_154 = arith.constant 2688 : index
    %get3A_155 = vector.load %arg1[%get3A_153, %get3A_154] : memref<256x3072xi32, #tpu.memory_space<vmem>>, vector<256x384xi32>
    %shift_left3A_156 = arith.constant 16 : i32
    %shift_left3A_157 = vector.broadcast %shift_left3A_156 : i32 to vector<256x384xi32>
    %shift_left3A_158 = arith.shli %get3A_155, %shift_left3A_157 : vector<256x384xi32>
    %bitcast_convert_type3A_159 = tpu.bitcast %shift_left3A_158 : vector<256x384xi32> -> vector<256x384xf32>
    %and3A_160 = arith.constant -65536 : i32
    %and3A_161 = vector.broadcast %and3A_160 : i32 to vector<256x384xi32>
    %and3A_162 = arith.andi %get3A_155, %and3A_161 : vector<256x384xi32>
    %bitcast_convert_type3A_163 = tpu.bitcast %and3A_162 : vector<256x384xi32> -> vector<256x384xf32>
    %get3A_164 = arith.constant 0 : index
    %get3A_165 = arith.constant 7 : index
    %get3A_166 = vector.load %arg2[%get3A_164, %get3A_165] : memref<256x8xf32, #tpu.memory_space<vmem>>, vector<256x1xf32>
    %mul3A_167 = vector.broadcast %get3A_166 : vector<256x1xf32> to vector<256x384xf32>
    %mul3A_168 = arith.mulf %mul3A_167, %bitcast_convert_type3A_159 : vector<256x384xf32>
    %add3A_169 = arith.addf %add3A_146, %mul3A_168 : vector<256x384xf32>
    %get3A_170 = arith.constant 0 : index
    %get3A_171 = arith.constant 7 : index
    %get3A_172 = vector.load %arg2[%get3A_170, %get3A_171] : memref<256x8xf32, #tpu.memory_space<vmem>>, vector<256x1xf32>
    %mul3A_173 = vector.broadcast %get3A_172 : vector<256x1xf32> to vector<256x384xf32>
    %mul3A_174 = arith.mulf %mul3A_173, %bitcast_convert_type3A_163 : vector<256x384xf32>
    %add3A_175 = arith.addf %add3A_152, %mul3A_174 : vector<256x384xf32>
    %swap3A = arith.constant 0 : index
    %swap3A_176 = arith.constant 0 : index
    %swap3A_177 = vector.load %arg3[%swap3A, %swap3A_176] : memref<256x768xf32, #tpu.memory_space<vmem>>, vector<256x384xf32>
    tpu.vector_store %arg3[%swap3A, %swap3A_176], %add3A_169 {strides = array<i32>} : memref<256x768xf32, #tpu.memory_space<vmem>>, vector<256x384xf32>,
    %swap3A_178 = arith.constant 0 : index
    %swap3A_179 = arith.constant 384 : index
    %swap3A_180 = vector.load %arg3[%swap3A_178, %swap3A_179] : memref<256x768xf32, #tpu.memory_space<vmem>>, vector<256x384xf32>
    tpu.vector_store %arg3[%swap3A_178, %swap3A_179], %add3A_175 {strides = array<i32>} : memref<256x768xf32, #tpu.memory_space<vmem>>, vector<256x384xf32>,
    return
  }
  func.func @transform_0(%arg0: i32) -> (i32, i32) {
    %c0_i32 = arith.constant 0 : i32
    %c0_i32_0 = arith.constant 0 : i32
    return %arg0, %c0_i32 : i32, i32
  }
  func.func @transform_1(%arg0: i32) -> (i32, i32) {
    %c0_i32 = arith.constant 0 : i32
    %c0_i32_0 = arith.constant 0 : i32
    return %arg0, %c0_i32 : i32, i32
  }
  func.func @transform_2(%arg0: i32) -> (i32, i32) {
    %c0_i32 = arith.constant 0 : i32
    %c0_i32_0 = arith.constant 0 : i32
    return %arg0, %c0_i32 : i32, i32
  }
}

</mosaic_0001>

<sc_bundles>
// kernel: kernel.10.cloned.1.call-start
scs
__scs_entry_jumppad:
0x0: {  	(pc) =	sbr.rel $0x88, $3  }
0x1: {  	(tag) =	ssettag $0x0;
	lr =	simm.s32 $0x1  }
0x2: {  	[smem:$0x3F9C] =	sst lr;
	_ =	strace $0xD0000000  }
0x3: {  	_ = 	snop  }
0x4: {  	_ = 	snop  }
0x5: {  	_ = 	snop  }
0x6: {  	_ = 	snop  }
0x7: {  	_ = 	snop  }
__scs_overlays_trampoline_lowered:
0x8: {  	[smem:$0x3FAB] =	sst s0  }
0x9: {  	[smem:$0x3FAC] =	sst s1  }
0xa: {  	[smem:$0x3FAD] =	sst s2  }
0xb: {  	[smem:$0x3FAE] =	sst s3  }
0xc: {  	[smem:$0x3FAF] =	sst s4  }
0xd: {  	[smem:$0x3FB0] =	sst s5  }
0xe: {  	[smem:$0x3FB1] =	sst s6  }
0xf: {  	[smem:$0x3FB2] =	sst s7  }
0x10: {  	[smem:$0x3FB3] =	sst s8  }
0x11: {  	[smem:$0x3FB4] =	sst s9;
	s0 =	simm.s32 @!p0 $0x0  }
0x12: {  	s1 =	sld [smem:$0x3F9A];
	s0 =	simm.s32 @p0 $0x1  }
0x13: {  	[smem:$0x3FB5] =	sst s0;
	s0 =	simm.s32 @!p1 $0x0  }
0x14: {  	s2 =	sld [smem:$0x3F99];
	s0 =	simm.s32 @p1 $0x1  }
0x15: {  	[smem:$0x3FB6] =	sst s0;
	s0 =	simm.s32 @!p2 $0x0  }
0x16: {  	s3 =	sld [smem:$0x3FDB];
	s0 =	simm.s32 @p2 $0x1  }
0x17: {  	s4 =	simm.s32 $0x1BF5;
	[smem:$0x3FB8] =	sst s0  }
0x18: {  	s0 =	sld [smem:$0x3F9B];
	_ =	swait.ge [sflag:s4], $0x0  }
0x19: {  	s7 =	sld [smem:$0x3F9C]  }
0x1a: {  	s8 =	sadd.s32 $0xFFFFE003, lr  }
0x1b: {  	s9 =	sadd.s32 $0xFFFFFEF7, lr;
	s5 =	simm.s32 $0xFFFFFFFF;
	p2 =	slt.u32 s8, $0xFFFFF086  }
0x1c: {  	p1 =	slt.u32 s9, $0xF7A;
	s5 =	simm.s32 @!p2 $0x0  }
0x1d: {  	s5 =	simm.s32 @p1 $0x1;
	p0 =	seq.s32 s7, s2  }
0x1e: {  	s7 =	smul.u32 @!p0 $0xF7A, s2;
	p2 =	seq.s32 @!p0 s5, $0x0  }
0x1f: {  	s9 =	smul.u32 $0xF7A, s1;
	s8 =	simm.s32 @!p0 $0x1BF5;
	p2 =	por !p2, p0  }
0x20: {  	[sflag:s8] =	ssyncset.s32 @!p0 $0xFFFFF086;
	s6 =	sadd.s32 @!p0 s3, s7;
	s7 =	simm.s32 @!p0 $0x108  }
0x21: {  	s3 =	sadd.s32 s3, s9;
	s6 =	sadd.s32 @!p0 $0x88, s6;
	s7 =	simm.s32 @p2 $0x1082  }
0x22: {  	[simem:s7], [sflag:s8] =	dma.local @!p0 [hbm:s6], $0xF7A  }
0x23: {  	s9 =	sor.u32 $0xD0000000, s2;
	s6 =	simm.s32 $0x108;
	_ =	swait.ge @!p0 [sflag:s8], $0x0  }
0x24: {  	s3 =	sadd.s32 $0x88, s3;
	s6 =	simm.s32 @!p1 $0x1082;
	[sflag:s4] =	ssyncset.s32 $0xFFFFF086  }
0x25: {  	[simem:s6], [sflag:s4] =	dma.local [hbm:s3], $0xF7A  }
0x26: {  	[smem:$0x3F9C] =	sst s1;
	(tag) =	ssettag s2;
	_ =	strace s9  }
0x27: {  	s1 =	sld [smem:$0x3FAC]  }
0x28: {  	s2 =	sld [smem:$0x3FAD]  }
0x29: {  	s4 =	sld [smem:$0x3FAF]  }
0x2a: {  	p0 =	seq.s32 s5, $0x0;
	s5 =	sld [smem:$0x3FB0]  }
0x2b: {  	s6 =	sld [smem:$0x3FB1]  }
0x2c: {  	s7 =	sld [smem:$0x3FB2]  }
0x2d: {  	s3 =	simm.s32 $0x108;
	s8 =	sld [smem:$0x3FB3]  }
0x2e: {  	s3 =	simm.s32 @!p0 $0x1082;
	s9 =	sld [smem:$0x3FB4]  }
0x2f: {  	lr =	sadd.s32 s0, s3;
	s0 =	sld [smem:$0x3FAB]  }
0x30: {  	s3 =	sld [smem:$0x3FAE]  }
0x31: {  	[smem:$0x3FB7] =	sst s10  }
0x32: {  	s10 =	sld [smem:$0x3FB5];
	_ =	sdelay $0x3  }
0x33: {  	p0 =	seq.s32 s10, $0x1;
	s10 =	sld [smem:$0x3FB7];
	_ =	sdelay $0x3  }
0x34: {  	[smem:$0x3FB7] =	sst s10  }
0x35: {  	s10 =	sld [smem:$0x3FB6];
	_ =	sdelay $0x3  }
0x36: {  	p1 =	seq.s32 s10, $0x1;
	s10 =	sld [smem:$0x3FB7];
	_ =	sdelay $0x3  }
0x37: {  	[smem:$0x3FB7] =	sst s10  }
0x38: {  	s10 =	sld [smem:$0x3FB8]  }
0x39: {  	_ = 	snop;
	(pc) =	sbr.ind lr, $3  }
0x3a: {  	_ = 	snop  }
0x3b: {  	_ = 	snop  }
0x3c: {  	p2 =	seq.s32 s10, $0x1;
	s10 =	sld [smem:$0x3FB7]  }
0x3d: {  	_ =	shalt  }
0x3e: {  	_ =	shalt  }
0x3f: {  	_ =	shalt  }
0x40: {  	_ =	shalt  }
0x41: {  	_ =	shalt  }
0x42: {  	_ =	shalt  }
0x43: {  	_ =	shalt  }
0x44: {  	_ =	shalt  }
0x45: {  	_ =	shalt  }
0x46: {  	_ =	shalt  }
0x47: {  	_ =	shalt  }
0x48: {  	_ =	shalt  }
0x49: {  	_ =	shalt  }
0x4a: {  	_ =	shalt  }
0x4b: {  	_ =	shalt  }
0x4c: {  	_ =	shalt  }
0x4d: {  	_ =	shalt  }
0x4e: {  	_ =	shalt  }
0x4f: {  	_ =	shalt  }
0x50: {  	_ =	shalt  }
0x51: {  	_ =	shalt  }
0x52: {  	_ =	shalt  }
0x53: {  	_ =	shalt  }
0x54: {  	_ =	shalt  }
0x55: {  	_ =	shalt  }
0x56: {  	_ =	shalt  }
0x57: {  	_ =	shalt  }
0x58: {  	_ =	shalt  }
0x59: {  	_ =	shalt  }
0x5a: {  	_ =	shalt  }
0x5b: {  	_ =	shalt  }
0x5c: {  	_ =	shalt  }
0x5d: {  	_ =	shalt  }
0x5e: {  	_ =	shalt  }
0x5f: {  	_ =	shalt  }
0x60: {  	_ =	shalt  }
0x61: {  	_ =	shalt  }
0x62: {  	_ =	shalt  }
0x63: {  	_ =	shalt  }
0x64: {  	_ =	shalt  }
0x65: {  	_ =	shalt  }
0x66: {  	_ =	shalt  }
0x67: {  	_ =	shalt  }
0x68: {  	_ =	shalt  }
0x69: {  	_ =	shalt  }
0x6a: {  	_ =	shalt  }
0x6b: {  	_ =	shalt  }
0x6c: {  	_ =	shalt  }
0x6d: {  	_ =	shalt  }
0x6e: {  	_ =	shalt  }
0x6f: {  	_ =	shalt  }
0x70: {  	_ =	shalt  }
0x71: {  	_ =	shalt  }
0x72: {  	_ =	shalt  }
0x73: {  	_ =	shalt  }
0x74: {  	_ =	shalt  }
0x75: {  	_ =	shalt  }
0x76: {  	_ =	shalt  }
0x77: {  	_ =	shalt  }
0x78: {  	_ =	shalt  }
0x79: {  	_ =	shalt  }
0x7a: {  	_ =	shalt  }
0x7b: {  	_ =	shalt  }
0x7c: {  	_ =	shalt  }
0x7d: {  	_ =	shalt  }
0x7e: {  	_ =	shalt  }
0x7f: {  	_ =	shalt  }
0x80: {  	_ =	shalt  }
0x81: {  	_ =	shalt  }
0x82: {  	_ =	shalt  }
0x83: {  	_ =	shalt  }
0x84: {  	_ =	shalt  }
0x85: {  	_ =	shalt  }
0x86: {  	_ =	shalt  }
0x87: {  	_ =	shalt  }
.Lfunc_end0:
.L_simem_size_0:
called_computation.1_lowered:
.L_overlay_start_0:
0x88: {  	s2 =	sld [smem:$0x3FD9]  }
0x89: {  	s3 =	sld [smem:$0x3FFE];
	_ =	sdelay $0x1  }
0x8a: {  	s1 =	srdreg.scid  }
0x8b: {  	s0 =	sand.u32 $0x1, s1  }
0x8c: {  	s16 =	sshll.u32 s0, $0xA;
	s2 =	sadd.s32 s3, s2  }
0x8d: {  	s2 =	sadd.s32 s2, s16  }
0x8e: {  	[smem:$0x3FC3] =	sst s2  }
0x8f: {  	_ = 	snop  }
0x90: {  	(tm) =	ssettm $0x1  }
0x91: {  	s17 =	sld [smem:$0x3FFB];
	_ =	sdelay $0x3  }
0x92: {  	_ =	strace s17  }
0x93: {  	s2 =	sld [smem:$0x3FFC];
	_ =	sdelay $0x3  }
0x94: {  	_ =	strace s2  }
0x95: {  	s2 =	sld [smem:$0x3FFD];
	_ =	sdelay $0x3  }
0x96: {  	_ =	strace s2  }
0x97: {  	_ =	strace $0x8FFFFFFF  }
0x98: {  	s18 =	sld [smem:$0x3FDB];
	_ =	sdelay $0x1  }
0x99: {  	s19 =	simm.s32 $_scs_section_size  }
0x9a: {  	s4 =	simm.s32 $_size__tile_overlayer_lowered;
	s5 =	simm.s32 $_tile_overlayer_lowered  }
0x9b: {  	s22 =	simm.s32 $0x1BFF;
	s21 =	sshll.u32 s5, $0x1;
	s2 =	sadd.s32 s19, s18  }
0x9c: {  	s6 =	simm.s32 $0x0;
	s20 =	sshll.u32 s4, $0x1;
	s4 =	sadd.s32 s21, s2  }
0x9d: {  	[timem:s6], [sflag:s22] =	dma.local [hbm:s4], s20  }
0x9e: {  	_ =	swait.ge [sflag:s22], s20  }
0x9f: {  	s3 =	ssub.s32 $0x0, s20;
	[sflag:s22] =	ssyncset.done $0x0  }
0xa0: {  	[sflag:s22] =	ssyncadd.s32 s3;
	_ =	sdelay $0x1  }
0xa1: {  	s23 =	simm.s32 $0x1B8B  }
0xa2: {  	_ =	swait.ge [sflag:s23], $0x1  }
0xa3: {  	[sflag:s23] =	ssyncset.done $0x0  }
0xa4: {  	s25 =	simm.s32 $0x1B8E;
	s24 =	sld [smem:$0x3FFE];
	[sflag:s23] =	ssyncadd.s32 $0xFFFFFFFF  }
0xa5: {  	s26 =	simm.s32 $execute0_lowered;
	[smem:$0x3FD2] =	sst s25  }
0xa6: {  	s4 =	sshll.u32 s26, $0x1;
	_ =	strace $0x80000049;
	[dreg:$0x1] =	wrdreg $0xFFFFFFFF  }
0xa7: {  	s28 =	simm.s32 $_size_execute0_lowered;
	s2 =	sadd.s32 s2, s4;
	[dreg:$0x0] =	wrdreg $0x0  }
0xa8: {  	s4 =	sshll.u32 s28, $0x1;
	[dreg:$0x2] =	wrdreg s2  }
0xa9: {  	[dreg:$0x3] =	wrdreg s4  }
0xaa: {  	[dreg:$0x4] =	wrdreg $0xC0  }
0xab: {  	_ =	task [dreg:s6], $0x5FFFF  }
0xac: {  	[dreg:$0x1] =	wrdreg $0xFFFFFFFF  }
0xad: {  	[dreg:$0x0] =	wrdreg $0x60  }
0xae: {  	[dreg:$0x2] =	wrdreg s24  }
0xaf: {  	[dreg:$0x3] =	wrdreg $0x9  }
0xb0: {  	_ =	task.clear_ibuf [dreg:s6], $0x4FFFF;
	_ =	strace $0x90000049  }
0xb1: {  	s29 =	simm.s32 $0x9;
	_ =	strace $0x8000004B  }
0xb2: {  	_ =	swait.ge [sflag:s29], $0x1  }
0xb3: {  	[sflag:s29] =	ssyncadd.s32 $0xFFFFFFFF  }
0xb4: {  	_ =	strace $0x9000004B  }
0xb5: {  	_ =	sfence  }
0xb6: {  	s30 =	sld [smem:$0x0];
	_ =	sdelay $0x2  }
0xb7: {  	s31 =	sshll.u32 s1, $0xD;
	s1 =	sshrl.u32 s1, $0x2  }
0xb8: {  	s3 =	sand.u32 $0x4000, s31;
	s1 =	sadd.s32 s1, s30  }
0xb9: {  	s0 =	sor.u32 s3, s0;
	s1 =	sshll.u32 s1, $0x11  }
0xba: {  	s0 =	sor.u32 s1, s0  }
0xbb: {  	s0 =	sadd.s32 $0x8F2B, s0  }
0xbc: {  	[sflag:s0] =	ssyncadd.remote.s32 $0x1  }
0xbd: {  	_ =	sfence.sel $0xFFFF  }
0xbe: {  	[dreg:$0x0] =	wrdreg $0xFFFFFFFF;
	(pc) =	sbr.abs _section_cstart, $3  }
0xbf: {  	[dreg:$0x1] =	wrdreg $0xFFFFFFFF  }
0xc0: {  	_ =	task.clear_ibuf [dreg:s6], $0x2FFFF;
	_ =	strace $0x9FFFFFFF  }
0xc1: {  	(tm) =	ssettm $0x7FFFFFFF  }
tec
execute0_lowered:
.L_overlay_start_1:
0x0: {  	(tag) =	ssettag $0x1  }
0x1: {  	s0 =	rddreg [dreg:$0x0];
	s1 =	srdreg.scid  }
0x2: {  	s3 =	stileid.u32;
	s2 =	simm.s32 $0x0;
	s16 =	simm.s32 $0x1  }
0x3: {  	s17 =	simm.s32 $0x200;
	s28 =	simm.s32 $0xA00;
	s29 =	simm.s32 $0xE00  }
0x4: {  	s30 =	simm.s32 $0x1600;
	s31 =	simm.s32 $0x1A00;
	s10 =	simm.s32 $0x3200  }
0x5: {  	s11 =	simm.s32 $0x3A00;
	s12 =	simm.s32 $0x3E00;
	s13 =	simm.s32 $0x4600  }
0x6: {  	s14 =	simm.s32 $0x4A00;
	s15 =	simm.s32 $0x5200;
	s18 =	simm.s32 $0x5600  }
0x7: {  	s19 =	simm.s32 $0x5E00;
	s20 =	simm.s32 $0x6A00;
	s21 =	simm.s32 $0x6E00  }
0x8: {  	s22 =	simm.s32 $0x7600;
	s1 =	sand.u32 $0x1, s1;
	s3 =	sshll.u32 s3, $0x7  }
0x9: {  	[smem:$0x7FF] =	sst s2;
	s7 =	sadd.s32 $0x9E00, s0;
	s4 =	sshll.u32 s1, $0x6  }
0xa: {  	_ =	strace $0x8000004A;
	s1 =	ssub.s32 $0x2, s1;
	s3 =	sor.u32 s4, s3  }
0xb: {  	s8 =	sshrl.u32 s1, $0x1;
	s4 =	smul.u32 $0x180, s3;
	s5 =	sadd.s32 s3, s0  }
0xc: {  	s6 =	smul.u32 $0xC00, s3;
	s3 =	sadd.s32 $0x249E00, s0;
	s1 =	ssub.s32 s1, s8  }
0xd: {  	s8 =	simm.s32 $0x8E00;
	s5 =	sadd.s32 $0x9600, s5;
	s9 =	sadd.s32 s7, s4  }
0xe: {  	s23 =	sshrl.u32 s6, $0x3;
	[dreg:$0x2] =	wrdreg s5;
	s5 =	sadd.s32 $0x249F00, s0  }
0xf: {  	s6 =	smax.u32 s1, $0x1;
	[dreg:$0x6] =	wrdreg s9;
	s24 =	sadd.s32 $0x1800, s9  }
0x10: {  	s4 =	sadd.s32 s7, s23;
	s9 =	simm.s32 $0x2E00;
	s23 =	simm.s32 $0x7A00  }
0x11: {  	v2 =	vlaneseq.u32;
	s7 =	simm.s32 $0x8600;
	[dreg:$0x3] =	wrdreg s24;
	s25 =	sadd.s32 $0x3000, s4  }
0x12: {  	vm0 =	vmmov $0xffff;
	vm1 =	vmmov $0xff;
	v1 =	vshrl.u32 v2, $0x3;
	s26 =	sadd.s32 $0x4800, s4;
	s4 =	simm.s32 $0x6200;
	[dreg:$0x4] =	wrdreg s25  }
0x13: {  	v0 =	vand.u32 $0x7, v2;
	v2 =	vor.u32 $0x8, v2;
	v1 =	vmul.u32 $0x8, v1;
	s24 =	simm.s32 $0x8200;
	[dreg:$0x5] =	wrdreg s26;
	s25 =	simm.s32 $0x2  }
.LBB2_1:
0x14: {  	s26 =	rddreg [dreg:$0x2];
	s0 =	simm.s32 $0x3  }
0x15: {  	[tilespmem:s2], [sflag:$0x3] =	stream.linear.gather [hbm4b:s26+s2], $0x200, $0x38;
	[tilespmem:$0x18200] =	vst v63  }
0x16: {  	_ =	swait.ge [sflag:s0], $0x200  }
0x17: {  	[sflag:s0] =	ssyncset.done $0x0  }
0x18: {  	[sflag:s0] =	ssyncadd.s32 $0xFFFFFE00  }
0x19: {  	v3 =	vld [tilespmem:$0x0];
	_ =	sdelay $0x4  }
0x1a: {  	v4 =	vshrl.u32 v3, $0x3  }
0x1b: {  	v4 =	vmul.u32 $0x18, v4  }
0x1c: {  	v3 =	vand.u32 $0x7, v3  }
0x1d: {  	v3 =	vor.u32 v3, v4  }
0x1e: {  	v4 =	vperm.xlane v3, v0;
	_ =	sdelay $0x1  }
0x1f: {  	v4 =	vadd.s32 v1, v4;
	_ =	sdelay $0x1  }
0x20: {  	v3 =	vperm.xlane v3, v2;
	_ =	sdelay $0x1  }
0x21: {  	v3 =	vadd.s32 v1, v3  }
0x22: {  	[tilespmem:s17], [sflag:$0x1] =	stream.indirect_vreg.gather [hbm4b:s3+s2], $0x80, v4, vm0, $0xb8;
	[tilespmem:$0x18200] =	vst v63  }
0x23: {  	_ = 	snop  }
0x24: {  	[tilespmem:s28], [sflag:$0x1] =	stream.indirect_vreg.gather [hbm4b:s5+s2], $0x80, v4, vm1, $0xb8;
	[tilespmem:$0x18200] =	vst v63  }
0x25: {  	_ = 	snop  }
0x26: {  	[tilespmem:s29], [sflag:$0x1] =	stream.indirect_vreg.gather [hbm4b:s3+s2], $0x80, v3, vm0, $0xb8;
	[tilespmem:$0x18200] =	vst v63  }
0x27: {  	_ = 	snop  }
0x28: {  	[tilespmem:s30], [sflag:$0x1] =	stream.indirect_vreg.gather [hbm4b:s5+s2], $0x80, v3, vm1, $0xb8;
	[tilespmem:$0x18200] =	vst v63  }
0x29: {  	v3 =	vld [tilespmem:$0x10];
	_ =	sdelay $0x4  }
0x2a: {  	v33 =	vshrl.u32 v3, $0x3  }
0x2b: {  	v4 =	vmul.u32 $0x18, v33  }
0x2c: {  	v3 =	vand.u32 $0x7, v3  }
0x2d: {  	v3 =	vor.u32 v3, v4  }
0x2e: {  	v4 =	vperm.xlane v3, v0;
	_ =	sdelay $0x1  }
0x2f: {  	v4 =	vadd.s32 v1, v4;
	_ =	sdelay $0x1  }
0x30: {  	v3 =	vperm.xlane v3, v2;
	_ =	sdelay $0x1  }
0x31: {  	v3 =	vadd.s32 v1, v3  }
0x32: {  	[tilespmem:s31], [sflag:$0x1] =	stream.indirect_vreg.gather [hbm4b:s3+s2], $0x80, v4, vm0, $0xb8;
	[tilespmem:$0x18200] =	vst v63  }
0x33: {  	s1 =	simm.s32 $0x2200  }
0x34: {  	[tilespmem:s1], [sflag:$0x1] =	stream.indirect_vreg.gather [hbm4b:s5+s2], $0x80, v4, vm1, $0xb8;
	[tilespmem:$0x18200] =	vst v63  }
0x35: {  	s1 =	simm.s32 $0x2600  }
0x36: {  	[tilespmem:s1], [sflag:$0x1] =	stream.indirect_vreg.gather [hbm4b:s3+s2], $0x80, v3, vm0, $0xb8;
	[tilespmem:$0x18200] =	vst v63  }
0x37: {  	_ = 	snop  }
0x38: {  	[tilespmem:s9], [sflag:$0x1] =	stream.indirect_vreg.gather [hbm4b:s5+s2], $0x80, v3, vm1, $0xb8;
	[tilespmem:$0x18200] =	vst v63  }
0x39: {  	v3 =	vld [tilespmem:$0x20];
	_ =	sdelay $0x4  }
0x3a: {  	v34 =	vshrl.u32 v3, $0x3  }
0x3b: {  	v4 =	vmul.u32 $0x18, v34  }
0x3c: {  	v3 =	vand.u32 $0x7, v3  }
0x3d: {  	v3 =	vor.u32 v3, v4  }
0x3e: {  	v4 =	vperm.xlane v3, v0;
	_ =	sdelay $0x1  }
0x3f: {  	v4 =	vadd.s32 v1, v4;
	_ =	sdelay $0x1  }
0x40: {  	v3 =	vperm.xlane v3, v2;
	_ =	sdelay $0x1  }
0x41: {  	v3 =	vadd.s32 v1, v3  }
0x42: {  	[tilespmem:s10], [sflag:$0x1] =	stream.indirect_vreg.gather [hbm4b:s3+s2], $0x80, v4, vm0, $0xb8;
	[tilespmem:$0x18200] =	vst v63  }
0x43: {  	_ = 	snop  }
0x44: {  	[tilespmem:s11], [sflag:$0x1] =	stream.indirect_vreg.gather [hbm4b:s5+s2], $0x80, v4, vm1, $0xb8;
	[tilespmem:$0x18200] =	vst v63  }
0x45: {  	_ = 	snop  }
0x46: {  	[tilespmem:s12], [sflag:$0x1] =	stream.indirect_vreg.gather [hbm4b:s3+s2], $0x80, v3, vm0, $0xb8;
	[tilespmem:$0x18200] =	vst v63  }
0x47: {  	_ = 	snop  }
0x48: {  	[tilespmem:s13], [sflag:$0x1] =	stream.indirect_vreg.gather [hbm4b:s5+s2], $0x80, v3, vm1, $0xb8;
	[tilespmem:$0x18200] =	vst v63  }
0x49: {  	v3 =	vld [tilespmem:$0x30];
	_ =	sdelay $0x4  }
0x4a: {  	v35 =	vshrl.u32 v3, $0x3  }
0x4b: {  	v4 =	vmul.u32 $0x18, v35  }
0x4c: {  	v3 =	vand.u32 $0x7, v3  }
0x4d: {  	v3 =	vor.u32 v3, v4  }
0x4e: {  	v4 =	vperm.xlane v3, v0;
	_ =	sdelay $0x1  }
0x4f: {  	v4 =	vadd.s32 v1, v4;
	_ =	sdelay $0x1  }
0x50: {  	v3 =	vperm.xlane v3, v2;
	_ =	sdelay $0x1  }
0x51: {  	v3 =	vadd.s32 v1, v3  }
0x52: {  	[tilespmem:s14], [sflag:$0x1] =	stream.indirect_vreg.gather [hbm4b:s3+s2], $0x80, v4, vm0, $0xb8;
	[tilespmem:$0x18200] =	vst v63  }
0x53: {  	_ = 	snop  }
0x54: {  	[tilespmem:s15], [sflag:$0x1] =	stream.indirect_vreg.gather [hbm4b:s5+s2], $0x80, v4, vm1, $0xb8;
	[tilespmem:$0x18200] =	vst v63  }
0x55: {  	_ = 	snop  }
0x56: {  	[tilespmem:s18], [sflag:$0x1] =	stream.indirect_vreg.gather [hbm4b:s3+s2], $0x80, v3, vm0, $0xb8;
	[tilespmem:$0x18200] =	vst v63  }
0x57: {  	_ = 	snop  }
0x58: {  	[tilespmem:s19], [sflag:$0x1] =	stream.indirect_vreg.gather [hbm4b:s5+s2], $0x80, v3, vm1, $0xb8;
	[tilespmem:$0x18200] =	vst v63  }
0x59: {  	v3 =	vld [tilespmem:$0x40];
	_ =	sdelay $0x4  }
0x5a: {  	v36 =	vshrl.u32 v3, $0x3  }
0x5b: {  	v4 =	vmul.u32 $0x18, v36  }
0x5c: {  	v3 =	vand.u32 $0x7, v3  }
0x5d: {  	v3 =	vor.u32 v3, v4  }
0x5e: {  	v4 =	vperm.xlane v3, v0;
	_ =	sdelay $0x1  }
0x5f: {  	v4 =	vadd.s32 v1, v4;
	_ =	sdelay $0x1  }
0x60: {  	v3 =	vperm.xlane v3, v2;
	_ =	sdelay $0x1  }
0x61: {  	v3 =	vadd.s32 v1, v3  }
0x62: {  	[tilespmem:s4], [sflag:$0x1] =	stream.indirect_vreg.gather [hbm4b:s3+s2], $0x80, v4, vm0, $0xb8;
	[tilespmem:$0x18200] =	vst v63  }
0x63: {  	_ = 	snop  }
0x64: {  	[tilespmem:s20], [sflag:$0x1] =	stream.indirect_vreg.gather [hbm4b:s5+s2], $0x80, v4, vm1, $0xb8;
	[tilespmem:$0x18200] =	vst v63  }
0x65: {  	_ = 	snop  }
0x66: {  	[tilespmem:s21], [sflag:$0x1] =	stream.indirect_vreg.gather [hbm4b:s3+s2], $0x80, v3, vm0, $0xb8;
	[tilespmem:$0x18200] =	vst v63  }
0x67: {  	_ = 	snop  }
0x68: {  	[tilespmem:s22], [sflag:$0x1] =	stream.indirect_vreg.gather [hbm4b:s5+s2], $0x80, v3, vm1, $0xb8;
	[tilespmem:$0x18200] =	vst v63  }
0x69: {  	v3 =	vld [tilespmem:$0x50];
	_ =	sdelay $0x4  }
0x6a: {  	v37 =	vshrl.u32 v3, $0x3  }
0x6b: {  	v4 =	vmul.u32 $0x18, v37  }
0x6c: {  	v3 =	vand.u32 $0x7, v3  }
0x6d: {  	v3 =	vor.u32 v3, v4  }
0x6e: {  	v4 =	vperm.xlane v3, v0;
	_ =	sdelay $0x1  }
0x6f: {  	v4 =	vadd.s32 v1, v4;
	_ =	sdelay $0x1  }
0x70: {  	v3 =	vperm.xlane v3, v2;
	_ =	sdelay $0x1  }
0x71: {  	v3 =	vadd.s32 v1, v3  }
0x72: {  	[tilespmem:s23], [sflag:$0x1] =	stream.indirect_vreg.gather [hbm4b:s3+s2], $0x80, v4, vm0, $0xb8;
	[tilespmem:$0x18200] =	vst v63  }
0x73: {  	_ = 	snop  }
0x74: {  	[tilespmem:s24], [sflag:$0x1] =	stream.indirect_vreg.gather [hbm4b:s5+s2], $0x80, v4, vm1, $0xb8;
	[tilespmem:$0x18200] =	vst v63  }
0x75: {  	_ = 	snop  }
0x76: {  	[tilespmem:s7], [sflag:$0x1] =	stream.indirect_vreg.gather [hbm4b:s3+s2], $0x80, v3, vm0, $0xb8;
	[tilespmem:$0x18200] =	vst v63  }
0x77: {  	_ = 	snop  }
0x78: {  	[tilespmem:s8], [sflag:$0x1] =	stream.indirect_vreg.gather [hbm4b:s5+s2], $0x80, v3, vm1, $0xb8;
	[tilespmem:$0x18200] =	vst v63  }
0x79: {  	v3 =	vld [tilespmem:$0x60];
	_ =	sdelay $0x4  }
0x7a: {  	v38 =	vshrl.u32 v3, $0x3  }
0x7b: {  	v4 =	vmul.u32 $0x18, v38  }
0x7c: {  	v3 =	vand.u32 $0x7, v3  }
0x7d: {  	v3 =	vor.u32 v3, v4  }
0x7e: {  	v4 =	vperm.xlane v3, v0;
	_ =	sdelay $0x1  }
0x7f: {  	v4 =	vadd.s32 v1, v4;
	_ =	sdelay $0x1  }
0x80: {  	v3 =	vperm.xlane v3, v2;
	_ =	sdelay $0x1  }
0x81: {  	s26 =	simm.s32 $0x9200;
	v3 =	vadd.s32 v1, v3  }
0x82: {  	[tilespmem:s26], [sflag:$0x1] =	stream.indirect_vreg.gather [hbm4b:s3+s2], $0x80, v4, vm0, $0xb8;
	[tilespmem:$0x18200] =	vst v63  }
0x83: {  	s26 =	simm.s32 $0x9A00  }
0x84: {  	[tilespmem:s26], [sflag:$0x1] =	stream.indirect_vreg.gather [hbm4b:s5+s2], $0x80, v4, vm1, $0xb8;
	[tilespmem:$0x18200] =	vst v63  }
0x85: {  	s26 =	simm.s32 $0x9E00  }
0x86: {  	[tilespmem:s26], [sflag:$0x1] =	stream.indirect_vreg.gather [hbm4b:s3+s2], $0x80, v3, vm0, $0xb8;
	[tilespmem:$0x18200] =	vst v63  }
0x87: {  	s26 =	simm.s32 $0xA600  }
0x88: {  	[tilespmem:s26], [sflag:$0x1] =	stream.indirect_vreg.gather [hbm4b:s5+s2], $0x80, v3, vm1, $0xb8;
	[tilespmem:$0x18200] =	vst v63  }
0x89: {  	v3 =	vld [tilespmem:$0x70];
	_ =	sdelay $0x4  }
0x8a: {  	v39 =	vshrl.u32 v3, $0x3  }
0x8b: {  	v4 =	vmul.u32 $0x18, v39  }
0x8c: {  	v3 =	vand.u32 $0x7, v3  }
0x8d: {  	v3 =	vor.u32 v3, v4  }
0x8e: {  	v4 =	vperm.xlane v3, v0;
	_ =	sdelay $0x1  }
0x8f: {  	v4 =	vadd.s32 v1, v4;
	_ =	sdelay $0x1  }
0x90: {  	v3 =	vperm.xlane v3, v2;
	_ =	sdelay $0x1  }
0x91: {  	s26 =	simm.s32 $0xAA00;
	v3 =	vadd.s32 v1, v3  }
0x92: {  	[tilespmem:s26], [sflag:$0x1] =	stream.indirect_vreg.gather [hbm4b:s3+s2], $0x80, v4, vm0, $0xb8;
	[tilespmem:$0x18200] =	vst v63  }
0x93: {  	s26 =	simm.s32 $0xB200  }
0x94: {  	[tilespmem:s26], [sflag:$0x1] =	stream.indirect_vreg.gather [hbm4b:s5+s2], $0x80, v4, vm1, $0xb8;
	[tilespmem:$0x18200] =	vst v63  }
0x95: {  	s26 =	simm.s32 $0xB600  }
0x96: {  	[tilespmem:s26], [sflag:$0x1] =	stream.indirect_vreg.gather [hbm4b:s3+s2], $0x80, v3, vm0, $0xb8;
	[tilespmem:$0x18200] =	vst v63  }
0x97: {  	s26 =	simm.s32 $0xBE00  }
0x98: {  	[tilespmem:s26], [sflag:$0x1] =	stream.indirect_vreg.gather [hbm4b:s5+s2], $0x80, v3, vm1, $0xb8;
	[tilespmem:$0x18200] =	vst v63  }
0x99: {  	_ =	swait.ge [sflag:s16], $0xC000  }
0x9a: {  	[sflag:s16] =	ssyncset.done $0x0  }
0x9b: {  	s0 =	rddreg [dreg:$0x6];
	[sflag:s16] =	ssyncadd.s32 $0xFFFF4000  }
0x9c: {  	[hbm4b:s0+s2] =	stream.linear.scatter [tilespmem:s17], [sflag:$0x2], $0xC000, $0x38;
	[tilespmem:$0x18200] =	vst v63  }
0x9d: {  	v3 =	vld [tilespmem:$0x80];
	_ =	sdelay $0x4  }
0x9e: {  	v40 =	vshrl.u32 v3, $0x3  }
0x9f: {  	v4 =	vmul.u32 $0x18, v40  }
0xa0: {  	v3 =	vand.u32 $0x7, v3  }
0xa1: {  	v3 =	vor.u32 v3, v4  }
0xa2: {  	v4 =	vperm.xlane v3, v0;
	_ =	sdelay $0x1  }
0xa3: {  	v4 =	vadd.s32 v1, v4;
	_ =	sdelay $0x1  }
0xa4: {  	v3 =	vperm.xlane v3, v2;
	_ =	sdelay $0x1  }
0xa5: {  	s0 =	simm.s32 $0xC200;
	v3 =	vadd.s32 v1, v3  }
0xa6: {  	[tilespmem:s0], [sflag:$0x1] =	stream.indirect_vreg.gather [hbm4b:s3+s2], $0x80, v4, vm0, $0xb8;
	[tilespmem:$0x18200] =	vst v63  }
0xa7: {  	s26 =	simm.s32 $0xCA00  }
0xa8: {  	[tilespmem:s26], [sflag:$0x1] =	stream.indirect_vreg.gather [hbm4b:s5+s2], $0x80, v4, vm1, $0xb8;
	[tilespmem:$0x18200] =	vst v63  }
0xa9: {  	s26 =	simm.s32 $0xCE00  }
0xaa: {  	[tilespmem:s26], [sflag:$0x1] =	stream.indirect_vreg.gather [hbm4b:s3+s2], $0x80, v3, vm0, $0xb8;
	[tilespmem:$0x18200] =	vst v63  }
0xab: {  	s26 =	simm.s32 $0xD600  }
0xac: {  	[tilespmem:s26], [sflag:$0x1] =	stream.indirect_vreg.gather [hbm4b:s5+s2], $0x80, v3, vm1, $0xb8;
	[tilespmem:$0x18200] =	vst v63  }
0xad: {  	v3 =	vld [tilespmem:$0x90];
	_ =	sdelay $0x4  }
0xae: {  	v41 =	vshrl.u32 v3, $0x3  }
0xaf: {  	v4 =	vmul.u32 $0x18, v41  }
0xb0: {  	v3 =	vand.u32 $0x7, v3  }
0xb1: {  	v3 =	vor.u32 v3, v4  }
0xb2: {  	v4 =	vperm.xlane v3, v0;
	_ =	sdelay $0x1  }
0xb3: {  	v4 =	vadd.s32 v1, v4;
	_ =	sdelay $0x1  }
0xb4: {  	v3 =	vperm.xlane v3, v2;
	_ =	sdelay $0x1  }
0xb5: {  	s26 =	simm.s32 $0xDA00;
	v3 =	vadd.s32 v1, v3  }
0xb6: {  	[tilespmem:s26], [sflag:$0x1] =	stream.indirect_vreg.gather [hbm4b:s3+s2], $0x80, v4, vm0, $0xb8;
	[tilespmem:$0x18200] =	vst v63  }
0xb7: {  	s26 =	simm.s32 $0xE200  }
0xb8: {  	[tilespmem:s26], [sflag:$0x1] =	stream.indirect_vreg.gather [hbm4b:s5+s2], $0x80, v4, vm1, $0xb8;
	[tilespmem:$0x18200] =	vst v63  }
0xb9: {  	s26 =	simm.s32 $0xE600  }
0xba: {  	[tilespmem:s26], [sflag:$0x1] =	stream.indirect_vreg.gather [hbm4b:s3+s2], $0x80, v3, vm0, $0xb8;
	[tilespmem:$0x18200] =	vst v63  }
0xbb: {  	s26 =	simm.s32 $0xEE00  }
0xbc: {  	[tilespmem:s26], [sflag:$0x1] =	stream.indirect_vreg.gather [hbm4b:s5+s2], $0x80, v3, vm1, $0xb8;
	[tilespmem:$0x18200] =	vst v63  }
0xbd: {  	v3 =	vld [tilespmem:$0xA0];
	_ =	sdelay $0x4  }
0xbe: {  	v42 =	vshrl.u32 v3, $0x3  }
0xbf: {  	v4 =	vmul.u32 $0x18, v42  }
0xc0: {  	v3 =	vand.u32 $0x7, v3  }
0xc1: {  	v3 =	vor.u32 v3, v4  }
0xc2: {  	v4 =	vperm.xlane v3, v0;
	_ =	sdelay $0x1  }
0xc3: {  	v4 =	vadd.s32 v1, v4;
	_ =	sdelay $0x1  }
0xc4: {  	v3 =	vperm.xlane v3, v2;
	_ =	sdelay $0x1  }
0xc5: {  	s26 =	simm.s32 $0xF200;
	v3 =	vadd.s32 v1, v3  }
0xc6: {  	[tilespmem:s26], [sflag:$0x1] =	stream.indirect_vreg.gather [hbm4b:s3+s2], $0x80, v4, vm0, $0xb8;
	[tilespmem:$0x18200] =	vst v63  }
0xc7: {  	s26 =	simm.s32 $0xFA00  }
0xc8: {  	[tilespmem:s26], [sflag:$0x1] =	stream.indirect_vreg.gather [hbm4b:s5+s2], $0x80, v4, vm1, $0xb8;
	[tilespmem:$0x18200] =	vst v63  }
0xc9: {  	s26 =	simm.s32 $0xFE00  }
0xca: {  	[tilespmem:s26], [sflag:$0x1] =	stream.indirect_vreg.gather [hbm4b:s3+s2], $0x80, v3, vm0, $0xb8;
	[tilespmem:$0x18200] =	vst v63  }
0xcb: {  	s26 =	simm.s32 $0x10600  }
0xcc: {  	[tilespmem:s26], [sflag:$0x1] =	stream.indirect_vreg.gather [hbm4b:s5+s2], $0x80, v3, vm1, $0xb8;
	[tilespmem:$0x18200] =	vst v63  }
0xcd: {  	v3 =	vld [tilespmem:$0xB0];
	_ =	sdelay $0x4  }
0xce: {  	v43 =	vshrl.u32 v3, $0x3  }
0xcf: {  	v4 =	vmul.u32 $0x18, v43  }
0xd0: {  	v3 =	vand.u32 $0x7, v3  }
0xd1: {  	v3 =	vor.u32 v3, v4  }
0xd2: {  	v4 =	vperm.xlane v3, v0;
	_ =	sdelay $0x1  }
0xd3: {  	v4 =	vadd.s32 v1, v4;
	_ =	sdelay $0x1  }
0xd4: {  	v3 =	vperm.xlane v3, v2;
	_ =	sdelay $0x1  }
0xd5: {  	s26 =	simm.s32 $0x10A00;
	v3 =	vadd.s32 v1, v3  }
0xd6: {  	[tilespmem:s26], [sflag:$0x1] =	stream.indirect_vreg.gather [hbm4b:s3+s2], $0x80, v4, vm0, $0xb8;
	[tilespmem:$0x18200] =	vst v63  }
0xd7: {  	s26 =	simm.s32 $0x11200  }
0xd8: {  	[tilespmem:s26], [sflag:$0x1] =	stream.indirect_vreg.gather [hbm4b:s5+s2], $0x80, v4, vm1, $0xb8;
	[tilespmem:$0x18200] =	vst v63  }
0xd9: {  	s26 =	simm.s32 $0x11600  }
0xda: {  	[tilespmem:s26], [sflag:$0x1] =	stream.indirect_vreg.gather [hbm4b:s3+s2], $0x80, v3, vm0, $0xb8;
	[tilespmem:$0x18200] =	vst v63  }
0xdb: {  	s26 =	simm.s32 $0x11E00  }
0xdc: {  	[tilespmem:s26], [sflag:$0x1] =	stream.indirect_vreg.gather [hbm4b:s5+s2], $0x80, v3, vm1, $0xb8;
	[tilespmem:$0x18200] =	vst v63  }
0xdd: {  	v3 =	vld [tilespmem:$0xC0];
	_ =	sdelay $0x4  }
0xde: {  	v44 =	vshrl.u32 v3, $0x3  }
0xdf: {  	v4 =	vmul.u32 $0x18, v44  }
0xe0: {  	v3 =	vand.u32 $0x7, v3  }
0xe1: {  	v3 =	vor.u32 v3, v4  }
0xe2: {  	v4 =	vperm.xlane v3, v0;
	_ =	sdelay $0x1  }
0xe3: {  	v4 =	vadd.s32 v1, v4;
	_ =	sdelay $0x1  }
0xe4: {  	v3 =	vperm.xlane v3, v2;
	_ =	sdelay $0x1  }
0xe5: {  	s26 =	simm.s32 $0x12200;
	v3 =	vadd.s32 v1, v3  }
0xe6: {  	[tilespmem:s26], [sflag:$0x1] =	stream.indirect_vreg.gather [hbm4b:s3+s2], $0x80, v4, vm0, $0xb8;
	[tilespmem:$0x18200] =	vst v63  }
0xe7: {  	s26 =	simm.s32 $0x12A00  }
0xe8: {  	[tilespmem:s26], [sflag:$0x1] =	stream.indirect_vreg.gather [hbm4b:s5+s2], $0x80, v4, vm1, $0xb8;
	[tilespmem:$0x18200] =	vst v63  }
0xe9: {  	s26 =	simm.s32 $0x12E00  }
0xea: {  	[tilespmem:s26], [sflag:$0x1] =	stream.indirect_vreg.gather [hbm4b:s3+s2], $0x80, v3, vm0, $0xb8;
	[tilespmem:$0x18200] =	vst v63  }
0xeb: {  	s26 =	simm.s32 $0x13600  }
0xec: {  	[tilespmem:s26], [sflag:$0x1] =	stream.indirect_vreg.gather [hbm4b:s5+s2], $0x80, v3, vm1, $0xb8;
	[tilespmem:$0x18200] =	vst v63  }
0xed: {  	v3 =	vld [tilespmem:$0xD0];
	_ =	sdelay $0x4  }
0xee: {  	v45 =	vshrl.u32 v3, $0x3  }
0xef: {  	v4 =	vmul.u32 $0x18, v45  }
0xf0: {  	v3 =	vand.u32 $0x7, v3  }
0xf1: {  	v3 =	vor.u32 v3, v4  }
0xf2: {  	v4 =	vperm.xlane v3, v0;
	_ =	sdelay $0x1  }
0xf3: {  	v4 =	vadd.s32 v1, v4;
	_ =	sdelay $0x1  }
0xf4: {  	v3 =	vperm.xlane v3, v2;
	_ =	sdelay $0x1  }
0xf5: {  	s26 =	simm.s32 $0x13A00;
	v3 =	vadd.s32 v1, v3  }
0xf6: {  	[tilespmem:s26], [sflag:$0x1] =	stream.indirect_vreg.gather [hbm4b:s3+s2], $0x80, v4, vm0, $0xb8;
	[tilespmem:$0x18200] =	vst v63  }
0xf7: {  	s26 =	simm.s32 $0x14200  }
0xf8: {  	[tilespmem:s26], [sflag:$0x1] =	stream.indirect_vreg.gather [hbm4b:s5+s2], $0x80, v4, vm1, $0xb8;
	[tilespmem:$0x18200] =	vst v63  }
0xf9: {  	s26 =	simm.s32 $0x14600  }
0xfa: {  	[tilespmem:s26], [sflag:$0x1] =	stream.indirect_vreg.gather [hbm4b:s3+s2], $0x80, v3, vm0, $0xb8;
	[tilespmem:$0x18200] =	vst v63  }
0xfb: {  	s26 =	simm.s32 $0x14E00  }
0xfc: {  	[tilespmem:s26], [sflag:$0x1] =	stream.indirect_vreg.gather [hbm4b:s5+s2], $0x80, v3, vm1, $0xb8;
	[tilespmem:$0x18200] =	vst v63  }
0xfd: {  	v3 =	vld [tilespmem:$0xE0];
	_ =	sdelay $0x4  }
0xfe: {  	v46 =	vshrl.u32 v3, $0x3  }
0xff: {  	v4 =	vmul.u32 $0x18, v46  }
0x100: {  	v3 =	vand.u32 $0x7, v3  }
0x101: {  	v3 =	vor.u32 v3, v4  }
0x102: {  	v4 =	vperm.xlane v3, v0;
	_ =	sdelay $0x1  }
0x103: {  	v4 =	vadd.s32 v1, v4;
	_ =	sdelay $0x1  }
0x104: {  	v3 =	vperm.xlane v3, v2;
	_ =	sdelay $0x1  }
0x105: {  	s26 =	simm.s32 $0x15200;
	v3 =	vadd.s32 v1, v3  }
0x106: {  	[tilespmem:s26], [sflag:$0x1] =	stream.indirect_vreg.gather [hbm4b:s3+s2], $0x80, v4, vm0, $0xb8;
	[tilespmem:$0x18200] =	vst v63  }
0x107: {  	s26 =	simm.s32 $0x15A00  }
0x108: {  	[tilespmem:s26], [sflag:$0x1] =	stream.indirect_vreg.gather [hbm4b:s5+s2], $0x80, v4, vm1, $0xb8;
	[tilespmem:$0x18200] =	vst v63  }
0x109: {  	s26 =	simm.s32 $0x15E00  }
0x10a: {  	[tilespmem:s26], [sflag:$0x1] =	stream.indirect_vreg.gather [hbm4b:s3+s2], $0x80, v3, vm0, $0xb8;
	[tilespmem:$0x18200] =	vst v63  }
0x10b: {  	s26 =	simm.s32 $0x16600  }
0x10c: {  	[tilespmem:s26], [sflag:$0x1] =	stream.indirect_vreg.gather [hbm4b:s5+s2], $0x80, v3, vm1, $0xb8;
	[tilespmem:$0x18200] =	vst v63  }
0x10d: {  	v3 =	vld [tilespmem:$0xF0];
	_ =	sdelay $0x4  }
0x10e: {  	v47 =	vshrl.u32 v3, $0x3  }
0x10f: {  	v4 =	vmul.u32 $0x18, v47  }
0x110: {  	v3 =	vand.u32 $0x7, v3  }
0x111: {  	v3 =	vor.u32 v3, v4  }
0x112: {  	v4 =	vperm.xlane v3, v0;
	_ =	sdelay $0x1  }
0x113: {  	v4 =	vadd.s32 v1, v4;
	_ =	sdelay $0x1  }
0x114: {  	v3 =	vperm.xlane v3, v2;
	_ =	sdelay $0x1  }
0x115: {  	s26 =	simm.s32 $0x16A00;
	v3 =	vadd.s32 v1, v3  }
0x116: {  	[tilespmem:s26], [sflag:$0x1] =	stream.indirect_vreg.gather [hbm4b:s3+s2], $0x80, v4, vm0, $0xb8;
	[tilespmem:$0x18200] =	vst v63  }
0x117: {  	s26 =	simm.s32 $0x17200  }
0x118: {  	[tilespmem:s26], [sflag:$0x1] =	stream.indirect_vreg.gather [hbm4b:s5+s2], $0x80, v4, vm1, $0xb8;
	[tilespmem:$0x18200] =	vst v63  }
0x119: {  	s26 =	simm.s32 $0x17600  }
0x11a: {  	[tilespmem:s26], [sflag:$0x1] =	stream.indirect_vreg.gather [hbm4b:s3+s2], $0x80, v3, vm0, $0xb8;
	[tilespmem:$0x18200] =	vst v63  }
0x11b: {  	s26 =	simm.s32 $0x17E00  }
0x11c: {  	[tilespmem:s26], [sflag:$0x1] =	stream.indirect_vreg.gather [hbm4b:s5+s2], $0x80, v3, vm1, $0xb8;
	[tilespmem:$0x18200] =	vst v63  }
0x11d: {  	_ =	swait.ge [sflag:s16], $0xC000  }
0x11e: {  	[sflag:s16] =	ssyncset.done $0x0  }
0x11f: {  	s26 =	rddreg [dreg:$0x3];
	[sflag:s16] =	ssyncadd.s32 $0xFFFF4000  }
0x120: {  	[hbm4b:s26+s2] =	stream.linear.scatter [tilespmem:s0], [sflag:$0x2], $0xC000, $0x38;
	[tilespmem:$0x18200] =	vst v63  }
0x121: {  	_ =	swait.ge [sflag:s25], $0xC000  }
0x122: {  	[sflag:s25] =	ssyncset.done $0x0  }
0x123: {  	[sflag:s25] =	ssyncadd.s32 $0xFFFF4000  }
0x124: {  	v3 =	vld [tilespmem:$0x100];
	_ =	sdelay $0x4  }
0x125: {  	v48 =	vshrl.u32 v3, $0x3  }
0x126: {  	v4 =	vmul.u32 $0x18, v48  }
0x127: {  	v3 =	vand.u32 $0x7, v3  }
0x128: {  	v3 =	vor.u32 v3, v4  }
0x129: {  	v4 =	vperm.xlane v3, v0;
	_ =	sdelay $0x1  }
0x12a: {  	v4 =	vadd.s32 v1, v4;
	_ =	sdelay $0x1  }
0x12b: {  	v3 =	vperm.xlane v3, v2;
	_ =	sdelay $0x1  }
0x12c: {  	v3 =	vadd.s32 v1, v3  }
0x12d: {  	[tilespmem:s17], [sflag:$0x1] =	stream.indirect_vreg.gather [hbm4b:s3+s2], $0x80, v4, vm0, $0xb8;
	[tilespmem:$0x18200] =	vst v63  }
0x12e: {  	_ = 	snop  }
0x12f: {  	[tilespmem:s28], [sflag:$0x1] =	stream.indirect_vreg.gather [hbm4b:s5+s2], $0x80, v4, vm1, $0xb8;
	[tilespmem:$0x18200] =	vst v63  }
0x130: {  	_ = 	snop  }
0x131: {  	[tilespmem:s29], [sflag:$0x1] =	stream.indirect_vreg.gather [hbm4b:s3+s2], $0x80, v3, vm0, $0xb8;
	[tilespmem:$0x18200] =	vst v63  }
0x132: {  	_ = 	snop  }
0x133: {  	[tilespmem:s30], [sflag:$0x1] =	stream.indirect_vreg.gather [hbm4b:s5+s2], $0x80, v3, vm1, $0xb8;
	[tilespmem:$0x18200] =	vst v63  }
0x134: {  	v3 =	vld [tilespmem:$0x110];
	_ =	sdelay $0x4  }
0x135: {  	v49 =	vshrl.u32 v3, $0x3  }
0x136: {  	v4 =	vmul.u32 $0x18, v49  }
0x137: {  	v3 =	vand.u32 $0x7, v3  }
0x138: {  	v3 =	vor.u32 v3, v4  }
0x139: {  	v4 =	vperm.xlane v3, v0;
	_ =	sdelay $0x1  }
0x13a: {  	v4 =	vadd.s32 v1, v4;
	_ =	sdelay $0x1  }
0x13b: {  	v3 =	vperm.xlane v3, v2;
	_ =	sdelay $0x1  }
0x13c: {  	v3 =	vadd.s32 v1, v3  }
0x13d: {  	[tilespmem:s31], [sflag:$0x1] =	stream.indirect_vreg.gather [hbm4b:s3+s2], $0x80, v4, vm0, $0xb8;
	[tilespmem:$0x18200] =	vst v63  }
0x13e: {  	s26 =	simm.s32 $0x2200  }
0x13f: {  	[tilespmem:s26], [sflag:$0x1] =	stream.indirect_vreg.gather [hbm4b:s5+s2], $0x80, v4, vm1, $0xb8;
	[tilespmem:$0x18200] =	vst v63  }
0x140: {  	_ = 	snop  }
0x141: {  	[tilespmem:s1], [sflag:$0x1] =	stream.indirect_vreg.gather [hbm4b:s3+s2], $0x80, v3, vm0, $0xb8;
	[tilespmem:$0x18200] =	vst v63  }
0x142: {  	_ = 	snop  }
0x143: {  	[tilespmem:s9], [sflag:$0x1] =	stream.indirect_vreg.gather [hbm4b:s5+s2], $0x80, v3, vm1, $0xb8;
	[tilespmem:$0x18200] =	vst v63  }
0x144: {  	v3 =	vld [tilespmem:$0x120];
	_ =	sdelay $0x4  }
0x145: {  	v50 =	vshrl.u32 v3, $0x3  }
0x146: {  	v4 =	vmul.u32 $0x18, v50  }
0x147: {  	v3 =	vand.u32 $0x7, v3  }
0x148: {  	v3 =	vor.u32 v3, v4  }
0x149: {  	v4 =	vperm.xlane v3, v0;
	_ =	sdelay $0x1  }
0x14a: {  	v4 =	vadd.s32 v1, v4;
	_ =	sdelay $0x1  }
0x14b: {  	v3 =	vperm.xlane v3, v2;
	_ =	sdelay $0x1  }
0x14c: {  	v3 =	vadd.s32 v1, v3  }
0x14d: {  	[tilespmem:s10], [sflag:$0x1] =	stream.indirect_vreg.gather [hbm4b:s3+s2], $0x80, v4, vm0, $0xb8;
	[tilespmem:$0x18200] =	vst v63  }
0x14e: {  	_ = 	snop  }
0x14f: {  	[tilespmem:s11], [sflag:$0x1] =	stream.indirect_vreg.gather [hbm4b:s5+s2], $0x80, v4, vm1, $0xb8;
	[tilespmem:$0x18200] =	vst v63  }
0x150: {  	_ = 	snop  }
0x151: {  	[tilespmem:s12], [sflag:$0x1] =	stream.indirect_vreg.gather [hbm4b:s3+s2], $0x80, v3, vm0, $0xb8;
	[tilespmem:$0x18200] =	vst v63  }
0x152: {  	_ = 	snop  }
0x153: {  	[tilespmem:s13], [sflag:$0x1] =	stream.indirect_vreg.gather [hbm4b:s5+s2], $0x80, v3, vm1, $0xb8;
	[tilespmem:$0x18200] =	vst v63  }
0x154: {  	v3 =	vld [tilespmem:$0x130];
	_ =	sdelay $0x4  }
0x155: {  	v51 =	vshrl.u32 v3, $0x3  }
0x156: {  	v4 =	vmul.u32 $0x18, v51  }
0x157: {  	v3 =	vand.u32 $0x7, v3  }
0x158: {  	v3 =	vor.u32 v3, v4  }
0x159: {  	v4 =	vperm.xlane v3, v0;
	_ =	sdelay $0x1  }
0x15a: {  	v4 =	vadd.s32 v1, v4;
	_ =	sdelay $0x1  }
0x15b: {  	v3 =	vperm.xlane v3, v2;
	_ =	sdelay $0x1  }
0x15c: {  	v3 =	vadd.s32 v1, v3  }
0x15d: {  	[tilespmem:s14], [sflag:$0x1] =	stream.indirect_vreg.gather [hbm4b:s3+s2], $0x80, v4, vm0, $0xb8;
	[tilespmem:$0x18200] =	vst v63  }
0x15e: {  	_ = 	snop  }
0x15f: {  	[tilespmem:s15], [sflag:$0x1] =	stream.indirect_vreg.gather [hbm4b:s5+s2], $0x80, v4, vm1, $0xb8;
	[tilespmem:$0x18200] =	vst v63  }
0x160: {  	_ = 	snop  }
0x161: {  	[tilespmem:s18], [sflag:$0x1] =	stream.indirect_vreg.gather [hbm4b:s3+s2], $0x80, v3, vm0, $0xb8;
	[tilespmem:$0x18200] =	vst v63  }
0x162: {  	_ = 	snop  }
0x163: {  	[tilespmem:s19], [sflag:$0x1] =	stream.indirect_vreg.gather [hbm4b:s5+s2], $0x80, v3, vm1, $0xb8;
	[tilespmem:$0x18200] =	vst v63  }
0x164: {  	v3 =	vld [tilespmem:$0x140];
	_ =	sdelay $0x4  }
0x165: {  	v52 =	vshrl.u32 v3, $0x3  }
0x166: {  	v4 =	vmul.u32 $0x18, v52  }
0x167: {  	v3 =	vand.u32 $0x7, v3  }
0x168: {  	v3 =	vor.u32 v3, v4  }
0x169: {  	v4 =	vperm.xlane v3, v0;
	_ =	sdelay $0x1  }
0x16a: {  	v4 =	vadd.s32 v1, v4;
	_ =	sdelay $0x1  }
0x16b: {  	v3 =	vperm.xlane v3, v2;
	_ =	sdelay $0x1  }
0x16c: {  	v3 =	vadd.s32 v1, v3  }
0x16d: {  	[tilespmem:s4], [sflag:$0x1] =	stream.indirect_vreg.gather [hbm4b:s3+s2], $0x80, v4, vm0, $0xb8;
	[tilespmem:$0x18200] =	vst v63  }
0x16e: {  	_ = 	snop  }
0x16f: {  	[tilespmem:s20], [sflag:$0x1] =	stream.indirect_vreg.gather [hbm4b:s5+s2], $0x80, v4, vm1, $0xb8;
	[tilespmem:$0x18200] =	vst v63  }
0x170: {  	_ = 	snop  }
0x171: {  	[tilespmem:s21], [sflag:$0x1] =	stream.indirect_vreg.gather [hbm4b:s3+s2], $0x80, v3, vm0, $0xb8;
	[tilespmem:$0x18200] =	vst v63  }
0x172: {  	_ = 	snop  }
0x173: {  	[tilespmem:s22], [sflag:$0x1] =	stream.indirect_vreg.gather [hbm4b:s5+s2], $0x80, v3, vm1, $0xb8;
	[tilespmem:$0x18200] =	vst v63  }
0x174: {  	v3 =	vld [tilespmem:$0x150];
	_ =	sdelay $0x4  }
0x175: {  	v53 =	vshrl.u32 v3, $0x3  }
0x176: {  	v4 =	vmul.u32 $0x18, v53  }
0x177: {  	v3 =	vand.u32 $0x7, v3  }
0x178: {  	v3 =	vor.u32 v3, v4  }
0x179: {  	v4 =	vperm.xlane v3, v0;
	_ =	sdelay $0x1  }
0x17a: {  	v4 =	vadd.s32 v1, v4;
	_ =	sdelay $0x1  }
0x17b: {  	v3 =	vperm.xlane v3, v2;
	_ =	sdelay $0x1  }
0x17c: {  	v3 =	vadd.s32 v1, v3  }
0x17d: {  	[tilespmem:s23], [sflag:$0x1] =	stream.indirect_vreg.gather [hbm4b:s3+s2], $0x80, v4, vm0, $0xb8;
	[tilespmem:$0x18200] =	vst v63  }
0x17e: {  	_ = 	snop  }
0x17f: {  	[tilespmem:s24], [sflag:$0x1] =	stream.indirect_vreg.gather [hbm4b:s5+s2], $0x80, v4, vm1, $0xb8;
	[tilespmem:$0x18200] =	vst v63  }
0x180: {  	_ = 	snop  }
0x181: {  	[tilespmem:s7], [sflag:$0x1] =	stream.indirect_vreg.gather [hbm4b:s3+s2], $0x80, v3, vm0, $0xb8;
	[tilespmem:$0x18200] =	vst v63  }
0x182: {  	_ = 	snop  }
0x183: {  	[tilespmem:s8], [sflag:$0x1] =	stream.indirect_vreg.gather [hbm4b:s5+s2], $0x80, v3, vm1, $0xb8;
	[tilespmem:$0x18200] =	vst v63  }
0x184: {  	v3 =	vld [tilespmem:$0x160];
	_ =	sdelay $0x4  }
0x185: {  	v54 =	vshrl.u32 v3, $0x3  }
0x186: {  	v4 =	vmul.u32 $0x18, v54  }
0x187: {  	v3 =	vand.u32 $0x7, v3  }
0x188: {  	v3 =	vor.u32 v3, v4  }
0x189: {  	v4 =	vperm.xlane v3, v0;
	_ =	sdelay $0x1  }
0x18a: {  	v4 =	vadd.s32 v1, v4;
	_ =	sdelay $0x1  }
0x18b: {  	v3 =	vperm.xlane v3, v2;
	_ =	sdelay $0x1  }
0x18c: {  	s26 =	simm.s32 $0x9200;
	v3 =	vadd.s32 v1, v3  }
0x18d: {  	[tilespmem:s26], [sflag:$0x1] =	stream.indirect_vreg.gather [hbm4b:s3+s2], $0x80, v4, vm0, $0xb8;
	[tilespmem:$0x18200] =	vst v63  }
0x18e: {  	s26 =	simm.s32 $0x9A00  }
0x18f: {  	[tilespmem:s26], [sflag:$0x1] =	stream.indirect_vreg.gather [hbm4b:s5+s2], $0x80, v4, vm1, $0xb8;
	[tilespmem:$0x18200] =	vst v63  }
0x190: {  	s26 =	simm.s32 $0x9E00  }
0x191: {  	[tilespmem:s26], [sflag:$0x1] =	stream.indirect_vreg.gather [hbm4b:s3+s2], $0x80, v3, vm0, $0xb8;
	[tilespmem:$0x18200] =	vst v63  }
0x192: {  	s26 =	simm.s32 $0xA600  }
0x193: {  	[tilespmem:s26], [sflag:$0x1] =	stream.indirect_vreg.gather [hbm4b:s5+s2], $0x80, v3, vm1, $0xb8;
	[tilespmem:$0x18200] =	vst v63  }
0x194: {  	v3 =	vld [tilespmem:$0x170];
	_ =	sdelay $0x4  }
0x195: {  	v55 =	vshrl.u32 v3, $0x3  }
0x196: {  	v4 =	vmul.u32 $0x18, v55  }
0x197: {  	v3 =	vand.u32 $0x7, v3  }
0x198: {  	v3 =	vor.u32 v3, v4  }
0x199: {  	v4 =	vperm.xlane v3, v0;
	_ =	sdelay $0x1  }
0x19a: {  	v4 =	vadd.s32 v1, v4;
	_ =	sdelay $0x1  }
0x19b: {  	v3 =	vperm.xlane v3, v2;
	_ =	sdelay $0x1  }
0x19c: {  	s26 =	simm.s32 $0xAA00;
	v3 =	vadd.s32 v1, v3  }
0x19d: {  	[tilespmem:s26], [sflag:$0x1] =	stream.indirect_vreg.gather [hbm4b:s3+s2], $0x80, v4, vm0, $0xb8;
	[tilespmem:$0x18200] =	vst v63  }
0x19e: {  	s26 =	simm.s32 $0xB200  }
0x19f: {  	[tilespmem:s26], [sflag:$0x1] =	stream.indirect_vreg.gather [hbm4b:s5+s2], $0x80, v4, vm1, $0xb8;
	[tilespmem:$0x18200] =	vst v63  }
0x1a0: {  	s26 =	simm.s32 $0xB600  }
0x1a1: {  	[tilespmem:s26], [sflag:$0x1] =	stream.indirect_vreg.gather [hbm4b:s3+s2], $0x80, v3, vm0, $0xb8;
	[tilespmem:$0x18200] =	vst v63  }
0x1a2: {  	s26 =	simm.s32 $0xBE00  }
0x1a3: {  	[tilespmem:s26], [sflag:$0x1] =	stream.indirect_vreg.gather [hbm4b:s5+s2], $0x80, v3, vm1, $0xb8;
	[tilespmem:$0x18200] =	vst v63  }
0x1a4: {  	_ =	swait.ge [sflag:s16], $0xC000  }
0x1a5: {  	[sflag:s16] =	ssyncset.done $0x0  }
0x1a6: {  	s1 =	rddreg [dreg:$0x4];
	[sflag:s16] =	ssyncadd.s32 $0xFFFF4000  }
0x1a7: {  	[hbm4b:s1+s2] =	stream.linear.scatter [tilespmem:s17], [sflag:$0x2], $0xC000, $0x38;
	[tilespmem:$0x18200] =	vst v63  }
0x1a8: {  	_ =	swait.ge [sflag:s25], $0xC000  }
0x1a9: {  	[sflag:s25] =	ssyncset.done $0x0  }
0x1aa: {  	[sflag:s25] =	ssyncadd.s32 $0xFFFF4000  }
0x1ab: {  	v3 =	vld [tilespmem:$0x180];
	_ =	sdelay $0x4  }
0x1ac: {  	v56 =	vshrl.u32 v3, $0x3  }
0x1ad: {  	v4 =	vmul.u32 $0x18, v56  }
0x1ae: {  	v3 =	vand.u32 $0x7, v3  }
0x1af: {  	v3 =	vor.u32 v3, v4  }
0x1b0: {  	v4 =	vperm.xlane v3, v0;
	_ =	sdelay $0x1  }
0x1b1: {  	v4 =	vadd.s32 v1, v4;
	_ =	sdelay $0x1  }
0x1b2: {  	v3 =	vperm.xlane v3, v2;
	_ =	sdelay $0x1  }
0x1b3: {  	v3 =	vadd.s32 v1, v3  }
0x1b4: {  	[tilespmem:s0], [sflag:$0x1] =	stream.indirect_vreg.gather [hbm4b:s3+s2], $0x80, v4, vm0, $0xb8;
	[tilespmem:$0x18200] =	vst v63  }
0x1b5: {  	s26 =	simm.s32 $0xCA00  }
0x1b6: {  	[tilespmem:s26], [sflag:$0x1] =	stream.indirect_vreg.gather [hbm4b:s5+s2], $0x80, v4, vm1, $0xb8;
	[tilespmem:$0x18200] =	vst v63  }
0x1b7: {  	s26 =	simm.s32 $0xCE00  }
0x1b8: {  	[tilespmem:s26], [sflag:$0x1] =	stream.indirect_vreg.gather [hbm4b:s3+s2], $0x80, v3, vm0, $0xb8;
	[tilespmem:$0x18200] =	vst v63  }
0x1b9: {  	s26 =	simm.s32 $0xD600  }
0x1ba: {  	[tilespmem:s26], [sflag:$0x1] =	stream.indirect_vreg.gather [hbm4b:s5+s2], $0x80, v3, vm1, $0xb8;
	[tilespmem:$0x18200] =	vst v63  }
0x1bb: {  	v3 =	vld [tilespmem:$0x190];
	_ =	sdelay $0x4  }
0x1bc: {  	v57 =	vshrl.u32 v3, $0x3  }
0x1bd: {  	v4 =	vmul.u32 $0x18, v57  }
0x1be: {  	v3 =	vand.u32 $0x7, v3  }
0x1bf: {  	v3 =	vor.u32 v3, v4  }
0x1c0: {  	v4 =	vperm.xlane v3, v0;
	_ =	sdelay $0x1  }
0x1c1: {  	v4 =	vadd.s32 v1, v4;
	_ =	sdelay $0x1  }
0x1c2: {  	v3 =	vperm.xlane v3, v2;
	_ =	sdelay $0x1  }
0x1c3: {  	s26 =	simm.s32 $0xDA00;
	v3 =	vadd.s32 v1, v3  }
0x1c4: {  	[tilespmem:s26], [sflag:$0x1] =	stream.indirect_vreg.gather [hbm4b:s3+s2], $0x80, v4, vm0, $0xb8;
	[tilespmem:$0x18200] =	vst v63  }
0x1c5: {  	s26 =	simm.s32 $0xE200  }
0x1c6: {  	[tilespmem:s26], [sflag:$0x1] =	stream.indirect_vreg.gather [hbm4b:s5+s2], $0x80, v4, vm1, $0xb8;
	[tilespmem:$0x18200] =	vst v63  }
0x1c7: {  	s26 =	simm.s32 $0xE600  }
0x1c8: {  	[tilespmem:s26], [sflag:$0x1] =	stream.indirect_vreg.gather [hbm4b:s3+s2], $0x80, v3, vm0, $0xb8;
	[tilespmem:$0x18200] =	vst v63  }
0x1c9: {  	s26 =	simm.s32 $0xEE00  }
0x1ca: {  	[tilespmem:s26], [sflag:$0x1] =	stream.indirect_vreg.gather [hbm4b:s5+s2], $0x80, v3, vm1, $0xb8;
	[tilespmem:$0x18200] =	vst v63  }
0x1cb: {  	v3 =	vld [tilespmem:$0x1A0];
	_ =	sdelay $0x4  }
0x1cc: {  	v58 =	vshrl.u32 v3, $0x3  }
0x1cd: {  	v4 =	vmul.u32 $0x18, v58  }
0x1ce: {  	v3 =	vand.u32 $0x7, v3  }
0x1cf: {  	v3 =	vor.u32 v3, v4  }
0x1d0: {  	v4 =	vperm.xlane v3, v0;
	_ =	sdelay $0x1  }
0x1d1: {  	v4 =	vadd.s32 v1, v4;
	_ =	sdelay $0x1  }
0x1d2: {  	v3 =	vperm.xlane v3, v2;
	_ =	sdelay $0x1  }
0x1d3: {  	s26 =	simm.s32 $0xF200;
	v3 =	vadd.s32 v1, v3  }
0x1d4: {  	[tilespmem:s26], [sflag:$0x1] =	stream.indirect_vreg.gather [hbm4b:s3+s2], $0x80, v4, vm0, $0xb8;
	[tilespmem:$0x18200] =	vst v63  }
0x1d5: {  	s26 =	simm.s32 $0xFA00  }
0x1d6: {  	[tilespmem:s26], [sflag:$0x1] =	stream.indirect_vreg.gather [hbm4b:s5+s2], $0x80, v4, vm1, $0xb8;
	[tilespmem:$0x18200] =	vst v63  }
0x1d7: {  	s26 =	simm.s32 $0xFE00  }
0x1d8: {  	[tilespmem:s26], [sflag:$0x1] =	stream.indirect_vreg.gather [hbm4b:s3+s2], $0x80, v3, vm0, $0xb8;
	[tilespmem:$0x18200] =	vst v63  }
0x1d9: {  	s26 =	simm.s32 $0x10600  }
0x1da: {  	[tilespmem:s26], [sflag:$0x1] =	stream.indirect_vreg.gather [hbm4b:s5+s2], $0x80, v3, vm1, $0xb8;
	[tilespmem:$0x18200] =	vst v63  }
0x1db: {  	v3 =	vld [tilespmem:$0x1B0];
	_ =	sdelay $0x4  }
0x1dc: {  	v59 =	vshrl.u32 v3, $0x3  }
0x1dd: {  	v4 =	vmul.u32 $0x18, v59  }
0x1de: {  	v3 =	vand.u32 $0x7, v3  }
0x1df: {  	v3 =	vor.u32 v3, v4  }
0x1e0: {  	v4 =	vperm.xlane v3, v0;
	_ =	sdelay $0x1  }
0x1e1: {  	v4 =	vadd.s32 v1, v4;
	_ =	sdelay $0x1  }
0x1e2: {  	v3 =	vperm.xlane v3, v2;
	_ =	sdelay $0x1  }
0x1e3: {  	s26 =	simm.s32 $0x10A00;
	v3 =	vadd.s32 v1, v3  }
0x1e4: {  	[tilespmem:s26], [sflag:$0x1] =	stream.indirect_vreg.gather [hbm4b:s3+s2], $0x80, v4, vm0, $0xb8;
	[tilespmem:$0x18200] =	vst v63  }
0x1e5: {  	s26 =	simm.s32 $0x11200  }
0x1e6: {  	[tilespmem:s26], [sflag:$0x1] =	stream.indirect_vreg.gather [hbm4b:s5+s2], $0x80, v4, vm1, $0xb8;
	[tilespmem:$0x18200] =	vst v63  }
0x1e7: {  	s26 =	simm.s32 $0x11600  }
0x1e8: {  	[tilespmem:s26], [sflag:$0x1] =	stream.indirect_vreg.gather [hbm4b:s3+s2], $0x80, v3, vm0, $0xb8;
	[tilespmem:$0x18200] =	vst v63  }
0x1e9: {  	s26 =	simm.s32 $0x11E00  }
0x1ea: {  	[tilespmem:s26], [sflag:$0x1] =	stream.indirect_vreg.gather [hbm4b:s5+s2], $0x80, v3, vm1, $0xb8;
	[tilespmem:$0x18200] =	vst v63  }
0x1eb: {  	v3 =	vld [tilespmem:$0x1C0];
	_ =	sdelay $0x4  }
0x1ec: {  	v60 =	vshrl.u32 v3, $0x3  }
0x1ed: {  	v4 =	vmul.u32 $0x18, v60  }
0x1ee: {  	v3 =	vand.u32 $0x7, v3  }
0x1ef: {  	v3 =	vor.u32 v3, v4  }
0x1f0: {  	v4 =	vperm.xlane v3, v0;
	_ =	sdelay $0x1  }
0x1f1: {  	v4 =	vadd.s32 v1, v4;
	_ =	sdelay $0x1  }
0x1f2: {  	v3 =	vperm.xlane v3, v2;
	_ =	sdelay $0x1  }
0x1f3: {  	s26 =	simm.s32 $0x12200;
	v3 =	vadd.s32 v1, v3  }
0x1f4: {  	[tilespmem:s26], [sflag:$0x1] =	stream.indirect_vreg.gather [hbm4b:s3+s2], $0x80, v4, vm0, $0xb8;
	[tilespmem:$0x18200] =	vst v63  }
0x1f5: {  	s26 =	simm.s32 $0x12A00  }
0x1f6: {  	[tilespmem:s26], [sflag:$0x1] =	stream.indirect_vreg.gather [hbm4b:s5+s2], $0x80, v4, vm1, $0xb8;
	[tilespmem:$0x18200] =	vst v63  }
0x1f7: {  	s26 =	simm.s32 $0x12E00  }
0x1f8: {  	[tilespmem:s26], [sflag:$0x1] =	stream.indirect_vreg.gather [hbm4b:s3+s2], $0x80, v3, vm0, $0xb8;
	[tilespmem:$0x18200] =	vst v63  }
0x1f9: {  	s26 =	simm.s32 $0x13600  }
0x1fa: {  	[tilespmem:s26], [sflag:$0x1] =	stream.indirect_vreg.gather [hbm4b:s5+s2], $0x80, v3, vm1, $0xb8;
	[tilespmem:$0x18200] =	vst v63  }
0x1fb: {  	v3 =	vld [tilespmem:$0x1D0];
	_ =	sdelay $0x4  }
0x1fc: {  	v61 =	vshrl.u32 v3, $0x3  }
0x1fd: {  	v4 =	vmul.u32 $0x18, v61  }
0x1fe: {  	v3 =	vand.u32 $0x7, v3  }
0x1ff: {  	v3 =	vor.u32 v3, v4  }
0x200: {  	v4 =	vperm.xlane v3, v0;
	_ =	sdelay $0x1  }
0x201: {  	v4 =	vadd.s32 v1, v4;
	_ =	sdelay $0x1  }
0x202: {  	v3 =	vperm.xlane v3, v2;
	_ =	sdelay $0x1  }
0x203: {  	s26 =	simm.s32 $0x13A00;
	v3 =	vadd.s32 v1, v3  }
0x204: {  	[tilespmem:s26], [sflag:$0x1] =	stream.indirect_vreg.gather [hbm4b:s3+s2], $0x80, v4, vm0, $0xb8;
	[tilespmem:$0x18200] =	vst v63  }
0x205: {  	s26 =	simm.s32 $0x14200  }
0x206: {  	[tilespmem:s26], [sflag:$0x1] =	stream.indirect_vreg.gather [hbm4b:s5+s2], $0x80, v4, vm1, $0xb8;
	[tilespmem:$0x18200] =	vst v63  }
0x207: {  	s26 =	simm.s32 $0x14600  }
0x208: {  	[tilespmem:s26], [sflag:$0x1] =	stream.indirect_vreg.gather [hbm4b:s3+s2], $0x80, v3, vm0, $0xb8;
	[tilespmem:$0x18200] =	vst v63  }
0x209: {  	s26 =	simm.s32 $0x14E00  }
0x20a: {  	[tilespmem:s26], [sflag:$0x1] =	stream.indirect_vreg.gather [hbm4b:s5+s2], $0x80, v3, vm1, $0xb8;
	[tilespmem:$0x18200] =	vst v63  }
0x20b: {  	v3 =	vld [tilespmem:$0x1E0];
	_ =	sdelay $0x4  }
0x20c: {  	v62 =	vshrl.u32 v3, $0x3  }
0x20d: {  	v4 =	vmul.u32 $0x18, v62  }
0x20e: {  	v3 =	vand.u32 $0x7, v3  }
0x20f: {  	v3 =	vor.u32 v3, v4  }
0x210: {  	v4 =	vperm.xlane v3, v0;
	_ =	sdelay $0x1  }
0x211: {  	v4 =	vadd.s32 v1, v4;
	_ =	sdelay $0x1  }
0x212: {  	v3 =	vperm.xlane v3, v2;
	_ =	sdelay $0x1  }
0x213: {  	s26 =	simm.s32 $0x15200;
	v3 =	vadd.s32 v1, v3  }
0x214: {  	[tilespmem:s26], [sflag:$0x1] =	stream.indirect_vreg.gather [hbm4b:s3+s2], $0x80, v4, vm0, $0xb8;
	[tilespmem:$0x18200] =	vst v63  }
0x215: {  	s26 =	simm.s32 $0x15A00  }
0x216: {  	[tilespmem:s26], [sflag:$0x1] =	stream.indirect_vreg.gather [hbm4b:s5+s2], $0x80, v4, vm1, $0xb8;
	[tilespmem:$0x18200] =	vst v63  }
0x217: {  	s26 =	simm.s32 $0x15E00  }
0x218: {  	[tilespmem:s26], [sflag:$0x1] =	stream.indirect_vreg.gather [hbm4b:s3+s2], $0x80, v3, vm0, $0xb8;
	[tilespmem:$0x18200] =	vst v63  }
0x219: {  	s26 =	simm.s32 $0x16600  }
0x21a: {  	[tilespmem:s26], [sflag:$0x1] =	stream.indirect_vreg.gather [hbm4b:s5+s2], $0x80, v3, vm1, $0xb8;
	[tilespmem:$0x18200] =	vst v63  }
0x21b: {  	v3 =	vld [tilespmem:$0x1F0];
	_ =	sdelay $0x4  }
0x21c: {  	v63 =	vshrl.u32 v3, $0x3  }
0x21d: {  	v4 =	vmul.u32 $0x18, v63  }
0x21e: {  	v3 =	vand.u32 $0x7, v3  }
0x21f: {  	v3 =	vor.u32 v3, v4  }
0x220: {  	v4 =	vperm.xlane v3, v0;
	_ =	sdelay $0x1  }
0x221: {  	v4 =	vadd.s32 v1, v4;
	_ =	sdelay $0x1  }
0x222: {  	v3 =	vperm.xlane v3, v2;
	_ =	sdelay $0x1  }
0x223: {  	s26 =	simm.s32 $0x16A00;
	v3 =	vadd.s32 v1, v3  }
0x224: {  	[tilespmem:s26], [sflag:$0x1] =	stream.indirect_vreg.gather [hbm4b:s3+s2], $0x80, v4, vm0, $0xb8;
	[tilespmem:$0x18200] =	vst v63  }
0x225: {  	s26 =	simm.s32 $0x17200  }
0x226: {  	[tilespmem:s26], [sflag:$0x1] =	stream.indirect_vreg.gather [hbm4b:s5+s2], $0x80, v4, vm1, $0xb8;
	[tilespmem:$0x18200] =	vst v63  }
0x227: {  	s26 =	simm.s32 $0x17600  }
0x228: {  	[tilespmem:s26], [sflag:$0x1] =	stream.indirect_vreg.gather [hbm4b:s3+s2], $0x80, v3, vm0, $0xb8;
	[tilespmem:$0x18200] =	vst v63  }
0x229: {  	s26 =	simm.s32 $0x17E00  }
0x22a: {  	[tilespmem:s26], [sflag:$0x1] =	stream.indirect_vreg.gather [hbm4b:s5+s2], $0x80, v3, vm1, $0xb8;
	[tilespmem:$0x18200] =	vst v63  }
0x22b: {  	_ =	swait.ge [sflag:s16], $0xC000  }
0x22c: {  	[sflag:s16] =	ssyncset.done $0x0  }
0x22d: {  	s1 =	rddreg [dreg:$0x5];
	[sflag:s16] =	ssyncadd.s32 $0xFFFF4000  }
0x22e: {  	[hbm4b:s1+s2] =	stream.linear.scatter [tilespmem:s0], [sflag:$0x2], $0xC000, $0x38;
	[tilespmem:$0x18200] =	vst v63  }
0x22f: {  	p0 =	sne.s32 s6, $0x1;
	_ =	swait.ge [sflag:s25], $0xC000  }
.Ltmp0:
0x230: {  	[sflag:s25] =	ssyncset.done $0x0;
	(pc) =	sbr.rel @p0 .LBB2_1-.Ltmp0, $4  }
0x231: {  	[sflag:s25] =	ssyncadd.s32 $0xFFFF4000  }
0x232: {  	_ =	swait.ge [sflag:s25], $0xC000  }
0x233: {  	[sflag:s25] =	ssyncset.done $0x0  }
0x234: {  	s6 =	sadd.s32 $0xFFFFFFFF, s6;
	[sflag:s25] =	ssyncadd.s32 $0xFFFF4000  }
0x235: {  	_ =	sfence.sel $0x180000  }
0x236: {  	[bflag:$0x0] =	sbarrier.arrive $0xFFFF  }
0x237: {  	_ =	strace $0x9000004A  }
0x238: {  	s0 =	stileid.u32;
	[bflag:$0x2] =	sbarrier.arrive $0xFFFF  }
0x239: {  	p0 =	sne.s32 s0, $0x0;
	s0 =	rddreg [dreg:$0x1]  }
0x23a: {  	s0 =	sadd.s32 @!p0 $0x100000, s0  }
0x23b: {  	[sflag:s0] =	ssyncadd.tile.s32 @!p0 $0x1;
	_ =	shalt  }
.Lfunc_end2:
_tile_overlayer_lowered:
.L_overlay_start_2:
0x23c: {  	(tag) =	ssettag $0x2  }
0x23d: {  	s0 =	rddreg [dreg:$0x0];
	s2 =	stileid.u32  }
0x23e: {  	s1 =	rddreg [dreg:$0x1];
	p0 =	sne.s32 s2, $0x0  }
0x23f: {  	s3 =	rddreg [dreg:$0x2];
	[bflag:$0x3] =	sbarrier.arrive $0xFFFF;
	s2 =	simm.s32 @!p0 $0x1C03  }
0x240: {  	[timem:s3], [sflag:s2] =	dma.local @!p0 [hbm:s0], s1  }
0x241: {  	s0 =	simm.s32 @!p0 $0x3  }
0x242: {  	_ =	swait.ge @!p0 [sflag:s0], s1  }
0x243: {  	s1 =	ssub.s32 @!p0 $0x0, s1;
	[sflag:s0] =	ssyncset.done @!p0 $0x0  }
0x244: {  	[sflag:s0] =	ssyncadd.s32 @!p0 s1  }
0x245: {  	[bflag:$0x3] =	sbarrier.arrive $0xFFFF  }
0x246: {  	_ =	shalt  }

// kernel: kernel.7.cloned.1.call-start
scs
__scs_entry_jumppad:
0x0: {  	(pc) =	sbr.rel $0x88, $3  }
0x1: {  	(tag) =	ssettag $0x0;
	lr =	simm.s32 $0x1  }
0x2: {  	[smem:$0x3F9C] =	sst lr;
	_ =	strace $0xD0000000  }
0x3: {  	_ = 	snop  }
0x4: {  	_ = 	snop  }
0x5: {  	_ = 	snop  }
0x6: {  	_ = 	snop  }
0x7: {  	_ = 	snop  }
__scs_overlays_trampoline_lowered:
0x8: {  	[smem:$0x3FAB] =	sst s0  }
0x9: {  	[smem:$0x3FAC] =	sst s1  }
0xa: {  	[smem:$0x3FAD] =	sst s2  }
0xb: {  	[smem:$0x3FAE] =	sst s3  }
0xc: {  	[smem:$0x3FAF] =	sst s4  }
0xd: {  	[smem:$0x3FB0] =	sst s5  }
0xe: {  	[smem:$0x3FB1] =	sst s6  }
0xf: {  	[smem:$0x3FB2] =	sst s7  }
0x10: {  	[smem:$0x3FB3] =	sst s8  }
0x11: {  	[smem:$0x3FB4] =	sst s9;
	s0 =	simm.s32 @!p0 $0x0  }
0x12: {  	s1 =	sld [smem:$0x3F9A];
	s0 =	simm.s32 @p0 $0x1  }
0x13: {  	[smem:$0x3FB5] =	sst s0;
	s0 =	simm.s32 @!p1 $0x0  }
0x14: {  	s2 =	sld [smem:$0x3F99];
	s0 =	simm.s32 @p1 $0x1  }
0x15: {  	[smem:$0x3FB6] =	sst s0;
	s0 =	simm.s32 @!p2 $0x0  }
0x16: {  	s3 =	sld [smem:$0x3FDB];
	s0 =	simm.s32 @p2 $0x1  }
0x17: {  	s4 =	simm.s32 $0x1BF5;
	[smem:$0x3FB8] =	sst s0  }
0x18: {  	s0 =	sld [smem:$0x3F9B];
	_ =	swait.ge [sflag:s4], $0x0  }
0x19: {  	s7 =	sld [smem:$0x3F9C]  }
0x1a: {  	s8 =	sadd.s32 $0xFFFFE003, lr  }
0x1b: {  	s9 =	sadd.s32 $0xFFFFFEF7, lr;
	s5 =	simm.s32 $0xFFFFFFFF;
	p2 =	slt.u32 s8, $0xFFFFF086  }
0x1c: {  	p1 =	slt.u32 s9, $0xF7A;
	s5 =	simm.s32 @!p2 $0x0  }
0x1d: {  	s5 =	simm.s32 @p1 $0x1;
	p0 =	seq.s32 s7, s2  }
0x1e: {  	s7 =	smul.u32 @!p0 $0xF7A, s2;
	p2 =	seq.s32 @!p0 s5, $0x0  }
0x1f: {  	s9 =	smul.u32 $0xF7A, s1;
	s8 =	simm.s32 @!p0 $0x1BF5;
	p2 =	por !p2, p0  }
0x20: {  	[sflag:s8] =	ssyncset.s32 @!p0 $0xFFFFF086;
	s6 =	sadd.s32 @!p0 s3, s7;
	s7 =	simm.s32 @!p0 $0x108  }
0x21: {  	s3 =	sadd.s32 s3, s9;
	s6 =	sadd.s32 @!p0 $0x88, s6;
	s7 =	simm.s32 @p2 $0x1082  }
0x22: {  	[simem:s7], [sflag:s8] =	dma.local @!p0 [hbm:s6], $0xF7A  }
0x23: {  	s9 =	sor.u32 $0xD0000000, s2;
	s6 =	simm.s32 $0x108;
	_ =	swait.ge @!p0 [sflag:s8], $0x0  }
0x24: {  	s3 =	sadd.s32 $0x88, s3;
	s6 =	simm.s32 @!p1 $0x1082;
	[sflag:s4] =	ssyncset.s32 $0xFFFFF086  }
0x25: {  	[simem:s6], [sflag:s4] =	dma.local [hbm:s3], $0xF7A  }
0x26: {  	[smem:$0x3F9C] =	sst s1;
	(tag) =	ssettag s2;
	_ =	strace s9  }
0x27: {  	s1 =	sld [smem:$0x3FAC]  }
0x28: {  	s2 =	sld [smem:$0x3FAD]  }
0x29: {  	s4 =	sld [smem:$0x3FAF]  }
0x2a: {  	p0 =	seq.s32 s5, $0x0;
	s5 =	sld [smem:$0x3FB0]  }
0x2b: {  	s6 =	sld [smem:$0x3FB1]  }
0x2c: {  	s7 =	sld [smem:$0x3FB2]  }
0x2d: {  	s3 =	simm.s32 $0x108;
	s8 =	sld [smem:$0x3FB3]  }
0x2e: {  	s3 =	simm.s32 @!p0 $0x1082;
	s9 =	sld [smem:$0x3FB4]  }
0x2f: {  	lr =	sadd.s32 s0, s3;
	s0 =	sld [smem:$0x3FAB]  }
0x30: {  	s3 =	sld [smem:$0x3FAE]  }
0x31: {  	[smem:$0x3FB7] =	sst s10  }
0x32: {  	s10 =	sld [smem:$0x3FB5];
	_ =	sdelay $0x3  }
0x33: {  	p0 =	seq.s32 s10, $0x1;
	s10 =	sld [smem:$0x3FB7];
	_ =	sdelay $0x3  }
0x34: {  	[smem:$0x3FB7] =	sst s10  }
0x35: {  	s10 =	sld [smem:$0x3FB6];
	_ =	sdelay $0x3  }
0x36: {  	p1 =	seq.s32 s10, $0x1;
	s10 =	sld [smem:$0x3FB7];
	_ =	sdelay $0x3  }
0x37: {  	[smem:$0x3FB7] =	sst s10  }
0x38: {  	s10 =	sld [smem:$0x3FB8]  }
0x39: {  	_ = 	snop;
	(pc) =	sbr.ind lr, $3  }
0x3a: {  	_ = 	snop  }
0x3b: {  	_ = 	snop  }
0x3c: {  	p2 =	seq.s32 s10, $0x1;
	s10 =	sld [smem:$0x3FB7]  }
0x3d: {  	_ =	shalt  }
0x3e: {  	_ =	shalt  }
0x3f: {  	_ =	shalt  }
0x40: {  	_ =	shalt  }
0x41: {  	_ =	shalt  }
0x42: {  	_ =	shalt  }
0x43: {  	_ =	shalt  }
0x44: {  	_ =	shalt  }
0x45: {  	_ =	shalt  }
0x46: {  	_ =	shalt  }
0x47: {  	_ =	shalt  }
0x48: {  	_ =	shalt  }
0x49: {  	_ =	shalt  }
0x4a: {  	_ =	shalt  }
0x4b: {  	_ =	shalt  }
0x4c: {  	_ =	shalt  }
0x4d: {  	_ =	shalt  }
0x4e: {  	_ =	shalt  }
0x4f: {  	_ =	shalt  }
0x50: {  	_ =	shalt  }
0x51: {  	_ =	shalt  }
0x52: {  	_ =	shalt  }
0x53: {  	_ =	shalt  }
0x54: {  	_ =	shalt  }
0x55: {  	_ =	shalt  }
0x56: {  	_ =	shalt  }
0x57: {  	_ =	shalt  }
0x58: {  	_ =	shalt  }
0x59: {  	_ =	shalt  }
0x5a: {  	_ =	shalt  }
0x5b: {  	_ =	shalt  }
0x5c: {  	_ =	shalt  }
0x5d: {  	_ =	shalt  }
0x5e: {  	_ =	shalt  }
0x5f: {  	_ =	shalt  }
0x60: {  	_ =	shalt  }
0x61: {  	_ =	shalt  }
0x62: {  	_ =	shalt  }
0x63: {  	_ =	shalt  }
0x64: {  	_ =	shalt  }
0x65: {  	_ =	shalt  }
0x66: {  	_ =	shalt  }
0x67: {  	_ =	shalt  }
0x68: {  	_ =	shalt  }
0x69: {  	_ =	shalt  }
0x6a: {  	_ =	shalt  }
0x6b: {  	_ =	shalt  }
0x6c: {  	_ =	shalt  }
0x6d: {  	_ =	shalt  }
0x6e: {  	_ =	shalt  }
0x6f: {  	_ =	shalt  }
0x70: {  	_ =	shalt  }
0x71: {  	_ =	shalt  }
0x72: {  	_ =	shalt  }
0x73: {  	_ =	shalt  }
0x74: {  	_ =	shalt  }
0x75: {  	_ =	shalt  }
0x76: {  	_ =	shalt  }
0x77: {  	_ =	shalt  }
0x78: {  	_ =	shalt  }
0x79: {  	_ =	shalt  }
0x7a: {  	_ =	shalt  }
0x7b: {  	_ =	shalt  }
0x7c: {  	_ =	shalt  }
0x7d: {  	_ =	shalt  }
0x7e: {  	_ =	shalt  }
0x7f: {  	_ =	shalt  }
0x80: {  	_ =	shalt  }
0x81: {  	_ =	shalt  }
0x82: {  	_ =	shalt  }
0x83: {  	_ =	shalt  }
0x84: {  	_ =	shalt  }
0x85: {  	_ =	shalt  }
0x86: {  	_ =	shalt  }
0x87: {  	_ =	shalt  }
.Lfunc_end0:
.L_simem_size_0:
called_computation_lowered:
.L_overlay_start_0:
0x88: {  	s2 =	sld [smem:$0x3FD9]  }
0x89: {  	s3 =	sld [smem:$0x3FFE];
	_ =	sdelay $0x1  }
0x8a: {  	s1 =	srdreg.scid  }
0x8b: {  	s0 =	sand.u32 $0x1, s1  }
0x8c: {  	s17 =	sshll.u32 s0, $0xA;
	s2 =	sadd.s32 s3, s2  }
0x8d: {  	s2 =	sadd.s32 s2, s17  }
0x8e: {  	[smem:$0x3FC3] =	sst s2  }
0x8f: {  	_ = 	snop  }
0x90: {  	s2 =	sld [smem:$0x3FD0];
	(tm) =	ssettm $0x1  }
0x91: {  	s18 =	sld [smem:$0x3FFB];
	_ =	sdelay $0x3  }
0x92: {  	_ =	strace s18  }
0x93: {  	s3 =	sld [smem:$0x3FFC];
	_ =	sdelay $0x3  }
0x94: {  	_ =	strace s3  }
0x95: {  	s3 =	sld [smem:$0x3FFD];
	_ =	sdelay $0x3  }
0x96: {  	_ =	strace s3  }
0x97: {  	_ =	strace $0x8FFFFFFF  }
0x98: {  	s19 =	sld [smem:$0x3FDB];
	_ =	sdelay $0x1  }
0x99: {  	s4 =	simm.s32 $_scs_section_size  }
0x9a: {  	s5 =	simm.s32 $_size__tile_overlayer_lowered;
	s6 =	simm.s32 $_tile_overlayer_lowered  }
0x9b: {  	s22 =	simm.s32 $0x1BFF;
	s21 =	sshll.u32 s6, $0x1;
	s3 =	sadd.s32 s4, s19  }
0x9c: {  	s7 =	simm.s32 $0x0;
	s20 =	sshll.u32 s5, $0x1;
	s5 =	sadd.s32 s21, s3  }
0x9d: {  	[timem:s7], [sflag:s22] =	dma.local [hbm:s5], s20  }
0x9e: {  	_ =	swait.ge [sflag:s22], s20  }
0x9f: {  	s4 =	ssub.s32 $0x0, s20;
	[sflag:s22] =	ssyncset.done $0x0  }
0xa0: {  	[sflag:s22] =	ssyncadd.s32 s4;
	_ =	sdelay $0x1  }
0xa1: {  	s23 =	simm.s32 $0x1B8B  }
0xa2: {  	_ =	swait.ge [sflag:s23], $0x1  }
0xa3: {  	[sflag:s23] =	ssyncset.done $0x0  }
0xa4: {  	s25 =	simm.s32 $0x1B8E;
	s24 =	sld [smem:$0x3FFE];
	[sflag:s23] =	ssyncadd.s32 $0xFFFFFFFF  }
0xa5: {  	s26 =	simm.s32 $execute0_lowered;
	[smem:$0x3FD2] =	sst s25  }
0xa6: {  	s5 =	sshll.u32 s26, $0x1;
	_ =	strace $0x80000046;
	[dreg:$0x1] =	wrdreg $0xFFFFFFFF  }
0xa7: {  	s28 =	simm.s32 $_size_execute0_lowered;
	s3 =	sadd.s32 s3, s5;
	[dreg:$0x0] =	wrdreg $0x0  }
0xa8: {  	s5 =	sshll.u32 s28, $0x1;
	[dreg:$0x2] =	wrdreg s3  }
0xa9: {  	[dreg:$0x3] =	wrdreg s5  }
0xaa: {  	[dreg:$0x4] =	wrdreg $0xC0  }
0xab: {  	_ =	task [dreg:s7], $0x5FFFF  }
0xac: {  	[dreg:$0x1] =	wrdreg $0xFFFFFFFF  }
0xad: {  	[dreg:$0x0] =	wrdreg $0x60  }
0xae: {  	[dreg:$0x2] =	wrdreg s24  }
0xaf: {  	[dreg:$0x3] =	wrdreg s2  }
0xb0: {  	[dreg:$0x4] =	wrdreg $0x9  }
0xb1: {  	_ =	task.clear_ibuf [dreg:s7], $0x5FFFF;
	_ =	strace $0x90000046  }
0xb2: {  	s29 =	simm.s32 $0x9;
	_ =	strace $0x80000048  }
0xb3: {  	_ =	swait.ge [sflag:s29], $0x1  }
0xb4: {  	[sflag:s29] =	ssyncadd.s32 $0xFFFFFFFF  }
0xb5: {  	_ =	strace $0x90000048  }
0xb6: {  	_ =	sfence  }
0xb7: {  	s30 =	sld [smem:$0x0];
	_ =	sdelay $0x2  }
0xb8: {  	s31 =	sshll.u32 s1, $0xD;
	s1 =	sshrl.u32 s1, $0x2  }
0xb9: {  	s3 =	sand.u32 $0x4000, s31;
	s1 =	sadd.s32 s1, s30  }
0xba: {  	s0 =	sor.u32 s3, s0;
	s1 =	sshll.u32 s1, $0x11  }
0xbb: {  	s0 =	sor.u32 s1, s0  }
0xbc: {  	s0 =	sadd.s32 $0x8F2B, s0  }
0xbd: {  	[sflag:s0] =	ssyncadd.remote.s32 $0x1  }
0xbe: {  	_ =	sfence.sel $0xFFFF  }
0xbf: {  	[dreg:$0x0] =	wrdreg $0xFFFFFFFF;
	(pc) =	sbr.abs _section_cstart, $3  }
0xc0: {  	[dreg:$0x1] =	wrdreg $0xFFFFFFFF  }
0xc1: {  	_ =	task.clear_ibuf [dreg:s7], $0x2FFFF;
	_ =	strace $0x9FFFFFFF  }
0xc2: {  	(tm) =	ssettm $0x7FFFFFFF  }
0xc3: {  	_ =	shalt  }
tec
execute0_lowered:
.L_overlay_start_1:
0x0: {  	(tag) =	ssettag $0x1  }
0x1: {  	s26 =	rddreg [dreg:$0x0]  }
0x2: {  	s2 =	rddreg [dreg:$0x1];
	s0 =	srdreg.scid  }
0x3: {  	s4 =	stileid.u32;
	s3 =	simm.s32 $0x0;
	s19 =	simm.s32 $0x80  }
0x4: {  	s31 =	simm.s32 $0x100;
	s0 =	sand.u32 $0x1, s0;
	s4 =	sshll.u32 s4, $0xA  }
0x5: {  	[smem:$0x7FF] =	sst s3;
	s22 =	sadd.s32 $0x9600, s26;
	s5 =	sshll.u32 s0, $0x9  }
0x6: {  	_ =	strace $0x80000047;
	s7 =	ssub.s32 $0x2, s0;
	[dreg:$0x7] =	wrdreg s19  }
0x7: {  	[dreg:$0x8] =	wrdreg s31;
	s0 =	simm.s32 $0x180;
	s11 =	sshrl.u32 s7, $0x1  }
0x8: {  	v30 =	vlaneseq.u32;
	vm0 =	vmmov $0xffff;
	s4 =	sor.u32 s5, s4;
	[dreg:$0x9] =	wrdreg s0;
	s7 =	ssub.s32 s7, s11  }
0x9: {  	vm1 =	vmmov $0xff;
	s29 =	sor.u32 $0x10, s4;
	s11 =	sor.u32 $0x40, s4;
	s12 =	sor.u32 $0x50, s4;
	v24 =	vmov s4;
	v0 =	vor.u32 s4, v30  }
0xa: {  	s13 =	sor.u32 $0x60, s4;
	s14 =	sor.u32 $0x70, s4;
	s15 =	sor.u32 $0x90, s4;
	v1 =	vor.u32 s29, v30;
	v4 =	vor.u32 s11, v30;
	v5 =	vor.u32 s12, v30  }
0xb: {  	s16 =	sor.u32 $0xA0, s4;
	s17 =	sor.u32 $0xB0, s4;
	s9 =	sor.u32 $0xC0, s4;
	v6 =	vor.u32 s13, v30;
	v7 =	vor.u32 s14, v30;
	v9 =	vor.u32 s15, v30  }
0xc: {  	s30 =	sor.u32 $0xD0, s4;
	s20 =	sor.u32 $0xE0, s4;
	s21 =	sor.u32 $0xF0, s4;
	v10 =	vor.u32 s16, v30;
	v11 =	vor.u32 s17, v30;
	v12 =	vor.u32 s9, v30  }
0xd: {  	s1 =	sor.u32 $0x100, s4;
	s18 =	sor.u32 $0x180, s4;
	s0 =	sor.u32 $0x120, s4;
	v13 =	vor.u32 s30, v30;
	v14 =	vor.u32 s20, v30;
	v15 =	vor.u32 s21, v30  }
0xe: {  	s6 =	sshrl.u32 s4, $0x3;
	s19 =	sor.u32 $0x1A0, s4;
	s31 =	sor.u32 $0x1F0, s4;
	v16 =	vor.u32 s1, v30;
	v18 =	vor.u32 s0, v30;
	v25 =	vor.u32 s18, v30  }
0xf: {  	s23 =	sadd.s32 s22, s6;
	s6 =	sor.u32 $0x80, s4;
	s29 =	sor.u32 $0x170, s4;
	v27 =	vor.u32 s19, v30;
	v34 =	vor.u32 s31, v30;
	v0 =	vshrl.u32 v0, $0x3  }
0x10: {  	s11 =	sor.u32 $0x1B0, s4;
	s12 =	sor.u32 $0x1C0, s4;
	s13 =	sor.u32 $0x1D0, s4;
	v29 =	vshrl.u32 v24, $0x6;
	v8 =	vor.u32 s6, v30;
	v23 =	vor.u32 s29, v30  }
0x11: {  	s14 =	sor.u32 $0x1E0, s4;
	v28 =	vor.u32 s11, v30;
	v31 =	vor.u32 s12, v30;
	v32 =	vor.u32 s13, v30  }
0x12: {  	v33 =	vor.u32 s14, v30;
	v1 =	vshrl.u32 v1, $0x3;
	v4 =	vshrl.u32 v4, $0x3  }
0x13: {  	v5 =	vshrl.u32 v5, $0x3;
	v6 =	vshrl.u32 v6, $0x3;
	v7 =	vshrl.u32 v7, $0x3  }
0x14: {  	v9 =	vshrl.u32 v9, $0x3;
	v10 =	vshrl.u32 v10, $0x3;
	v11 =	vshrl.u32 v11, $0x3  }
0x15: {  	s10 =	sshrl.u32 s1, $0x3;
	s28 =	sshrl.u32 s18, $0x3;
	v12 =	vshrl.u32 v12, $0x3;
	v13 =	vshrl.u32 v13, $0x3;
	v14 =	vshrl.u32 v14, $0x3  }
0x16: {  	[dreg:$0x3] =	wrdreg s23;
	s25 =	sadd.s32 s22, s10;
	s5 =	sadd.s32 s22, s28;
	v15 =	vshrl.u32 v15, $0x3;
	v16 =	vshrl.u32 v16, $0x3;
	v18 =	vshrl.u32 v18, $0x3  }
0x17: {  	s10 =	sor.u32 $0x30, s4;
	s23 =	sor.u32 $0x130, s4;
	s28 =	sor.u32 $0x160, s4;
	v24 =	vshrl.u32 v25, $0x3;
	v29 =	vmul.u32 $0x18, v29;
	v34 =	vshrl.u32 v34, $0x3  }
0x18: {  	s24 =	sshrl.u32 s6, $0x3;
	v3 =	vor.u32 s10, v30;
	v19 =	vor.u32 s23, v30;
	v22 =	vor.u32 s28, v30  }
0x19: {  	s8 =	sadd.s32 s22, s24;
	[dreg:$0x5] =	wrdreg s25;
	s22 =	sor.u32 $0x110, s4;
	v8 =	vshrl.u32 v8, $0x3;
	v23 =	vshrl.u32 v23, $0x3;
	v31 =	vshrl.u32 v31, $0x3  }
0x1a: {  	s24 =	sor.u32 $0x140, s4;
	s25 =	sor.u32 $0x150, s4;
	s10 =	sor.u32 $0x190, s4;
	v32 =	vshrl.u32 v32, $0x3;
	v33 =	vshrl.u32 v33, $0x3;
	v17 =	vor.u32 s22, v30  }
0x1b: {  	v20 =	vor.u32 s24, v30;
	v21 =	vor.u32 s25, v30;
	v26 =	vor.u32 s10, v30  }
0x1c: {  	v3 =	vshrl.u32 v3, $0x3;
	v19 =	vshrl.u32 v19, $0x3;
	v25 =	vshrl.u32 v26, $0x3  }
0x1d: {  	[dreg:$0x4] =	wrdreg s8;
	s8 =	sor.u32 $0x20, s4;
	v26 =	vshrl.u32 v27, $0x3;
	v27 =	vshrl.u32 v28, $0x3;
	v28 =	vand.u32 $0x1, v0  }
0x1e: {  	v22 =	vshrl.u32 v22, $0x3;
	v2 =	vor.u32 s8, v30;
	v35 =	vor.u32 v29, v28  }
0x1f: {  	v28 =	vand.u32 $0x7, v30;
	v29 =	vshrl.u32 v30, $0x3;
	v30 =	vor.u32 $0x8, v30  }
0x20: {  	v36 =	vperm.xlane v35, v28;
	v29 =	vmul.u32 $0x8, v29;
	v37 =	vperm.xlane v35, v30  }
0x21: {  	s6 =	smax.u32 s7, $0x1;
	s7 =	sadd.s32 $0x100, s2;
	v17 =	vshrl.u32 v17, $0x3;
	v20 =	vshrl.u32 v20, $0x3;
	v21 =	vshrl.u32 v21, $0x3  }
0x22: {  	[dreg:$0x6] =	wrdreg s5;
	s5 =	sadd.s32 $0x9F00, s26;
	s4 =	sadd.s32 $0x9E00, s26;
	v2 =	vshrl.u32 v2, $0x3;
	v35 =	vadd.s32 v29, v36;
	v36 =	vadd.s32 v29, v37  }
.LBB2_1:
0x23: {  	s29 =	rddreg [dreg:$0x3];
	s0 =	simm.s32 $0x3  }
0x24: {  	[tilespmem:s3], [sflag:$0x3] =	stream.linear.gather [hbm4b:s29+s3], $0x80, $0x38;
	[tilespmem:$0x18400] =	vst v63  }
0x25: {  	_ =	swait.ge [sflag:s0], $0x80  }
0x26: {  	s20 =	rddreg [dreg:$0x4];
	[sflag:s0] =	ssyncset.done $0x0  }
0x27: {  	s30 =	rddreg [dreg:$0x7];
	[sflag:s0] =	ssyncadd.s32 $0xFFFFFF80  }
0x28: {  	[tilespmem:s30], [sflag:$0x3] =	stream.linear.gather [hbm4b:s20+s3], $0x80, $0x38;
	[tilespmem:$0x18400] =	vst v63  }
0x29: {  	_ =	swait.ge [sflag:s0], $0x80  }
0x2a: {  	s21 =	rddreg [dreg:$0x5];
	[sflag:s0] =	ssyncset.done $0x0  }
0x2b: {  	s22 =	rddreg [dreg:$0x8];
	[sflag:s0] =	ssyncadd.s32 $0xFFFFFF80  }
0x2c: {  	[tilespmem:s22], [sflag:$0x3] =	stream.linear.gather [hbm4b:s21+s3], $0x80, $0x38;
	[tilespmem:$0x18400] =	vst v63  }
0x2d: {  	_ =	swait.ge [sflag:s0], $0x80  }
0x2e: {  	s23 =	rddreg [dreg:$0x6];
	[sflag:s0] =	ssyncset.done $0x0  }
0x2f: {  	s24 =	rddreg [dreg:$0x9];
	[sflag:s0] =	ssyncadd.s32 $0xFFFFFF80  }
0x30: {  	[tilespmem:s24], [sflag:$0x3] =	stream.linear.gather [hbm4b:s23+s3], $0x80, $0x38;
	[tilespmem:$0x18400] =	vst v63  }
0x31: {  	_ =	swait.ge [sflag:s0], $0x80  }
0x32: {  	[sflag:s0] =	ssyncset.done $0x0  }
0x33: {  	[sflag:s0] =	ssyncadd.s32 $0xFFFFFF80  }
0x34: {  	[tilespmem:$0x200] =	vst v0  }
0x35: {  	[tilespmem:$0x210] =	vst v1  }
0x36: {  	[tilespmem:$0x220] =	vst v2  }
0x37: {  	[tilespmem:$0x230] =	vst v3  }
0x38: {  	[tilespmem:$0x240] =	vst v4  }
0x39: {  	[tilespmem:$0x250] =	vst v5  }
0x3a: {  	[tilespmem:$0x260] =	vst v6  }
0x3b: {  	[tilespmem:$0x270] =	vst v7  }
0x3c: {  	[tilespmem:$0x280] =	vst v8  }
0x3d: {  	[tilespmem:$0x290] =	vst v9  }
0x3e: {  	[tilespmem:$0x2A0] =	vst v10  }
0x3f: {  	[tilespmem:$0x2B0] =	vst v11  }
0x40: {  	[tilespmem:$0x2C0] =	vst v12  }
0x41: {  	[tilespmem:$0x2D0] =	vst v13  }
0x42: {  	[tilespmem:$0x2E0] =	vst v14  }
0x43: {  	[tilespmem:$0x2F0] =	vst v15  }
0x44: {  	[tilespmem:$0x300] =	vst v16  }
0x45: {  	[tilespmem:$0x310] =	vst v17  }
0x46: {  	[tilespmem:$0x320] =	vst v18  }
0x47: {  	[tilespmem:$0x330] =	vst v19  }
0x48: {  	[tilespmem:$0x340] =	vst v20  }
0x49: {  	[tilespmem:$0x350] =	vst v21  }
0x4a: {  	[tilespmem:$0x360] =	vst v22  }
0x4b: {  	[tilespmem:$0x370] =	vst v23  }
0x4c: {  	[tilespmem:$0x380] =	vst v24  }
0x4d: {  	[tilespmem:$0x390] =	vst v25  }
0x4e: {  	[tilespmem:$0x3A0] =	vst v26  }
0x4f: {  	[tilespmem:$0x3B0] =	vst v27  }
0x50: {  	[tilespmem:$0x3C0] =	vst v31  }
0x51: {  	[tilespmem:$0x3D0] =	vst v32  }
0x52: {  	[tilespmem:$0x3E0] =	vst v33  }
0x53: {  	s25 =	simm.s32 $0x400;
	[tilespmem:$0x3F0] =	vst v34  }
0x54: {  	[tilespmem:s25], [sflag:$0x1] =	stream.indirect_vreg.gather [hbm4b:s2+s3], $0x80, v35, vm0, $0xb8;
	[tilespmem:$0x18400] =	vst v63  }
0x55: {  	s26 =	simm.s32 $0xC00  }
0x56: {  	[tilespmem:s26], [sflag:$0x1] =	stream.indirect_vreg.gather [hbm4b:s7+s3], $0x80, v35, vm1, $0xb8;
	[tilespmem:$0x18400] =	vst v63  }
0x57: {  	s28 =	simm.s32 $0x1000  }
0x58: {  	[tilespmem:s28], [sflag:$0x1] =	stream.indirect_vreg.gather [hbm4b:s2+s3], $0x80, v36, vm0, $0xb8;
	[tilespmem:$0x18400] =	vst v63  }
0x59: {  	s29 =	simm.s32 $0x1800  }
0x5a: {  	[tilespmem:s29], [sflag:$0x1] =	stream.indirect_vreg.gather [hbm4b:s7+s3], $0x80, v36, vm1, $0xb8;
	[tilespmem:$0x18400] =	vst v63  }
0x5b: {  	v37 =	vld [tilespmem:$0x210];
	_ =	sdelay $0x4  }
0x5c: {  	v38 =	vshrl.u32 v37, $0x3  }
0x5d: {  	v38 =	vmul.u32 $0x18, v38  }
0x5e: {  	v37 =	vand.u32 $0x7, v37  }
0x5f: {  	v37 =	vor.u32 v37, v38  }
0x60: {  	v38 =	vperm.xlane v37, v28;
	_ =	sdelay $0x1  }
0x61: {  	v38 =	vadd.s32 v29, v38;
	_ =	sdelay $0x1  }
0x62: {  	v37 =	vperm.xlane v37, v30;
	_ =	sdelay $0x1  }
0x63: {  	s30 =	simm.s32 $0x1C00;
	v37 =	vadd.s32 v29, v37  }
0x64: {  	[tilespmem:s30], [sflag:$0x1] =	stream.indirect_vreg.gather [hbm4b:s2+s3], $0x80, v38, vm0, $0xb8;
	[tilespmem:$0x18400] =	vst v63  }
0x65: {  	s31 =	simm.s32 $0x2400  }
0x66: {  	[tilespmem:s31], [sflag:$0x1] =	stream.indirect_vreg.gather [hbm4b:s7+s3], $0x80, v38, vm1, $0xb8;
	[tilespmem:$0x18400] =	vst v63  }
0x67: {  	s8 =	simm.s32 $0x2800  }
0x68: {  	[tilespmem:s8], [sflag:$0x1] =	stream.indirect_vreg.gather [hbm4b:s2+s3], $0x80, v37, vm0, $0xb8;
	[tilespmem:$0x18400] =	vst v63  }
0x69: {  	s9 =	simm.s32 $0x3000  }
0x6a: {  	[tilespmem:s9], [sflag:$0x1] =	stream.indirect_vreg.gather [hbm4b:s7+s3], $0x80, v37, vm1, $0xb8;
	[tilespmem:$0x18400] =	vst v63  }
0x6b: {  	v37 =	vld [tilespmem:$0x220];
	_ =	sdelay $0x4  }
0x6c: {  	v44 =	vshrl.u32 v37, $0x3  }
0x6d: {  	v38 =	vmul.u32 $0x18, v44  }
0x6e: {  	v37 =	vand.u32 $0x7, v37  }
0x6f: {  	v37 =	vor.u32 v37, v38  }
0x70: {  	v38 =	vperm.xlane v37, v28;
	_ =	sdelay $0x1  }
0x71: {  	v38 =	vadd.s32 v29, v38;
	_ =	sdelay $0x1  }
0x72: {  	v37 =	vperm.xlane v37, v30;
	_ =	sdelay $0x1  }
0x73: {  	s10 =	simm.s32 $0x3400;
	v37 =	vadd.s32 v29, v37  }
0x74: {  	[tilespmem:s10], [sflag:$0x1] =	stream.indirect_vreg.gather [hbm4b:s2+s3], $0x80, v38, vm0, $0xb8;
	[tilespmem:$0x18400] =	vst v63  }
0x75: {  	s11 =	simm.s32 $0x3C00  }
0x76: {  	[tilespmem:s11], [sflag:$0x1] =	stream.indirect_vreg.gather [hbm4b:s7+s3], $0x80, v38, vm1, $0xb8;
	[tilespmem:$0x18400] =	vst v63  }
0x77: {  	s12 =	simm.s32 $0x4000  }
0x78: {  	[tilespmem:s12], [sflag:$0x1] =	stream.indirect_vreg.gather [hbm4b:s2+s3], $0x80, v37, vm0, $0xb8;
	[tilespmem:$0x18400] =	vst v63  }
0x79: {  	s13 =	simm.s32 $0x4800  }
0x7a: {  	[tilespmem:s13], [sflag:$0x1] =	stream.indirect_vreg.gather [hbm4b:s7+s3], $0x80, v37, vm1, $0xb8;
	[tilespmem:$0x18400] =	vst v63  }
0x7b: {  	v37 =	vld [tilespmem:$0x230];
	_ =	sdelay $0x4  }
0x7c: {  	v45 =	vshrl.u32 v37, $0x3  }
0x7d: {  	v38 =	vmul.u32 $0x18, v45  }
0x7e: {  	v37 =	vand.u32 $0x7, v37  }
0x7f: {  	v37 =	vor.u32 v37, v38  }
0x80: {  	v38 =	vperm.xlane v37, v28;
	_ =	sdelay $0x1  }
0x81: {  	v38 =	vadd.s32 v29, v38;
	_ =	sdelay $0x1  }
0x82: {  	v37 =	vperm.xlane v37, v30;
	_ =	sdelay $0x1  }
0x83: {  	s16 =	simm.s32 $0x4C00;
	v37 =	vadd.s32 v29, v37  }
0x84: {  	[tilespmem:s16], [sflag:$0x1] =	stream.indirect_vreg.gather [hbm4b:s2+s3], $0x80, v38, vm0, $0xb8;
	[tilespmem:$0x18400] =	vst v63  }
0x85: {  	s17 =	simm.s32 $0x5400  }
0x86: {  	[tilespmem:s17], [sflag:$0x1] =	stream.indirect_vreg.gather [hbm4b:s7+s3], $0x80, v38, vm1, $0xb8;
	[tilespmem:$0x18400] =	vst v63  }
0x87: {  	s18 =	simm.s32 $0x5800  }
0x88: {  	[tilespmem:s18], [sflag:$0x1] =	stream.indirect_vreg.gather [hbm4b:s2+s3], $0x80, v37, vm0, $0xb8;
	[tilespmem:$0x18400] =	vst v63  }
0x89: {  	s19 =	simm.s32 $0x6000  }
0x8a: {  	[tilespmem:s19], [sflag:$0x1] =	stream.indirect_vreg.gather [hbm4b:s7+s3], $0x80, v37, vm1, $0xb8;
	[tilespmem:$0x18400] =	vst v63  }
0x8b: {  	v37 =	vld [tilespmem:$0x240];
	_ =	sdelay $0x4  }
0x8c: {  	v46 =	vshrl.u32 v37, $0x3  }
0x8d: {  	v38 =	vmul.u32 $0x18, v46  }
0x8e: {  	v37 =	vand.u32 $0x7, v37  }
0x8f: {  	v37 =	vor.u32 v37, v38  }
0x90: {  	v38 =	vperm.xlane v37, v28;
	_ =	sdelay $0x1  }
0x91: {  	v38 =	vadd.s32 v29, v38;
	_ =	sdelay $0x1  }
0x92: {  	v37 =	vperm.xlane v37, v30;
	_ =	sdelay $0x1  }
0x93: {  	s20 =	simm.s32 $0x6400;
	v37 =	vadd.s32 v29, v37  }
0x94: {  	[tilespmem:s20], [sflag:$0x1] =	stream.indirect_vreg.gather [hbm4b:s2+s3], $0x80, v38, vm0, $0xb8;
	[tilespmem:$0x18400] =	vst v63  }
0x95: {  	s21 =	simm.s32 $0x6C00  }
0x96: {  	[tilespmem:s21], [sflag:$0x1] =	stream.indirect_vreg.gather [hbm4b:s7+s3], $0x80, v38, vm1, $0xb8;
	[tilespmem:$0x18400] =	vst v63  }
0x97: {  	s22 =	simm.s32 $0x7000  }
0x98: {  	[tilespmem:s22], [sflag:$0x1] =	stream.indirect_vreg.gather [hbm4b:s2+s3], $0x80, v37, vm0, $0xb8;
	[tilespmem:$0x18400] =	vst v63  }
0x99: {  	s23 =	simm.s32 $0x7800  }
0x9a: {  	[tilespmem:s23], [sflag:$0x1] =	stream.indirect_vreg.gather [hbm4b:s7+s3], $0x80, v37, vm1, $0xb8;
	[tilespmem:$0x18400] =	vst v63  }
0x9b: {  	v37 =	vld [tilespmem:$0x250];
	_ =	sdelay $0x4  }
0x9c: {  	v47 =	vshrl.u32 v37, $0x3  }
0x9d: {  	v38 =	vmul.u32 $0x18, v47  }
0x9e: {  	v37 =	vand.u32 $0x7, v37  }
0x9f: {  	v37 =	vor.u32 v37, v38  }
0xa0: {  	v38 =	vperm.xlane v37, v28;
	_ =	sdelay $0x1  }
0xa1: {  	v38 =	vadd.s32 v29, v38;
	_ =	sdelay $0x1  }
0xa2: {  	v37 =	vperm.xlane v37, v30;
	_ =	sdelay $0x1  }
0xa3: {  	s24 =	simm.s32 $0x7C00;
	v37 =	vadd.s32 v29, v37  }
0xa4: {  	[tilespmem:s24], [sflag:$0x1] =	stream.indirect_vreg.gather [hbm4b:s2+s3], $0x80, v38, vm0, $0xb8;
	[tilespmem:$0x18400] =	vst v63  }
0xa5: {  	s25 =	simm.s32 $0x8400  }
0xa6: {  	[tilespmem:s25], [sflag:$0x1] =	stream.indirect_vreg.gather [hbm4b:s7+s3], $0x80, v38, vm1, $0xb8;
	[tilespmem:$0x18400] =	vst v63  }
0xa7: {  	s26 =	simm.s32 $0x8800  }
0xa8: {  	[tilespmem:s26], [sflag:$0x1] =	stream.indirect_vreg.gather [hbm4b:s2+s3], $0x80, v37, vm0, $0xb8;
	[tilespmem:$0x18400] =	vst v63  }
0xa9: {  	s28 =	simm.s32 $0x9000  }
0xaa: {  	[tilespmem:s28], [sflag:$0x1] =	stream.indirect_vreg.gather [hbm4b:s7+s3], $0x80, v37, vm1, $0xb8;
	[tilespmem:$0x18400] =	vst v63  }
0xab: {  	v37 =	vld [tilespmem:$0x260];
	_ =	sdelay $0x4  }
0xac: {  	v48 =	vshrl.u32 v37, $0x3  }
0xad: {  	v38 =	vmul.u32 $0x18, v48  }
0xae: {  	v37 =	vand.u32 $0x7, v37  }
0xaf: {  	v37 =	vor.u32 v37, v38  }
0xb0: {  	v38 =	vperm.xlane v37, v28;
	_ =	sdelay $0x1  }
0xb1: {  	v38 =	vadd.s32 v29, v38;
	_ =	sdelay $0x1  }
0xb2: {  	v37 =	vperm.xlane v37, v30;
	_ =	sdelay $0x1  }
0xb3: {  	s29 =	simm.s32 $0x9400;
	v37 =	vadd.s32 v29, v37  }
0xb4: {  	[tilespmem:s29], [sflag:$0x1] =	stream.indirect_vreg.gather [hbm4b:s2+s3], $0x80, v38, vm0, $0xb8;
	[tilespmem:$0x18400] =	vst v63  }
0xb5: {  	s30 =	simm.s32 $0x9C00  }
0xb6: {  	[tilespmem:s30], [sflag:$0x1] =	stream.indirect_vreg.gather [hbm4b:s7+s3], $0x80, v38, vm1, $0xb8;
	[tilespmem:$0x18400] =	vst v63  }
0xb7: {  	s31 =	simm.s32 $0xA000  }
0xb8: {  	[tilespmem:s31], [sflag:$0x1] =	stream.indirect_vreg.gather [hbm4b:s2+s3], $0x80, v37, vm0, $0xb8;
	[tilespmem:$0x18400] =	vst v63  }
0xb9: {  	s13 =	simm.s32 $0xA800  }
0xba: {  	[tilespmem:s13], [sflag:$0x1] =	stream.indirect_vreg.gather [hbm4b:s7+s3], $0x80, v37, vm1, $0xb8;
	[tilespmem:$0x18400] =	vst v63  }
0xbb: {  	v37 =	vld [tilespmem:$0x270];
	_ =	sdelay $0x4  }
0xbc: {  	v49 =	vshrl.u32 v37, $0x3  }
0xbd: {  	v38 =	vmul.u32 $0x18, v49  }
0xbe: {  	v37 =	vand.u32 $0x7, v37  }
0xbf: {  	v37 =	vor.u32 v37, v38  }
0xc0: {  	v38 =	vperm.xlane v37, v28;
	_ =	sdelay $0x1  }
0xc1: {  	v38 =	vadd.s32 v29, v38;
	_ =	sdelay $0x1  }
0xc2: {  	v37 =	vperm.xlane v37, v30;
	_ =	sdelay $0x1  }
0xc3: {  	s29 =	simm.s32 $0xAC00;
	v37 =	vadd.s32 v29, v37  }
0xc4: {  	[tilespmem:s29], [sflag:$0x1] =	stream.indirect_vreg.gather [hbm4b:s2+s3], $0x80, v38, vm0, $0xb8;
	[tilespmem:$0x18400] =	vst v63  }
0xc5: {  	s30 =	simm.s32 $0xB400  }
0xc6: {  	[tilespmem:s30], [sflag:$0x1] =	stream.indirect_vreg.gather [hbm4b:s7+s3], $0x80, v38, vm1, $0xb8;
	[tilespmem:$0x18400] =	vst v63  }
0xc7: {  	s31 =	simm.s32 $0xB800  }
0xc8: {  	[tilespmem:s31], [sflag:$0x1] =	stream.indirect_vreg.gather [hbm4b:s2+s3], $0x80, v37, vm0, $0xb8;
	[tilespmem:$0x18400] =	vst v63  }
0xc9: {  	s31 =	simm.s32 $0xC000  }
0xca: {  	[tilespmem:s31], [sflag:$0x1] =	stream.indirect_vreg.gather [hbm4b:s7+s3], $0x80, v37, vm1, $0xb8;
	[tilespmem:$0x18400] =	vst v63  }
0xcb: {  	s31 =	simm.s32 $0x1  }
0xcc: {  	_ =	swait.ge [sflag:s31], $0xC000  }
0xcd: {  	[sflag:s31] =	ssyncset.done $0x0  }
0xce: {  	[sflag:s31] =	ssyncadd.s32 $0xFFFF4000  }
0xcf: {  	v50 =	vld [tilespmem:$0x0];
	_ =	sdelay $0x4  }
0xd0: {  	v51 =	vshrl.u32 v50, $0x3  }
0xd1: {  	v38 =	vmul.u32 $0x18, v51  }
0xd2: {  	v37 =	vand.u32 $0x7, v50  }
0xd3: {  	v37 =	vor.u32 v37, v38  }
0xd4: {  	v38 =	vperm.xlane v37, v28;
	_ =	sdelay $0x1  }
0xd5: {  	v38 =	vadd.s32 v29, v38;
	_ =	sdelay $0x1  }
0xd6: {  	v37 =	vperm.xlane v37, v30;
	_ =	sdelay $0x1  }
0xd7: {  	s31 =	simm.s32 $0x400;
	v37 =	vadd.s32 v29, v37  }
0xd8: {  	[hbm4b:s4+s3] =	stream.indirect_vreg.scatter [tilespmem:s31], [sflag:$0x2], $0x80, v38, vm0, $0xb8;
	[tilespmem:$0x18400] =	vst v63  }
0xd9: {  	s31 =	simm.s32 $0xC00  }
0xda: {  	[hbm4b:s5+s3] =	stream.indirect_vreg.scatter [tilespmem:s31], [sflag:$0x2], $0x80, v38, vm1, $0xb8;
	[tilespmem:$0x18400] =	vst v63  }
0xdb: {  	s31 =	simm.s32 $0x1000  }
0xdc: {  	[hbm4b:s4+s3] =	stream.indirect_vreg.scatter [tilespmem:s31], [sflag:$0x2], $0x80, v37, vm0, $0xb8;
	[tilespmem:$0x18400] =	vst v63  }
0xdd: {  	s1 =	simm.s32 $0x1800  }
0xde: {  	[hbm4b:s5+s3] =	stream.indirect_vreg.scatter [tilespmem:s1], [sflag:$0x2], $0x80, v37, vm1, $0xb8;
	[tilespmem:$0x18400] =	vst v63  }
0xdf: {  	v37 =	vld [tilespmem:$0x10];
	_ =	sdelay $0x4  }
0xe0: {  	v52 =	vshrl.u32 v37, $0x3  }
0xe1: {  	v38 =	vmul.u32 $0x18, v52  }
0xe2: {  	v37 =	vand.u32 $0x7, v37  }
0xe3: {  	v37 =	vor.u32 v37, v38  }
0xe4: {  	v38 =	vperm.xlane v37, v28;
	_ =	sdelay $0x1  }
0xe5: {  	v38 =	vadd.s32 v29, v38;
	_ =	sdelay $0x1  }
0xe6: {  	v37 =	vperm.xlane v37, v30;
	_ =	sdelay $0x1  }
0xe7: {  	s31 =	simm.s32 $0x1C00;
	v37 =	vadd.s32 v29, v37  }
0xe8: {  	[hbm4b:s4+s3] =	stream.indirect_vreg.scatter [tilespmem:s31], [sflag:$0x2], $0x80, v38, vm0, $0xb8;
	[tilespmem:$0x18400] =	vst v63  }
0xe9: {  	s31 =	simm.s32 $0x2400  }
0xea: {  	[hbm4b:s5+s3] =	stream.indirect_vreg.scatter [tilespmem:s31], [sflag:$0x2], $0x80, v38, vm1, $0xb8;
	[tilespmem:$0x18400] =	vst v63  }
0xeb: {  	s31 =	simm.s32 $0x2800  }
0xec: {  	[hbm4b:s4+s3] =	stream.indirect_vreg.scatter [tilespmem:s31], [sflag:$0x2], $0x80, v37, vm0, $0xb8;
	[tilespmem:$0x18400] =	vst v63  }
0xed: {  	s8 =	simm.s32 $0x3000  }
0xee: {  	[hbm4b:s5+s3] =	stream.indirect_vreg.scatter [tilespmem:s8], [sflag:$0x2], $0x80, v37, vm1, $0xb8;
	[tilespmem:$0x18400] =	vst v63  }
0xef: {  	v37 =	vld [tilespmem:$0x20];
	_ =	sdelay $0x4  }
0xf0: {  	v53 =	vshrl.u32 v37, $0x3  }
0xf1: {  	v38 =	vmul.u32 $0x18, v53  }
0xf2: {  	v37 =	vand.u32 $0x7, v37  }
0xf3: {  	v37 =	vor.u32 v37, v38  }
0xf4: {  	v38 =	vperm.xlane v37, v28;
	_ =	sdelay $0x1  }
0xf5: {  	v38 =	vadd.s32 v29, v38;
	_ =	sdelay $0x1  }
0xf6: {  	v37 =	vperm.xlane v37, v30;
	_ =	sdelay $0x1  }
0xf7: {  	s8 =	simm.s32 $0x3400;
	v37 =	vadd.s32 v29, v37  }
0xf8: {  	[hbm4b:s4+s3] =	stream.indirect_vreg.scatter [tilespmem:s8], [sflag:$0x2], $0x80, v38, vm0, $0xb8;
	[tilespmem:$0x18400] =	vst v63  }
0xf9: {  	s14 =	simm.s32 $0x3C00  }
0xfa: {  	[hbm4b:s5+s3] =	stream.indirect_vreg.scatter [tilespmem:s14], [sflag:$0x2], $0x80, v38, vm1, $0xb8;
	[tilespmem:$0x18400] =	vst v63  }
0xfb: {  	s15 =	simm.s32 $0x4000  }
0xfc: {  	[hbm4b:s4+s3] =	stream.indirect_vreg.scatter [tilespmem:s15], [sflag:$0x2], $0x80, v37, vm0, $0xb8;
	[tilespmem:$0x18400] =	vst v63  }
0xfd: {  	s9 =	simm.s32 $0x4800  }
0xfe: {  	[hbm4b:s5+s3] =	stream.indirect_vreg.scatter [tilespmem:s9], [sflag:$0x2], $0x80, v37, vm1, $0xb8;
	[tilespmem:$0x18400] =	vst v63  }
0xff: {  	v37 =	vld [tilespmem:$0x30];
	_ =	sdelay $0x4  }
0x100: {  	v54 =	vshrl.u32 v37, $0x3  }
0x101: {  	v38 =	vmul.u32 $0x18, v54  }
0x102: {  	v37 =	vand.u32 $0x7, v37  }
0x103: {  	v37 =	vor.u32 v37, v38  }
0x104: {  	v38 =	vperm.xlane v37, v28;
	_ =	sdelay $0x1  }
0x105: {  	v38 =	vadd.s32 v29, v38;
	_ =	sdelay $0x1  }
0x106: {  	v37 =	vperm.xlane v37, v30;
	_ =	sdelay $0x1  }
0x107: {  	s16 =	simm.s32 $0x4C00;
	v37 =	vadd.s32 v29, v37  }
0x108: {  	[hbm4b:s4+s3] =	stream.indirect_vreg.scatter [tilespmem:s16], [sflag:$0x2], $0x80, v38, vm0, $0xb8;
	[tilespmem:$0x18400] =	vst v63  }
0x109: {  	s17 =	simm.s32 $0x5400  }
0x10a: {  	[hbm4b:s5+s3] =	stream.indirect_vreg.scatter [tilespmem:s17], [sflag:$0x2], $0x80, v38, vm1, $0xb8;
	[tilespmem:$0x18400] =	vst v63  }
0x10b: {  	s18 =	simm.s32 $0x5800  }
0x10c: {  	[hbm4b:s4+s3] =	stream.indirect_vreg.scatter [tilespmem:s18], [sflag:$0x2], $0x80, v37, vm0, $0xb8;
	[tilespmem:$0x18400] =	vst v63  }
0x10d: {  	s10 =	simm.s32 $0x6000  }
0x10e: {  	[hbm4b:s5+s3] =	stream.indirect_vreg.scatter [tilespmem:s10], [sflag:$0x2], $0x80, v37, vm1, $0xb8;
	[tilespmem:$0x18400] =	vst v63  }
0x10f: {  	v37 =	vld [tilespmem:$0x40];
	_ =	sdelay $0x4  }
0x110: {  	v55 =	vshrl.u32 v37, $0x3  }
0x111: {  	v38 =	vmul.u32 $0x18, v55  }
0x112: {  	v37 =	vand.u32 $0x7, v37  }
0x113: {  	v37 =	vor.u32 v37, v38  }
0x114: {  	v38 =	vperm.xlane v37, v28;
	_ =	sdelay $0x1  }
0x115: {  	v38 =	vadd.s32 v29, v38;
	_ =	sdelay $0x1  }
0x116: {  	v37 =	vperm.xlane v37, v30;
	_ =	sdelay $0x1  }
0x117: {  	s19 =	simm.s32 $0x6400;
	v37 =	vadd.s32 v29, v37  }
0x118: {  	[hbm4b:s4+s3] =	stream.indirect_vreg.scatter [tilespmem:s19], [sflag:$0x2], $0x80, v38, vm0, $0xb8;
	[tilespmem:$0x18400] =	vst v63  }
0x119: {  	s20 =	simm.s32 $0x6C00  }
0x11a: {  	[hbm4b:s5+s3] =	stream.indirect_vreg.scatter [tilespmem:s20], [sflag:$0x2], $0x80, v38, vm1, $0xb8;
	[tilespmem:$0x18400] =	vst v63  }
0x11b: {  	s21 =	simm.s32 $0x7000  }
0x11c: {  	[hbm4b:s4+s3] =	stream.indirect_vreg.scatter [tilespmem:s21], [sflag:$0x2], $0x80, v37, vm0, $0xb8;
	[tilespmem:$0x18400] =	vst v63  }
0x11d: {  	s11 =	simm.s32 $0x7800  }
0x11e: {  	[hbm4b:s5+s3] =	stream.indirect_vreg.scatter [tilespmem:s11], [sflag:$0x2], $0x80, v37, vm1, $0xb8;
	[tilespmem:$0x18400] =	vst v63  }
0x11f: {  	v37 =	vld [tilespmem:$0x50];
	_ =	sdelay $0x4  }
0x120: {  	v56 =	vshrl.u32 v37, $0x3  }
0x121: {  	v38 =	vmul.u32 $0x18, v56  }
0x122: {  	v37 =	vand.u32 $0x7, v37  }
0x123: {  	v37 =	vor.u32 v37, v38  }
0x124: {  	v38 =	vperm.xlane v37, v28;
	_ =	sdelay $0x1  }
0x125: {  	v38 =	vadd.s32 v29, v38;
	_ =	sdelay $0x1  }
0x126: {  	v37 =	vperm.xlane v37, v30;
	_ =	sdelay $0x1  }
0x127: {  	s22 =	simm.s32 $0x7C00;
	v37 =	vadd.s32 v29, v37  }
0x128: {  	[hbm4b:s4+s3] =	stream.indirect_vreg.scatter [tilespmem:s22], [sflag:$0x2], $0x80, v38, vm0, $0xb8;
	[tilespmem:$0x18400] =	vst v63  }
0x129: {  	s23 =	simm.s32 $0x8400  }
0x12a: {  	[hbm4b:s5+s3] =	stream.indirect_vreg.scatter [tilespmem:s23], [sflag:$0x2], $0x80, v38, vm1, $0xb8;
	[tilespmem:$0x18400] =	vst v63  }
0x12b: {  	s24 =	simm.s32 $0x8800  }
0x12c: {  	[hbm4b:s4+s3] =	stream.indirect_vreg.scatter [tilespmem:s24], [sflag:$0x2], $0x80, v37, vm0, $0xb8;
	[tilespmem:$0x18400] =	vst v63  }
0x12d: {  	s12 =	simm.s32 $0x9000  }
0x12e: {  	[hbm4b:s5+s3] =	stream.indirect_vreg.scatter [tilespmem:s12], [sflag:$0x2], $0x80, v37, vm1, $0xb8;
	[tilespmem:$0x18400] =	vst v63  }
0x12f: {  	v37 =	vld [tilespmem:$0x60];
	_ =	sdelay $0x4  }
0x130: {  	v57 =	vshrl.u32 v37, $0x3  }
0x131: {  	v38 =	vmul.u32 $0x18, v57  }
0x132: {  	v37 =	vand.u32 $0x7, v37  }
0x133: {  	v37 =	vor.u32 v37, v38  }
0x134: {  	v38 =	vperm.xlane v37, v28;
	_ =	sdelay $0x1  }
0x135: {  	v38 =	vadd.s32 v29, v38;
	_ =	sdelay $0x1  }
0x136: {  	v37 =	vperm.xlane v37, v30;
	_ =	sdelay $0x1  }
0x137: {  	s25 =	simm.s32 $0x9400;
	v37 =	vadd.s32 v29, v37  }
0x138: {  	[hbm4b:s4+s3] =	stream.indirect_vreg.scatter [tilespmem:s25], [sflag:$0x2], $0x80, v38, vm0, $0xb8;
	[tilespmem:$0x18400] =	vst v63  }
0x139: {  	s26 =	simm.s32 $0x9C00  }
0x13a: {  	[hbm4b:s5+s3] =	stream.indirect_vreg.scatter [tilespmem:s26], [sflag:$0x2], $0x80, v38, vm1, $0xb8;
	[tilespmem:$0x18400] =	vst v63  }
0x13b: {  	s28 =	simm.s32 $0xA000  }
0x13c: {  	[hbm4b:s4+s3] =	stream.indirect_vreg.scatter [tilespmem:s28], [sflag:$0x2], $0x80, v37, vm0, $0xb8;
	[tilespmem:$0x18400] =	vst v63  }
0x13d: {  	s13 =	simm.s32 $0xA800  }
0x13e: {  	[hbm4b:s5+s3] =	stream.indirect_vreg.scatter [tilespmem:s13], [sflag:$0x2], $0x80, v37, vm1, $0xb8;
	[tilespmem:$0x18400] =	vst v63  }
0x13f: {  	v37 =	vld [tilespmem:$0x70];
	_ =	sdelay $0x4  }
0x140: {  	v58 =	vshrl.u32 v37, $0x3  }
0x141: {  	v38 =	vmul.u32 $0x18, v58  }
0x142: {  	v37 =	vand.u32 $0x7, v37  }
0x143: {  	v37 =	vor.u32 v37, v38  }
0x144: {  	v38 =	vperm.xlane v37, v28;
	_ =	sdelay $0x1  }
0x145: {  	v38 =	vadd.s32 v29, v38;
	_ =	sdelay $0x1  }
0x146: {  	v37 =	vperm.xlane v37, v30;
	_ =	sdelay $0x1  }
0x147: {  	s29 =	simm.s32 $0xAC00;
	v37 =	vadd.s32 v29, v37  }
0x148: {  	[hbm4b:s4+s3] =	stream.indirect_vreg.scatter [tilespmem:s29], [sflag:$0x2], $0x80, v38, vm0, $0xb8;
	[tilespmem:$0x18400] =	vst v63  }
0x149: {  	s30 =	simm.s32 $0xB400  }
0x14a: {  	[hbm4b:s5+s3] =	stream.indirect_vreg.scatter [tilespmem:s30], [sflag:$0x2], $0x80, v38, vm1, $0xb8;
	[tilespmem:$0x18400] =	vst v63  }
0x14b: {  	s29 =	simm.s32 $0xB800  }
0x14c: {  	[hbm4b:s4+s3] =	stream.indirect_vreg.scatter [tilespmem:s29], [sflag:$0x2], $0x80, v37, vm0, $0xb8;
	[tilespmem:$0x18400] =	vst v63  }
0x14d: {  	s0 =	simm.s32 $0xC000  }
0x14e: {  	[hbm4b:s5+s3] =	stream.indirect_vreg.scatter [tilespmem:s0], [sflag:$0x2], $0x80, v37, vm1, $0xb8;
	[tilespmem:$0x18400] =	vst v63  }
0x14f: {  	v37 =	vld [tilespmem:$0x280];
	_ =	sdelay $0x4  }
0x150: {  	v59 =	vshrl.u32 v37, $0x3  }
0x151: {  	v38 =	vmul.u32 $0x18, v59  }
0x152: {  	v37 =	vand.u32 $0x7, v37  }
0x153: {  	v37 =	vor.u32 v37, v38  }
0x154: {  	v38 =	vperm.xlane v37, v28;
	_ =	sdelay $0x1  }
0x155: {  	v38 =	vadd.s32 v29, v38;
	_ =	sdelay $0x1  }
0x156: {  	v37 =	vperm.xlane v37, v30;
	_ =	sdelay $0x1  }
0x157: {  	s30 =	simm.s32 $0xC400;
	v37 =	vadd.s32 v29, v37  }
0x158: {  	[tilespmem:s30], [sflag:$0x1] =	stream.indirect_vreg.gather [hbm4b:s2+s3], $0x80, v38, vm0, $0xb8;
	[tilespmem:$0x18400] =	vst v63  }
0x159: {  	s31 =	simm.s32 $0xCC00  }
0x15a: {  	[tilespmem:s31], [sflag:$0x1] =	stream.indirect_vreg.gather [hbm4b:s7+s3], $0x80, v38, vm1, $0xb8;
	[tilespmem:$0x18400] =	vst v63  }
0x15b: {  	s1 =	simm.s32 $0xD000  }
0x15c: {  	[tilespmem:s1], [sflag:$0x1] =	stream.indirect_vreg.gather [hbm4b:s2+s3], $0x80, v37, vm0, $0xb8;
	[tilespmem:$0x18400] =	vst v63  }
0x15d: {  	s8 =	simm.s32 $0xD800  }
0x15e: {  	[tilespmem:s8], [sflag:$0x1] =	stream.indirect_vreg.gather [hbm4b:s7+s3], $0x80, v37, vm1, $0xb8;
	[tilespmem:$0x18400] =	vst v63  }
0x15f: {  	v37 =	vld [tilespmem:$0x290];
	_ =	sdelay $0x4  }
0x160: {  	v60 =	vshrl.u32 v37, $0x3  }
0x161: {  	v38 =	vmul.u32 $0x18, v60  }
0x162: {  	v37 =	vand.u32 $0x7, v37  }
0x163: {  	v37 =	vor.u32 v37, v38  }
0x164: {  	v38 =	vperm.xlane v37, v28;
	_ =	sdelay $0x1  }
0x165: {  	v38 =	vadd.s32 v29, v38;
	_ =	sdelay $0x1  }
0x166: {  	v37 =	vperm.xlane v37, v30;
	_ =	sdelay $0x1  }
0x167: {  	s9 =	simm.s32 $0xDC00;
	v37 =	vadd.s32 v29, v37  }
0x168: {  	[tilespmem:s9], [sflag:$0x1] =	stream.indirect_vreg.gather [hbm4b:s2+s3], $0x80, v38, vm0, $0xb8;
	[tilespmem:$0x18400] =	vst v63  }
0x169: {  	s10 =	simm.s32 $0xE400  }
0x16a: {  	[tilespmem:s10], [sflag:$0x1] =	stream.indirect_vreg.gather [hbm4b:s7+s3], $0x80, v38, vm1, $0xb8;
	[tilespmem:$0x18400] =	vst v63  }
0x16b: {  	s11 =	simm.s32 $0xE800  }
0x16c: {  	[tilespmem:s11], [sflag:$0x1] =	stream.indirect_vreg.gather [hbm4b:s2+s3], $0x80, v37, vm0, $0xb8;
	[tilespmem:$0x18400] =	vst v63  }
0x16d: {  	s12 =	simm.s32 $0xF000  }
0x16e: {  	[tilespmem:s12], [sflag:$0x1] =	stream.indirect_vreg.gather [hbm4b:s7+s3], $0x80, v37, vm1, $0xb8;
	[tilespmem:$0x18400] =	vst v63  }
0x16f: {  	v37 =	vld [tilespmem:$0x2A0];
	_ =	sdelay $0x4  }
0x170: {  	v61 =	vshrl.u32 v37, $0x3  }
0x171: {  	v38 =	vmul.u32 $0x18, v61  }
0x172: {  	v37 =	vand.u32 $0x7, v37  }
0x173: {  	v37 =	vor.u32 v37, v38  }
0x174: {  	v38 =	vperm.xlane v37, v28;
	_ =	sdelay $0x1  }
0x175: {  	v38 =	vadd.s32 v29, v38;
	_ =	sdelay $0x1  }
0x176: {  	v37 =	vperm.xlane v37, v30;
	_ =	sdelay $0x1  }
0x177: {  	s13 =	simm.s32 $0xF400;
	v37 =	vadd.s32 v29, v37  }
0x178: {  	[tilespmem:s13], [sflag:$0x1] =	stream.indirect_vreg.gather [hbm4b:s2+s3], $0x80, v38, vm0, $0xb8;
	[tilespmem:$0x18400] =	vst v63  }
0x179: {  	s14 =	simm.s32 $0xFC00  }
0x17a: {  	[tilespmem:s14], [sflag:$0x1] =	stream.indirect_vreg.gather [hbm4b:s7+s3], $0x80, v38, vm1, $0xb8;
	[tilespmem:$0x18400] =	vst v63  }
0x17b: {  	s15 =	simm.s32 $0x10000  }
0x17c: {  	[tilespmem:s15], [sflag:$0x1] =	stream.indirect_vreg.gather [hbm4b:s2+s3], $0x80, v37, vm0, $0xb8;
	[tilespmem:$0x18400] =	vst v63  }
0x17d: {  	s17 =	simm.s32 $0x10800  }
0x17e: {  	[tilespmem:s17], [sflag:$0x1] =	stream.indirect_vreg.gather [hbm4b:s7+s3], $0x80, v37, vm1, $0xb8;
	[tilespmem:$0x18400] =	vst v63  }
0x17f: {  	v37 =	vld [tilespmem:$0x2B0];
	_ =	sdelay $0x4  }
0x180: {  	v62 =	vshrl.u32 v37, $0x3  }
0x181: {  	v38 =	vmul.u32 $0x18, v62  }
0x182: {  	v37 =	vand.u32 $0x7, v37  }
0x183: {  	v37 =	vor.u32 v37, v38  }
0x184: {  	v38 =	vperm.xlane v37, v28;
	_ =	sdelay $0x1  }
0x185: {  	v38 =	vadd.s32 v29, v38;
	_ =	sdelay $0x1  }
0x186: {  	v37 =	vperm.xlane v37, v30;
	_ =	sdelay $0x1  }
0x187: {  	s18 =	simm.s32 $0x10C00;
	v37 =	vadd.s32 v29, v37  }
0x188: {  	[tilespmem:s18], [sflag:$0x1] =	stream.indirect_vreg.gather [hbm4b:s2+s3], $0x80, v38, vm0, $0xb8;
	[tilespmem:$0x18400] =	vst v63  }
0x189: {  	s19 =	simm.s32 $0x11400  }
0x18a: {  	[tilespmem:s19], [sflag:$0x1] =	stream.indirect_vreg.gather [hbm4b:s7+s3], $0x80, v38, vm1, $0xb8;
	[tilespmem:$0x18400] =	vst v63  }
0x18b: {  	s20 =	simm.s32 $0x11800  }
0x18c: {  	[tilespmem:s20], [sflag:$0x1] =	stream.indirect_vreg.gather [hbm4b:s2+s3], $0x80, v37, vm0, $0xb8;
	[tilespmem:$0x18400] =	vst v63  }
0x18d: {  	s21 =	simm.s32 $0x12000  }
0x18e: {  	[tilespmem:s21], [sflag:$0x1] =	stream.indirect_vreg.gather [hbm4b:s7+s3], $0x80, v37, vm1, $0xb8;
	[tilespmem:$0x18400] =	vst v63  }
0x18f: {  	v37 =	vld [tilespmem:$0x2C0];
	_ =	sdelay $0x4  }
0x190: {  	v63 =	vshrl.u32 v37, $0x3  }
0x191: {  	v38 =	vmul.u32 $0x18, v63  }
0x192: {  	v37 =	vand.u32 $0x7, v37  }
0x193: {  	v37 =	vor.u32 v37, v38  }
0x194: {  	v38 =	vperm.xlane v37, v28;
	_ =	sdelay $0x1  }
0x195: {  	v38 =	vadd.s32 v29, v38;
	_ =	sdelay $0x1  }
0x196: {  	v37 =	vperm.xlane v37, v30;
	_ =	sdelay $0x1  }
0x197: {  	s22 =	simm.s32 $0x12400;
	v37 =	vadd.s32 v29, v37  }
0x198: {  	[tilespmem:s22], [sflag:$0x1] =	stream.indirect_vreg.gather [hbm4b:s2+s3], $0x80, v38, vm0, $0xb8;
	[tilespmem:$0x18400] =	vst v63  }
0x199: {  	s23 =	simm.s32 $0x12C00  }
0x19a: {  	[tilespmem:s23], [sflag:$0x1] =	stream.indirect_vreg.gather [hbm4b:s7+s3], $0x80, v38, vm1, $0xb8;
	[tilespmem:$0x18400] =	vst v63  }
0x19b: {  	s24 =	simm.s32 $0x13000  }
0x19c: {  	[tilespmem:s24], [sflag:$0x1] =	stream.indirect_vreg.gather [hbm4b:s2+s3], $0x80, v37, vm0, $0xb8;
	[tilespmem:$0x18400] =	vst v63  }
0x19d: {  	s25 =	simm.s32 $0x13800  }
0x19e: {  	[tilespmem:s25], [sflag:$0x1] =	stream.indirect_vreg.gather [hbm4b:s7+s3], $0x80, v37, vm1, $0xb8;
	[tilespmem:$0x18400] =	vst v63  }
0x19f: {  	v37 =	vld [tilespmem:$0x2D0];
	_ =	sdelay $0x4  }
0x1a0: {  	v40 =	vshrl.u32 v37, $0x3  }
0x1a1: {  	v38 =	vmul.u32 $0x18, v40  }
0x1a2: {  	v37 =	vand.u32 $0x7, v37  }
0x1a3: {  	v37 =	vor.u32 v37, v38  }
0x1a4: {  	v38 =	vperm.xlane v37, v28;
	_ =	sdelay $0x1  }
0x1a5: {  	v38 =	vadd.s32 v29, v38;
	_ =	sdelay $0x1  }
0x1a6: {  	v37 =	vperm.xlane v37, v30;
	_ =	sdelay $0x1  }
0x1a7: {  	s26 =	simm.s32 $0x13C00;
	v37 =	vadd.s32 v29, v37  }
0x1a8: {  	[tilespmem:s26], [sflag:$0x1] =	stream.indirect_vreg.gather [hbm4b:s2+s3], $0x80, v38, vm0, $0xb8;
	[tilespmem:$0x18400] =	vst v63  }
0x1a9: {  	s28 =	simm.s32 $0x14400  }
0x1aa: {  	[tilespmem:s28], [sflag:$0x1] =	stream.indirect_vreg.gather [hbm4b:s7+s3], $0x80, v38, vm1, $0xb8;
	[tilespmem:$0x18400] =	vst v63  }
0x1ab: {  	s30 =	simm.s32 $0x14800  }
0x1ac: {  	[tilespmem:s30], [sflag:$0x1] =	stream.indirect_vreg.gather [hbm4b:s2+s3], $0x80, v37, vm0, $0xb8;
	[tilespmem:$0x18400] =	vst v63  }
0x1ad: {  	s1 =	simm.s32 $0x15000  }
0x1ae: {  	[tilespmem:s1], [sflag:$0x1] =	stream.indirect_vreg.gather [hbm4b:s7+s3], $0x80, v37, vm1, $0xb8;
	[tilespmem:$0x18400] =	vst v63  }
0x1af: {  	v37 =	vld [tilespmem:$0x2E0];
	_ =	sdelay $0x4  }
0x1b0: {  	v41 =	vshrl.u32 v37, $0x3  }
0x1b1: {  	v38 =	vmul.u32 $0x18, v41  }
0x1b2: {  	v37 =	vand.u32 $0x7, v37  }
0x1b3: {  	v37 =	vor.u32 v37, v38  }
0x1b4: {  	v38 =	vperm.xlane v37, v28;
	_ =	sdelay $0x1  }
0x1b5: {  	v38 =	vadd.s32 v29, v38;
	_ =	sdelay $0x1  }
0x1b6: {  	v37 =	vperm.xlane v37, v30;
	_ =	sdelay $0x1  }
0x1b7: {  	s8 =	simm.s32 $0x15400;
	v37 =	vadd.s32 v29, v37  }
0x1b8: {  	[tilespmem:s8], [sflag:$0x1] =	stream.indirect_vreg.gather [hbm4b:s2+s3], $0x80, v38, vm0, $0xb8;
	[tilespmem:$0x18400] =	vst v63  }
0x1b9: {  	s14 =	simm.s32 $0x15C00  }
0x1ba: {  	[tilespmem:s14], [sflag:$0x1] =	stream.indirect_vreg.gather [hbm4b:s7+s3], $0x80, v38, vm1, $0xb8;
	[tilespmem:$0x18400] =	vst v63  }
0x1bb: {  	s15 =	simm.s32 $0x16000  }
0x1bc: {  	[tilespmem:s15], [sflag:$0x1] =	stream.indirect_vreg.gather [hbm4b:s2+s3], $0x80, v37, vm0, $0xb8;
	[tilespmem:$0x18400] =	vst v63  }
0x1bd: {  	s28 =	simm.s32 $0x16800  }
0x1be: {  	[tilespmem:s28], [sflag:$0x1] =	stream.indirect_vreg.gather [hbm4b:s7+s3], $0x80, v37, vm1, $0xb8;
	[tilespmem:$0x18400] =	vst v63  }
0x1bf: {  	v37 =	vld [tilespmem:$0x2F0];
	_ =	sdelay $0x4  }
0x1c0: {  	v42 =	vshrl.u32 v37, $0x3  }
0x1c1: {  	v38 =	vmul.u32 $0x18, v42  }
0x1c2: {  	v37 =	vand.u32 $0x7, v37  }
0x1c3: {  	v37 =	vor.u32 v37, v38  }
0x1c4: {  	v38 =	vperm.xlane v37, v28;
	_ =	sdelay $0x1  }
0x1c5: {  	v38 =	vadd.s32 v29, v38;
	_ =	sdelay $0x1  }
0x1c6: {  	v37 =	vperm.xlane v37, v30;
	_ =	sdelay $0x1  }
0x1c7: {  	s1 =	simm.s32 $0x16C00;
	v37 =	vadd.s32 v29, v37  }
0x1c8: {  	[tilespmem:s1], [sflag:$0x1] =	stream.indirect_vreg.gather [hbm4b:s2+s3], $0x80, v38, vm0, $0xb8;
	[tilespmem:$0x18400] =	vst v63  }
0x1c9: {  	s8 =	simm.s32 $0x17400  }
0x1ca: {  	[tilespmem:s8], [sflag:$0x1] =	stream.indirect_vreg.gather [hbm4b:s7+s3], $0x80, v38, vm1, $0xb8;
	[tilespmem:$0x18400] =	vst v63  }
0x1cb: {  	s15 =	simm.s32 $0x17800  }
0x1cc: {  	[tilespmem:s15], [sflag:$0x1] =	stream.indirect_vreg.gather [hbm4b:s2+s3], $0x80, v37, vm0, $0xb8;
	[tilespmem:$0x18400] =	vst v63  }
0x1cd: {  	s0 =	simm.s32 $0x18000;
	s15 =	simm.s32 $0x1  }
0x1ce: {  	[tilespmem:s0], [sflag:$0x1] =	stream.indirect_vreg.gather [hbm4b:s7+s3], $0x80, v37, vm1, $0xb8;
	[tilespmem:$0x18400] =	vst v63  }
0x1cf: {  	_ =	swait.ge [sflag:s15], $0xC000  }
0x1d0: {  	[sflag:s15] =	ssyncset.done $0x0  }
0x1d1: {  	[sflag:s15] =	ssyncadd.s32 $0xFFFF4000  }
0x1d2: {  	v43 =	vld [tilespmem:$0x80];
	_ =	sdelay $0x4  }
0x1d3: {  	v44 =	vshrl.u32 v43, $0x3  }
0x1d4: {  	v38 =	vmul.u32 $0x18, v44  }
0x1d5: {  	v37 =	vand.u32 $0x7, v43  }
0x1d6: {  	v37 =	vor.u32 v37, v38  }
0x1d7: {  	v38 =	vperm.xlane v37, v28;
	_ =	sdelay $0x1  }
0x1d8: {  	v38 =	vadd.s32 v29, v38;
	_ =	sdelay $0x1  }
0x1d9: {  	v37 =	vperm.xlane v37, v30;
	_ =	sdelay $0x1  }
0x1da: {  	s29 =	simm.s32 $0xC400;
	v37 =	vadd.s32 v29, v37  }
0x1db: {  	[hbm4b:s4+s3] =	stream.indirect_vreg.scatter [tilespmem:s29], [sflag:$0x2], $0x80, v38, vm0, $0xb8;
	[tilespmem:$0x18400] =	vst v63  }
0x1dc: {  	s29 =	simm.s32 $0xCC00  }
0x1dd: {  	[hbm4b:s5+s3] =	stream.indirect_vreg.scatter [tilespmem:s29], [sflag:$0x2], $0x80, v38, vm1, $0xb8;
	[tilespmem:$0x18400] =	vst v63  }
0x1de: {  	s31 =	simm.s32 $0xD000  }
0x1df: {  	[hbm4b:s4+s3] =	stream.indirect_vreg.scatter [tilespmem:s31], [sflag:$0x2], $0x80, v37, vm0, $0xb8;
	[tilespmem:$0x18400] =	vst v63  }
0x1e0: {  	s16 =	simm.s32 $0xD800  }
0x1e1: {  	[hbm4b:s5+s3] =	stream.indirect_vreg.scatter [tilespmem:s16], [sflag:$0x2], $0x80, v37, vm1, $0xb8;
	[tilespmem:$0x18400] =	vst v63  }
0x1e2: {  	v37 =	vld [tilespmem:$0x90];
	_ =	sdelay $0x4  }
0x1e3: {  	v45 =	vshrl.u32 v37, $0x3  }
0x1e4: {  	v38 =	vmul.u32 $0x18, v45  }
0x1e5: {  	v37 =	vand.u32 $0x7, v37  }
0x1e6: {  	v37 =	vor.u32 v37, v38  }
0x1e7: {  	v38 =	vperm.xlane v37, v28;
	_ =	sdelay $0x1  }
0x1e8: {  	v38 =	vadd.s32 v29, v38;
	_ =	sdelay $0x1  }
0x1e9: {  	v37 =	vperm.xlane v37, v30;
	_ =	sdelay $0x1  }
0x1ea: {  	s16 =	simm.s32 $0xDC00;
	v37 =	vadd.s32 v29, v37  }
0x1eb: {  	[hbm4b:s4+s3] =	stream.indirect_vreg.scatter [tilespmem:s16], [sflag:$0x2], $0x80, v38, vm0, $0xb8;
	[tilespmem:$0x18400] =	vst v63  }
0x1ec: {  	s29 =	simm.s32 $0xE400  }
0x1ed: {  	[hbm4b:s5+s3] =	stream.indirect_vreg.scatter [tilespmem:s29], [sflag:$0x2], $0x80, v38, vm1, $0xb8;
	[tilespmem:$0x18400] =	vst v63  }
0x1ee: {  	s31 =	simm.s32 $0xE800  }
0x1ef: {  	[hbm4b:s4+s3] =	stream.indirect_vreg.scatter [tilespmem:s31], [sflag:$0x2], $0x80, v37, vm0, $0xb8;
	[tilespmem:$0x18400] =	vst v63  }
0x1f0: {  	s9 =	simm.s32 $0xF000  }
0x1f1: {  	[hbm4b:s5+s3] =	stream.indirect_vreg.scatter [tilespmem:s9], [sflag:$0x2], $0x80, v37, vm1, $0xb8;
	[tilespmem:$0x18400] =	vst v63  }
0x1f2: {  	v37 =	vld [tilespmem:$0xA0];
	_ =	sdelay $0x4  }
0x1f3: {  	v46 =	vshrl.u32 v37, $0x3  }
0x1f4: {  	v38 =	vmul.u32 $0x18, v46  }
0x1f5: {  	v37 =	vand.u32 $0x7, v37  }
0x1f6: {  	v37 =	vor.u32 v37, v38  }
0x1f7: {  	v38 =	vperm.xlane v37, v28;
	_ =	sdelay $0x1  }
0x1f8: {  	v38 =	vadd.s32 v29, v38;
	_ =	sdelay $0x1  }
0x1f9: {  	v37 =	vperm.xlane v37, v30;
	_ =	sdelay $0x1  }
0x1fa: {  	s16 =	simm.s32 $0xF400;
	v37 =	vadd.s32 v29, v37  }
0x1fb: {  	[hbm4b:s4+s3] =	stream.indirect_vreg.scatter [tilespmem:s16], [sflag:$0x2], $0x80, v38, vm0, $0xb8;
	[tilespmem:$0x18400] =	vst v63  }
0x1fc: {  	s29 =	simm.s32 $0xFC00  }
0x1fd: {  	[hbm4b:s5+s3] =	stream.indirect_vreg.scatter [tilespmem:s29], [sflag:$0x2], $0x80, v38, vm1, $0xb8;
	[tilespmem:$0x18400] =	vst v63  }
0x1fe: {  	s31 =	simm.s32 $0x10000  }
0x1ff: {  	[hbm4b:s4+s3] =	stream.indirect_vreg.scatter [tilespmem:s31], [sflag:$0x2], $0x80, v37, vm0, $0xb8;
	[tilespmem:$0x18400] =	vst v63  }
0x200: {  	s10 =	simm.s32 $0x10800  }
0x201: {  	[hbm4b:s5+s3] =	stream.indirect_vreg.scatter [tilespmem:s10], [sflag:$0x2], $0x80, v37, vm1, $0xb8;
	[tilespmem:$0x18400] =	vst v63  }
0x202: {  	v37 =	vld [tilespmem:$0xB0];
	_ =	sdelay $0x4  }
0x203: {  	v47 =	vshrl.u32 v37, $0x3  }
0x204: {  	v38 =	vmul.u32 $0x18, v47  }
0x205: {  	v37 =	vand.u32 $0x7, v37  }
0x206: {  	v37 =	vor.u32 v37, v38  }
0x207: {  	v38 =	vperm.xlane v37, v28;
	_ =	sdelay $0x1  }
0x208: {  	v38 =	vadd.s32 v29, v38;
	_ =	sdelay $0x1  }
0x209: {  	v37 =	vperm.xlane v37, v30;
	_ =	sdelay $0x1  }
0x20a: {  	s10 =	simm.s32 $0x10C00;
	v37 =	vadd.s32 v29, v37  }
0x20b: {  	[hbm4b:s4+s3] =	stream.indirect_vreg.scatter [tilespmem:s10], [sflag:$0x2], $0x80, v38, vm0, $0xb8;
	[tilespmem:$0x18400] =	vst v63  }
0x20c: {  	s19 =	simm.s32 $0x11400  }
0x20d: {  	[hbm4b:s5+s3] =	stream.indirect_vreg.scatter [tilespmem:s19], [sflag:$0x2], $0x80, v38, vm1, $0xb8;
	[tilespmem:$0x18400] =	vst v63  }
0x20e: {  	s18 =	simm.s32 $0x11800  }
0x20f: {  	[hbm4b:s4+s3] =	stream.indirect_vreg.scatter [tilespmem:s18], [sflag:$0x2], $0x80, v37, vm0, $0xb8;
	[tilespmem:$0x18400] =	vst v63  }
0x210: {  	s11 =	simm.s32 $0x12000  }
0x211: {  	[hbm4b:s5+s3] =	stream.indirect_vreg.scatter [tilespmem:s11], [sflag:$0x2], $0x80, v37, vm1, $0xb8;
	[tilespmem:$0x18400] =	vst v63  }
0x212: {  	v37 =	vld [tilespmem:$0xC0];
	_ =	sdelay $0x4  }
0x213: {  	v48 =	vshrl.u32 v37, $0x3  }
0x214: {  	v38 =	vmul.u32 $0x18, v48  }
0x215: {  	v37 =	vand.u32 $0x7, v37  }
0x216: {  	v37 =	vor.u32 v37, v38  }
0x217: {  	v38 =	vperm.xlane v37, v28;
	_ =	sdelay $0x1  }
0x218: {  	v38 =	vadd.s32 v29, v38;
	_ =	sdelay $0x1  }
0x219: {  	v37 =	vperm.xlane v37, v30;
	_ =	sdelay $0x1  }
0x21a: {  	s20 =	simm.s32 $0x12400;
	v37 =	vadd.s32 v29, v37  }
0x21b: {  	[hbm4b:s4+s3] =	stream.indirect_vreg.scatter [tilespmem:s20], [sflag:$0x2], $0x80, v38, vm0, $0xb8;
	[tilespmem:$0x18400] =	vst v63  }
0x21c: {  	s22 =	simm.s32 $0x12C00  }
0x21d: {  	[hbm4b:s5+s3] =	stream.indirect_vreg.scatter [tilespmem:s22], [sflag:$0x2], $0x80, v38, vm1, $0xb8;
	[tilespmem:$0x18400] =	vst v63  }
0x21e: {  	s21 =	simm.s32 $0x13000  }
0x21f: {  	[hbm4b:s4+s3] =	stream.indirect_vreg.scatter [tilespmem:s21], [sflag:$0x2], $0x80, v37, vm0, $0xb8;
	[tilespmem:$0x18400] =	vst v63  }
0x220: {  	s12 =	simm.s32 $0x13800  }
0x221: {  	[hbm4b:s5+s3] =	stream.indirect_vreg.scatter [tilespmem:s12], [sflag:$0x2], $0x80, v37, vm1, $0xb8;
	[tilespmem:$0x18400] =	vst v63  }
0x222: {  	v37 =	vld [tilespmem:$0xD0];
	_ =	sdelay $0x4  }
0x223: {  	v49 =	vshrl.u32 v37, $0x3  }
0x224: {  	v38 =	vmul.u32 $0x18, v49  }
0x225: {  	v37 =	vand.u32 $0x7, v37  }
0x226: {  	v37 =	vor.u32 v37, v38  }
0x227: {  	v38 =	vperm.xlane v37, v28;
	_ =	sdelay $0x1  }
0x228: {  	v38 =	vadd.s32 v29, v38;
	_ =	sdelay $0x1  }
0x229: {  	v37 =	vperm.xlane v37, v30;
	_ =	sdelay $0x1  }
0x22a: {  	s23 =	simm.s32 $0x13C00;
	v37 =	vadd.s32 v29, v37  }
0x22b: {  	[hbm4b:s4+s3] =	stream.indirect_vreg.scatter [tilespmem:s23], [sflag:$0x2], $0x80, v38, vm0, $0xb8;
	[tilespmem:$0x18400] =	vst v63  }
0x22c: {  	s25 =	simm.s32 $0x14400  }
0x22d: {  	[hbm4b:s5+s3] =	stream.indirect_vreg.scatter [tilespmem:s25], [sflag:$0x2], $0x80, v38, vm1, $0xb8;
	[tilespmem:$0x18400] =	vst v63  }
0x22e: {  	s24 =	simm.s32 $0x14800  }
0x22f: {  	[hbm4b:s4+s3] =	stream.indirect_vreg.scatter [tilespmem:s24], [sflag:$0x2], $0x80, v37, vm0, $0xb8;
	[tilespmem:$0x18400] =	vst v63  }
0x230: {  	s13 =	simm.s32 $0x15000  }
0x231: {  	[hbm4b:s5+s3] =	stream.indirect_vreg.scatter [tilespmem:s13], [sflag:$0x2], $0x80, v37, vm1, $0xb8;
	[tilespmem:$0x18400] =	vst v63  }
0x232: {  	v37 =	vld [tilespmem:$0xE0];
	_ =	sdelay $0x4  }
0x233: {  	v50 =	vshrl.u32 v37, $0x3  }
0x234: {  	v38 =	vmul.u32 $0x18, v50  }
0x235: {  	v37 =	vand.u32 $0x7, v37  }
0x236: {  	v37 =	vor.u32 v37, v38  }
0x237: {  	v38 =	vperm.xlane v37, v28;
	_ =	sdelay $0x1  }
0x238: {  	v38 =	vadd.s32 v29, v38;
	_ =	sdelay $0x1  }
0x239: {  	v37 =	vperm.xlane v37, v30;
	_ =	sdelay $0x1  }
0x23a: {  	s26 =	simm.s32 $0x15400;
	v37 =	vadd.s32 v29, v37  }
0x23b: {  	[hbm4b:s4+s3] =	stream.indirect_vreg.scatter [tilespmem:s26], [sflag:$0x2], $0x80, v38, vm0, $0xb8;
	[tilespmem:$0x18400] =	vst v63  }
0x23c: {  	s17 =	simm.s32 $0x15C00  }
0x23d: {  	[hbm4b:s5+s3] =	stream.indirect_vreg.scatter [tilespmem:s17], [sflag:$0x2], $0x80, v38, vm1, $0xb8;
	[tilespmem:$0x18400] =	vst v63  }
0x23e: {  	s30 =	simm.s32 $0x16000  }
0x23f: {  	[hbm4b:s4+s3] =	stream.indirect_vreg.scatter [tilespmem:s30], [sflag:$0x2], $0x80, v37, vm0, $0xb8;
	[tilespmem:$0x18400] =	vst v63  }
0x240: {  	s14 =	simm.s32 $0x16800  }
0x241: {  	[hbm4b:s5+s3] =	stream.indirect_vreg.scatter [tilespmem:s14], [sflag:$0x2], $0x80, v37, vm1, $0xb8;
	[tilespmem:$0x18400] =	vst v63  }
0x242: {  	v37 =	vld [tilespmem:$0xF0];
	_ =	sdelay $0x4  }
0x243: {  	v51 =	vshrl.u32 v37, $0x3  }
0x244: {  	v38 =	vmul.u32 $0x18, v51  }
0x245: {  	v37 =	vand.u32 $0x7, v37  }
0x246: {  	v37 =	vor.u32 v37, v38  }
0x247: {  	v38 =	vperm.xlane v37, v28;
	_ =	sdelay $0x1  }
0x248: {  	v38 =	vadd.s32 v29, v38;
	_ =	sdelay $0x1  }
0x249: {  	v37 =	vperm.xlane v37, v30;
	_ =	sdelay $0x1  }
0x24a: {  	s28 =	simm.s32 $0x16C00;
	v37 =	vadd.s32 v29, v37  }
0x24b: {  	[hbm4b:s4+s3] =	stream.indirect_vreg.scatter [tilespmem:s28], [sflag:$0x2], $0x80, v38, vm0, $0xb8;
	[tilespmem:$0x18400] =	vst v63  }
0x24c: {  	s8 =	simm.s32 $0x17400  }
0x24d: {  	[hbm4b:s5+s3] =	stream.indirect_vreg.scatter [tilespmem:s8], [sflag:$0x2], $0x80, v38, vm1, $0xb8;
	[tilespmem:$0x18400] =	vst v63  }
0x24e: {  	s1 =	simm.s32 $0x17800  }
0x24f: {  	[hbm4b:s4+s3] =	stream.indirect_vreg.scatter [tilespmem:s1], [sflag:$0x2], $0x80, v37, vm0, $0xb8;
	[tilespmem:$0x18400] =	vst v63  }
0x250: {  	s0 =	simm.s32 $0x18000;
	s17 =	simm.s32 $0x2  }
0x251: {  	[hbm4b:s5+s3] =	stream.indirect_vreg.scatter [tilespmem:s0], [sflag:$0x2], $0x80, v37, vm1, $0xb8;
	[tilespmem:$0x18400] =	vst v63  }
0x252: {  	_ =	swait.ge [sflag:s17], $0xC000  }
0x253: {  	[sflag:s17] =	ssyncset.done $0x0  }
0x254: {  	[sflag:s17] =	ssyncadd.s32 $0xFFFF4000  }
0x255: {  	v52 =	vld [tilespmem:$0x300];
	_ =	sdelay $0x4  }
0x256: {  	v53 =	vshrl.u32 v52, $0x3  }
0x257: {  	v38 =	vmul.u32 $0x18, v53  }
0x258: {  	v37 =	vand.u32 $0x7, v52  }
0x259: {  	v37 =	vor.u32 v37, v38  }
0x25a: {  	v38 =	vperm.xlane v37, v28;
	_ =	sdelay $0x1  }
0x25b: {  	v38 =	vadd.s32 v29, v38;
	_ =	sdelay $0x1  }
0x25c: {  	v37 =	vperm.xlane v37, v30;
	_ =	sdelay $0x1  }
0x25d: {  	s12 =	simm.s32 $0x400;
	v37 =	vadd.s32 v29, v37  }
0x25e: {  	[tilespmem:s12], [sflag:$0x1] =	stream.indirect_vreg.gather [hbm4b:s2+s3], $0x80, v38, vm0, $0xb8;
	[tilespmem:$0x18400] =	vst v63  }
0x25f: {  	s15 =	simm.s32 $0xC00  }
0x260: {  	[tilespmem:s15], [sflag:$0x1] =	stream.indirect_vreg.gather [hbm4b:s7+s3], $0x80, v38, vm1, $0xb8;
	[tilespmem:$0x18400] =	vst v63  }
0x261: {  	s16 =	simm.s32 $0x1000  }
0x262: {  	[tilespmem:s16], [sflag:$0x1] =	stream.indirect_vreg.gather [hbm4b:s2+s3], $0x80, v37, vm0, $0xb8;
	[tilespmem:$0x18400] =	vst v63  }
0x263: {  	s8 =	simm.s32 $0x1800  }
0x264: {  	[tilespmem:s8], [sflag:$0x1] =	stream.indirect_vreg.gather [hbm4b:s7+s3], $0x80, v37, vm1, $0xb8;
	[tilespmem:$0x18400] =	vst v63  }
0x265: {  	v37 =	vld [tilespmem:$0x310];
	_ =	sdelay $0x4  }
0x266: {  	v54 =	vshrl.u32 v37, $0x3  }
0x267: {  	v38 =	vmul.u32 $0x18, v54  }
0x268: {  	v37 =	vand.u32 $0x7, v37  }
0x269: {  	v37 =	vor.u32 v37, v38  }
0x26a: {  	v38 =	vperm.xlane v37, v28;
	_ =	sdelay $0x1  }
0x26b: {  	v38 =	vadd.s32 v29, v38;
	_ =	sdelay $0x1  }
0x26c: {  	v37 =	vperm.xlane v37, v30;
	_ =	sdelay $0x1  }
0x26d: {  	s18 =	simm.s32 $0x1C00;
	v37 =	vadd.s32 v29, v37  }
0x26e: {  	[tilespmem:s18], [sflag:$0x1] =	stream.indirect_vreg.gather [hbm4b:s2+s3], $0x80, v38, vm0, $0xb8;
	[tilespmem:$0x18400] =	vst v63  }
0x26f: {  	s19 =	simm.s32 $0x2400  }
0x270: {  	[tilespmem:s19], [sflag:$0x1] =	stream.indirect_vreg.gather [hbm4b:s7+s3], $0x80, v38, vm1, $0xb8;
	[tilespmem:$0x18400] =	vst v63  }
0x271: {  	s20 =	simm.s32 $0x2800  }
0x272: {  	[tilespmem:s20], [sflag:$0x1] =	stream.indirect_vreg.gather [hbm4b:s2+s3], $0x80, v37, vm0, $0xb8;
	[tilespmem:$0x18400] =	vst v63  }
0x273: {  	s14 =	simm.s32 $0x3000  }
0x274: {  	[tilespmem:s14], [sflag:$0x1] =	stream.indirect_vreg.gather [hbm4b:s7+s3], $0x80, v37, vm1, $0xb8;
	[tilespmem:$0x18400] =	vst v63  }
0x275: {  	v37 =	vld [tilespmem:$0x320];
	_ =	sdelay $0x4  }
0x276: {  	v55 =	vshrl.u32 v37, $0x3  }
0x277: {  	v38 =	vmul.u32 $0x18, v55  }
0x278: {  	v37 =	vand.u32 $0x7, v37  }
0x279: {  	v37 =	vor.u32 v37, v38  }
0x27a: {  	v38 =	vperm.xlane v37, v28;
	_ =	sdelay $0x1  }
0x27b: {  	v38 =	vadd.s32 v29, v38;
	_ =	sdelay $0x1  }
0x27c: {  	v37 =	vperm.xlane v37, v30;
	_ =	sdelay $0x1  }
0x27d: {  	s21 =	simm.s32 $0x3400;
	v37 =	vadd.s32 v29, v37  }
0x27e: {  	[tilespmem:s21], [sflag:$0x1] =	stream.indirect_vreg.gather [hbm4b:s2+s3], $0x80, v38, vm0, $0xb8;
	[tilespmem:$0x18400] =	vst v63  }
0x27f: {  	s22 =	simm.s32 $0x3C00  }
0x280: {  	[tilespmem:s22], [sflag:$0x1] =	stream.indirect_vreg.gather [hbm4b:s7+s3], $0x80, v38, vm1, $0xb8;
	[tilespmem:$0x18400] =	vst v63  }
0x281: {  	s23 =	simm.s32 $0x4000  }
0x282: {  	[tilespmem:s23], [sflag:$0x1] =	stream.indirect_vreg.gather [hbm4b:s2+s3], $0x80, v37, vm0, $0xb8;
	[tilespmem:$0x18400] =	vst v63  }
0x283: {  	s0 =	simm.s32 $0x4800  }
0x284: {  	[tilespmem:s0], [sflag:$0x1] =	stream.indirect_vreg.gather [hbm4b:s7+s3], $0x80, v37, vm1, $0xb8;
	[tilespmem:$0x18400] =	vst v63  }
0x285: {  	v37 =	vld [tilespmem:$0x330];
	_ =	sdelay $0x4  }
0x286: {  	v56 =	vshrl.u32 v37, $0x3  }
0x287: {  	v38 =	vmul.u32 $0x18, v56  }
0x288: {  	v37 =	vand.u32 $0x7, v37  }
0x289: {  	v37 =	vor.u32 v37, v38  }
0x28a: {  	v38 =	vperm.xlane v37, v28;
	_ =	sdelay $0x1  }
0x28b: {  	v38 =	vadd.s32 v29, v38;
	_ =	sdelay $0x1  }
0x28c: {  	v37 =	vperm.xlane v37, v30;
	_ =	sdelay $0x1  }
0x28d: {  	s24 =	simm.s32 $0x4C00;
	v37 =	vadd.s32 v29, v37  }
0x28e: {  	[tilespmem:s24], [sflag:$0x1] =	stream.indirect_vreg.gather [hbm4b:s2+s3], $0x80, v38, vm0, $0xb8;
	[tilespmem:$0x18400] =	vst v63  }
0x28f: {  	s25 =	simm.s32 $0x5400  }
0x290: {  	[tilespmem:s25], [sflag:$0x1] =	stream.indirect_vreg.gather [hbm4b:s7+s3], $0x80, v38, vm1, $0xb8;
	[tilespmem:$0x18400] =	vst v63  }
0x291: {  	s26 =	simm.s32 $0x5800  }
0x292: {  	[tilespmem:s26], [sflag:$0x1] =	stream.indirect_vreg.gather [hbm4b:s2+s3], $0x80, v37, vm0, $0xb8;
	[tilespmem:$0x18400] =	vst v63  }
0x293: {  	s9 =	simm.s32 $0x6000  }
0x294: {  	[tilespmem:s9], [sflag:$0x1] =	stream.indirect_vreg.gather [hbm4b:s7+s3], $0x80, v37, vm1, $0xb8;
	[tilespmem:$0x18400] =	vst v63  }
0x295: {  	v37 =	vld [tilespmem:$0x340];
	_ =	sdelay $0x4  }
0x296: {  	v57 =	vshrl.u32 v37, $0x3  }
0x297: {  	v38 =	vmul.u32 $0x18, v57  }
0x298: {  	v37 =	vand.u32 $0x7, v37  }
0x299: {  	v37 =	vor.u32 v37, v38  }
0x29a: {  	v38 =	vperm.xlane v37, v28;
	_ =	sdelay $0x1  }
0x29b: {  	v38 =	vadd.s32 v29, v38;
	_ =	sdelay $0x1  }
0x29c: {  	v37 =	vperm.xlane v37, v30;
	_ =	sdelay $0x1  }
0x29d: {  	s28 =	simm.s32 $0x6400;
	v37 =	vadd.s32 v29, v37  }
0x29e: {  	[tilespmem:s28], [sflag:$0x1] =	stream.indirect_vreg.gather [hbm4b:s2+s3], $0x80, v38, vm0, $0xb8;
	[tilespmem:$0x18400] =	vst v63  }
0x29f: {  	s29 =	simm.s32 $0x6C00  }
0x2a0: {  	[tilespmem:s29], [sflag:$0x1] =	stream.indirect_vreg.gather [hbm4b:s7+s3], $0x80, v38, vm1, $0xb8;
	[tilespmem:$0x18400] =	vst v63  }
0x2a1: {  	s30 =	simm.s32 $0x7000  }
0x2a2: {  	[tilespmem:s30], [sflag:$0x1] =	stream.indirect_vreg.gather [hbm4b:s2+s3], $0x80, v37, vm0, $0xb8;
	[tilespmem:$0x18400] =	vst v63  }
0x2a3: {  	s10 =	simm.s32 $0x7800  }
0x2a4: {  	[tilespmem:s10], [sflag:$0x1] =	stream.indirect_vreg.gather [hbm4b:s7+s3], $0x80, v37, vm1, $0xb8;
	[tilespmem:$0x18400] =	vst v63  }
0x2a5: {  	v37 =	vld [tilespmem:$0x350];
	_ =	sdelay $0x4  }
0x2a6: {  	v58 =	vshrl.u32 v37, $0x3  }
0x2a7: {  	v38 =	vmul.u32 $0x18, v58  }
0x2a8: {  	v37 =	vand.u32 $0x7, v37  }
0x2a9: {  	v37 =	vor.u32 v37, v38  }
0x2aa: {  	v38 =	vperm.xlane v37, v28;
	_ =	sdelay $0x1  }
0x2ab: {  	v38 =	vadd.s32 v29, v38;
	_ =	sdelay $0x1  }
0x2ac: {  	v37 =	vperm.xlane v37, v30;
	_ =	sdelay $0x1  }
0x2ad: {  	s31 =	simm.s32 $0x7C00;
	v37 =	vadd.s32 v29, v37  }
0x2ae: {  	[tilespmem:s31], [sflag:$0x1] =	stream.indirect_vreg.gather [hbm4b:s2+s3], $0x80, v38, vm0, $0xb8;
	[tilespmem:$0x18400] =	vst v63  }
0x2af: {  	s13 =	simm.s32 $0x8400  }
0x2b0: {  	[tilespmem:s13], [sflag:$0x1] =	stream.indirect_vreg.gather [hbm4b:s7+s3], $0x80, v38, vm1, $0xb8;
	[tilespmem:$0x18400] =	vst v63  }
0x2b1: {  	s11 =	simm.s32 $0x8800  }
0x2b2: {  	[tilespmem:s11], [sflag:$0x1] =	stream.indirect_vreg.gather [hbm4b:s2+s3], $0x80, v37, vm0, $0xb8;
	[tilespmem:$0x18400] =	vst v63  }
0x2b3: {  	s11 =	simm.s32 $0x9000  }
0x2b4: {  	[tilespmem:s11], [sflag:$0x1] =	stream.indirect_vreg.gather [hbm4b:s7+s3], $0x80, v37, vm1, $0xb8;
	[tilespmem:$0x18400] =	vst v63  }
0x2b5: {  	v37 =	vld [tilespmem:$0x360];
	_ =	sdelay $0x4  }
0x2b6: {  	v59 =	vshrl.u32 v37, $0x3  }
0x2b7: {  	v38 =	vmul.u32 $0x18, v59  }
0x2b8: {  	v37 =	vand.u32 $0x7, v37  }
0x2b9: {  	v37 =	vor.u32 v37, v38  }
0x2ba: {  	v38 =	vperm.xlane v37, v28;
	_ =	sdelay $0x1  }
0x2bb: {  	v38 =	vadd.s32 v29, v38;
	_ =	sdelay $0x1  }
0x2bc: {  	v37 =	vperm.xlane v37, v30;
	_ =	sdelay $0x1  }
0x2bd: {  	s12 =	simm.s32 $0x9400;
	v37 =	vadd.s32 v29, v37  }
0x2be: {  	[tilespmem:s12], [sflag:$0x1] =	stream.indirect_vreg.gather [hbm4b:s2+s3], $0x80, v38, vm0, $0xb8;
	[tilespmem:$0x18400] =	vst v63  }
0x2bf: {  	s13 =	simm.s32 $0x9C00  }
0x2c0: {  	[tilespmem:s13], [sflag:$0x1] =	stream.indirect_vreg.gather [hbm4b:s7+s3], $0x80, v38, vm1, $0xb8;
	[tilespmem:$0x18400] =	vst v63  }
0x2c1: {  	s12 =	simm.s32 $0xA000  }
0x2c2: {  	[tilespmem:s12], [sflag:$0x1] =	stream.indirect_vreg.gather [hbm4b:s2+s3], $0x80, v37, vm0, $0xb8;
	[tilespmem:$0x18400] =	vst v63  }
0x2c3: {  	s12 =	simm.s32 $0xA800  }
0x2c4: {  	[tilespmem:s12], [sflag:$0x1] =	stream.indirect_vreg.gather [hbm4b:s7+s3], $0x80, v37, vm1, $0xb8;
	[tilespmem:$0x18400] =	vst v63  }
0x2c5: {  	v37 =	vld [tilespmem:$0x370];
	_ =	sdelay $0x4  }
0x2c6: {  	v60 =	vshrl.u32 v37, $0x3  }
0x2c7: {  	v38 =	vmul.u32 $0x18, v60  }
0x2c8: {  	v37 =	vand.u32 $0x7, v37  }
0x2c9: {  	v37 =	vor.u32 v37, v38  }
0x2ca: {  	v38 =	vperm.xlane v37, v28;
	_ =	sdelay $0x1  }
0x2cb: {  	v38 =	vadd.s32 v29, v38;
	_ =	sdelay $0x1  }
0x2cc: {  	v37 =	vperm.xlane v37, v30;
	_ =	sdelay $0x1  }
0x2cd: {  	s13 =	simm.s32 $0xAC00;
	v37 =	vadd.s32 v29, v37  }
0x2ce: {  	[tilespmem:s13], [sflag:$0x1] =	stream.indirect_vreg.gather [hbm4b:s2+s3], $0x80, v38, vm0, $0xb8;
	[tilespmem:$0x18400] =	vst v63  }
0x2cf: {  	s13 =	simm.s32 $0xB400  }
0x2d0: {  	[tilespmem:s13], [sflag:$0x1] =	stream.indirect_vreg.gather [hbm4b:s7+s3], $0x80, v38, vm1, $0xb8;
	[tilespmem:$0x18400] =	vst v63  }
0x2d1: {  	s1 =	simm.s32 $0xB800  }
0x2d2: {  	[tilespmem:s1], [sflag:$0x1] =	stream.indirect_vreg.gather [hbm4b:s2+s3], $0x80, v37, vm0, $0xb8;
	[tilespmem:$0x18400] =	vst v63  }
0x2d3: {  	s13 =	simm.s32 $0xC000  }
0x2d4: {  	[tilespmem:s13], [sflag:$0x1] =	stream.indirect_vreg.gather [hbm4b:s7+s3], $0x80, v37, vm1, $0xb8;
	[tilespmem:$0x18400] =	vst v63  }
0x2d5: {  	s13 =	simm.s32 $0x1  }
0x2d6: {  	_ =	swait.ge [sflag:s13], $0xC000  }
0x2d7: {  	[sflag:s13] =	ssyncset.done $0x0  }
0x2d8: {  	[sflag:s13] =	ssyncadd.s32 $0xFFFF4000  }
0x2d9: {  	v61 =	vld [tilespmem:$0x100];
	_ =	sdelay $0x4  }
0x2da: {  	v62 =	vshrl.u32 v61, $0x3  }
0x2db: {  	v38 =	vmul.u32 $0x18, v62  }
0x2dc: {  	v37 =	vand.u32 $0x7, v61  }
0x2dd: {  	v37 =	vor.u32 v37, v38  }
0x2de: {  	v38 =	vperm.xlane v37, v28;
	_ =	sdelay $0x1  }
0x2df: {  	v38 =	vadd.s32 v29, v38;
	_ =	sdelay $0x1  }
0x2e0: {  	v37 =	vperm.xlane v37, v30;
	_ =	sdelay $0x1  }
0x2e1: {  	s13 =	simm.s32 $0x400;
	v37 =	vadd.s32 v29, v37  }
0x2e2: {  	[hbm4b:s4+s3] =	stream.indirect_vreg.scatter [tilespmem:s13], [sflag:$0x2], $0x80, v38, vm0, $0xb8;
	[tilespmem:$0x18400] =	vst v63  }
0x2e3: {  	_ = 	snop  }
0x2e4: {  	[hbm4b:s5+s3] =	stream.indirect_vreg.scatter [tilespmem:s15], [sflag:$0x2], $0x80, v38, vm1, $0xb8;
	[tilespmem:$0x18400] =	vst v63  }
0x2e5: {  	_ = 	snop  }
0x2e6: {  	[hbm4b:s4+s3] =	stream.indirect_vreg.scatter [tilespmem:s16], [sflag:$0x2], $0x80, v37, vm0, $0xb8;
	[tilespmem:$0x18400] =	vst v63  }
0x2e7: {  	_ = 	snop  }
0x2e8: {  	[hbm4b:s5+s3] =	stream.indirect_vreg.scatter [tilespmem:s8], [sflag:$0x2], $0x80, v37, vm1, $0xb8;
	[tilespmem:$0x18400] =	vst v63  }
0x2e9: {  	v37 =	vld [tilespmem:$0x110];
	_ =	sdelay $0x4  }
0x2ea: {  	v63 =	vshrl.u32 v37, $0x3  }
0x2eb: {  	v38 =	vmul.u32 $0x18, v63  }
0x2ec: {  	v37 =	vand.u32 $0x7, v37  }
0x2ed: {  	v37 =	vor.u32 v37, v38  }
0x2ee: {  	v38 =	vperm.xlane v37, v28;
	_ =	sdelay $0x1  }
0x2ef: {  	v38 =	vadd.s32 v29, v38;
	_ =	sdelay $0x1  }
0x2f0: {  	v37 =	vperm.xlane v37, v30;
	_ =	sdelay $0x1  }
0x2f1: {  	v37 =	vadd.s32 v29, v37  }
0x2f2: {  	[hbm4b:s4+s3] =	stream.indirect_vreg.scatter [tilespmem:s18], [sflag:$0x2], $0x80, v38, vm0, $0xb8;
	[tilespmem:$0x18400] =	vst v63  }
0x2f3: {  	_ = 	snop  }
0x2f4: {  	[hbm4b:s5+s3] =	stream.indirect_vreg.scatter [tilespmem:s19], [sflag:$0x2], $0x80, v38, vm1, $0xb8;
	[tilespmem:$0x18400] =	vst v63  }
0x2f5: {  	_ = 	snop  }
0x2f6: {  	[hbm4b:s4+s3] =	stream.indirect_vreg.scatter [tilespmem:s20], [sflag:$0x2], $0x80, v37, vm0, $0xb8;
	[tilespmem:$0x18400] =	vst v63  }
0x2f7: {  	_ = 	snop  }
0x2f8: {  	[hbm4b:s5+s3] =	stream.indirect_vreg.scatter [tilespmem:s14], [sflag:$0x2], $0x80, v37, vm1, $0xb8;
	[tilespmem:$0x18400] =	vst v63  }
0x2f9: {  	v37 =	vld [tilespmem:$0x120];
	_ =	sdelay $0x4  }
0x2fa: {  	v40 =	vshrl.u32 v37, $0x3  }
0x2fb: {  	v38 =	vmul.u32 $0x18, v40  }
0x2fc: {  	v37 =	vand.u32 $0x7, v37  }
0x2fd: {  	v37 =	vor.u32 v37, v38  }
0x2fe: {  	v38 =	vperm.xlane v37, v28;
	_ =	sdelay $0x1  }
0x2ff: {  	v38 =	vadd.s32 v29, v38;
	_ =	sdelay $0x1  }
0x300: {  	v37 =	vperm.xlane v37, v30;
	_ =	sdelay $0x1  }
0x301: {  	v37 =	vadd.s32 v29, v37  }
0x302: {  	[hbm4b:s4+s3] =	stream.indirect_vreg.scatter [tilespmem:s21], [sflag:$0x2], $0x80, v38, vm0, $0xb8;
	[tilespmem:$0x18400] =	vst v63  }
0x303: {  	_ = 	snop  }
0x304: {  	[hbm4b:s5+s3] =	stream.indirect_vreg.scatter [tilespmem:s22], [sflag:$0x2], $0x80, v38, vm1, $0xb8;
	[tilespmem:$0x18400] =	vst v63  }
0x305: {  	_ = 	snop  }
0x306: {  	[hbm4b:s4+s3] =	stream.indirect_vreg.scatter [tilespmem:s23], [sflag:$0x2], $0x80, v37, vm0, $0xb8;
	[tilespmem:$0x18400] =	vst v63  }
0x307: {  	_ = 	snop  }
0x308: {  	[hbm4b:s5+s3] =	stream.indirect_vreg.scatter [tilespmem:s0], [sflag:$0x2], $0x80, v37, vm1, $0xb8;
	[tilespmem:$0x18400] =	vst v63  }
0x309: {  	v37 =	vld [tilespmem:$0x130];
	_ =	sdelay $0x4  }
0x30a: {  	v41 =	vshrl.u32 v37, $0x3  }
0x30b: {  	v38 =	vmul.u32 $0x18, v41  }
0x30c: {  	v37 =	vand.u32 $0x7, v37  }
0x30d: {  	v37 =	vor.u32 v37, v38  }
0x30e: {  	v38 =	vperm.xlane v37, v28;
	_ =	sdelay $0x1  }
0x30f: {  	v38 =	vadd.s32 v29, v38;
	_ =	sdelay $0x1  }
0x310: {  	v37 =	vperm.xlane v37, v30;
	_ =	sdelay $0x1  }
0x311: {  	v37 =	vadd.s32 v29, v37  }
0x312: {  	[hbm4b:s4+s3] =	stream.indirect_vreg.scatter [tilespmem:s24], [sflag:$0x2], $0x80, v38, vm0, $0xb8;
	[tilespmem:$0x18400] =	vst v63  }
0x313: {  	_ = 	snop  }
0x314: {  	[hbm4b:s5+s3] =	stream.indirect_vreg.scatter [tilespmem:s25], [sflag:$0x2], $0x80, v38, vm1, $0xb8;
	[tilespmem:$0x18400] =	vst v63  }
0x315: {  	_ = 	snop  }
0x316: {  	[hbm4b:s4+s3] =	stream.indirect_vreg.scatter [tilespmem:s26], [sflag:$0x2], $0x80, v37, vm0, $0xb8;
	[tilespmem:$0x18400] =	vst v63  }
0x317: {  	_ = 	snop  }
0x318: {  	[hbm4b:s5+s3] =	stream.indirect_vreg.scatter [tilespmem:s9], [sflag:$0x2], $0x80, v37, vm1, $0xb8;
	[tilespmem:$0x18400] =	vst v63  }
0x319: {  	v37 =	vld [tilespmem:$0x140];
	_ =	sdelay $0x4  }
0x31a: {  	v42 =	vshrl.u32 v37, $0x3  }
0x31b: {  	v38 =	vmul.u32 $0x18, v42  }
0x31c: {  	v37 =	vand.u32 $0x7, v37  }
0x31d: {  	v37 =	vor.u32 v37, v38  }
0x31e: {  	v38 =	vperm.xlane v37, v28;
	_ =	sdelay $0x1  }
0x31f: {  	v38 =	vadd.s32 v29, v38;
	_ =	sdelay $0x1  }
0x320: {  	v37 =	vperm.xlane v37, v30;
	_ =	sdelay $0x1  }
0x321: {  	v37 =	vadd.s32 v29, v37  }
0x322: {  	[hbm4b:s4+s3] =	stream.indirect_vreg.scatter [tilespmem:s28], [sflag:$0x2], $0x80, v38, vm0, $0xb8;
	[tilespmem:$0x18400] =	vst v63  }
0x323: {  	_ = 	snop  }
0x324: {  	[hbm4b:s5+s3] =	stream.indirect_vreg.scatter [tilespmem:s29], [sflag:$0x2], $0x80, v38, vm1, $0xb8;
	[tilespmem:$0x18400] =	vst v63  }
0x325: {  	_ = 	snop  }
0x326: {  	[hbm4b:s4+s3] =	stream.indirect_vreg.scatter [tilespmem:s30], [sflag:$0x2], $0x80, v37, vm0, $0xb8;
	[tilespmem:$0x18400] =	vst v63  }
0x327: {  	_ = 	snop  }
0x328: {  	[hbm4b:s5+s3] =	stream.indirect_vreg.scatter [tilespmem:s10], [sflag:$0x2], $0x80, v37, vm1, $0xb8;
	[tilespmem:$0x18400] =	vst v63  }
0x329: {  	v37 =	vld [tilespmem:$0x150];
	_ =	sdelay $0x4  }
0x32a: {  	v43 =	vshrl.u32 v37, $0x3  }
0x32b: {  	v38 =	vmul.u32 $0x18, v43  }
0x32c: {  	v37 =	vand.u32 $0x7, v37  }
0x32d: {  	v37 =	vor.u32 v37, v38  }
0x32e: {  	v38 =	vperm.xlane v37, v28;
	_ =	sdelay $0x1  }
0x32f: {  	v38 =	vadd.s32 v29, v38;
	_ =	sdelay $0x1  }
0x330: {  	v37 =	vperm.xlane v37, v30;
	_ =	sdelay $0x1  }
0x331: {  	v37 =	vadd.s32 v29, v37  }
0x332: {  	[hbm4b:s4+s3] =	stream.indirect_vreg.scatter [tilespmem:s31], [sflag:$0x2], $0x80, v38, vm0, $0xb8;
	[tilespmem:$0x18400] =	vst v63  }
0x333: {  	s15 =	simm.s32 $0x8400  }
0x334: {  	[hbm4b:s5+s3] =	stream.indirect_vreg.scatter [tilespmem:s15], [sflag:$0x2], $0x80, v38, vm1, $0xb8;
	[tilespmem:$0x18400] =	vst v63  }
0x335: {  	s16 =	simm.s32 $0x8800  }
0x336: {  	[hbm4b:s4+s3] =	stream.indirect_vreg.scatter [tilespmem:s16], [sflag:$0x2], $0x80, v37, vm0, $0xb8;
	[tilespmem:$0x18400] =	vst v63  }
0x337: {  	_ = 	snop  }
0x338: {  	[hbm4b:s5+s3] =	stream.indirect_vreg.scatter [tilespmem:s11], [sflag:$0x2], $0x80, v37, vm1, $0xb8;
	[tilespmem:$0x18400] =	vst v63  }
0x339: {  	v37 =	vld [tilespmem:$0x160];
	_ =	sdelay $0x4  }
0x33a: {  	v44 =	vshrl.u32 v37, $0x3  }
0x33b: {  	v38 =	vmul.u32 $0x18, v44  }
0x33c: {  	v37 =	vand.u32 $0x7, v37  }
0x33d: {  	v37 =	vor.u32 v37, v38  }
0x33e: {  	v38 =	vperm.xlane v37, v28;
	_ =	sdelay $0x1  }
0x33f: {  	v38 =	vadd.s32 v29, v38;
	_ =	sdelay $0x1  }
0x340: {  	v37 =	vperm.xlane v37, v30;
	_ =	sdelay $0x1  }
0x341: {  	s18 =	simm.s32 $0x9400;
	v37 =	vadd.s32 v29, v37  }
0x342: {  	[hbm4b:s4+s3] =	stream.indirect_vreg.scatter [tilespmem:s18], [sflag:$0x2], $0x80, v38, vm0, $0xb8;
	[tilespmem:$0x18400] =	vst v63  }
0x343: {  	s19 =	simm.s32 $0x9C00  }
0x344: {  	[hbm4b:s5+s3] =	stream.indirect_vreg.scatter [tilespmem:s19], [sflag:$0x2], $0x80, v38, vm1, $0xb8;
	[tilespmem:$0x18400] =	vst v63  }
0x345: {  	s20 =	simm.s32 $0xA000  }
0x346: {  	[hbm4b:s4+s3] =	stream.indirect_vreg.scatter [tilespmem:s20], [sflag:$0x2], $0x80, v37, vm0, $0xb8;
	[tilespmem:$0x18400] =	vst v63  }
0x347: {  	_ = 	snop  }
0x348: {  	[hbm4b:s5+s3] =	stream.indirect_vreg.scatter [tilespmem:s12], [sflag:$0x2], $0x80, v37, vm1, $0xb8;
	[tilespmem:$0x18400] =	vst v63  }
0x349: {  	v37 =	vld [tilespmem:$0x170];
	_ =	sdelay $0x4  }
0x34a: {  	v45 =	vshrl.u32 v37, $0x3  }
0x34b: {  	v38 =	vmul.u32 $0x18, v45  }
0x34c: {  	v37 =	vand.u32 $0x7, v37  }
0x34d: {  	v37 =	vor.u32 v37, v38  }
0x34e: {  	v38 =	vperm.xlane v37, v28;
	_ =	sdelay $0x1  }
0x34f: {  	v38 =	vadd.s32 v29, v38;
	_ =	sdelay $0x1  }
0x350: {  	v37 =	vperm.xlane v37, v30;
	_ =	sdelay $0x1  }
0x351: {  	s21 =	simm.s32 $0xAC00;
	v37 =	vadd.s32 v29, v37  }
0x352: {  	[hbm4b:s4+s3] =	stream.indirect_vreg.scatter [tilespmem:s21], [sflag:$0x2], $0x80, v38, vm0, $0xb8;
	[tilespmem:$0x18400] =	vst v63  }
0x353: {  	s22 =	simm.s32 $0xB400  }
0x354: {  	[hbm4b:s5+s3] =	stream.indirect_vreg.scatter [tilespmem:s22], [sflag:$0x2], $0x80, v38, vm1, $0xb8;
	[tilespmem:$0x18400] =	vst v63  }
0x355: {  	_ = 	snop  }
0x356: {  	[hbm4b:s4+s3] =	stream.indirect_vreg.scatter [tilespmem:s1], [sflag:$0x2], $0x80, v37, vm0, $0xb8;
	[tilespmem:$0x18400] =	vst v63  }
0x357: {  	s23 =	simm.s32 $0xC000  }
0x358: {  	[hbm4b:s5+s3] =	stream.indirect_vreg.scatter [tilespmem:s23], [sflag:$0x2], $0x80, v37, vm1, $0xb8;
	[tilespmem:$0x18400] =	vst v63  }
0x359: {  	_ =	swait.ge [sflag:s17], $0xC000  }
0x35a: {  	[sflag:s17] =	ssyncset.done $0x0  }
0x35b: {  	[sflag:s17] =	ssyncadd.s32 $0xFFFF4000  }
0x35c: {  	v46 =	vld [tilespmem:$0x380];
	_ =	sdelay $0x4  }
0x35d: {  	v47 =	vshrl.u32 v46, $0x3  }
0x35e: {  	v38 =	vmul.u32 $0x18, v47  }
0x35f: {  	v37 =	vand.u32 $0x7, v46  }
0x360: {  	v37 =	vor.u32 v37, v38  }
0x361: {  	v38 =	vperm.xlane v37, v28;
	_ =	sdelay $0x1  }
0x362: {  	v38 =	vadd.s32 v29, v38;
	_ =	sdelay $0x1  }
0x363: {  	v37 =	vperm.xlane v37, v30;
	_ =	sdelay $0x1  }
0x364: {  	s1 =	simm.s32 $0xC400;
	v37 =	vadd.s32 v29, v37  }
0x365: {  	[tilespmem:s1], [sflag:$0x1] =	stream.indirect_vreg.gather [hbm4b:s2+s3], $0x80, v38, vm0, $0xb8;
	[tilespmem:$0x18400] =	vst v63  }
0x366: {  	s9 =	simm.s32 $0xCC00  }
0x367: {  	[tilespmem:s9], [sflag:$0x1] =	stream.indirect_vreg.gather [hbm4b:s7+s3], $0x80, v38, vm1, $0xb8;
	[tilespmem:$0x18400] =	vst v63  }
0x368: {  	s8 =	simm.s32 $0xD000  }
0x369: {  	[tilespmem:s8], [sflag:$0x1] =	stream.indirect_vreg.gather [hbm4b:s2+s3], $0x80, v37, vm0, $0xb8;
	[tilespmem:$0x18400] =	vst v63  }
0x36a: {  	s24 =	simm.s32 $0xD800  }
0x36b: {  	[tilespmem:s24], [sflag:$0x1] =	stream.indirect_vreg.gather [hbm4b:s7+s3], $0x80, v37, vm1, $0xb8;
	[tilespmem:$0x18400] =	vst v63  }
0x36c: {  	v37 =	vld [tilespmem:$0x390];
	_ =	sdelay $0x4  }
0x36d: {  	v48 =	vshrl.u32 v37, $0x3  }
0x36e: {  	v38 =	vmul.u32 $0x18, v48  }
0x36f: {  	v37 =	vand.u32 $0x7, v37  }
0x370: {  	v37 =	vor.u32 v37, v38  }
0x371: {  	v38 =	vperm.xlane v37, v28;
	_ =	sdelay $0x1  }
0x372: {  	v38 =	vadd.s32 v29, v38;
	_ =	sdelay $0x1  }
0x373: {  	v37 =	vperm.xlane v37, v30;
	_ =	sdelay $0x1  }
0x374: {  	s10 =	simm.s32 $0xDC00;
	v37 =	vadd.s32 v29, v37  }
0x375: {  	[tilespmem:s10], [sflag:$0x1] =	stream.indirect_vreg.gather [hbm4b:s2+s3], $0x80, v38, vm0, $0xb8;
	[tilespmem:$0x18400] =	vst v63  }
0x376: {  	s12 =	simm.s32 $0xE400  }
0x377: {  	[tilespmem:s12], [sflag:$0x1] =	stream.indirect_vreg.gather [hbm4b:s7+s3], $0x80, v38, vm1, $0xb8;
	[tilespmem:$0x18400] =	vst v63  }
0x378: {  	s11 =	simm.s32 $0xE800  }
0x379: {  	[tilespmem:s11], [sflag:$0x1] =	stream.indirect_vreg.gather [hbm4b:s2+s3], $0x80, v37, vm0, $0xb8;
	[tilespmem:$0x18400] =	vst v63  }
0x37a: {  	s25 =	simm.s32 $0xF000  }
0x37b: {  	[tilespmem:s25], [sflag:$0x1] =	stream.indirect_vreg.gather [hbm4b:s7+s3], $0x80, v37, vm1, $0xb8;
	[tilespmem:$0x18400] =	vst v63  }
0x37c: {  	v37 =	vld [tilespmem:$0x3A0];
	_ =	sdelay $0x4  }
0x37d: {  	v49 =	vshrl.u32 v37, $0x3  }
0x37e: {  	v38 =	vmul.u32 $0x18, v49  }
0x37f: {  	v37 =	vand.u32 $0x7, v37  }
0x380: {  	v37 =	vor.u32 v37, v38  }
0x381: {  	v38 =	vperm.xlane v37, v28;
	_ =	sdelay $0x1  }
0x382: {  	v38 =	vadd.s32 v29, v38;
	_ =	sdelay $0x1  }
0x383: {  	v37 =	vperm.xlane v37, v30;
	_ =	sdelay $0x1  }
0x384: {  	s14 =	simm.s32 $0xF400;
	v37 =	vadd.s32 v29, v37  }
0x385: {  	[tilespmem:s14], [sflag:$0x1] =	stream.indirect_vreg.gather [hbm4b:s2+s3], $0x80, v38, vm0, $0xb8;
	[tilespmem:$0x18400] =	vst v63  }
0x386: {  	s15 =	simm.s32 $0xFC00  }
0x387: {  	[tilespmem:s15], [sflag:$0x1] =	stream.indirect_vreg.gather [hbm4b:s7+s3], $0x80, v38, vm1, $0xb8;
	[tilespmem:$0x18400] =	vst v63  }
0x388: {  	s13 =	simm.s32 $0x10000  }
0x389: {  	[tilespmem:s13], [sflag:$0x1] =	stream.indirect_vreg.gather [hbm4b:s2+s3], $0x80, v37, vm0, $0xb8;
	[tilespmem:$0x18400] =	vst v63  }
0x38a: {  	s26 =	simm.s32 $0x10800  }
0x38b: {  	[tilespmem:s26], [sflag:$0x1] =	stream.indirect_vreg.gather [hbm4b:s7+s3], $0x80, v37, vm1, $0xb8;
	[tilespmem:$0x18400] =	vst v63  }
0x38c: {  	v37 =	vld [tilespmem:$0x3B0];
	_ =	sdelay $0x4  }
0x38d: {  	v50 =	vshrl.u32 v37, $0x3  }
0x38e: {  	v38 =	vmul.u32 $0x18, v50  }
0x38f: {  	v37 =	vand.u32 $0x7, v37  }
0x390: {  	v37 =	vor.u32 v37, v38  }
0x391: {  	v38 =	vperm.xlane v37, v28;
	_ =	sdelay $0x1  }
0x392: {  	v38 =	vadd.s32 v29, v38;
	_ =	sdelay $0x1  }
0x393: {  	v37 =	vperm.xlane v37, v30;
	_ =	sdelay $0x1  }
0x394: {  	s16 =	simm.s32 $0x10C00;
	v37 =	vadd.s32 v29, v37  }
0x395: {  	[tilespmem:s16], [sflag:$0x1] =	stream.indirect_vreg.gather [hbm4b:s2+s3], $0x80, v38, vm0, $0xb8;
	[tilespmem:$0x18400] =	vst v63  }
0x396: {  	s19 =	simm.s32 $0x11400  }
0x397: {  	[tilespmem:s19], [sflag:$0x1] =	stream.indirect_vreg.gather [hbm4b:s7+s3], $0x80, v38, vm1, $0xb8;
	[tilespmem:$0x18400] =	vst v63  }
0x398: {  	s18 =	simm.s32 $0x11800  }
0x399: {  	[tilespmem:s18], [sflag:$0x1] =	stream.indirect_vreg.gather [hbm4b:s2+s3], $0x80, v37, vm0, $0xb8;
	[tilespmem:$0x18400] =	vst v63  }
0x39a: {  	s28 =	simm.s32 $0x12000  }
0x39b: {  	[tilespmem:s28], [sflag:$0x1] =	stream.indirect_vreg.gather [hbm4b:s7+s3], $0x80, v37, vm1, $0xb8;
	[tilespmem:$0x18400] =	vst v63  }
0x39c: {  	v37 =	vld [tilespmem:$0x3C0];
	_ =	sdelay $0x4  }
0x39d: {  	v51 =	vshrl.u32 v37, $0x3  }
0x39e: {  	v38 =	vmul.u32 $0x18, v51  }
0x39f: {  	v37 =	vand.u32 $0x7, v37  }
0x3a0: {  	v37 =	vor.u32 v37, v38  }
0x3a1: {  	v38 =	vperm.xlane v37, v28;
	_ =	sdelay $0x1  }
0x3a2: {  	v38 =	vadd.s32 v29, v38;
	_ =	sdelay $0x1  }
0x3a3: {  	v37 =	vperm.xlane v37, v30;
	_ =	sdelay $0x1  }
0x3a4: {  	s20 =	simm.s32 $0x12400;
	v37 =	vadd.s32 v29, v37  }
0x3a5: {  	[tilespmem:s20], [sflag:$0x1] =	stream.indirect_vreg.gather [hbm4b:s2+s3], $0x80, v38, vm0, $0xb8;
	[tilespmem:$0x18400] =	vst v63  }
0x3a6: {  	s22 =	simm.s32 $0x12C00  }
0x3a7: {  	[tilespmem:s22], [sflag:$0x1] =	stream.indirect_vreg.gather [hbm4b:s7+s3], $0x80, v38, vm1, $0xb8;
	[tilespmem:$0x18400] =	vst v63  }
0x3a8: {  	s21 =	simm.s32 $0x13000  }
0x3a9: {  	[tilespmem:s21], [sflag:$0x1] =	stream.indirect_vreg.gather [hbm4b:s2+s3], $0x80, v37, vm0, $0xb8;
	[tilespmem:$0x18400] =	vst v63  }
0x3aa: {  	s29 =	simm.s32 $0x13800  }
0x3ab: {  	[tilespmem:s29], [sflag:$0x1] =	stream.indirect_vreg.gather [hbm4b:s7+s3], $0x80, v37, vm1, $0xb8;
	[tilespmem:$0x18400] =	vst v63  }
0x3ac: {  	v37 =	vld [tilespmem:$0x3D0];
	_ =	sdelay $0x4  }
0x3ad: {  	v52 =	vshrl.u32 v37, $0x3  }
0x3ae: {  	v38 =	vmul.u32 $0x18, v52  }
0x3af: {  	v37 =	vand.u32 $0x7, v37  }
0x3b0: {  	v37 =	vor.u32 v37, v38  }
0x3b1: {  	v38 =	vperm.xlane v37, v28;
	_ =	sdelay $0x1  }
0x3b2: {  	v38 =	vadd.s32 v29, v38;
	_ =	sdelay $0x1  }
0x3b3: {  	v37 =	vperm.xlane v37, v30;
	_ =	sdelay $0x1  }
0x3b4: {  	s23 =	simm.s32 $0x13C00;
	v37 =	vadd.s32 v29, v37  }
0x3b5: {  	[tilespmem:s23], [sflag:$0x1] =	stream.indirect_vreg.gather [hbm4b:s2+s3], $0x80, v38, vm0, $0xb8;
	[tilespmem:$0x18400] =	vst v63  }
0x3b6: {  	s25 =	simm.s32 $0x14400  }
0x3b7: {  	[tilespmem:s25], [sflag:$0x1] =	stream.indirect_vreg.gather [hbm4b:s7+s3], $0x80, v38, vm1, $0xb8;
	[tilespmem:$0x18400] =	vst v63  }
0x3b8: {  	s24 =	simm.s32 $0x14800  }
0x3b9: {  	[tilespmem:s24], [sflag:$0x1] =	stream.indirect_vreg.gather [hbm4b:s2+s3], $0x80, v37, vm0, $0xb8;
	[tilespmem:$0x18400] =	vst v63  }
0x3ba: {  	s30 =	simm.s32 $0x15000  }
0x3bb: {  	[tilespmem:s30], [sflag:$0x1] =	stream.indirect_vreg.gather [hbm4b:s7+s3], $0x80, v37, vm1, $0xb8;
	[tilespmem:$0x18400] =	vst v63  }
0x3bc: {  	v37 =	vld [tilespmem:$0x3E0];
	_ =	sdelay $0x4  }
0x3bd: {  	v53 =	vshrl.u32 v37, $0x3  }
0x3be: {  	v38 =	vmul.u32 $0x18, v53  }
0x3bf: {  	v37 =	vand.u32 $0x7, v37  }
0x3c0: {  	v37 =	vor.u32 v37, v38  }
0x3c1: {  	v38 =	vperm.xlane v37, v28;
	_ =	sdelay $0x1  }
0x3c2: {  	v38 =	vadd.s32 v29, v38;
	_ =	sdelay $0x1  }
0x3c3: {  	v37 =	vperm.xlane v37, v30;
	_ =	sdelay $0x1  }
0x3c4: {  	s26 =	simm.s32 $0x15400;
	v37 =	vadd.s32 v29, v37  }
0x3c5: {  	[tilespmem:s26], [sflag:$0x1] =	stream.indirect_vreg.gather [hbm4b:s2+s3], $0x80, v38, vm0, $0xb8;
	[tilespmem:$0x18400] =	vst v63  }
0x3c6: {  	s29 =	simm.s32 $0x15C00  }
0x3c7: {  	[tilespmem:s29], [sflag:$0x1] =	stream.indirect_vreg.gather [hbm4b:s7+s3], $0x80, v38, vm1, $0xb8;
	[tilespmem:$0x18400] =	vst v63  }
0x3c8: {  	s28 =	simm.s32 $0x16000  }
0x3c9: {  	[tilespmem:s28], [sflag:$0x1] =	stream.indirect_vreg.gather [hbm4b:s2+s3], $0x80, v37, vm0, $0xb8;
	[tilespmem:$0x18400] =	vst v63  }
0x3ca: {  	s31 =	simm.s32 $0x16800  }
0x3cb: {  	[tilespmem:s31], [sflag:$0x1] =	stream.indirect_vreg.gather [hbm4b:s7+s3], $0x80, v37, vm1, $0xb8;
	[tilespmem:$0x18400] =	vst v63  }
0x3cc: {  	v37 =	vld [tilespmem:$0x3F0];
	_ =	sdelay $0x4  }
0x3cd: {  	v54 =	vshrl.u32 v37, $0x3  }
0x3ce: {  	v38 =	vmul.u32 $0x18, v54  }
0x3cf: {  	v37 =	vand.u32 $0x7, v37  }
0x3d0: {  	v37 =	vor.u32 v37, v38  }
0x3d1: {  	v38 =	vperm.xlane v37, v28;
	_ =	sdelay $0x1  }
0x3d2: {  	v38 =	vadd.s32 v29, v38;
	_ =	sdelay $0x1  }
0x3d3: {  	v37 =	vperm.xlane v37, v30;
	_ =	sdelay $0x1  }
0x3d4: {  	s31 =	simm.s32 $0x16C00;
	v37 =	vadd.s32 v29, v37  }
0x3d5: {  	[tilespmem:s31], [sflag:$0x1] =	stream.indirect_vreg.gather [hbm4b:s2+s3], $0x80, v38, vm0, $0xb8;
	[tilespmem:$0x18400] =	vst v63  }
0x3d6: {  	s30 =	simm.s32 $0x17400  }
0x3d7: {  	[tilespmem:s30], [sflag:$0x1] =	stream.indirect_vreg.gather [hbm4b:s7+s3], $0x80, v38, vm1, $0xb8;
	[tilespmem:$0x18400] =	vst v63  }
0x3d8: {  	s30 =	simm.s32 $0x17800  }
0x3d9: {  	[tilespmem:s30], [sflag:$0x1] =	stream.indirect_vreg.gather [hbm4b:s2+s3], $0x80, v37, vm0, $0xb8;
	[tilespmem:$0x18400] =	vst v63  }
0x3da: {  	s0 =	simm.s32 $0x18000  }
0x3db: {  	[tilespmem:s0], [sflag:$0x1] =	stream.indirect_vreg.gather [hbm4b:s7+s3], $0x80, v37, vm1, $0xb8;
	[tilespmem:$0x18400] =	vst v63  }
0x3dc: {  	s0 =	simm.s32 $0x1  }
0x3dd: {  	_ =	swait.ge [sflag:s0], $0xC000  }
0x3de: {  	[sflag:s0] =	ssyncset.done $0x0  }
0x3df: {  	[sflag:s0] =	ssyncadd.s32 $0xFFFF4000  }
0x3e0: {  	v55 =	vld [tilespmem:$0x180];
	_ =	sdelay $0x4  }
0x3e1: {  	v56 =	vshrl.u32 v55, $0x3  }
0x3e2: {  	v38 =	vmul.u32 $0x18, v56  }
0x3e3: {  	v37 =	vand.u32 $0x7, v55  }
0x3e4: {  	v37 =	vor.u32 v37, v38  }
0x3e5: {  	v38 =	vperm.xlane v37, v28;
	_ =	sdelay $0x1  }
0x3e6: {  	v38 =	vadd.s32 v29, v38;
	_ =	sdelay $0x1  }
0x3e7: {  	v37 =	vperm.xlane v37, v30;
	_ =	sdelay $0x1  }
0x3e8: {  	v37 =	vadd.s32 v29, v37  }
0x3e9: {  	[hbm4b:s4+s3] =	stream.indirect_vreg.scatter [tilespmem:s1], [sflag:$0x2], $0x80, v38, vm0, $0xb8;
	[tilespmem:$0x18400] =	vst v63  }
0x3ea: {  	_ = 	snop  }
0x3eb: {  	[hbm4b:s5+s3] =	stream.indirect_vreg.scatter [tilespmem:s9], [sflag:$0x2], $0x80, v38, vm1, $0xb8;
	[tilespmem:$0x18400] =	vst v63  }
0x3ec: {  	_ = 	snop  }
0x3ed: {  	[hbm4b:s4+s3] =	stream.indirect_vreg.scatter [tilespmem:s8], [sflag:$0x2], $0x80, v37, vm0, $0xb8;
	[tilespmem:$0x18400] =	vst v63  }
0x3ee: {  	s9 =	simm.s32 $0xD800  }
0x3ef: {  	[hbm4b:s5+s3] =	stream.indirect_vreg.scatter [tilespmem:s9], [sflag:$0x2], $0x80, v37, vm1, $0xb8;
	[tilespmem:$0x18400] =	vst v63  }
0x3f0: {  	v37 =	vld [tilespmem:$0x190];
	_ =	sdelay $0x4  }
0x3f1: {  	v57 =	vshrl.u32 v37, $0x3  }
0x3f2: {  	v38 =	vmul.u32 $0x18, v57  }
0x3f3: {  	v37 =	vand.u32 $0x7, v37  }
0x3f4: {  	v37 =	vor.u32 v37, v38  }
0x3f5: {  	v38 =	vperm.xlane v37, v28;
	_ =	sdelay $0x1  }
0x3f6: {  	v38 =	vadd.s32 v29, v38;
	_ =	sdelay $0x1  }
0x3f7: {  	v37 =	vperm.xlane v37, v30;
	_ =	sdelay $0x1  }
0x3f8: {  	v37 =	vadd.s32 v29, v37  }
0x3f9: {  	[hbm4b:s4+s3] =	stream.indirect_vreg.scatter [tilespmem:s10], [sflag:$0x2], $0x80, v38, vm0, $0xb8;
	[tilespmem:$0x18400] =	vst v63  }
0x3fa: {  	_ = 	snop  }
0x3fb: {  	[hbm4b:s5+s3] =	stream.indirect_vreg.scatter [tilespmem:s12], [sflag:$0x2], $0x80, v38, vm1, $0xb8;
	[tilespmem:$0x18400] =	vst v63  }
0x3fc: {  	_ = 	snop  }
0x3fd: {  	[hbm4b:s4+s3] =	stream.indirect_vreg.scatter [tilespmem:s11], [sflag:$0x2], $0x80, v37, vm0, $0xb8;
	[tilespmem:$0x18400] =	vst v63  }
0x3fe: {  	s12 =	simm.s32 $0xF000  }
0x3ff: {  	[hbm4b:s5+s3] =	stream.indirect_vreg.scatter [tilespmem:s12], [sflag:$0x2], $0x80, v37, vm1, $0xb8;
	[tilespmem:$0x18400] =	vst v63  }
0x400: {  	v37 =	vld [tilespmem:$0x1A0];
	_ =	sdelay $0x4  }
0x401: {  	v58 =	vshrl.u32 v37, $0x3  }
0x402: {  	v38 =	vmul.u32 $0x18, v58  }
0x403: {  	v37 =	vand.u32 $0x7, v37  }
0x404: {  	v37 =	vor.u32 v37, v38  }
0x405: {  	v38 =	vperm.xlane v37, v28;
	_ =	sdelay $0x1  }
0x406: {  	v38 =	vadd.s32 v29, v38;
	_ =	sdelay $0x1  }
0x407: {  	v37 =	vperm.xlane v37, v30;
	_ =	sdelay $0x1  }
0x408: {  	v37 =	vadd.s32 v29, v37  }
0x409: {  	[hbm4b:s4+s3] =	stream.indirect_vreg.scatter [tilespmem:s14], [sflag:$0x2], $0x80, v38, vm0, $0xb8;
	[tilespmem:$0x18400] =	vst v63  }
0x40a: {  	_ = 	snop  }
0x40b: {  	[hbm4b:s5+s3] =	stream.indirect_vreg.scatter [tilespmem:s15], [sflag:$0x2], $0x80, v38, vm1, $0xb8;
	[tilespmem:$0x18400] =	vst v63  }
0x40c: {  	_ = 	snop  }
0x40d: {  	[hbm4b:s4+s3] =	stream.indirect_vreg.scatter [tilespmem:s13], [sflag:$0x2], $0x80, v37, vm0, $0xb8;
	[tilespmem:$0x18400] =	vst v63  }
0x40e: {  	s15 =	simm.s32 $0x10800  }
0x40f: {  	[hbm4b:s5+s3] =	stream.indirect_vreg.scatter [tilespmem:s15], [sflag:$0x2], $0x80, v37, vm1, $0xb8;
	[tilespmem:$0x18400] =	vst v63  }
0x410: {  	v37 =	vld [tilespmem:$0x1B0];
	_ =	sdelay $0x4  }
0x411: {  	v59 =	vshrl.u32 v37, $0x3  }
0x412: {  	v38 =	vmul.u32 $0x18, v59  }
0x413: {  	v37 =	vand.u32 $0x7, v37  }
0x414: {  	v37 =	vor.u32 v37, v38  }
0x415: {  	v38 =	vperm.xlane v37, v28;
	_ =	sdelay $0x1  }
0x416: {  	v38 =	vadd.s32 v29, v38;
	_ =	sdelay $0x1  }
0x417: {  	v37 =	vperm.xlane v37, v30;
	_ =	sdelay $0x1  }
0x418: {  	v37 =	vadd.s32 v29, v37  }
0x419: {  	[hbm4b:s4+s3] =	stream.indirect_vreg.scatter [tilespmem:s16], [sflag:$0x2], $0x80, v38, vm0, $0xb8;
	[tilespmem:$0x18400] =	vst v63  }
0x41a: {  	_ = 	snop  }
0x41b: {  	[hbm4b:s5+s3] =	stream.indirect_vreg.scatter [tilespmem:s19], [sflag:$0x2], $0x80, v38, vm1, $0xb8;
	[tilespmem:$0x18400] =	vst v63  }
0x41c: {  	_ = 	snop  }
0x41d: {  	[hbm4b:s4+s3] =	stream.indirect_vreg.scatter [tilespmem:s18], [sflag:$0x2], $0x80, v37, vm0, $0xb8;
	[tilespmem:$0x18400] =	vst v63  }
0x41e: {  	s19 =	simm.s32 $0x12000  }
0x41f: {  	[hbm4b:s5+s3] =	stream.indirect_vreg.scatter [tilespmem:s19], [sflag:$0x2], $0x80, v37, vm1, $0xb8;
	[tilespmem:$0x18400] =	vst v63  }
0x420: {  	v37 =	vld [tilespmem:$0x1C0];
	_ =	sdelay $0x4  }
0x421: {  	v60 =	vshrl.u32 v37, $0x3  }
0x422: {  	v38 =	vmul.u32 $0x18, v60  }
0x423: {  	v37 =	vand.u32 $0x7, v37  }
0x424: {  	v37 =	vor.u32 v37, v38  }
0x425: {  	v38 =	vperm.xlane v37, v28;
	_ =	sdelay $0x1  }
0x426: {  	v38 =	vadd.s32 v29, v38;
	_ =	sdelay $0x1  }
0x427: {  	v37 =	vperm.xlane v37, v30;
	_ =	sdelay $0x1  }
0x428: {  	v37 =	vadd.s32 v29, v37  }
0x429: {  	[hbm4b:s4+s3] =	stream.indirect_vreg.scatter [tilespmem:s20], [sflag:$0x2], $0x80, v38, vm0, $0xb8;
	[tilespmem:$0x18400] =	vst v63  }
0x42a: {  	_ = 	snop  }
0x42b: {  	[hbm4b:s5+s3] =	stream.indirect_vreg.scatter [tilespmem:s22], [sflag:$0x2], $0x80, v38, vm1, $0xb8;
	[tilespmem:$0x18400] =	vst v63  }
0x42c: {  	_ = 	snop  }
0x42d: {  	[hbm4b:s4+s3] =	stream.indirect_vreg.scatter [tilespmem:s21], [sflag:$0x2], $0x80, v37, vm0, $0xb8;
	[tilespmem:$0x18400] =	vst v63  }
0x42e: {  	s22 =	simm.s32 $0x13800  }
0x42f: {  	[hbm4b:s5+s3] =	stream.indirect_vreg.scatter [tilespmem:s22], [sflag:$0x2], $0x80, v37, vm1, $0xb8;
	[tilespmem:$0x18400] =	vst v63  }
0x430: {  	v37 =	vld [tilespmem:$0x1D0];
	_ =	sdelay $0x4  }
0x431: {  	v61 =	vshrl.u32 v37, $0x3  }
0x432: {  	v38 =	vmul.u32 $0x18, v61  }
0x433: {  	v37 =	vand.u32 $0x7, v37  }
0x434: {  	v37 =	vor.u32 v37, v38  }
0x435: {  	v38 =	vperm.xlane v37, v28;
	_ =	sdelay $0x1  }
0x436: {  	v38 =	vadd.s32 v29, v38;
	_ =	sdelay $0x1  }
0x437: {  	v37 =	vperm.xlane v37, v30;
	_ =	sdelay $0x1  }
0x438: {  	v37 =	vadd.s32 v29, v37  }
0x439: {  	[hbm4b:s4+s3] =	stream.indirect_vreg.scatter [tilespmem:s23], [sflag:$0x2], $0x80, v38, vm0, $0xb8;
	[tilespmem:$0x18400] =	vst v63  }
0x43a: {  	_ = 	snop  }
0x43b: {  	[hbm4b:s5+s3] =	stream.indirect_vreg.scatter [tilespmem:s25], [sflag:$0x2], $0x80, v38, vm1, $0xb8;
	[tilespmem:$0x18400] =	vst v63  }
0x43c: {  	_ = 	snop  }
0x43d: {  	[hbm4b:s4+s3] =	stream.indirect_vreg.scatter [tilespmem:s24], [sflag:$0x2], $0x80, v37, vm0, $0xb8;
	[tilespmem:$0x18400] =	vst v63  }
0x43e: {  	s25 =	simm.s32 $0x15000  }
0x43f: {  	[hbm4b:s5+s3] =	stream.indirect_vreg.scatter [tilespmem:s25], [sflag:$0x2], $0x80, v37, vm1, $0xb8;
	[tilespmem:$0x18400] =	vst v63  }
0x440: {  	v37 =	vld [tilespmem:$0x1E0];
	_ =	sdelay $0x4  }
0x441: {  	v62 =	vshrl.u32 v37, $0x3  }
0x442: {  	v38 =	vmul.u32 $0x18, v62  }
0x443: {  	v37 =	vand.u32 $0x7, v37  }
0x444: {  	v37 =	vor.u32 v37, v38  }
0x445: {  	v38 =	vperm.xlane v37, v28;
	_ =	sdelay $0x1  }
0x446: {  	v38 =	vadd.s32 v29, v38;
	_ =	sdelay $0x1  }
0x447: {  	v37 =	vperm.xlane v37, v30;
	_ =	sdelay $0x1  }
0x448: {  	v37 =	vadd.s32 v29, v37  }
0x449: {  	[hbm4b:s4+s3] =	stream.indirect_vreg.scatter [tilespmem:s26], [sflag:$0x2], $0x80, v38, vm0, $0xb8;
	[tilespmem:$0x18400] =	vst v63  }
0x44a: {  	_ = 	snop  }
0x44b: {  	[hbm4b:s5+s3] =	stream.indirect_vreg.scatter [tilespmem:s29], [sflag:$0x2], $0x80, v38, vm1, $0xb8;
	[tilespmem:$0x18400] =	vst v63  }
0x44c: {  	_ = 	snop  }
0x44d: {  	[hbm4b:s4+s3] =	stream.indirect_vreg.scatter [tilespmem:s28], [sflag:$0x2], $0x80, v37, vm0, $0xb8;
	[tilespmem:$0x18400] =	vst v63  }
0x44e: {  	s28 =	simm.s32 $0x16800  }
0x44f: {  	[hbm4b:s5+s3] =	stream.indirect_vreg.scatter [tilespmem:s28], [sflag:$0x2], $0x80, v37, vm1, $0xb8;
	[tilespmem:$0x18400] =	vst v63  }
0x450: {  	v37 =	vld [tilespmem:$0x1F0];
	_ =	sdelay $0x4  }
0x451: {  	v63 =	vshrl.u32 v37, $0x3  }
0x452: {  	v38 =	vmul.u32 $0x18, v63  }
0x453: {  	v37 =	vand.u32 $0x7, v37  }
0x454: {  	v37 =	vor.u32 v37, v38  }
0x455: {  	v38 =	vperm.xlane v37, v28;
	_ =	sdelay $0x1  }
0x456: {  	v38 =	vadd.s32 v29, v38;
	_ =	sdelay $0x1  }
0x457: {  	v37 =	vperm.xlane v37, v30;
	_ =	sdelay $0x1  }
0x458: {  	v37 =	vadd.s32 v29, v37  }
0x459: {  	[hbm4b:s4+s3] =	stream.indirect_vreg.scatter [tilespmem:s31], [sflag:$0x2], $0x80, v38, vm0, $0xb8;
	[tilespmem:$0x18400] =	vst v63  }
0x45a: {  	s29 =	simm.s32 $0x17400  }
0x45b: {  	[hbm4b:s5+s3] =	stream.indirect_vreg.scatter [tilespmem:s29], [sflag:$0x2], $0x80, v38, vm1, $0xb8;
	[tilespmem:$0x18400] =	vst v63  }
0x45c: {  	_ = 	snop  }
0x45d: {  	[hbm4b:s4+s3] =	stream.indirect_vreg.scatter [tilespmem:s30], [sflag:$0x2], $0x80, v37, vm0, $0xb8;
	[tilespmem:$0x18400] =	vst v63  }
0x45e: {  	s31 =	simm.s32 $0x18000  }
0x45f: {  	[hbm4b:s5+s3] =	stream.indirect_vreg.scatter [tilespmem:s31], [sflag:$0x2], $0x80, v37, vm1, $0xb8;
	[tilespmem:$0x18400] =	vst v63  }
0x460: {  	p0 =	sne.s32 s6, $0x1;
	_ =	swait.ge [sflag:s17], $0xC000  }
.Ltmp0:
0x461: {  	[sflag:s17] =	ssyncset.done $0x0;
	(pc) =	sbr.rel @p0 .LBB2_1-.Ltmp0, $4  }
0x462: {  	[sflag:s17] =	ssyncadd.s32 $0xFFFF4000  }
0x463: {  	_ =	swait.ge [sflag:s17], $0xC000  }
0x464: {  	[sflag:s17] =	ssyncset.done $0x0  }
0x465: {  	s6 =	sadd.s32 $0xFFFFFFFF, s6;
	[sflag:s17] =	ssyncadd.s32 $0xFFFF4000  }
0x466: {  	_ =	sfence.sel $0x180000  }
0x467: {  	[bflag:$0x0] =	sbarrier.arrive $0xFFFF  }
0x468: {  	_ =	strace $0x90000047  }
0x469: {  	s0 =	stileid.u32;
	[bflag:$0x2] =	sbarrier.arrive $0xFFFF  }
0x46a: {  	p0 =	sne.s32 s0, $0x0;
	s0 =	rddreg [dreg:$0x2]  }
0x46b: {  	s0 =	sadd.s32 @!p0 $0x100000, s0  }
0x46c: {  	[sflag:s0] =	ssyncadd.tile.s32 @!p0 $0x1;
	_ =	shalt  }
.Lfunc_end2:
_tile_overlayer_lowered:
.L_overlay_start_2:
0x46d: {  	(tag) =	ssettag $0x2  }
0x46e: {  	s0 =	rddreg [dreg:$0x0];
	s2 =	stileid.u32  }
0x46f: {  	s1 =	rddreg [dreg:$0x1];
	p0 =	sne.s32 s2, $0x0  }
0x470: {  	s3 =	rddreg [dreg:$0x2];
	[bflag:$0x3] =	sbarrier.arrive $0xFFFF;
	s2 =	simm.s32 @!p0 $0x1C03  }
0x471: {  	[timem:s3], [sflag:s2] =	dma.local @!p0 [hbm:s0], s1  }
0x472: {  	s0 =	simm.s32 @!p0 $0x3  }
0x473: {  	_ =	swait.ge @!p0 [sflag:s0], s1  }
0x474: {  	s1 =	ssub.s32 @!p0 $0x0, s1;
	[sflag:s0] =	ssyncset.done @!p0 $0x0  }
0x475: {  	[sflag:s0] =	ssyncadd.s32 @!p0 s1  }
0x476: {  	[bflag:$0x3] =	sbarrier.arrive $0xFFFF  }
0x477: {  	_ =	shalt  }

</sc_bundles>
